<compile_context>
chip_gen: v7x
topology: tpu7x:2x2x1
jax: 0.10.2.dev20260603
libtpu: 0.0.44.dev20260713+nightly
codegen_flags: <defaults>
</compile_context>

<pallas_src>
import jax
import jax.numpy as jnp
from jax import lax
from jax.experimental import pallas as pl
from jax.experimental.pallas import tpu as pltpu
from jax.experimental.pallas import tpu_sc as plsc

_N = 10000
_E = 320000
_D = 128
_H = 128
_C = 10
_GF = 32
_G = 64
_EPS = 1e-5

_NC = 2
_NS = 16
_NW = _NC * _NS
_K = 64
_NCHUNK = 160
_PCH = 40
_NPH = 4
_EPAD = _NW * _NCHUNK * _K
_AROWS = 10240
_RPS = _AROWS // _NS
_BLK = 256
_NBLK = _AROWS // _BLK

_mesh = plsc.VectorSubcoreMesh(core_axis_name="c", subcore_axis_name="s")



def _deg_body(dst_hbm, ones_hbm, zeros_hbm, out_hbm, idx_d, ones_v, acc,
              sem_s):
    cid = lax.axis_index("c")
    sid = lax.axis_index("s")
    wid = sid * _NC + cid
    pltpu.sync_copy(zeros_hbm, acc.at[pl.ds(sid * _RPS, _RPS)])
    pltpu.sync_copy(ones_hbm, ones_v)
    pltpu.sync_copy(dst_hbm.at[wid], idx_d)
    plsc.subcore_barrier()

    def s_start(j, b):
        pltpu.async_copy(ones_v, acc.at[idx_d.at[j]], sem_s.at[b], add=True)

    def s_wait(j, b):
        pltpu.make_async_copy(ones_v, acc.at[idx_d.at[j]],
                              sem_s.at[b]).wait()

    def body(j, carry):
        @pl.when(j >= _NBUF)
        def _():
            s_wait(j - _NBUF, 0)
        s_start(j, 0)
        return carry

    lax.fori_loop(0, _NCHUNK, body, 0)
    for m in range(_NCHUNK - _NBUF, _NCHUNK):
        s_wait(m, 0)
    plsc.subcore_barrier()
    pltpu.sync_copy(acc.at[pl.ds(sid * _RPS, _RPS)],
                    out_hbm.at[cid, pl.ds(sid * _RPS, _RPS)])


_deg = pl.kernel(
    _deg_body,
    out_type=jax.ShapeDtypeStruct((_NC, _AROWS, _D), jnp.float32),
    mesh=_mesh,
    scratch_types=[
        pltpu.VMEM((_NCHUNK, _K), jnp.int32),
        pltpu.VMEM((_K, _D), jnp.float32),
        pltpu.VMEM_SHARED((_AROWS, _D), jnp.float32),
        pltpu.SemaphoreType.DMA((1,)),
    ],
)


_NBUF = 4
_PCH2 = 32
_C0 = 256
_C1 = 64


def _route_body(x_hbm, src_hbm, dst_hbm, zeros_hbm, out_hbm,
                idx_s, idx_d, rows, acc, sem_g, sem_s):
    cid = lax.axis_index("c")
    sid = lax.axis_index("s")
    pltpu.sync_copy(zeros_hbm, acc.at[pl.ds(sid * _RPS, _RPS)])
    plsc.subcore_barrier()

    def g_start(j, b):
        pltpu.async_copy(x_hbm.at[idx_s.at[j]], rows.at[b], sem_g.at[b])

    def g_wait(j, b):
        pltpu.make_async_copy(x_hbm.at[idx_s.at[j]], rows.at[b],
                              sem_g.at[b]).wait()

    def s_start(j, b):
        pltpu.async_copy(rows.at[b], acc.at[idx_d.at[j]], sem_s.at[b],
                         add=True)

    def s_wait(j, b):
        pltpu.make_async_copy(rows.at[b], acc.at[idx_d.at[j]],
                              sem_s.at[b]).wait()

    def run_core(count, base):
        start0 = base + sid * count
        ngrp = _PCH2 // _NBUF

        def phase(p, carry):
            off = start0 + p * _PCH2
            pltpu.sync_copy(src_hbm.at[pl.ds(off, _PCH2)], idx_s)
            pltpu.sync_copy(dst_hbm.at[pl.ds(off, _PCH2)], idx_d)
            for b in range(_NBUF - 1):
                g_start(b, b)

            def group(g, carry2):
                for b in range(_NBUF):
                    j = g * _NBUF + b
                    g_wait(j, b)
                    s_start(j, b)
                    bn = (b - 1) % _NBUF
                    jn = j + _NBUF - 1

                    @pl.when(j == 0)
                    def _():
                        g_start(jn, bn)

                    @pl.when(jnp.logical_and(j >= 1, jn < _PCH2))
                    def _():
                        s_wait(j - 1, bn)
                        g_start(jn, bn)

                return carry2

            lax.fori_loop(0, ngrp, group, 0)
            for m in range(_PCH2 - _NBUF, _PCH2):
                s_wait(m, m % _NBUF)
            return carry

        lax.fori_loop(0, count // _PCH2, phase, 0)

    @pl.when(cid == 0)
    def _():
        run_core(_C0, 0)

    @pl.when(cid == 1)
    def _():
        run_core(_C1, 16 * _C0)

    plsc.subcore_barrier()
    pltpu.sync_copy(acc.at[pl.ds(sid * _RPS, _RPS)],
                    out_hbm.at[cid, pl.ds(sid * _RPS, _RPS)])


_route = pl.kernel(
    _route_body,
    out_type=jax.ShapeDtypeStruct((_NC, _AROWS, _D), jnp.float32),
    mesh=_mesh,
    scratch_types=[
        pltpu.VMEM((_PCH2, _K), jnp.int32),
        pltpu.VMEM((_PCH2, _K), jnp.int32),
        pltpu.VMEM((_NBUF, _K, _D), jnp.float32),
        pltpu.VMEM_SHARED((_AROWS, _D), jnp.float32),
        pltpu.SemaphoreType.DMA((_NBUF,)),
        pltpu.SemaphoreType.DMA((_NBUF,)),
    ],
)



def _rsqrt_deg(d0_ref, d1_ref):
    deg = d0_ref[:, 0:1] + d1_ref[:, 0:1]
    return lax.rsqrt(jnp.maximum(deg, 1.0))


def _scale_body(x_ref, d0_ref, d1_ref, o_ref):
    o_ref[...] = x_ref[...] * _rsqrt_deg(d0_ref, d1_ref)


_scale = pl.pallas_call(
    _scale_body,
    grid=(_NBLK,),
    in_specs=[
        pl.BlockSpec((_BLK, _D), lambda i: (i, 0)),
        pl.BlockSpec((_BLK, _D), lambda i: (i, 0)),
        pl.BlockSpec((_BLK, _D), lambda i: (i, 0)),
    ],
    out_specs=pl.BlockSpec((_BLK, _D), lambda i: (i, 0)),
    out_shape=jax.ShapeDtypeStruct((_AROWS, _D), jnp.float32),
)


def _mm_stats_body(a0_ref, a1_ref, d0_ref, d1_ref, w_ref, b_ref,
                   h_ref, st_ref):
    i = pl.program_id(0)
    agg = (a0_ref[...] + a1_ref[...]) * _rsqrt_deg(d0_ref, d1_ref)
    z = jnp.dot(agg, w_ref[...], preferred_element_type=jnp.float32,
                precision=lax.Precision.HIGHEST) + b_ref[...]
    h = jnp.maximum(z, 0.0)
    h_ref[...] = h
    rows = i * _BLK + lax.broadcasted_iota(jnp.int32, (_BLK, 1), 0)
    hm = jnp.where(rows < _N, h, 0.0)
    blk = jnp.concatenate(
        [jnp.sum(hm, axis=0, keepdims=True),
         jnp.sum(hm * hm, axis=0, keepdims=True),
         jnp.zeros((6, _D), jnp.float32)], axis=0)

    @pl.when(i == 0)
    def _():
        st_ref[...] = blk

    @pl.when(i > 0)
    def _():
        st_ref[...] += blk


_mm_stats = pl.pallas_call(
    _mm_stats_body,
    grid=(_NBLK,),
    in_specs=[
        pl.BlockSpec((_BLK, _D), lambda i: (i, 0)),
        pl.BlockSpec((_BLK, _D), lambda i: (i, 0)),
        pl.BlockSpec((_BLK, _D), lambda i: (i, 0)),
        pl.BlockSpec((_BLK, _D), lambda i: (i, 0)),
        pl.BlockSpec((_D, _H), lambda i: (0, 0)),
        pl.BlockSpec((1, _H), lambda i: (0, 0)),
    ],
    out_specs=[
        pl.BlockSpec((_BLK, _H), lambda i: (i, 0)),
        pl.BlockSpec((8, _H), lambda i: (0, 0)),
    ],
    out_shape=[
        jax.ShapeDtypeStruct((_AROWS, _H), jnp.float32),
        jax.ShapeDtypeStruct((8, _H), jnp.float32),
    ],
)


def _bnscale_body(h_ref, st_ref, g_ref, be_ref, d0_ref, d1_ref, o_ref):
    i = pl.program_id(0)
    mu = st_ref[0:1, :] * (1.0 / _N)
    var = st_ref[1:2, :] * (1.0 / _N) - mu * mu
    a = g_ref[...] * lax.rsqrt(var + _EPS)
    hn = (h_ref[...] - mu) * a + be_ref[...]
    rows = i * _BLK + lax.broadcasted_iota(jnp.int32, (_BLK, 1), 0)
    o_ref[...] = jnp.where(rows < _N, hn * _rsqrt_deg(d0_ref, d1_ref), 0.0)


_bnscale = pl.pallas_call(
    _bnscale_body,
    grid=(_NBLK,),
    in_specs=[
        pl.BlockSpec((_BLK, _H), lambda i: (i, 0)),
        pl.BlockSpec((8, _H), lambda i: (0, 0)),
        pl.BlockSpec((1, _H), lambda i: (0, 0)),
        pl.BlockSpec((1, _H), lambda i: (0, 0)),
        pl.BlockSpec((_BLK, _D), lambda i: (i, 0)),
        pl.BlockSpec((_BLK, _D), lambda i: (i, 0)),
    ],
    out_specs=pl.BlockSpec((_BLK, _H), lambda i: (i, 0)),
    out_shape=jax.ShapeDtypeStruct((_AROWS, _H), jnp.float32),
)


def _mm_pool_body(a0_ref, a1_ref, d0_ref, d1_ref, w_ref, b_ref, bt_ref,
                  st_ref, pooled_ref, cnt_ref):
    i = pl.program_id(0)
    agg = (a0_ref[...] + a1_ref[...]) * _rsqrt_deg(d0_ref, d1_ref)
    z = jnp.dot(agg, w_ref[...], preferred_element_type=jnp.float32,
                precision=lax.Precision.HIGHEST) + b_ref[...]
    h = jnp.maximum(z, 0.0)
    bt = bt_ref[0]
    gid = lax.broadcasted_iota(jnp.int32, (_G, _BLK), 0)
    onehot = (gid == bt).astype(jnp.float32)
    pooled_blk = jnp.dot(onehot, h, preferred_element_type=jnp.float32,
                         precision=lax.Precision.HIGHEST)
    cnt_blk = jnp.dot(onehot, jnp.ones((_BLK, _H), jnp.float32),
                      preferred_element_type=jnp.float32,
                      precision=lax.Precision.HIGHEST)
    hm = jnp.where(jnp.transpose(bt) < _G, h, 0.0)
    blk = jnp.concatenate(
        [jnp.sum(hm, axis=0, keepdims=True),
         jnp.sum(hm * hm, axis=0, keepdims=True),
         jnp.zeros((6, _H), jnp.float32)], axis=0)

    @pl.when(i == 0)
    def _():
        st_ref[...] = blk
        pooled_ref[...] = pooled_blk
        cnt_ref[...] = cnt_blk

    @pl.when(i > 0)
    def _():
        st_ref[...] += blk
        pooled_ref[...] += pooled_blk
        cnt_ref[...] += cnt_blk


_mm_pool = pl.pallas_call(
    _mm_pool_body,
    grid=(_NBLK,),
    in_specs=[
        pl.BlockSpec((_BLK, _H), lambda i: (i, 0)),
        pl.BlockSpec((_BLK, _H), lambda i: (i, 0)),
        pl.BlockSpec((_BLK, _D), lambda i: (i, 0)),
        pl.BlockSpec((_BLK, _D), lambda i: (i, 0)),
        pl.BlockSpec((_H, _H), lambda i: (0, 0)),
        pl.BlockSpec((1, _H), lambda i: (0, 0)),
        pl.BlockSpec((1, 1, _BLK), lambda i: (i, 0, 0)),
    ],
    out_specs=[
        pl.BlockSpec((8, _H), lambda i: (0, 0)),
        pl.BlockSpec((_G, _H), lambda i: (0, 0)),
        pl.BlockSpec((_G, _H), lambda i: (0, 0)),
    ],
    out_shape=[
        jax.ShapeDtypeStruct((8, _H), jnp.float32),
        jax.ShapeDtypeStruct((_G, _H), jnp.float32),
        jax.ShapeDtypeStruct((_G, _H), jnp.float32),
    ],
)


def _head_body(st_ref, pooled_ref, cnt_ref, g2_ref, b2_ref, gf_ref,
               w1_ref, b1_ref, g3_ref, b3_ref, w2_ref, bc_ref,
               logits_ref, emb_ref):
    mu2 = st_ref[0:1, :] * (1.0 / _N)
    var2 = st_ref[1:2, :] * (1.0 / _N) - mu2 * mu2
    a2 = g2_ref[...] * lax.rsqrt(var2 + _EPS)
    cnt = cnt_ref[...]
    pm = pooled_ref[...] / jnp.maximum(cnt, 1.0)
    p = jnp.where(cnt > 0.0, (pm - mu2) * a2 + b2_ref[...], 0.0)
    z = (jnp.dot(p, w1_ref[0:_H, :], preferred_element_type=jnp.float32,
                 precision=lax.Precision.HIGHEST)
         + jnp.dot(gf_ref[...], w1_ref[_H:_H + _GF, :],
                   preferred_element_type=jnp.float32,
                   precision=lax.Precision.HIGHEST)
         + b1_ref[...])
    z = jnp.maximum(z, 0.0)
    mu3 = jnp.mean(z, axis=0, keepdims=True)
    var3 = jnp.mean((z - mu3) * (z - mu3), axis=0, keepdims=True)
    emb = (z - mu3) * lax.rsqrt(var3 + _EPS) * g3_ref[...] + b3_ref[...]
    emb_ref[...] = emb
    logits_ref[...] = jnp.dot(emb, w2_ref[...],
                              preferred_element_type=jnp.float32,
                              precision=lax.Precision.HIGHEST) + bc_ref[...]


_head = pl.pallas_call(
    _head_body,
    grid=(1,),
    in_specs=[
        pl.BlockSpec((8, _H), lambda i: (0, 0)),
        pl.BlockSpec((_G, _H), lambda i: (0, 0)),
        pl.BlockSpec((_G, _H), lambda i: (0, 0)),
        pl.BlockSpec((1, _H), lambda i: (0, 0)),
        pl.BlockSpec((1, _H), lambda i: (0, 0)),
        pl.BlockSpec((_G, _GF), lambda i: (0, 0)),
        pl.BlockSpec((_H + _GF, _H), lambda i: (0, 0)),
        pl.BlockSpec((1, _H), lambda i: (0, 0)),
        pl.BlockSpec((1, _H), lambda i: (0, 0)),
        pl.BlockSpec((1, _H), lambda i: (0, 0)),
        pl.BlockSpec((_H, _H), lambda i: (0, 0)),
        pl.BlockSpec((1, _H), lambda i: (0, 0)),
    ],
    out_specs=[
        pl.BlockSpec((_G, _H), lambda i: (0, 0)),
        pl.BlockSpec((_G, _H), lambda i: (0, 0)),
    ],
    out_shape=[
        jax.ShapeDtypeStruct((_G, _H), jnp.float32),
        jax.ShapeDtypeStruct((_G, _H), jnp.float32),
    ],
)



def kernel(x, edge_index, batch, graph_features, W1, b1, gamma1, beta1,
           W2, b2, gamma2, beta2, fc1_W, fc1_b, gamma3, beta3, fc2_W, fc2_b):
    f32 = jnp.float32
    src = edge_index[0]
    dst = edge_index[1]
    idx_pad = jnp.full((_EPAD - _E,), _N, jnp.int32)
    srcp = jnp.concatenate([src, idx_pad]).reshape(_NW, _NCHUNK, _K)
    dstp = jnp.concatenate([dst, idx_pad]).reshape(_NW, _NCHUNK, _K)
    src_flat = srcp.reshape(-1, _K)
    dst_flat = dstp.reshape(-1, _K)
    x_pad = jnp.zeros((_AROWS, _D), f32).at[:_N].set(x)
    batch_pad = jnp.full((_AROWS,), _G, jnp.int32).at[:_N].set(batch)
    batch_r = batch_pad.reshape(_NBLK, 1, _BLK)

    ones_row = jnp.ones((_K, _D), f32)
    zeros_rows = jnp.zeros((_RPS, _D), f32)

    row = lambda v: v.reshape(1, -1)

    deg_out = _deg(dstp, ones_row, zeros_rows)
    d0, d1 = deg_out[0], deg_out[1]

    x1 = _scale(x_pad, d0, d1)
    agg1 = _route(x1, src_flat, dst_flat, zeros_rows)
    hrelu, st1 = _mm_stats(agg1[0], agg1[1], d0, d1, W1, row(b1))
    h1s = _bnscale(hrelu, st1, row(gamma1), row(beta1), d0, d1)
    agg2 = _route(h1s, src_flat, dst_flat, zeros_rows)
    st2, pooled, cnt = _mm_pool(agg2[0], agg2[1], d0, d1, W2, row(b2),
                                batch_r)

    fc2_W_pad = jnp.zeros((_H, _H), f32).at[:, :_C].set(fc2_W)
    fc2_b_pad = jnp.zeros((1, _H), f32).at[0, :_C].set(fc2_b)
    logits_pad, embeddings = _head(
        st2, pooled, cnt, row(gamma2), row(beta2), graph_features,
        fc1_W, row(fc1_b), row(gamma3), row(beta3), fc2_W_pad, fc2_b_pad)
    return (logits_pad[:, :_C], embeddings)

# --- scband reference (transcript-rebuilt; emitter-appended) ---
"""Pipeline reference for scband-graph-family-classifier-base-70686571758076 (READ-ONLY COPY).

The authoritative reference and input builder live on the scoring server;
editing this copy changes nothing except your own understanding.
"""

import jax, jax.numpy as jnp
import numpy as np

N = 10000
E = 320000
D = 128
H = 128
C = 10
GF = 32
G = 64
EPS = 1e-5


def setup_inputs(seed: int = 0) -> dict:
    key = jax.random.key(seed)
    ks = jax.random.split(key, 24)
    x = jax.random.normal(ks[0], (N, D), dtype=jnp.float32)
    edge_index = jax.random.randint(ks[1], (2, E), 0, N, dtype=jnp.int32)
    batch = jnp.sort(jax.random.randint(ks[2], (N,), 0, G, dtype=jnp.int32))
    graph_features = jax.random.normal(ks[3], (G, GF), dtype=jnp.float32)
    W1 = jax.random.normal(ks[4], (D, H), dtype=jnp.float32) * 0.05
    b1 = jnp.zeros((H,), dtype=jnp.float32)
    gamma1 = jnp.ones((H,), dtype=jnp.float32)
    beta1 = jnp.zeros((H,), dtype=jnp.float32)
    W2 = jax.random.normal(ks[5], (H, H), dtype=jnp.float32) * 0.05
    b2 = jnp.zeros((H,), dtype=jnp.float32)
    gamma2 = jnp.ones((H,), dtype=jnp.float32)
    beta2 = jnp.zeros((H,), dtype=jnp.float32)
    fc1_W = jax.random.normal(ks[6], (H + GF, H), dtype=jnp.float32) * 0.05
    fc1_b = jnp.zeros((H,), dtype=jnp.float32)
    gamma3 = jnp.ones((H,), dtype=jnp.float32)
    beta3 = jnp.zeros((H,), dtype=jnp.float32)
    fc2_W = jax.random.normal(ks[7], (H, C), dtype=jnp.float32) * 0.05
    fc2_b = jnp.zeros((C,), dtype=jnp.float32)
    return {"x": x, "edge_index": edge_index, "batch": batch, "graph_features": graph_features,
            "W1": W1, "b1": b1, "gamma1": gamma1, "beta1": beta1,
            "W2": W2, "b2": b2, "gamma2": gamma2, "beta2": beta2,
            "fc1_W": fc1_W, "fc1_b": fc1_b, "gamma3": gamma3, "beta3": beta3,
            "fc2_W": fc2_W, "fc2_b": fc2_b}


def gcn_conv(x, src, dst, W, b):
    deg = jax.ops.segment_sum(jnp.ones((src.shape[0],), dtype=x.dtype), dst, num_segments=N)
    deg = jnp.clip(deg, 1.0, None)
    norm = 1.0 / jnp.sqrt(deg[src] * deg[dst])
    msg = x[src] * norm[:, None]
    agg = jax.ops.segment_sum(msg, dst, num_segments=N)
    return agg @ W + b


def batch_norm(h, gamma, beta):
    mean = jnp.mean(h, axis=0, keepdims=True)
    var = jnp.var(h, axis=0, keepdims=True)
    return (h - mean) / jnp.sqrt(var + EPS) * gamma + beta


def global_mean_pool(h, batch):
    sums = jax.ops.segment_sum(h, batch, num_segments=G)
    counts = jax.ops.segment_sum(jnp.ones((h.shape[0],), dtype=h.dtype), batch, num_segments=G)
    return sums / jnp.clip(counts, 1.0, None)[:, None]


def reference(x, edge_index, batch, graph_features, W1, b1, gamma1, beta1, W2, b2, gamma2, beta2, fc1_W, fc1_b, gamma3, beta3, fc2_W, fc2_b):
    src = edge_index[0]
    dst = edge_index[1]
    h = jax.nn.relu(gcn_conv(x, src, dst, W1, b1))
    h = batch_norm(h, gamma1, beta1)
    # dropout is identity in eval/reference mode
    h = jax.nn.relu(gcn_conv(h, src, dst, W2, b2))
    h = batch_norm(h, gamma2, beta2)
    pooled = global_mean_pool(h, batch)
    gfeat = graph_features.reshape(pooled.shape[0], -1)
    z = jnp.concatenate([pooled, gfeat], axis=1)
    z = jax.nn.relu(z @ fc1_W + fc1_b)
    embeddings = batch_norm(z, gamma3, beta3)
    logits = embeddings @ fc2_W + fc2_b
    return (logits, embeddings)

if __name__ == "__main__":
    import jax
    _d = setup_inputs()
    print(jax.jit(kernel)(*tuple(_d.values())))

</pallas_src>

<mosaic_0001>
#map = affine_map<(d0, d1) -> (0, 0)>
#map1 = affine_map<(d0, d1) -> (0, 0, 0)>
module attributes {stable_mosaic.version = 14 : i64} {
  func.func @_route_body(%arg0: i32, %arg1: i32, %arg2: memref<10240x128xf32, #tpu.memory_space<hbm>>, %arg3: memref<5120x64xi32, #tpu.memory_space<hbm>>, %arg4: memref<5120x64xi32, #tpu.memory_space<hbm>>, %arg5: memref<640x128xf32, #tpu.memory_space<hbm>>, %arg6: memref<2x10240x128xf32, #tpu.memory_space<hbm>>, %arg7: memref<32x64xi32, #tpu.memory_space<vmem>>, %arg8: memref<32x64xi32, #tpu.memory_space<vmem>>, %arg9: memref<4x64x128xf32, #tpu.memory_space<vmem>>, %arg10: memref<10240x128xf32, #tpu.memory_space<vmem_shared>>, %arg11: memref<4x!tpu.dma_semaphore, #tpu.memory_space<semaphore_mem>>, %arg12: memref<4x!tpu.dma_semaphore, #tpu.memory_space<semaphore_mem>>) attributes {dimension_semantics = [#tpu.dimension_semantics<core_parallel>, #tpu.dimension_semantics<subcore_parallel>], iteration_bounds = array<i64: 2, 16>, scalar_prefetch = 0 : i64, scratch_operands = 6 : i64, tpu.core_type = #tpu.core_type<sc_vector_subcore>, window_params = [{transform_indices = #map}, {transform_indices = #map}, {transform_indices = #map}, {transform_indices = #map}, {transform_indices = #map1}]} {
    %mul3A = arith.constant 640 : i32
    %mul3A_0 = arith.muli %arg1, %mul3A : i32
    "tpu.region"() ({
      %run_scoped3A = tpu.sem_alloc : memref<!tpu.dma_semaphore, #tpu.memory_space<semaphore_mem>>
      %dma_start3A = arith.constant 0 : i32
      %dma_start3A_13 = tpu.memref_slice %arg10[%mul3A_0, %dma_start3A] : memref<10240x128xf32, #tpu.memory_space<vmem_shared>> -> memref<640x128xf32, #tpu.memory_space<vmem_shared>>
      tpu.enqueue_dma source(%arg5 : memref<640x128xf32, #tpu.memory_space<hbm>>) target(%dma_start3A_13 : memref<640x128xf32, #tpu.memory_space<vmem_shared>>) target_semaphore(%run_scoped3A : memref<!tpu.dma_semaphore, #tpu.memory_space<semaphore_mem>>)
      %dma_wait3A = arith.constant 0 : i32
      %dma_wait3A_14 = tpu.memref_slice %arg10[%mul3A_0, %dma_wait3A] : memref<10240x128xf32, #tpu.memory_space<vmem_shared>> -> memref<640x128xf32, #tpu.memory_space<vmem_shared>>
      tpu.wait_dma2 semaphore(%run_scoped3A : memref<!tpu.dma_semaphore, #tpu.memory_space<semaphore_mem>>) src(%arg5 : memref<640x128xf32, #tpu.memory_space<hbm>>) dst(%dma_wait3A_14 : memref<640x128xf32, #tpu.memory_space<vmem_shared>>)
      tpu.yield
    }) : () -> ()
    %barrier3A = arith.constant 0 : index
    tpu.barrier barrier_id(%barrier3A)
    %eq3A = arith.constant 0 : i32
    %eq3A_1 = arith.cmpi eq, %arg0, %eq3A : i32
    %convert_element_type3A = arith.extui %eq3A_1 : i1 to i32
    %cond3A = arith.constant 0 : i32
    %cond3A_2 = arith.cmpi ne, %convert_element_type3A, %cond3A : i32
    scf.if %cond3A_2 {
      %mul3A_13 = arith.constant 256 : i32
      %mul3A_14 = arith.muli %arg1, %mul3A_13 : i32
      %add3A = arith.constant 0 : i32
      %add3A_15 = arith.addi %add3A, %mul3A_14 : i32
      %scan3A = arith.constant 0 : i32
      %scan3A_16 = arith.constant 0 : i32
      %scan3A_17 = arith.constant 8 : i32
      %scan3A_18 = arith.addi %scan3A_16, %scan3A_17 : i32
      %scan3A_19 = arith.constant 1 : i32
      scf.for %scan3A_21 = %scan3A_16 to %scan3A_18 step %scan3A_19  : i32 {
        %mul3A_22 = arith.constant 32 : i32
        %mul3A_23 = arith.muli %scan3A_21, %mul3A_22 : i32
        %add3A_24 = arith.addi %add3A_15, %mul3A_23 : i32
        "tpu.region"() ({
          %run_scoped3A = tpu.sem_alloc : memref<!tpu.dma_semaphore, #tpu.memory_space<semaphore_mem>>
          %dma_start3A_134 = arith.constant 0 : i32
          %dma_start3A_135 = tpu.memref_slice %arg3[%add3A_24, %dma_start3A_134] : memref<5120x64xi32, #tpu.memory_space<hbm>> -> memref<32x64xi32, #tpu.memory_space<hbm>>
          %dma_start3A_136 = arith.constant 0 : i32
          %dma_start3A_137 = tpu.memref_slice %arg3[%add3A_24, %dma_start3A_136] : memref<5120x64xi32, #tpu.memory_space<hbm>> -> memref<32x64xi32, #tpu.memory_space<hbm>>
          tpu.enqueue_dma source(%dma_start3A_137 : memref<32x64xi32, #tpu.memory_space<hbm>>) target(%arg7 : memref<32x64xi32, #tpu.memory_space<vmem>>) target_semaphore(%run_scoped3A : memref<!tpu.dma_semaphore, #tpu.memory_space<semaphore_mem>>)
          %dma_wait3A_138 = arith.constant 0 : i32
          %dma_wait3A_139 = tpu.memref_slice %arg3[%add3A_24, %dma_wait3A_138] : memref<5120x64xi32, #tpu.memory_space<hbm>> -> memref<32x64xi32, #tpu.memory_space<hbm>>
          %dma_wait3A_140 = arith.constant 0 : i32
          %dma_wait3A_141 = tpu.memref_slice %arg3[%add3A_24, %dma_wait3A_140] : memref<5120x64xi32, #tpu.memory_space<hbm>> -> memref<32x64xi32, #tpu.memory_space<hbm>>
          tpu.wait_dma2 semaphore(%run_scoped3A : memref<!tpu.dma_semaphore, #tpu.memory_space<semaphore_mem>>) src(%dma_wait3A_141 : memref<32x64xi32, #tpu.memory_space<hbm>>) dst(%arg7 : memref<32x64xi32, #tpu.memory_space<vmem>>)
          tpu.yield
        }) : () -> ()
        "tpu.region"() ({
          %run_scoped3A = tpu.sem_alloc : memref<!tpu.dma_semaphore, #tpu.memory_space<semaphore_mem>>
          %dma_start3A_134 = arith.constant 0 : i32
          %dma_start3A_135 = tpu.memref_slice %arg4[%add3A_24, %dma_start3A_134] : memref<5120x64xi32, #tpu.memory_space<hbm>> -> memref<32x64xi32, #tpu.memory_space<hbm>>
          %dma_start3A_136 = arith.constant 0 : i32
          %dma_start3A_137 = tpu.memref_slice %arg4[%add3A_24, %dma_start3A_136] : memref<5120x64xi32, #tpu.memory_space<hbm>> -> memref<32x64xi32, #tpu.memory_space<hbm>>
          tpu.enqueue_dma source(%dma_start3A_137 : memref<32x64xi32, #tpu.memory_space<hbm>>) target(%arg8 : memref<32x64xi32, #tpu.memory_space<vmem>>) target_semaphore(%run_scoped3A : memref<!tpu.dma_semaphore, #tpu.memory_space<semaphore_mem>>)
          %dma_wait3A_138 = arith.constant 0 : i32
          %dma_wait3A_139 = tpu.memref_slice %arg4[%add3A_24, %dma_wait3A_138] : memref<5120x64xi32, #tpu.memory_space<hbm>> -> memref<32x64xi32, #tpu.memory_space<hbm>>
          %dma_wait3A_140 = arith.constant 0 : i32
          %dma_wait3A_141 = tpu.memref_slice %arg4[%add3A_24, %dma_wait3A_140] : memref<5120x64xi32, #tpu.memory_space<hbm>> -> memref<32x64xi32, #tpu.memory_space<hbm>>
          tpu.wait_dma2 semaphore(%run_scoped3A : memref<!tpu.dma_semaphore, #tpu.memory_space<semaphore_mem>>) src(%dma_wait3A_141 : memref<32x64xi32, #tpu.memory_space<hbm>>) dst(%arg8 : memref<32x64xi32, #tpu.memory_space<vmem>>)
          tpu.yield
        }) : () -> ()
        %dma_start3A = arith.constant 0 : i32
        %dma_start3A_25 = arith.constant 0 : i32
        %dma_start3A_26 = arith.constant 0 : i32
        %dma_start3A_27 = arith.constant 0 : i32
        %dma_start3A_28 = arith.constant 0 : i32
        %dma_start3A_29 = tpu.memref_slice %arg9[%dma_start3A_25, %dma_start3A_27, %dma_start3A_28] : memref<4x64x128xf32, #tpu.memory_space<vmem>> -> memref<1x64x128xf32, #tpu.memory_space<vmem>>
        %dma_start3A_30 = tpu.memref_squeeze %dma_start3A_29 : memref<1x64x128xf32, #tpu.memory_space<vmem>> -> memref<64x128xf32, #tpu.memory_space<vmem>>
        %dma_start3A_31 = arith.constant 0 : i32
        %dma_start3A_32 = tpu.memref_slice %arg7[%dma_start3A, %dma_start3A_31] : memref<32x64xi32, #tpu.memory_space<vmem>> -> memref<1x64xi32, #tpu.memory_space<vmem>>
        %dma_start3A_33 = tpu.memref_squeeze %dma_start3A_32 : memref<1x64xi32, #tpu.memory_space<vmem>> -> memref<64xi32, #tpu.memory_space<vmem>>
        %dma_start3A_34 = arith.constant 0 : i32
        %dma_start3A_35 = arith.constant 0 : i32
        %dma_start3A_36 = tpu.memref_slice %arg2[%dma_start3A_34, %dma_start3A_35] : memref<10240x128xf32, #tpu.memory_space<hbm>> -> memref<10240x128xf32, #tpu.memory_space<hbm>>
        %dma_start3A_37 = tpu.memref_slice %arg11[%dma_start3A_26] : memref<4x!tpu.dma_semaphore, #tpu.memory_space<semaphore_mem>> -> memref<1x!tpu.dma_semaphore, #tpu.memory_space<semaphore_mem>>
        %dma_start3A_38 = tpu.memref_squeeze %dma_start3A_37 : memref<1x!tpu.dma_semaphore, #tpu.memory_space<semaphore_mem>> -> memref<!tpu.dma_semaphore, #tpu.memory_space<semaphore_mem>>
        tpu.enqueue_indirect_dma source(%dma_start3A_36 : memref<10240x128xf32, #tpu.memory_space<hbm>>) target(%dma_start3A_30 : memref<64x128xf32, #tpu.memory_space<vmem>>) offsets(%dma_start3A_33 : memref<64xi32, #tpu.memory_space<vmem>>) semaphore(%dma_start3A_38 : memref<!tpu.dma_semaphore, #tpu.memory_space<semaphore_mem>>)
        %dma_start3A_39 = arith.constant 1 : i32
        %dma_start3A_40 = arith.constant 1 : i32
        %dma_start3A_41 = arith.constant 1 : i32
        %dma_start3A_42 = arith.constant 0 : i32
        %dma_start3A_43 = arith.constant 0 : i32
        %dma_start3A_44 = tpu.memref_slice %arg9[%dma_start3A_40, %dma_start3A_42, %dma_start3A_43] : memref<4x64x128xf32, #tpu.memory_space<vmem>> -> memref<1x64x128xf32, #tpu.memory_space<vmem>>
        %dma_start3A_45 = tpu.memref_squeeze %dma_start3A_44 : memref<1x64x128xf32, #tpu.memory_space<vmem>> -> memref<64x128xf32, #tpu.memory_space<vmem>>
        %dma_start3A_46 = arith.constant 0 : i32
        %dma_start3A_47 = tpu.memref_slice %arg7[%dma_start3A_39, %dma_start3A_46] : memref<32x64xi32, #tpu.memory_space<vmem>> -> memref<1x64xi32, #tpu.memory_space<vmem>>
        %dma_start3A_48 = tpu.memref_squeeze %dma_start3A_47 : memref<1x64xi32, #tpu.memory_space<vmem>> -> memref<64xi32, #tpu.memory_space<vmem>>
        %dma_start3A_49 = arith.constant 0 : i32
        %dma_start3A_50 = arith.constant 0 : i32
        %dma_start3A_51 = tpu.memref_slice %arg2[%dma_start3A_49, %dma_start3A_50] : memref<10240x128xf32, #tpu.memory_space<hbm>> -> memref<10240x128xf32, #tpu.memory_space<hbm>>
        %dma_start3A_52 = tpu.memref_slice %arg11[%dma_start3A_41] : memref<4x!tpu.dma_semaphore, #tpu.memory_space<semaphore_mem>> -> memref<1x!tpu.dma_semaphore, #tpu.memory_space<semaphore_mem>>
        %dma_start3A_53 = tpu.memref_squeeze %dma_start3A_52 : memref<1x!tpu.dma_semaphore, #tpu.memory_space<semaphore_mem>> -> memref<!tpu.dma_semaphore, #tpu.memory_space<semaphore_mem>>
        tpu.enqueue_indirect_dma source(%dma_start3A_51 : memref<10240x128xf32, #tpu.memory_space<hbm>>) target(%dma_start3A_45 : memref<64x128xf32, #tpu.memory_space<vmem>>) offsets(%dma_start3A_48 : memref<64xi32, #tpu.memory_space<vmem>>) semaphore(%dma_start3A_53 : memref<!tpu.dma_semaphore, #tpu.memory_space<semaphore_mem>>)
        %dma_start3A_54 = arith.constant 2 : i32
        %dma_start3A_55 = arith.constant 2 : i32
        %dma_start3A_56 = arith.constant 2 : i32
        %dma_start3A_57 = arith.constant 0 : i32
        %dma_start3A_58 = arith.constant 0 : i32
        %dma_start3A_59 = tpu.memref_slice %arg9[%dma_start3A_55, %dma_start3A_57, %dma_start3A_58] : memref<4x64x128xf32, #tpu.memory_space<vmem>> -> memref<1x64x128xf32, #tpu.memory_space<vmem>>
        %dma_start3A_60 = tpu.memref_squeeze %dma_start3A_59 : memref<1x64x128xf32, #tpu.memory_space<vmem>> -> memref<64x128xf32, #tpu.memory_space<vmem>>
        %dma_start3A_61 = arith.constant 0 : i32
        %dma_start3A_62 = tpu.memref_slice %arg7[%dma_start3A_54, %dma_start3A_61] : memref<32x64xi32, #tpu.memory_space<vmem>> -> memref<1x64xi32, #tpu.memory_space<vmem>>
        %dma_start3A_63 = tpu.memref_squeeze %dma_start3A_62 : memref<1x64xi32, #tpu.memory_space<vmem>> -> memref<64xi32, #tpu.memory_space<vmem>>
        %dma_start3A_64 = arith.constant 0 : i32
        %dma_start3A_65 = arith.constant 0 : i32
        %dma_start3A_66 = tpu.memref_slice %arg2[%dma_start3A_64, %dma_start3A_65] : memref<10240x128xf32, #tpu.memory_space<hbm>> -> memref<10240x128xf32, #tpu.memory_space<hbm>>
        %dma_start3A_67 = tpu.memref_slice %arg11[%dma_start3A_56] : memref<4x!tpu.dma_semaphore, #tpu.memory_space<semaphore_mem>> -> memref<1x!tpu.dma_semaphore, #tpu.memory_space<semaphore_mem>>
        %dma_start3A_68 = tpu.memref_squeeze %dma_start3A_67 : memref<1x!tpu.dma_semaphore, #tpu.memory_space<semaphore_mem>> -> memref<!tpu.dma_semaphore, #tpu.memory_space<semaphore_mem>>
        tpu.enqueue_indirect_dma source(%dma_start3A_66 : memref<10240x128xf32, #tpu.memory_space<hbm>>) target(%dma_start3A_60 : memref<64x128xf32, #tpu.memory_space<vmem>>) offsets(%dma_start3A_63 : memref<64xi32, #tpu.memory_space<vmem>>) semaphore(%dma_start3A_68 : memref<!tpu.dma_semaphore, #tpu.memory_space<semaphore_mem>>)
        %scan3A_69 = arith.constant 0 : i32
        %scan3A_70 = arith.constant 0 : i32
        %scan3A_71 = arith.constant 8 : i32
        %scan3A_72 = arith.addi %scan3A_70, %scan3A_71 : i32
        %scan3A_73 = arith.constant 1 : i32
        scf.for %scan3A_134 = %scan3A_70 to %scan3A_72 step %scan3A_73  : i32 {
          %mul3A_135 = arith.constant 4 : i32
          %mul3A_136 = arith.muli %scan3A_134, %mul3A_135 : i32
          %add3A_137 = arith.constant 0 : i32
          %add3A_138 = arith.addi %mul3A_136, %add3A_137 : i32
          %dma_wait3A_139 = arith.constant 0 : i32
          %dma_wait3A_140 = arith.constant 0 : i32
          %dma_wait3A_141 = arith.constant 0 : i32
          %dma_wait3A_142 = arith.constant 0 : i32
          %dma_wait3A_143 = tpu.memref_slice %arg9[%dma_wait3A_139, %dma_wait3A_141, %dma_wait3A_142] : memref<4x64x128xf32, #tpu.memory_space<vmem>> -> memref<1x64x128xf32, #tpu.memory_space<vmem>>
          %dma_wait3A_144 = tpu.memref_squeeze %dma_wait3A_143 : memref<1x64x128xf32, #tpu.memory_space<vmem>> -> memref<64x128xf32, #tpu.memory_space<vmem>>
          %dma_wait3A_145 = arith.constant 0 : i32
          %dma_wait3A_146 = tpu.memref_slice %arg7[%add3A_138, %dma_wait3A_145] : memref<32x64xi32, #tpu.memory_space<vmem>> -> memref<1x64xi32, #tpu.memory_space<vmem>>
          %dma_wait3A_147 = tpu.memref_squeeze %dma_wait3A_146 : memref<1x64xi32, #tpu.memory_space<vmem>> -> memref<64xi32, #tpu.memory_space<vmem>>
          %dma_wait3A_148 = arith.constant 0 : i32
          %dma_wait3A_149 = arith.constant 0 : i32
          %dma_wait3A_150 = tpu.memref_slice %arg2[%dma_wait3A_148, %dma_wait3A_149] : memref<10240x128xf32, #tpu.memory_space<hbm>> -> memref<10240x128xf32, #tpu.memory_space<hbm>>
          %dma_wait3A_151 = tpu.memref_slice %arg11[%dma_wait3A_140] : memref<4x!tpu.dma_semaphore, #tpu.memory_space<semaphore_mem>> -> memref<1x!tpu.dma_semaphore, #tpu.memory_space<semaphore_mem>>
          %dma_wait3A_152 = tpu.memref_squeeze %dma_wait3A_151 : memref<1x!tpu.dma_semaphore, #tpu.memory_space<semaphore_mem>> -> memref<!tpu.dma_semaphore, #tpu.memory_space<semaphore_mem>>
          tpu.wait_indirect_dma semaphore(%dma_wait3A_152 : memref<!tpu.dma_semaphore, #tpu.memory_space<semaphore_mem>>) src(%dma_wait3A_150 : memref<10240x128xf32, #tpu.memory_space<hbm>>) dst(%dma_wait3A_144 : memref<64x128xf32, #tpu.memory_space<vmem>>)
          %dma_start3A_153 = arith.constant 0 : i32
          %dma_start3A_154 = arith.constant 0 : i32
          %dma_start3A_155 = arith.constant 0 : i32
          %dma_start3A_156 = arith.constant 0 : i32
          %dma_start3A_157 = tpu.memref_slice %arg9[%dma_start3A_153, %dma_start3A_155, %dma_start3A_156] : memref<4x64x128xf32, #tpu.memory_space<vmem>> -> memref<1x64x128xf32, #tpu.memory_space<vmem>>
          %dma_start3A_158 = tpu.memref_squeeze %dma_start3A_157 : memref<1x64x128xf32, #tpu.memory_space<vmem>> -> memref<64x128xf32, #tpu.memory_space<vmem>>
          %dma_start3A_159 = arith.constant 0 : i32
          %dma_start3A_160 = tpu.memref_slice %arg8[%add3A_138, %dma_start3A_159] : memref<32x64xi32, #tpu.memory_space<vmem>> -> memref<1x64xi32, #tpu.memory_space<vmem>>
          %dma_start3A_161 = tpu.memref_squeeze %dma_start3A_160 : memref<1x64xi32, #tpu.memory_space<vmem>> -> memref<64xi32, #tpu.memory_space<vmem>>
          %dma_start3A_162 = arith.constant 0 : i32
          %dma_start3A_163 = arith.constant 0 : i32
          %dma_start3A_164 = tpu.memref_slice %arg10[%dma_start3A_162, %dma_start3A_163] : memref<10240x128xf32, #tpu.memory_space<vmem_shared>> -> memref<10240x128xf32, #tpu.memory_space<vmem_shared>>
          %dma_start3A_165 = tpu.memref_slice %arg12[%dma_start3A_154] : memref<4x!tpu.dma_semaphore, #tpu.memory_space<semaphore_mem>> -> memref<1x!tpu.dma_semaphore, #tpu.memory_space<semaphore_mem>>
          %dma_start3A_166 = tpu.memref_squeeze %dma_start3A_165 : memref<1x!tpu.dma_semaphore, #tpu.memory_space<semaphore_mem>> -> memref<!tpu.dma_semaphore, #tpu.memory_space<semaphore_mem>>
          tpu.enqueue_indirect_dma source(%dma_start3A_158 : memref<64x128xf32, #tpu.memory_space<vmem>>) target(%dma_start3A_164 : memref<10240x128xf32, #tpu.memory_space<vmem_shared>>) offsets(%dma_start3A_161 : memref<64xi32, #tpu.memory_space<vmem>>) semaphore(%dma_start3A_166 : memref<!tpu.dma_semaphore, #tpu.memory_space<semaphore_mem>>) {add = true}
          %add3A_167 = arith.constant 4 : i32
          %add3A_168 = arith.addi %add3A_138, %add3A_167 : i32
          %sub3A = arith.constant 1 : i32
          %sub3A_169 = arith.subi %add3A_168, %sub3A : i32
          %eq3A_170 = arith.constant 0 : i32
          %eq3A_171 = arith.cmpi eq, %add3A_138, %eq3A_170 : i32
          %convert_element_type3A_172 = arith.extui %eq3A_171 : i1 to i32
          %cond3A_173 = arith.constant 0 : i32
          %cond3A_174 = arith.cmpi ne, %convert_element_type3A_172, %cond3A_173 : i32
          scf.if %cond3A_174 {
            %dma_start3A_327 = arith.constant 3 : i32
            %dma_start3A_328 = arith.constant 3 : i32
            %dma_start3A_329 = arith.constant 0 : i32
            %dma_start3A_330 = arith.constant 0 : i32
            %dma_start3A_331 = tpu.memref_slice %arg9[%dma_start3A_327, %dma_start3A_329, %dma_start3A_330] : memref<4x64x128xf32, #tpu.memory_space<vmem>> -> memref<1x64x128xf32, #tpu.memory_space<vmem>>
            %dma_start3A_332 = tpu.memref_squeeze %dma_start3A_331 : memref<1x64x128xf32, #tpu.memory_space<vmem>> -> memref<64x128xf32, #tpu.memory_space<vmem>>
            %dma_start3A_333 = arith.constant 0 : i32
            %dma_start3A_334 = tpu.memref_slice %arg7[%sub3A_169, %dma_start3A_333] : memref<32x64xi32, #tpu.memory_space<vmem>> -> memref<1x64xi32, #tpu.memory_space<vmem>>
            %dma_start3A_335 = tpu.memref_squeeze %dma_start3A_334 : memref<1x64xi32, #tpu.memory_space<vmem>> -> memref<64xi32, #tpu.memory_space<vmem>>
            %dma_start3A_336 = arith.constant 0 : i32
            %dma_start3A_337 = arith.constant 0 : i32
            %dma_start3A_338 = tpu.memref_slice %arg2[%dma_start3A_336, %dma_start3A_337] : memref<10240x128xf32, #tpu.memory_space<hbm>> -> memref<10240x128xf32, #tpu.memory_space<hbm>>
            %dma_start3A_339 = tpu.memref_slice %arg11[%dma_start3A_328] : memref<4x!tpu.dma_semaphore, #tpu.memory_space<semaphore_mem>> -> memref<1x!tpu.dma_semaphore, #tpu.memory_space<semaphore_mem>>
            %dma_start3A_340 = tpu.memref_squeeze %dma_start3A_339 : memref<1x!tpu.dma_semaphore, #tpu.memory_space<semaphore_mem>> -> memref<!tpu.dma_semaphore, #tpu.memory_space<semaphore_mem>>
            tpu.enqueue_indirect_dma source(%dma_start3A_338 : memref<10240x128xf32, #tpu.memory_space<hbm>>) target(%dma_start3A_332 : memref<64x128xf32, #tpu.memory_space<vmem>>) offsets(%dma_start3A_335 : memref<64xi32, #tpu.memory_space<vmem>>) semaphore(%dma_start3A_340 : memref<!tpu.dma_semaphore, #tpu.memory_space<semaphore_mem>>)
          } else {
          }
          %ge3A = arith.constant 1 : i32
          %ge3A_175 = arith.cmpi sge, %add3A_138, %ge3A : i32
          %lt3A = arith.constant 32 : i32
          %lt3A_176 = arith.cmpi slt, %sub3A_169, %lt3A : i32
          %and3A = arith.andi %ge3A_175, %lt3A_176 : i1
          %convert_element_type3A_177 = arith.extui %and3A : i1 to i32
          %cond3A_178 = arith.constant 0 : i32
          %cond3A_179 = arith.cmpi ne, %convert_element_type3A_177, %cond3A_178 : i32
          scf.if %cond3A_179 {
            %sub3A_327 = arith.constant 1 : i32
            %sub3A_328 = arith.subi %add3A_138, %sub3A_327 : i32
            %dma_wait3A_329 = arith.constant 3 : i32
            %dma_wait3A_330 = arith.constant 3 : i32
            %dma_wait3A_331 = arith.constant 0 : i32
            %dma_wait3A_332 = arith.constant 0 : i32
            %dma_wait3A_333 = tpu.memref_slice %arg9[%dma_wait3A_329, %dma_wait3A_331, %dma_wait3A_332] : memref<4x64x128xf32, #tpu.memory_space<vmem>> -> memref<1x64x128xf32, #tpu.memory_space<vmem>>
            %dma_wait3A_334 = tpu.memref_squeeze %dma_wait3A_333 : memref<1x64x128xf32, #tpu.memory_space<vmem>> -> memref<64x128xf32, #tpu.memory_space<vmem>>
            %dma_wait3A_335 = arith.constant 0 : i32
            %dma_wait3A_336 = tpu.memref_slice %arg8[%sub3A_328, %dma_wait3A_335] : memref<32x64xi32, #tpu.memory_space<vmem>> -> memref<1x64xi32, #tpu.memory_space<vmem>>
            %dma_wait3A_337 = tpu.memref_squeeze %dma_wait3A_336 : memref<1x64xi32, #tpu.memory_space<vmem>> -> memref<64xi32, #tpu.memory_space<vmem>>
            %dma_wait3A_338 = arith.constant 0 : i32
            %dma_wait3A_339 = arith.constant 0 : i32
            %dma_wait3A_340 = tpu.memref_slice %arg10[%dma_wait3A_338, %dma_wait3A_339] : memref<10240x128xf32, #tpu.memory_space<vmem_shared>> -> memref<10240x128xf32, #tpu.memory_space<vmem_shared>>
            %dma_wait3A_341 = tpu.memref_slice %arg12[%dma_wait3A_330] : memref<4x!tpu.dma_semaphore, #tpu.memory_space<semaphore_mem>> -> memref<1x!tpu.dma_semaphore, #tpu.memory_space<semaphore_mem>>
            %dma_wait3A_342 = tpu.memref_squeeze %dma_wait3A_341 : memref<1x!tpu.dma_semaphore, #tpu.memory_space<semaphore_mem>> -> memref<!tpu.dma_semaphore, #tpu.memory_space<semaphore_mem>>
            tpu.wait_indirect_dma semaphore(%dma_wait3A_342 : memref<!tpu.dma_semaphore, #tpu.memory_space<semaphore_mem>>) src(%dma_wait3A_334 : memref<64x128xf32, #tpu.memory_space<vmem>>) dst(%dma_wait3A_340 : memref<10240x128xf32, #tpu.memory_space<vmem_shared>>)
            %dma_start3A_343 = arith.constant 3 : i32
            %dma_start3A_344 = arith.constant 3 : i32
            %dma_start3A_345 = arith.constant 0 : i32
            %dma_start3A_346 = arith.constant 0 : i32
            %dma_start3A_347 = tpu.memref_slice %arg9[%dma_start3A_343, %dma_start3A_345, %dma_start3A_346] : memref<4x64x128xf32, #tpu.memory_space<vmem>> -> memref<1x64x128xf32, #tpu.memory_space<vmem>>
            %dma_start3A_348 = tpu.memref_squeeze %dma_start3A_347 : memref<1x64x128xf32, #tpu.memory_space<vmem>> -> memref<64x128xf32, #tpu.memory_space<vmem>>
            %dma_start3A_349 = arith.constant 0 : i32
            %dma_start3A_350 = tpu.memref_slice %arg7[%sub3A_169, %dma_start3A_349] : memref<32x64xi32, #tpu.memory_space<vmem>> -> memref<1x64xi32, #tpu.memory_space<vmem>>
            %dma_start3A_351 = tpu.memref_squeeze %dma_start3A_350 : memref<1x64xi32, #tpu.memory_space<vmem>> -> memref<64xi32, #tpu.memory_space<vmem>>
            %dma_start3A_352 = arith.constant 0 : i32
            %dma_start3A_353 = arith.constant 0 : i32
            %dma_start3A_354 = tpu.memref_slice %arg2[%dma_start3A_352, %dma_start3A_353] : memref<10240x128xf32, #tpu.memory_space<hbm>> -> memref<10240x128xf32, #tpu.memory_space<hbm>>
            %dma_start3A_355 = tpu.memref_slice %arg11[%dma_start3A_344] : memref<4x!tpu.dma_semaphore, #tpu.memory_space<semaphore_mem>> -> memref<1x!tpu.dma_semaphore, #tpu.memory_space<semaphore_mem>>
            %dma_start3A_356 = tpu.memref_squeeze %dma_start3A_355 : memref<1x!tpu.dma_semaphore, #tpu.memory_space<semaphore_mem>> -> memref<!tpu.dma_semaphore, #tpu.memory_space<semaphore_mem>>
            tpu.enqueue_indirect_dma source(%dma_start3A_354 : memref<10240x128xf32, #tpu.memory_space<hbm>>) target(%dma_start3A_348 : memref<64x128xf32, #tpu.memory_space<vmem>>) offsets(%dma_start3A_351 : memref<64xi32, #tpu.memory_space<vmem>>) semaphore(%dma_start3A_356 : memref<!tpu.dma_semaphore, #tpu.memory_space<semaphore_mem>>)
          } else {
          }
          %mul3A_180 = arith.constant 4 : i32
          %mul3A_181 = arith.muli %scan3A_134, %mul3A_180 : i32
          %add3A_182 = arith.constant 1 : i32
          %add3A_183 = arith.addi %mul3A_181, %add3A_182 : i32
          %dma_wait3A_184 = arith.constant 1 : i32
          %dma_wait3A_185 = arith.constant 1 : i32
          %dma_wait3A_186 = arith.constant 0 : i32
          %dma_wait3A_187 = arith.constant 0 : i32
          %dma_wait3A_188 = tpu.memref_slice %arg9[%dma_wait3A_184, %dma_wait3A_186, %dma_wait3A_187] : memref<4x64x128xf32, #tpu.memory_space<vmem>> -> memref<1x64x128xf32, #tpu.memory_space<vmem>>
          %dma_wait3A_189 = tpu.memref_squeeze %dma_wait3A_188 : memref<1x64x128xf32, #tpu.memory_space<vmem>> -> memref<64x128xf32, #tpu.memory_space<vmem>>
          %dma_wait3A_190 = arith.constant 0 : i32
          %dma_wait3A_191 = tpu.memref_slice %arg7[%add3A_183, %dma_wait3A_190] : memref<32x64xi32, #tpu.memory_space<vmem>> -> memref<1x64xi32, #tpu.memory_space<vmem>>
          %dma_wait3A_192 = tpu.memref_squeeze %dma_wait3A_191 : memref<1x64xi32, #tpu.memory_space<vmem>> -> memref<64xi32, #tpu.memory_space<vmem>>
          %dma_wait3A_193 = arith.constant 0 : i32
          %dma_wait3A_194 = arith.constant 0 : i32
          %dma_wait3A_195 = tpu.memref_slice %arg2[%dma_wait3A_193, %dma_wait3A_194] : memref<10240x128xf32, #tpu.memory_space<hbm>> -> memref<10240x128xf32, #tpu.memory_space<hbm>>
          %dma_wait3A_196 = tpu.memref_slice %arg11[%dma_wait3A_185] : memref<4x!tpu.dma_semaphore, #tpu.memory_space<semaphore_mem>> -> memref<1x!tpu.dma_semaphore, #tpu.memory_space<semaphore_mem>>
          %dma_wait3A_197 = tpu.memref_squeeze %dma_wait3A_196 : memref<1x!tpu.dma_semaphore, #tpu.memory_space<semaphore_mem>> -> memref<!tpu.dma_semaphore, #tpu.memory_space<semaphore_mem>>
          tpu.wait_indirect_dma semaphore(%dma_wait3A_197 : memref<!tpu.dma_semaphore, #tpu.memory_space<semaphore_mem>>) src(%dma_wait3A_195 : memref<10240x128xf32, #tpu.memory_space<hbm>>) dst(%dma_wait3A_189 : memref<64x128xf32, #tpu.memory_space<vmem>>)
          %dma_start3A_198 = arith.constant 1 : i32
          %dma_start3A_199 = arith.constant 1 : i32
          %dma_start3A_200 = arith.constant 0 : i32
          %dma_start3A_201 = arith.constant 0 : i32
          %dma_start3A_202 = tpu.memref_slice %arg9[%dma_start3A_198, %dma_start3A_200, %dma_start3A_201] : memref<4x64x128xf32, #tpu.memory_space<vmem>> -> memref<1x64x128xf32, #tpu.memory_space<vmem>>
          %dma_start3A_203 = tpu.memref_squeeze %dma_start3A_202 : memref<1x64x128xf32, #tpu.memory_space<vmem>> -> memref<64x128xf32, #tpu.memory_space<vmem>>
          %dma_start3A_204 = arith.constant 0 : i32
          %dma_start3A_205 = tpu.memref_slice %arg8[%add3A_183, %dma_start3A_204] : memref<32x64xi32, #tpu.memory_space<vmem>> -> memref<1x64xi32, #tpu.memory_space<vmem>>
          %dma_start3A_206 = tpu.memref_squeeze %dma_start3A_205 : memref<1x64xi32, #tpu.memory_space<vmem>> -> memref<64xi32, #tpu.memory_space<vmem>>
          %dma_start3A_207 = arith.constant 0 : i32
          %dma_start3A_208 = arith.constant 0 : i32
          %dma_start3A_209 = tpu.memref_slice %arg10[%dma_start3A_207, %dma_start3A_208] : memref<10240x128xf32, #tpu.memory_space<vmem_shared>> -> memref<10240x128xf32, #tpu.memory_space<vmem_shared>>
          %dma_start3A_210 = tpu.memref_slice %arg12[%dma_start3A_199] : memref<4x!tpu.dma_semaphore, #tpu.memory_space<semaphore_mem>> -> memref<1x!tpu.dma_semaphore, #tpu.memory_space<semaphore_mem>>
          %dma_start3A_211 = tpu.memref_squeeze %dma_start3A_210 : memref<1x!tpu.dma_semaphore, #tpu.memory_space<semaphore_mem>> -> memref<!tpu.dma_semaphore, #tpu.memory_space<semaphore_mem>>
          tpu.enqueue_indirect_dma source(%dma_start3A_203 : memref<64x128xf32, #tpu.memory_space<vmem>>) target(%dma_start3A_209 : memref<10240x128xf32, #tpu.memory_space<vmem_shared>>) offsets(%dma_start3A_206 : memref<64xi32, #tpu.memory_space<vmem>>) semaphore(%dma_start3A_211 : memref<!tpu.dma_semaphore, #tpu.memory_space<semaphore_mem>>) {add = true}
          %add3A_212 = arith.constant 4 : i32
          %add3A_213 = arith.addi %add3A_183, %add3A_212 : i32
          %sub3A_214 = arith.constant 1 : i32
          %sub3A_215 = arith.subi %add3A_213, %sub3A_214 : i32
          %eq3A_216 = arith.constant 0 : i32
          %eq3A_217 = arith.cmpi eq, %add3A_183, %eq3A_216 : i32
          %convert_element_type3A_218 = arith.extui %eq3A_217 : i1 to i32
          %cond3A_219 = arith.constant 0 : i32
          %cond3A_220 = arith.cmpi ne, %convert_element_type3A_218, %cond3A_219 : i32
          scf.if %cond3A_220 {
            %dma_start3A_327 = arith.constant 0 : i32
            %dma_start3A_328 = arith.constant 0 : i32
            %dma_start3A_329 = arith.constant 0 : i32
            %dma_start3A_330 = arith.constant 0 : i32
            %dma_start3A_331 = tpu.memref_slice %arg9[%dma_start3A_327, %dma_start3A_329, %dma_start3A_330] : memref<4x64x128xf32, #tpu.memory_space<vmem>> -> memref<1x64x128xf32, #tpu.memory_space<vmem>>
            %dma_start3A_332 = tpu.memref_squeeze %dma_start3A_331 : memref<1x64x128xf32, #tpu.memory_space<vmem>> -> memref<64x128xf32, #tpu.memory_space<vmem>>
            %dma_start3A_333 = arith.constant 0 : i32
            %dma_start3A_334 = tpu.memref_slice %arg7[%sub3A_215, %dma_start3A_333] : memref<32x64xi32, #tpu.memory_space<vmem>> -> memref<1x64xi32, #tpu.memory_space<vmem>>
            %dma_start3A_335 = tpu.memref_squeeze %dma_start3A_334 : memref<1x64xi32, #tpu.memory_space<vmem>> -> memref<64xi32, #tpu.memory_space<vmem>>
            %dma_start3A_336 = arith.constant 0 : i32
            %dma_start3A_337 = arith.constant 0 : i32
            %dma_start3A_338 = tpu.memref_slice %arg2[%dma_start3A_336, %dma_start3A_337] : memref<10240x128xf32, #tpu.memory_space<hbm>> -> memref<10240x128xf32, #tpu.memory_space<hbm>>
            %dma_start3A_339 = tpu.memref_slice %arg11[%dma_start3A_328] : memref<4x!tpu.dma_semaphore, #tpu.memory_space<semaphore_mem>> -> memref<1x!tpu.dma_semaphore, #tpu.memory_space<semaphore_mem>>
            %dma_start3A_340 = tpu.memref_squeeze %dma_start3A_339 : memref<1x!tpu.dma_semaphore, #tpu.memory_space<semaphore_mem>> -> memref<!tpu.dma_semaphore, #tpu.memory_space<semaphore_mem>>
            tpu.enqueue_indirect_dma source(%dma_start3A_338 : memref<10240x128xf32, #tpu.memory_space<hbm>>) target(%dma_start3A_332 : memref<64x128xf32, #tpu.memory_space<vmem>>) offsets(%dma_start3A_335 : memref<64xi32, #tpu.memory_space<vmem>>) semaphore(%dma_start3A_340 : memref<!tpu.dma_semaphore, #tpu.memory_space<semaphore_mem>>)
          } else {
          }
          %ge3A_221 = arith.constant 1 : i32
          %ge3A_222 = arith.cmpi sge, %add3A_183, %ge3A_221 : i32
          %lt3A_223 = arith.constant 32 : i32
          %lt3A_224 = arith.cmpi slt, %sub3A_215, %lt3A_223 : i32
          %and3A_225 = arith.andi %ge3A_222, %lt3A_224 : i1
          %convert_element_type3A_226 = arith.extui %and3A_225 : i1 to i32
          %cond3A_227 = arith.constant 0 : i32
          %cond3A_228 = arith.cmpi ne, %convert_element_type3A_226, %cond3A_227 : i32
          scf.if %cond3A_228 {
            %sub3A_327 = arith.constant 1 : i32
            %sub3A_328 = arith.subi %add3A_183, %sub3A_327 : i32
            %dma_wait3A_329 = arith.constant 0 : i32
            %dma_wait3A_330 = arith.constant 0 : i32
            %dma_wait3A_331 = arith.constant 0 : i32
            %dma_wait3A_332 = arith.constant 0 : i32
            %dma_wait3A_333 = tpu.memref_slice %arg9[%dma_wait3A_329, %dma_wait3A_331, %dma_wait3A_332] : memref<4x64x128xf32, #tpu.memory_space<vmem>> -> memref<1x64x128xf32, #tpu.memory_space<vmem>>
            %dma_wait3A_334 = tpu.memref_squeeze %dma_wait3A_333 : memref<1x64x128xf32, #tpu.memory_space<vmem>> -> memref<64x128xf32, #tpu.memory_space<vmem>>
            %dma_wait3A_335 = arith.constant 0 : i32
            %dma_wait3A_336 = tpu.memref_slice %arg8[%sub3A_328, %dma_wait3A_335] : memref<32x64xi32, #tpu.memory_space<vmem>> -> memref<1x64xi32, #tpu.memory_space<vmem>>
            %dma_wait3A_337 = tpu.memref_squeeze %dma_wait3A_336 : memref<1x64xi32, #tpu.memory_space<vmem>> -> memref<64xi32, #tpu.memory_space<vmem>>
            %dma_wait3A_338 = arith.constant 0 : i32
            %dma_wait3A_339 = arith.constant 0 : i32
            %dma_wait3A_340 = tpu.memref_slice %arg10[%dma_wait3A_338, %dma_wait3A_339] : memref<10240x128xf32, #tpu.memory_space<vmem_shared>> -> memref<10240x128xf32, #tpu.memory_space<vmem_shared>>
            %dma_wait3A_341 = tpu.memref_slice %arg12[%dma_wait3A_330] : memref<4x!tpu.dma_semaphore, #tpu.memory_space<semaphore_mem>> -> memref<1x!tpu.dma_semaphore, #tpu.memory_space<semaphore_mem>>
            %dma_wait3A_342 = tpu.memref_squeeze %dma_wait3A_341 : memref<1x!tpu.dma_semaphore, #tpu.memory_space<semaphore_mem>> -> memref<!tpu.dma_semaphore, #tpu.memory_space<semaphore_mem>>
            tpu.wait_indirect_dma semaphore(%dma_wait3A_342 : memref<!tpu.dma_semaphore, #tpu.memory_space<semaphore_mem>>) src(%dma_wait3A_334 : memref<64x128xf32, #tpu.memory_space<vmem>>) dst(%dma_wait3A_340 : memref<10240x128xf32, #tpu.memory_space<vmem_shared>>)
            %dma_start3A_343 = arith.constant 0 : i32
            %dma_start3A_344 = arith.constant 0 : i32
            %dma_start3A_345 = arith.constant 0 : i32
            %dma_start3A_346 = arith.constant 0 : i32
            %dma_start3A_347 = tpu.memref_slice %arg9[%dma_start3A_343, %dma_start3A_345, %dma_start3A_346] : memref<4x64x128xf32, #tpu.memory_space<vmem>> -> memref<1x64x128xf32, #tpu.memory_space<vmem>>
            %dma_start3A_348 = tpu.memref_squeeze %dma_start3A_347 : memref<1x64x128xf32, #tpu.memory_space<vmem>> -> memref<64x128xf32, #tpu.memory_space<vmem>>
            %dma_start3A_349 = arith.constant 0 : i32
            %dma_start3A_350 = tpu.memref_slice %arg7[%sub3A_215, %dma_start3A_349] : memref<32x64xi32, #tpu.memory_space<vmem>> -> memref<1x64xi32, #tpu.memory_space<vmem>>
            %dma_start3A_351 = tpu.memref_squeeze %dma_start3A_350 : memref<1x64xi32, #tpu.memory_space<vmem>> -> memref<64xi32, #tpu.memory_space<vmem>>
            %dma_start3A_352 = arith.constant 0 : i32
            %dma_start3A_353 = arith.constant 0 : i32
            %dma_start3A_354 = tpu.memref_slice %arg2[%dma_start3A_352, %dma_start3A_353] : memref<10240x128xf32, #tpu.memory_space<hbm>> -> memref<10240x128xf32, #tpu.memory_space<hbm>>
            %dma_start3A_355 = tpu.memref_slice %arg11[%dma_start3A_344] : memref<4x!tpu.dma_semaphore, #tpu.memory_space<semaphore_mem>> -> memref<1x!tpu.dma_semaphore, #tpu.memory_space<semaphore_mem>>
            %dma_start3A_356 = tpu.memref_squeeze %dma_start3A_355 : memref<1x!tpu.dma_semaphore, #tpu.memory_space<semaphore_mem>> -> memref<!tpu.dma_semaphore, #tpu.memory_space<semaphore_mem>>
            tpu.enqueue_indirect_dma source(%dma_start3A_354 : memref<10240x128xf32, #tpu.memory_space<hbm>>) target(%dma_start3A_348 : memref<64x128xf32, #tpu.memory_space<vmem>>) offsets(%dma_start3A_351 : memref<64xi32, #tpu.memory_space<vmem>>) semaphore(%dma_start3A_356 : memref<!tpu.dma_semaphore, #tpu.memory_space<semaphore_mem>>)
          } else {
          }
          %mul3A_229 = arith.constant 4 : i32
          %mul3A_230 = arith.muli %scan3A_134, %mul3A_229 : i32
          %add3A_231 = arith.constant 2 : i32
          %add3A_232 = arith.addi %mul3A_230, %add3A_231 : i32
          %dma_wait3A_233 = arith.constant 2 : i32
          %dma_wait3A_234 = arith.constant 2 : i32
          %dma_wait3A_235 = arith.constant 0 : i32
          %dma_wait3A_236 = arith.constant 0 : i32
          %dma_wait3A_237 = tpu.memref_slice %arg9[%dma_wait3A_233, %dma_wait3A_235, %dma_wait3A_236] : memref<4x64x128xf32, #tpu.memory_space<vmem>> -> memref<1x64x128xf32, #tpu.memory_space<vmem>>
          %dma_wait3A_238 = tpu.memref_squeeze %dma_wait3A_237 : memref<1x64x128xf32, #tpu.memory_space<vmem>> -> memref<64x128xf32, #tpu.memory_space<vmem>>
          %dma_wait3A_239 = arith.constant 0 : i32
          %dma_wait3A_240 = tpu.memref_slice %arg7[%add3A_232, %dma_wait3A_239] : memref<32x64xi32, #tpu.memory_space<vmem>> -> memref<1x64xi32, #tpu.memory_space<vmem>>
          %dma_wait3A_241 = tpu.memref_squeeze %dma_wait3A_240 : memref<1x64xi32, #tpu.memory_space<vmem>> -> memref<64xi32, #tpu.memory_space<vmem>>
          %dma_wait3A_242 = arith.constant 0 : i32
          %dma_wait3A_243 = arith.constant 0 : i32
          %dma_wait3A_244 = tpu.memref_slice %arg2[%dma_wait3A_242, %dma_wait3A_243] : memref<10240x128xf32, #tpu.memory_space<hbm>> -> memref<10240x128xf32, #tpu.memory_space<hbm>>
          %dma_wait3A_245 = tpu.memref_slice %arg11[%dma_wait3A_234] : memref<4x!tpu.dma_semaphore, #tpu.memory_space<semaphore_mem>> -> memref<1x!tpu.dma_semaphore, #tpu.memory_space<semaphore_mem>>
          %dma_wait3A_246 = tpu.memref_squeeze %dma_wait3A_245 : memref<1x!tpu.dma_semaphore, #tpu.memory_space<semaphore_mem>> -> memref<!tpu.dma_semaphore, #tpu.memory_space<semaphore_mem>>
          tpu.wait_indirect_dma semaphore(%dma_wait3A_246 : memref<!tpu.dma_semaphore, #tpu.memory_space<semaphore_mem>>) src(%dma_wait3A_244 : memref<10240x128xf32, #tpu.memory_space<hbm>>) dst(%dma_wait3A_238 : memref<64x128xf32, #tpu.memory_space<vmem>>)
          %dma_start3A_247 = arith.constant 2 : i32
          %dma_start3A_248 = arith.constant 2 : i32
          %dma_start3A_249 = arith.constant 0 : i32
          %dma_start3A_250 = arith.constant 0 : i32
          %dma_start3A_251 = tpu.memref_slice %arg9[%dma_start3A_247, %dma_start3A_249, %dma_start3A_250] : memref<4x64x128xf32, #tpu.memory_space<vmem>> -> memref<1x64x128xf32, #tpu.memory_space<vmem>>
          %dma_start3A_252 = tpu.memref_squeeze %dma_start3A_251 : memref<1x64x128xf32, #tpu.memory_space<vmem>> -> memref<64x128xf32, #tpu.memory_space<vmem>>
          %dma_start3A_253 = arith.constant 0 : i32
          %dma_start3A_254 = tpu.memref_slice %arg8[%add3A_232, %dma_start3A_253] : memref<32x64xi32, #tpu.memory_space<vmem>> -> memref<1x64xi32, #tpu.memory_space<vmem>>
          %dma_start3A_255 = tpu.memref_squeeze %dma_start3A_254 : memref<1x64xi32, #tpu.memory_space<vmem>> -> memref<64xi32, #tpu.memory_space<vmem>>
          %dma_start3A_256 = arith.constant 0 : i32
          %dma_start3A_257 = arith.constant 0 : i32
          %dma_start3A_258 = tpu.memref_slice %arg10[%dma_start3A_256, %dma_start3A_257] : memref<10240x128xf32, #tpu.memory_space<vmem_shared>> -> memref<10240x128xf32, #tpu.memory_space<vmem_shared>>
          %dma_start3A_259 = tpu.memref_slice %arg12[%dma_start3A_248] : memref<4x!tpu.dma_semaphore, #tpu.memory_space<semaphore_mem>> -> memref<1x!tpu.dma_semaphore, #tpu.memory_space<semaphore_mem>>
          %dma_start3A_260 = tpu.memref_squeeze %dma_start3A_259 : memref<1x!tpu.dma_semaphore, #tpu.memory_space<semaphore_mem>> -> memref<!tpu.dma_semaphore, #tpu.memory_space<semaphore_mem>>
          tpu.enqueue_indirect_dma source(%dma_start3A_252 : memref<64x128xf32, #tpu.memory_space<vmem>>) target(%dma_start3A_258 : memref<10240x128xf32, #tpu.memory_space<vmem_shared>>) offsets(%dma_start3A_255 : memref<64xi32, #tpu.memory_space<vmem>>) semaphore(%dma_start3A_260 : memref<!tpu.dma_semaphore, #tpu.memory_space<semaphore_mem>>) {add = true}
          %add3A_261 = arith.constant 4 : i32
          %add3A_262 = arith.addi %add3A_232, %add3A_261 : i32
          %sub3A_263 = arith.constant 1 : i32
          %sub3A_264 = arith.subi %add3A_262, %sub3A_263 : i32
          %eq3A_265 = arith.constant 0 : i32
          %eq3A_266 = arith.cmpi eq, %add3A_232, %eq3A_265 : i32
          %convert_element_type3A_267 = arith.extui %eq3A_266 : i1 to i32
          %cond3A_268 = arith.constant 0 : i32
          %cond3A_269 = arith.cmpi ne, %convert_element_type3A_267, %cond3A_268 : i32
          scf.if %cond3A_269 {
            %dma_start3A_327 = arith.constant 1 : i32
            %dma_start3A_328 = arith.constant 1 : i32
            %dma_start3A_329 = arith.constant 0 : i32
            %dma_start3A_330 = arith.constant 0 : i32
            %dma_start3A_331 = tpu.memref_slice %arg9[%dma_start3A_327, %dma_start3A_329, %dma_start3A_330] : memref<4x64x128xf32, #tpu.memory_space<vmem>> -> memref<1x64x128xf32, #tpu.memory_space<vmem>>
            %dma_start3A_332 = tpu.memref_squeeze %dma_start3A_331 : memref<1x64x128xf32, #tpu.memory_space<vmem>> -> memref<64x128xf32, #tpu.memory_space<vmem>>
            %dma_start3A_333 = arith.constant 0 : i32
            %dma_start3A_334 = tpu.memref_slice %arg7[%sub3A_264, %dma_start3A_333] : memref<32x64xi32, #tpu.memory_space<vmem>> -> memref<1x64xi32, #tpu.memory_space<vmem>>
            %dma_start3A_335 = tpu.memref_squeeze %dma_start3A_334 : memref<1x64xi32, #tpu.memory_space<vmem>> -> memref<64xi32, #tpu.memory_space<vmem>>
            %dma_start3A_336 = arith.constant 0 : i32
            %dma_start3A_337 = arith.constant 0 : i32
            %dma_start3A_338 = tpu.memref_slice %arg2[%dma_start3A_336, %dma_start3A_337] : memref<10240x128xf32, #tpu.memory_space<hbm>> -> memref<10240x128xf32, #tpu.memory_space<hbm>>
            %dma_start3A_339 = tpu.memref_slice %arg11[%dma_start3A_328] : memref<4x!tpu.dma_semaphore, #tpu.memory_space<semaphore_mem>> -> memref<1x!tpu.dma_semaphore, #tpu.memory_space<semaphore_mem>>
            %dma_start3A_340 = tpu.memref_squeeze %dma_start3A_339 : memref<1x!tpu.dma_semaphore, #tpu.memory_space<semaphore_mem>> -> memref<!tpu.dma_semaphore, #tpu.memory_space<semaphore_mem>>
            tpu.enqueue_indirect_dma source(%dma_start3A_338 : memref<10240x128xf32, #tpu.memory_space<hbm>>) target(%dma_start3A_332 : memref<64x128xf32, #tpu.memory_space<vmem>>) offsets(%dma_start3A_335 : memref<64xi32, #tpu.memory_space<vmem>>) semaphore(%dma_start3A_340 : memref<!tpu.dma_semaphore, #tpu.memory_space<semaphore_mem>>)
          } else {
          }
          %ge3A_270 = arith.constant 1 : i32
          %ge3A_271 = arith.cmpi sge, %add3A_232, %ge3A_270 : i32
          %lt3A_272 = arith.constant 32 : i32
          %lt3A_273 = arith.cmpi slt, %sub3A_264, %lt3A_272 : i32
          %and3A_274 = arith.andi %ge3A_271, %lt3A_273 : i1
          %convert_element_type3A_275 = arith.extui %and3A_274 : i1 to i32
          %cond3A_276 = arith.constant 0 : i32
          %cond3A_277 = arith.cmpi ne, %convert_element_type3A_275, %cond3A_276 : i32
          scf.if %cond3A_277 {
            %sub3A_327 = arith.constant 1 : i32
            %sub3A_328 = arith.subi %add3A_232, %sub3A_327 : i32
            %dma_wait3A_329 = arith.constant 1 : i32
            %dma_wait3A_330 = arith.constant 1 : i32
            %dma_wait3A_331 = arith.constant 0 : i32
            %dma_wait3A_332 = arith.constant 0 : i32
            %dma_wait3A_333 = tpu.memref_slice %arg9[%dma_wait3A_329, %dma_wait3A_331, %dma_wait3A_332] : memref<4x64x128xf32, #tpu.memory_space<vmem>> -> memref<1x64x128xf32, #tpu.memory_space<vmem>>
            %dma_wait3A_334 = tpu.memref_squeeze %dma_wait3A_333 : memref<1x64x128xf32, #tpu.memory_space<vmem>> -> memref<64x128xf32, #tpu.memory_space<vmem>>
            %dma_wait3A_335 = arith.constant 0 : i32
            %dma_wait3A_336 = tpu.memref_slice %arg8[%sub3A_328, %dma_wait3A_335] : memref<32x64xi32, #tpu.memory_space<vmem>> -> memref<1x64xi32, #tpu.memory_space<vmem>>
            %dma_wait3A_337 = tpu.memref_squeeze %dma_wait3A_336 : memref<1x64xi32, #tpu.memory_space<vmem>> -> memref<64xi32, #tpu.memory_space<vmem>>
            %dma_wait3A_338 = arith.constant 0 : i32
            %dma_wait3A_339 = arith.constant 0 : i32
            %dma_wait3A_340 = tpu.memref_slice %arg10[%dma_wait3A_338, %dma_wait3A_339] : memref<10240x128xf32, #tpu.memory_space<vmem_shared>> -> memref<10240x128xf32, #tpu.memory_space<vmem_shared>>
            %dma_wait3A_341 = tpu.memref_slice %arg12[%dma_wait3A_330] : memref<4x!tpu.dma_semaphore, #tpu.memory_space<semaphore_mem>> -> memref<1x!tpu.dma_semaphore, #tpu.memory_space<semaphore_mem>>
            %dma_wait3A_342 = tpu.memref_squeeze %dma_wait3A_341 : memref<1x!tpu.dma_semaphore, #tpu.memory_space<semaphore_mem>> -> memref<!tpu.dma_semaphore, #tpu.memory_space<semaphore_mem>>
            tpu.wait_indirect_dma semaphore(%dma_wait3A_342 : memref<!tpu.dma_semaphore, #tpu.memory_space<semaphore_mem>>) src(%dma_wait3A_334 : memref<64x128xf32, #tpu.memory_space<vmem>>) dst(%dma_wait3A_340 : memref<10240x128xf32, #tpu.memory_space<vmem_shared>>)
            %dma_start3A_343 = arith.constant 1 : i32
            %dma_start3A_344 = arith.constant 1 : i32
            %dma_start3A_345 = arith.constant 0 : i32
            %dma_start3A_346 = arith.constant 0 : i32
            %dma_start3A_347 = tpu.memref_slice %arg9[%dma_start3A_343, %dma_start3A_345, %dma_start3A_346] : memref<4x64x128xf32, #tpu.memory_space<vmem>> -> memref<1x64x128xf32, #tpu.memory_space<vmem>>
            %dma_start3A_348 = tpu.memref_squeeze %dma_start3A_347 : memref<1x64x128xf32, #tpu.memory_space<vmem>> -> memref<64x128xf32, #tpu.memory_space<vmem>>
            %dma_start3A_349 = arith.constant 0 : i32
            %dma_start3A_350 = tpu.memref_slice %arg7[%sub3A_264, %dma_start3A_349] : memref<32x64xi32, #tpu.memory_space<vmem>> -> memref<1x64xi32, #tpu.memory_space<vmem>>
            %dma_start3A_351 = tpu.memref_squeeze %dma_start3A_350 : memref<1x64xi32, #tpu.memory_space<vmem>> -> memref<64xi32, #tpu.memory_space<vmem>>
            %dma_start3A_352 = arith.constant 0 : i32
            %dma_start3A_353 = arith.constant 0 : i32
            %dma_start3A_354 = tpu.memref_slice %arg2[%dma_start3A_352, %dma_start3A_353] : memref<10240x128xf32, #tpu.memory_space<hbm>> -> memref<10240x128xf32, #tpu.memory_space<hbm>>
            %dma_start3A_355 = tpu.memref_slice %arg11[%dma_start3A_344] : memref<4x!tpu.dma_semaphore, #tpu.memory_space<semaphore_mem>> -> memref<1x!tpu.dma_semaphore, #tpu.memory_space<semaphore_mem>>
            %dma_start3A_356 = tpu.memref_squeeze %dma_start3A_355 : memref<1x!tpu.dma_semaphore, #tpu.memory_space<semaphore_mem>> -> memref<!tpu.dma_semaphore, #tpu.memory_space<semaphore_mem>>
            tpu.enqueue_indirect_dma source(%dma_start3A_354 : memref<10240x128xf32, #tpu.memory_space<hbm>>) target(%dma_start3A_348 : memref<64x128xf32, #tpu.memory_space<vmem>>) offsets(%dma_start3A_351 : memref<64xi32, #tpu.memory_space<vmem>>) semaphore(%dma_start3A_356 : memref<!tpu.dma_semaphore, #tpu.memory_space<semaphore_mem>>)
          } else {
          }
          %mul3A_278 = arith.constant 4 : i32
          %mul3A_279 = arith.muli %scan3A_134, %mul3A_278 : i32
          %add3A_280 = arith.constant 3 : i32
          %add3A_281 = arith.addi %mul3A_279, %add3A_280 : i32
          %dma_wait3A_282 = arith.constant 3 : i32
          %dma_wait3A_283 = arith.constant 3 : i32
          %dma_wait3A_284 = arith.constant 0 : i32
          %dma_wait3A_285 = arith.constant 0 : i32
          %dma_wait3A_286 = tpu.memref_slice %arg9[%dma_wait3A_282, %dma_wait3A_284, %dma_wait3A_285] : memref<4x64x128xf32, #tpu.memory_space<vmem>> -> memref<1x64x128xf32, #tpu.memory_space<vmem>>
          %dma_wait3A_287 = tpu.memref_squeeze %dma_wait3A_286 : memref<1x64x128xf32, #tpu.memory_space<vmem>> -> memref<64x128xf32, #tpu.memory_space<vmem>>
          %dma_wait3A_288 = arith.constant 0 : i32
          %dma_wait3A_289 = tpu.memref_slice %arg7[%add3A_281, %dma_wait3A_288] : memref<32x64xi32, #tpu.memory_space<vmem>> -> memref<1x64xi32, #tpu.memory_space<vmem>>
          %dma_wait3A_290 = tpu.memref_squeeze %dma_wait3A_289 : memref<1x64xi32, #tpu.memory_space<vmem>> -> memref<64xi32, #tpu.memory_space<vmem>>
          %dma_wait3A_291 = arith.constant 0 : i32
          %dma_wait3A_292 = arith.constant 0 : i32
          %dma_wait3A_293 = tpu.memref_slice %arg2[%dma_wait3A_291, %dma_wait3A_292] : memref<10240x128xf32, #tpu.memory_space<hbm>> -> memref<10240x128xf32, #tpu.memory_space<hbm>>
          %dma_wait3A_294 = tpu.memref_slice %arg11[%dma_wait3A_283] : memref<4x!tpu.dma_semaphore, #tpu.memory_space<semaphore_mem>> -> memref<1x!tpu.dma_semaphore, #tpu.memory_space<semaphore_mem>>
          %dma_wait3A_295 = tpu.memref_squeeze %dma_wait3A_294 : memref<1x!tpu.dma_semaphore, #tpu.memory_space<semaphore_mem>> -> memref<!tpu.dma_semaphore, #tpu.memory_space<semaphore_mem>>
          tpu.wait_indirect_dma semaphore(%dma_wait3A_295 : memref<!tpu.dma_semaphore, #tpu.memory_space<semaphore_mem>>) src(%dma_wait3A_293 : memref<10240x128xf32, #tpu.memory_space<hbm>>) dst(%dma_wait3A_287 : memref<64x128xf32, #tpu.memory_space<vmem>>)
          %dma_start3A_296 = arith.constant 3 : i32
          %dma_start3A_297 = arith.constant 3 : i32
          %dma_start3A_298 = arith.constant 0 : i32
          %dma_start3A_299 = arith.constant 0 : i32
          %dma_start3A_300 = tpu.memref_slice %arg9[%dma_start3A_296, %dma_start3A_298, %dma_start3A_299] : memref<4x64x128xf32, #tpu.memory_space<vmem>> -> memref<1x64x128xf32, #tpu.memory_space<vmem>>
          %dma_start3A_301 = tpu.memref_squeeze %dma_start3A_300 : memref<1x64x128xf32, #tpu.memory_space<vmem>> -> memref<64x128xf32, #tpu.memory_space<vmem>>
          %dma_start3A_302 = arith.constant 0 : i32
          %dma_start3A_303 = tpu.memref_slice %arg8[%add3A_281, %dma_start3A_302] : memref<32x64xi32, #tpu.memory_space<vmem>> -> memref<1x64xi32, #tpu.memory_space<vmem>>
          %dma_start3A_304 = tpu.memref_squeeze %dma_start3A_303 : memref<1x64xi32, #tpu.memory_space<vmem>> -> memref<64xi32, #tpu.memory_space<vmem>>
          %dma_start3A_305 = arith.constant 0 : i32
          %dma_start3A_306 = arith.constant 0 : i32
          %dma_start3A_307 = tpu.memref_slice %arg10[%dma_start3A_305, %dma_start3A_306] : memref<10240x128xf32, #tpu.memory_space<vmem_shared>> -> memref<10240x128xf32, #tpu.memory_space<vmem_shared>>
          %dma_start3A_308 = tpu.memref_slice %arg12[%dma_start3A_297] : memref<4x!tpu.dma_semaphore, #tpu.memory_space<semaphore_mem>> -> memref<1x!tpu.dma_semaphore, #tpu.memory_space<semaphore_mem>>
          %dma_start3A_309 = tpu.memref_squeeze %dma_start3A_308 : memref<1x!tpu.dma_semaphore, #tpu.memory_space<semaphore_mem>> -> memref<!tpu.dma_semaphore, #tpu.memory_space<semaphore_mem>>
          tpu.enqueue_indirect_dma source(%dma_start3A_301 : memref<64x128xf32, #tpu.memory_space<vmem>>) target(%dma_start3A_307 : memref<10240x128xf32, #tpu.memory_space<vmem_shared>>) offsets(%dma_start3A_304 : memref<64xi32, #tpu.memory_space<vmem>>) semaphore(%dma_start3A_309 : memref<!tpu.dma_semaphore, #tpu.memory_space<semaphore_mem>>) {add = true}
          %add3A_310 = arith.constant 4 : i32
          %add3A_311 = arith.addi %add3A_281, %add3A_310 : i32
          %sub3A_312 = arith.constant 1 : i32
          %sub3A_313 = arith.subi %add3A_311, %sub3A_312 : i32
          %eq3A_314 = arith.constant 0 : i32
          %eq3A_315 = arith.cmpi eq, %add3A_281, %eq3A_314 : i32
          %convert_element_type3A_316 = arith.extui %eq3A_315 : i1 to i32
          %cond3A_317 = arith.constant 0 : i32
          %cond3A_318 = arith.cmpi ne, %convert_element_type3A_316, %cond3A_317 : i32
          scf.if %cond3A_318 {
            %dma_start3A_327 = arith.constant 2 : i32
            %dma_start3A_328 = arith.constant 2 : i32
            %dma_start3A_329 = arith.constant 0 : i32
            %dma_start3A_330 = arith.constant 0 : i32
            %dma_start3A_331 = tpu.memref_slice %arg9[%dma_start3A_327, %dma_start3A_329, %dma_start3A_330] : memref<4x64x128xf32, #tpu.memory_space<vmem>> -> memref<1x64x128xf32, #tpu.memory_space<vmem>>
            %dma_start3A_332 = tpu.memref_squeeze %dma_start3A_331 : memref<1x64x128xf32, #tpu.memory_space<vmem>> -> memref<64x128xf32, #tpu.memory_space<vmem>>
            %dma_start3A_333 = arith.constant 0 : i32
            %dma_start3A_334 = tpu.memref_slice %arg7[%sub3A_313, %dma_start3A_333] : memref<32x64xi32, #tpu.memory_space<vmem>> -> memref<1x64xi32, #tpu.memory_space<vmem>>
            %dma_start3A_335 = tpu.memref_squeeze %dma_start3A_334 : memref<1x64xi32, #tpu.memory_space<vmem>> -> memref<64xi32, #tpu.memory_space<vmem>>
            %dma_start3A_336 = arith.constant 0 : i32
            %dma_start3A_337 = arith.constant 0 : i32
            %dma_start3A_338 = tpu.memref_slice %arg2[%dma_start3A_336, %dma_start3A_337] : memref<10240x128xf32, #tpu.memory_space<hbm>> -> memref<10240x128xf32, #tpu.memory_space<hbm>>
            %dma_start3A_339 = tpu.memref_slice %arg11[%dma_start3A_328] : memref<4x!tpu.dma_semaphore, #tpu.memory_space<semaphore_mem>> -> memref<1x!tpu.dma_semaphore, #tpu.memory_space<semaphore_mem>>
            %dma_start3A_340 = tpu.memref_squeeze %dma_start3A_339 : memref<1x!tpu.dma_semaphore, #tpu.memory_space<semaphore_mem>> -> memref<!tpu.dma_semaphore, #tpu.memory_space<semaphore_mem>>
            tpu.enqueue_indirect_dma source(%dma_start3A_338 : memref<10240x128xf32, #tpu.memory_space<hbm>>) target(%dma_start3A_332 : memref<64x128xf32, #tpu.memory_space<vmem>>) offsets(%dma_start3A_335 : memref<64xi32, #tpu.memory_space<vmem>>) semaphore(%dma_start3A_340 : memref<!tpu.dma_semaphore, #tpu.memory_space<semaphore_mem>>)
          } else {
          }
          %ge3A_319 = arith.constant 1 : i32
          %ge3A_320 = arith.cmpi sge, %add3A_281, %ge3A_319 : i32
          %lt3A_321 = arith.constant 32 : i32
          %lt3A_322 = arith.cmpi slt, %sub3A_313, %lt3A_321 : i32
          %and3A_323 = arith.andi %ge3A_320, %lt3A_322 : i1
          %convert_element_type3A_324 = arith.extui %and3A_323 : i1 to i32
          %cond3A_325 = arith.constant 0 : i32
          %cond3A_326 = arith.cmpi ne, %convert_element_type3A_324, %cond3A_325 : i32
          scf.if %cond3A_326 {
            %sub3A_327 = arith.constant 1 : i32
            %sub3A_328 = arith.subi %add3A_281, %sub3A_327 : i32
            %dma_wait3A_329 = arith.constant 2 : i32
            %dma_wait3A_330 = arith.constant 2 : i32
            %dma_wait3A_331 = arith.constant 0 : i32
            %dma_wait3A_332 = arith.constant 0 : i32
            %dma_wait3A_333 = tpu.memref_slice %arg9[%dma_wait3A_329, %dma_wait3A_331, %dma_wait3A_332] : memref<4x64x128xf32, #tpu.memory_space<vmem>> -> memref<1x64x128xf32, #tpu.memory_space<vmem>>
            %dma_wait3A_334 = tpu.memref_squeeze %dma_wait3A_333 : memref<1x64x128xf32, #tpu.memory_space<vmem>> -> memref<64x128xf32, #tpu.memory_space<vmem>>
            %dma_wait3A_335 = arith.constant 0 : i32
            %dma_wait3A_336 = tpu.memref_slice %arg8[%sub3A_328, %dma_wait3A_335] : memref<32x64xi32, #tpu.memory_space<vmem>> -> memref<1x64xi32, #tpu.memory_space<vmem>>
            %dma_wait3A_337 = tpu.memref_squeeze %dma_wait3A_336 : memref<1x64xi32, #tpu.memory_space<vmem>> -> memref<64xi32, #tpu.memory_space<vmem>>
            %dma_wait3A_338 = arith.constant 0 : i32
            %dma_wait3A_339 = arith.constant 0 : i32
            %dma_wait3A_340 = tpu.memref_slice %arg10[%dma_wait3A_338, %dma_wait3A_339] : memref<10240x128xf32, #tpu.memory_space<vmem_shared>> -> memref<10240x128xf32, #tpu.memory_space<vmem_shared>>
            %dma_wait3A_341 = tpu.memref_slice %arg12[%dma_wait3A_330] : memref<4x!tpu.dma_semaphore, #tpu.memory_space<semaphore_mem>> -> memref<1x!tpu.dma_semaphore, #tpu.memory_space<semaphore_mem>>
            %dma_wait3A_342 = tpu.memref_squeeze %dma_wait3A_341 : memref<1x!tpu.dma_semaphore, #tpu.memory_space<semaphore_mem>> -> memref<!tpu.dma_semaphore, #tpu.memory_space<semaphore_mem>>
            tpu.wait_indirect_dma semaphore(%dma_wait3A_342 : memref<!tpu.dma_semaphore, #tpu.memory_space<semaphore_mem>>) src(%dma_wait3A_334 : memref<64x128xf32, #tpu.memory_space<vmem>>) dst(%dma_wait3A_340 : memref<10240x128xf32, #tpu.memory_space<vmem_shared>>)
            %dma_start3A_343 = arith.constant 2 : i32
            %dma_start3A_344 = arith.constant 2 : i32
            %dma_start3A_345 = arith.constant 0 : i32
            %dma_start3A_346 = arith.constant 0 : i32
            %dma_start3A_347 = tpu.memref_slice %arg9[%dma_start3A_343, %dma_start3A_345, %dma_start3A_346] : memref<4x64x128xf32, #tpu.memory_space<vmem>> -> memref<1x64x128xf32, #tpu.memory_space<vmem>>
            %dma_start3A_348 = tpu.memref_squeeze %dma_start3A_347 : memref<1x64x128xf32, #tpu.memory_space<vmem>> -> memref<64x128xf32, #tpu.memory_space<vmem>>
            %dma_start3A_349 = arith.constant 0 : i32
            %dma_start3A_350 = tpu.memref_slice %arg7[%sub3A_313, %dma_start3A_349] : memref<32x64xi32, #tpu.memory_space<vmem>> -> memref<1x64xi32, #tpu.memory_space<vmem>>
            %dma_start3A_351 = tpu.memref_squeeze %dma_start3A_350 : memref<1x64xi32, #tpu.memory_space<vmem>> -> memref<64xi32, #tpu.memory_space<vmem>>
            %dma_start3A_352 = arith.constant 0 : i32
            %dma_start3A_353 = arith.constant 0 : i32
            %dma_start3A_354 = tpu.memref_slice %arg2[%dma_start3A_352, %dma_start3A_353] : memref<10240x128xf32, #tpu.memory_space<hbm>> -> memref<10240x128xf32, #tpu.memory_space<hbm>>
            %dma_start3A_355 = tpu.memref_slice %arg11[%dma_start3A_344] : memref<4x!tpu.dma_semaphore, #tpu.memory_space<semaphore_mem>> -> memref<1x!tpu.dma_semaphore, #tpu.memory_space<semaphore_mem>>
            %dma_start3A_356 = tpu.memref_squeeze %dma_start3A_355 : memref<1x!tpu.dma_semaphore, #tpu.memory_space<semaphore_mem>> -> memref<!tpu.dma_semaphore, #tpu.memory_space<semaphore_mem>>
            tpu.enqueue_indirect_dma source(%dma_start3A_354 : memref<10240x128xf32, #tpu.memory_space<hbm>>) target(%dma_start3A_348 : memref<64x128xf32, #tpu.memory_space<vmem>>) offsets(%dma_start3A_351 : memref<64xi32, #tpu.memory_space<vmem>>) semaphore(%dma_start3A_356 : memref<!tpu.dma_semaphore, #tpu.memory_space<semaphore_mem>>)
          } else {
          }
        }
        %scan3A_74 = arith.constant 8 : i32
        %dma_wait3A = arith.constant 0 : i32
        %dma_wait3A_75 = arith.constant 28 : i32
        %dma_wait3A_76 = arith.constant 0 : i32
        %dma_wait3A_77 = arith.constant 0 : i32
        %dma_wait3A_78 = arith.constant 0 : i32
        %dma_wait3A_79 = tpu.memref_slice %arg9[%dma_wait3A, %dma_wait3A_77, %dma_wait3A_78] : memref<4x64x128xf32, #tpu.memory_space<vmem>> -> memref<1x64x128xf32, #tpu.memory_space<vmem>>
        %dma_wait3A_80 = tpu.memref_squeeze %dma_wait3A_79 : memref<1x64x128xf32, #tpu.memory_space<vmem>> -> memref<64x128xf32, #tpu.memory_space<vmem>>
        %dma_wait3A_81 = arith.constant 0 : i32
        %dma_wait3A_82 = tpu.memref_slice %arg8[%dma_wait3A_75, %dma_wait3A_81] : memref<32x64xi32, #tpu.memory_space<vmem>> -> memref<1x64xi32, #tpu.memory_space<vmem>>
        %dma_wait3A_83 = tpu.memref_squeeze %dma_wait3A_82 : memref<1x64xi32, #tpu.memory_space<vmem>> -> memref<64xi32, #tpu.memory_space<vmem>>
        %dma_wait3A_84 = arith.constant 0 : i32
        %dma_wait3A_85 = arith.constant 0 : i32
        %dma_wait3A_86 = tpu.memref_slice %arg10[%dma_wait3A_84, %dma_wait3A_85] : memref<10240x128xf32, #tpu.memory_space<vmem_shared>> -> memref<10240x128xf32, #tpu.memory_space<vmem_shared>>
        %dma_wait3A_87 = tpu.memref_slice %arg12[%dma_wait3A_76] : memref<4x!tpu.dma_semaphore, #tpu.memory_space<semaphore_mem>> -> memref<1x!tpu.dma_semaphore, #tpu.memory_space<semaphore_mem>>
        %dma_wait3A_88 = tpu.memref_squeeze %dma_wait3A_87 : memref<1x!tpu.dma_semaphore, #tpu.memory_space<semaphore_mem>> -> memref<!tpu.dma_semaphore, #tpu.memory_space<semaphore_mem>>
        tpu.wait_indirect_dma semaphore(%dma_wait3A_88 : memref<!tpu.dma_semaphore, #tpu.memory_space<semaphore_mem>>) src(%dma_wait3A_80 : memref<64x128xf32, #tpu.memory_space<vmem>>) dst(%dma_wait3A_86 : memref<10240x128xf32, #tpu.memory_space<vmem_shared>>)
        %dma_wait3A_89 = arith.constant 1 : i32
        %dma_wait3A_90 = arith.constant 29 : i32
        %dma_wait3A_91 = arith.constant 1 : i32
        %dma_wait3A_92 = arith.constant 0 : i32
        %dma_wait3A_93 = arith.constant 0 : i32
        %dma_wait3A_94 = tpu.memref_slice %arg9[%dma_wait3A_89, %dma_wait3A_92, %dma_wait3A_93] : memref<4x64x128xf32, #tpu.memory_space<vmem>> -> memref<1x64x128xf32, #tpu.memory_space<vmem>>
        %dma_wait3A_95 = tpu.memref_squeeze %dma_wait3A_94 : memref<1x64x128xf32, #tpu.memory_space<vmem>> -> memref<64x128xf32, #tpu.memory_space<vmem>>
        %dma_wait3A_96 = arith.constant 0 : i32
        %dma_wait3A_97 = tpu.memref_slice %arg8[%dma_wait3A_90, %dma_wait3A_96] : memref<32x64xi32, #tpu.memory_space<vmem>> -> memref<1x64xi32, #tpu.memory_space<vmem>>
        %dma_wait3A_98 = tpu.memref_squeeze %dma_wait3A_97 : memref<1x64xi32, #tpu.memory_space<vmem>> -> memref<64xi32, #tpu.memory_space<vmem>>
        %dma_wait3A_99 = arith.constant 0 : i32
        %dma_wait3A_100 = arith.constant 0 : i32
        %dma_wait3A_101 = tpu.memref_slice %arg10[%dma_wait3A_99, %dma_wait3A_100] : memref<10240x128xf32, #tpu.memory_space<vmem_shared>> -> memref<10240x128xf32, #tpu.memory_space<vmem_shared>>
        %dma_wait3A_102 = tpu.memref_slice %arg12[%dma_wait3A_91] : memref<4x!tpu.dma_semaphore, #tpu.memory_space<semaphore_mem>> -> memref<1x!tpu.dma_semaphore, #tpu.memory_space<semaphore_mem>>
        %dma_wait3A_103 = tpu.memref_squeeze %dma_wait3A_102 : memref<1x!tpu.dma_semaphore, #tpu.memory_space<semaphore_mem>> -> memref<!tpu.dma_semaphore, #tpu.memory_space<semaphore_mem>>
        tpu.wait_indirect_dma semaphore(%dma_wait3A_103 : memref<!tpu.dma_semaphore, #tpu.memory_space<semaphore_mem>>) src(%dma_wait3A_95 : memref<64x128xf32, #tpu.memory_space<vmem>>) dst(%dma_wait3A_101 : memref<10240x128xf32, #tpu.memory_space<vmem_shared>>)
        %dma_wait3A_104 = arith.constant 2 : i32
        %dma_wait3A_105 = arith.constant 30 : i32
        %dma_wait3A_106 = arith.constant 2 : i32
        %dma_wait3A_107 = arith.constant 0 : i32
        %dma_wait3A_108 = arith.constant 0 : i32
        %dma_wait3A_109 = tpu.memref_slice %arg9[%dma_wait3A_104, %dma_wait3A_107, %dma_wait3A_108] : memref<4x64x128xf32, #tpu.memory_space<vmem>> -> memref<1x64x128xf32, #tpu.memory_space<vmem>>
        %dma_wait3A_110 = tpu.memref_squeeze %dma_wait3A_109 : memref<1x64x128xf32, #tpu.memory_space<vmem>> -> memref<64x128xf32, #tpu.memory_space<vmem>>
        %dma_wait3A_111 = arith.constant 0 : i32
        %dma_wait3A_112 = tpu.memref_slice %arg8[%dma_wait3A_105, %dma_wait3A_111] : memref<32x64xi32, #tpu.memory_space<vmem>> -> memref<1x64xi32, #tpu.memory_space<vmem>>
        %dma_wait3A_113 = tpu.memref_squeeze %dma_wait3A_112 : memref<1x64xi32, #tpu.memory_space<vmem>> -> memref<64xi32, #tpu.memory_space<vmem>>
        %dma_wait3A_114 = arith.constant 0 : i32
        %dma_wait3A_115 = arith.constant 0 : i32
        %dma_wait3A_116 = tpu.memref_slice %arg10[%dma_wait3A_114, %dma_wait3A_115] : memref<10240x128xf32, #tpu.memory_space<vmem_shared>> -> memref<10240x128xf32, #tpu.memory_space<vmem_shared>>
        %dma_wait3A_117 = tpu.memref_slice %arg12[%dma_wait3A_106] : memref<4x!tpu.dma_semaphore, #tpu.memory_space<semaphore_mem>> -> memref<1x!tpu.dma_semaphore, #tpu.memory_space<semaphore_mem>>
        %dma_wait3A_118 = tpu.memref_squeeze %dma_wait3A_117 : memref<1x!tpu.dma_semaphore, #tpu.memory_space<semaphore_mem>> -> memref<!tpu.dma_semaphore, #tpu.memory_space<semaphore_mem>>
        tpu.wait_indirect_dma semaphore(%dma_wait3A_118 : memref<!tpu.dma_semaphore, #tpu.memory_space<semaphore_mem>>) src(%dma_wait3A_110 : memref<64x128xf32, #tpu.memory_space<vmem>>) dst(%dma_wait3A_116 : memref<10240x128xf32, #tpu.memory_space<vmem_shared>>)
        %dma_wait3A_119 = arith.constant 3 : i32
        %dma_wait3A_120 = arith.constant 31 : i32
        %dma_wait3A_121 = arith.constant 3 : i32
        %dma_wait3A_122 = arith.constant 0 : i32
        %dma_wait3A_123 = arith.constant 0 : i32
        %dma_wait3A_124 = tpu.memref_slice %arg9[%dma_wait3A_119, %dma_wait3A_122, %dma_wait3A_123] : memref<4x64x128xf32, #tpu.memory_space<vmem>> -> memref<1x64x128xf32, #tpu.memory_space<vmem>>
        %dma_wait3A_125 = tpu.memref_squeeze %dma_wait3A_124 : memref<1x64x128xf32, #tpu.memory_space<vmem>> -> memref<64x128xf32, #tpu.memory_space<vmem>>
        %dma_wait3A_126 = arith.constant 0 : i32
        %dma_wait3A_127 = tpu.memref_slice %arg8[%dma_wait3A_120, %dma_wait3A_126] : memref<32x64xi32, #tpu.memory_space<vmem>> -> memref<1x64xi32, #tpu.memory_space<vmem>>
        %dma_wait3A_128 = tpu.memref_squeeze %dma_wait3A_127 : memref<1x64xi32, #tpu.memory_space<vmem>> -> memref<64xi32, #tpu.memory_space<vmem>>
        %dma_wait3A_129 = arith.constant 0 : i32
        %dma_wait3A_130 = arith.constant 0 : i32
        %dma_wait3A_131 = tpu.memref_slice %arg10[%dma_wait3A_129, %dma_wait3A_130] : memref<10240x128xf32, #tpu.memory_space<vmem_shared>> -> memref<10240x128xf32, #tpu.memory_space<vmem_shared>>
        %dma_wait3A_132 = tpu.memref_slice %arg12[%dma_wait3A_121] : memref<4x!tpu.dma_semaphore, #tpu.memory_space<semaphore_mem>> -> memref<1x!tpu.dma_semaphore, #tpu.memory_space<semaphore_mem>>
        %dma_wait3A_133 = tpu.memref_squeeze %dma_wait3A_132 : memref<1x!tpu.dma_semaphore, #tpu.memory_space<semaphore_mem>> -> memref<!tpu.dma_semaphore, #tpu.memory_space<semaphore_mem>>
        tpu.wait_indirect_dma semaphore(%dma_wait3A_133 : memref<!tpu.dma_semaphore, #tpu.memory_space<semaphore_mem>>) src(%dma_wait3A_125 : memref<64x128xf32, #tpu.memory_space<vmem>>) dst(%dma_wait3A_131 : memref<10240x128xf32, #tpu.memory_space<vmem_shared>>)
      }
      %scan3A_20 = arith.constant 8 : i32
    } else {
    }
    %eq3A_3 = arith.constant 1 : i32
    %eq3A_4 = arith.cmpi eq, %arg0, %eq3A_3 : i32
    %convert_element_type3A_5 = arith.extui %eq3A_4 : i1 to i32
    %cond3A_6 = arith.constant 0 : i32
    %cond3A_7 = arith.cmpi ne, %convert_element_type3A_5, %cond3A_6 : i32
    scf.if %cond3A_7 {
      %mul3A_13 = arith.constant 64 : i32
      %mul3A_14 = arith.muli %arg1, %mul3A_13 : i32
      %add3A = arith.constant 4096 : i32
      %add3A_15 = arith.addi %add3A, %mul3A_14 : i32
      %scan3A = arith.constant 0 : i32
      %scan3A_16 = arith.constant 0 : i32
      %scan3A_17 = arith.constant 2 : i32
      %scan3A_18 = arith.addi %scan3A_16, %scan3A_17 : i32
      %scan3A_19 = arith.constant 1 : i32
      scf.for %scan3A_21 = %scan3A_16 to %scan3A_18 step %scan3A_19  : i32 {
        %mul3A_22 = arith.constant 32 : i32
        %mul3A_23 = arith.muli %scan3A_21, %mul3A_22 : i32
        %add3A_24 = arith.addi %add3A_15, %mul3A_23 : i32
        "tpu.region"() ({
          %run_scoped3A = tpu.sem_alloc : memref<!tpu.dma_semaphore, #tpu.memory_space<semaphore_mem>>
          %dma_start3A_134 = arith.constant 0 : i32
          %dma_start3A_135 = tpu.memref_slice %arg3[%add3A_24, %dma_start3A_134] : memref<5120x64xi32, #tpu.memory_space<hbm>> -> memref<32x64xi32, #tpu.memory_space<hbm>>
          %dma_start3A_136 = arith.constant 0 : i32
          %dma_start3A_137 = tpu.memref_slice %arg3[%add3A_24, %dma_start3A_136] : memref<5120x64xi32, #tpu.memory_space<hbm>> -> memref<32x64xi32, #tpu.memory_space<hbm>>
          tpu.enqueue_dma source(%dma_start3A_137 : memref<32x64xi32, #tpu.memory_space<hbm>>) target(%arg7 : memref<32x64xi32, #tpu.memory_space<vmem>>) target_semaphore(%run_scoped3A : memref<!tpu.dma_semaphore, #tpu.memory_space<semaphore_mem>>)
          %dma_wait3A_138 = arith.constant 0 : i32
          %dma_wait3A_139 = tpu.memref_slice %arg3[%add3A_24, %dma_wait3A_138] : memref<5120x64xi32, #tpu.memory_space<hbm>> -> memref<32x64xi32, #tpu.memory_space<hbm>>
          %dma_wait3A_140 = arith.constant 0 : i32
          %dma_wait3A_141 = tpu.memref_slice %arg3[%add3A_24, %dma_wait3A_140] : memref<5120x64xi32, #tpu.memory_space<hbm>> -> memref<32x64xi32, #tpu.memory_space<hbm>>
          tpu.wait_dma2 semaphore(%run_scoped3A : memref<!tpu.dma_semaphore, #tpu.memory_space<semaphore_mem>>) src(%dma_wait3A_141 : memref<32x64xi32, #tpu.memory_space<hbm>>) dst(%arg7 : memref<32x64xi32, #tpu.memory_space<vmem>>)
          tpu.yield
        }) : () -> ()
        "tpu.region"() ({
          %run_scoped3A = tpu.sem_alloc : memref<!tpu.dma_semaphore, #tpu.memory_space<semaphore_mem>>
          %dma_start3A_134 = arith.constant 0 : i32
          %dma_start3A_135 = tpu.memref_slice %arg4[%add3A_24, %dma_start3A_134] : memref<5120x64xi32, #tpu.memory_space<hbm>> -> memref<32x64xi32, #tpu.memory_space<hbm>>
          %dma_start3A_136 = arith.constant 0 : i32
          %dma_start3A_137 = tpu.memref_slice %arg4[%add3A_24, %dma_start3A_136] : memref<5120x64xi32, #tpu.memory_space<hbm>> -> memref<32x64xi32, #tpu.memory_space<hbm>>
          tpu.enqueue_dma source(%dma_start3A_137 : memref<32x64xi32, #tpu.memory_space<hbm>>) target(%arg8 : memref<32x64xi32, #tpu.memory_space<vmem>>) target_semaphore(%run_scoped3A : memref<!tpu.dma_semaphore, #tpu.memory_space<semaphore_mem>>)
          %dma_wait3A_138 = arith.constant 0 : i32
          %dma_wait3A_139 = tpu.memref_slice %arg4[%add3A_24, %dma_wait3A_138] : memref<5120x64xi32, #tpu.memory_space<hbm>> -> memref<32x64xi32, #tpu.memory_space<hbm>>
          %dma_wait3A_140 = arith.constant 0 : i32
          %dma_wait3A_141 = tpu.memref_slice %arg4[%add3A_24, %dma_wait3A_140] : memref<5120x64xi32, #tpu.memory_space<hbm>> -> memref<32x64xi32, #tpu.memory_space<hbm>>
          tpu.wait_dma2 semaphore(%run_scoped3A : memref<!tpu.dma_semaphore, #tpu.memory_space<semaphore_mem>>) src(%dma_wait3A_141 : memref<32x64xi32, #tpu.memory_space<hbm>>) dst(%arg8 : memref<32x64xi32, #tpu.memory_space<vmem>>)
          tpu.yield
        }) : () -> ()
        %dma_start3A = arith.constant 0 : i32
        %dma_start3A_25 = arith.constant 0 : i32
        %dma_start3A_26 = arith.constant 0 : i32
        %dma_start3A_27 = arith.constant 0 : i32
        %dma_start3A_28 = arith.constant 0 : i32
        %dma_start3A_29 = tpu.memref_slice %arg9[%dma_start3A_25, %dma_start3A_27, %dma_start3A_28] : memref<4x64x128xf32, #tpu.memory_space<vmem>> -> memref<1x64x128xf32, #tpu.memory_space<vmem>>
        %dma_start3A_30 = tpu.memref_squeeze %dma_start3A_29 : memref<1x64x128xf32, #tpu.memory_space<vmem>> -> memref<64x128xf32, #tpu.memory_space<vmem>>
        %dma_start3A_31 = arith.constant 0 : i32
        %dma_start3A_32 = tpu.memref_slice %arg7[%dma_start3A, %dma_start3A_31] : memref<32x64xi32, #tpu.memory_space<vmem>> -> memref<1x64xi32, #tpu.memory_space<vmem>>
        %dma_start3A_33 = tpu.memref_squeeze %dma_start3A_32 : memref<1x64xi32, #tpu.memory_space<vmem>> -> memref<64xi32, #tpu.memory_space<vmem>>
        %dma_start3A_34 = arith.constant 0 : i32
        %dma_start3A_35 = arith.constant 0 : i32
        %dma_start3A_36 = tpu.memref_slice %arg2[%dma_start3A_34, %dma_start3A_35] : memref<10240x128xf32, #tpu.memory_space<hbm>> -> memref<10240x128xf32, #tpu.memory_space<hbm>>
        %dma_start3A_37 = tpu.memref_slice %arg11[%dma_start3A_26] : memref<4x!tpu.dma_semaphore, #tpu.memory_space<semaphore_mem>> -> memref<1x!tpu.dma_semaphore, #tpu.memory_space<semaphore_mem>>
        %dma_start3A_38 = tpu.memref_squeeze %dma_start3A_37 : memref<1x!tpu.dma_semaphore, #tpu.memory_space<semaphore_mem>> -> memref<!tpu.dma_semaphore, #tpu.memory_space<semaphore_mem>>
        tpu.enqueue_indirect_dma source(%dma_start3A_36 : memref<10240x128xf32, #tpu.memory_space<hbm>>) target(%dma_start3A_30 : memref<64x128xf32, #tpu.memory_space<vmem>>) offsets(%dma_start3A_33 : memref<64xi32, #tpu.memory_space<vmem>>) semaphore(%dma_start3A_38 : memref<!tpu.dma_semaphore, #tpu.memory_space<semaphore_mem>>)
        %dma_start3A_39 = arith.constant 1 : i32
        %dma_start3A_40 = arith.constant 1 : i32
        %dma_start3A_41 = arith.constant 1 : i32
        %dma_start3A_42 = arith.constant 0 : i32
        %dma_start3A_43 = arith.constant 0 : i32
        %dma_start3A_44 = tpu.memref_slice %arg9[%dma_start3A_40, %dma_start3A_42, %dma_start3A_43] : memref<4x64x128xf32, #tpu.memory_space<vmem>> -> memref<1x64x128xf32, #tpu.memory_space<vmem>>
        %dma_start3A_45 = tpu.memref_squeeze %dma_start3A_44 : memref<1x64x128xf32, #tpu.memory_space<vmem>> -> memref<64x128xf32, #tpu.memory_space<vmem>>
        %dma_start3A_46 = arith.constant 0 : i32
        %dma_start3A_47 = tpu.memref_slice %arg7[%dma_start3A_39, %dma_start3A_46] : memref<32x64xi32, #tpu.memory_space<vmem>> -> memref<1x64xi32, #tpu.memory_space<vmem>>
        %dma_start3A_48 = tpu.memref_squeeze %dma_start3A_47 : memref<1x64xi32, #tpu.memory_space<vmem>> -> memref<64xi32, #tpu.memory_space<vmem>>
        %dma_start3A_49 = arith.constant 0 : i32
        %dma_start3A_50 = arith.constant 0 : i32
        %dma_start3A_51 = tpu.memref_slice %arg2[%dma_start3A_49, %dma_start3A_50] : memref<10240x128xf32, #tpu.memory_space<hbm>> -> memref<10240x128xf32, #tpu.memory_space<hbm>>
        %dma_start3A_52 = tpu.memref_slice %arg11[%dma_start3A_41] : memref<4x!tpu.dma_semaphore, #tpu.memory_space<semaphore_mem>> -> memref<1x!tpu.dma_semaphore, #tpu.memory_space<semaphore_mem>>
        %dma_start3A_53 = tpu.memref_squeeze %dma_start3A_52 : memref<1x!tpu.dma_semaphore, #tpu.memory_space<semaphore_mem>> -> memref<!tpu.dma_semaphore, #tpu.memory_space<semaphore_mem>>
        tpu.enqueue_indirect_dma source(%dma_start3A_51 : memref<10240x128xf32, #tpu.memory_space<hbm>>) target(%dma_start3A_45 : memref<64x128xf32, #tpu.memory_space<vmem>>) offsets(%dma_start3A_48 : memref<64xi32, #tpu.memory_space<vmem>>) semaphore(%dma_start3A_53 : memref<!tpu.dma_semaphore, #tpu.memory_space<semaphore_mem>>)
        %dma_start3A_54 = arith.constant 2 : i32
        %dma_start3A_55 = arith.constant 2 : i32
        %dma_start3A_56 = arith.constant 2 : i32
        %dma_start3A_57 = arith.constant 0 : i32
        %dma_start3A_58 = arith.constant 0 : i32
        %dma_start3A_59 = tpu.memref_slice %arg9[%dma_start3A_55, %dma_start3A_57, %dma_start3A_58] : memref<4x64x128xf32, #tpu.memory_space<vmem>> -> memref<1x64x128xf32, #tpu.memory_space<vmem>>
        %dma_start3A_60 = tpu.memref_squeeze %dma_start3A_59 : memref<1x64x128xf32, #tpu.memory_space<vmem>> -> memref<64x128xf32, #tpu.memory_space<vmem>>
        %dma_start3A_61 = arith.constant 0 : i32
        %dma_start3A_62 = tpu.memref_slice %arg7[%dma_start3A_54, %dma_start3A_61] : memref<32x64xi32, #tpu.memory_space<vmem>> -> memref<1x64xi32, #tpu.memory_space<vmem>>
        %dma_start3A_63 = tpu.memref_squeeze %dma_start3A_62 : memref<1x64xi32, #tpu.memory_space<vmem>> -> memref<64xi32, #tpu.memory_space<vmem>>
        %dma_start3A_64 = arith.constant 0 : i32
        %dma_start3A_65 = arith.constant 0 : i32
        %dma_start3A_66 = tpu.memref_slice %arg2[%dma_start3A_64, %dma_start3A_65] : memref<10240x128xf32, #tpu.memory_space<hbm>> -> memref<10240x128xf32, #tpu.memory_space<hbm>>
        %dma_start3A_67 = tpu.memref_slice %arg11[%dma_start3A_56] : memref<4x!tpu.dma_semaphore, #tpu.memory_space<semaphore_mem>> -> memref<1x!tpu.dma_semaphore, #tpu.memory_space<semaphore_mem>>
        %dma_start3A_68 = tpu.memref_squeeze %dma_start3A_67 : memref<1x!tpu.dma_semaphore, #tpu.memory_space<semaphore_mem>> -> memref<!tpu.dma_semaphore, #tpu.memory_space<semaphore_mem>>
        tpu.enqueue_indirect_dma source(%dma_start3A_66 : memref<10240x128xf32, #tpu.memory_space<hbm>>) target(%dma_start3A_60 : memref<64x128xf32, #tpu.memory_space<vmem>>) offsets(%dma_start3A_63 : memref<64xi32, #tpu.memory_space<vmem>>) semaphore(%dma_start3A_68 : memref<!tpu.dma_semaphore, #tpu.memory_space<semaphore_mem>>)
        %scan3A_69 = arith.constant 0 : i32
        %scan3A_70 = arith.constant 0 : i32
        %scan3A_71 = arith.constant 8 : i32
        %scan3A_72 = arith.addi %scan3A_70, %scan3A_71 : i32
        %scan3A_73 = arith.constant 1 : i32
        scf.for %scan3A_134 = %scan3A_70 to %scan3A_72 step %scan3A_73  : i32 {
          %mul3A_135 = arith.constant 4 : i32
          %mul3A_136 = arith.muli %scan3A_134, %mul3A_135 : i32
          %add3A_137 = arith.constant 0 : i32
          %add3A_138 = arith.addi %mul3A_136, %add3A_137 : i32
          %dma_wait3A_139 = arith.constant 0 : i32
          %dma_wait3A_140 = arith.constant 0 : i32
          %dma_wait3A_141 = arith.constant 0 : i32
          %dma_wait3A_142 = arith.constant 0 : i32
          %dma_wait3A_143 = tpu.memref_slice %arg9[%dma_wait3A_139, %dma_wait3A_141, %dma_wait3A_142] : memref<4x64x128xf32, #tpu.memory_space<vmem>> -> memref<1x64x128xf32, #tpu.memory_space<vmem>>
          %dma_wait3A_144 = tpu.memref_squeeze %dma_wait3A_143 : memref<1x64x128xf32, #tpu.memory_space<vmem>> -> memref<64x128xf32, #tpu.memory_space<vmem>>
          %dma_wait3A_145 = arith.constant 0 : i32
          %dma_wait3A_146 = tpu.memref_slice %arg7[%add3A_138, %dma_wait3A_145] : memref<32x64xi32, #tpu.memory_space<vmem>> -> memref<1x64xi32, #tpu.memory_space<vmem>>
          %dma_wait3A_147 = tpu.memref_squeeze %dma_wait3A_146 : memref<1x64xi32, #tpu.memory_space<vmem>> -> memref<64xi32, #tpu.memory_space<vmem>>
          %dma_wait3A_148 = arith.constant 0 : i32
          %dma_wait3A_149 = arith.constant 0 : i32
          %dma_wait3A_150 = tpu.memref_slice %arg2[%dma_wait3A_148, %dma_wait3A_149] : memref<10240x128xf32, #tpu.memory_space<hbm>> -> memref<10240x128xf32, #tpu.memory_space<hbm>>
          %dma_wait3A_151 = tpu.memref_slice %arg11[%dma_wait3A_140] : memref<4x!tpu.dma_semaphore, #tpu.memory_space<semaphore_mem>> -> memref<1x!tpu.dma_semaphore, #tpu.memory_space<semaphore_mem>>
          %dma_wait3A_152 = tpu.memref_squeeze %dma_wait3A_151 : memref<1x!tpu.dma_semaphore, #tpu.memory_space<semaphore_mem>> -> memref<!tpu.dma_semaphore, #tpu.memory_space<semaphore_mem>>
          tpu.wait_indirect_dma semaphore(%dma_wait3A_152 : memref<!tpu.dma_semaphore, #tpu.memory_space<semaphore_mem>>) src(%dma_wait3A_150 : memref<10240x128xf32, #tpu.memory_space<hbm>>) dst(%dma_wait3A_144 : memref<64x128xf32, #tpu.memory_space<vmem>>)
          %dma_start3A_153 = arith.constant 0 : i32
          %dma_start3A_154 = arith.constant 0 : i32
          %dma_start3A_155 = arith.constant 0 : i32
          %dma_start3A_156 = arith.constant 0 : i32
          %dma_start3A_157 = tpu.memref_slice %arg9[%dma_start3A_153, %dma_start3A_155, %dma_start3A_156] : memref<4x64x128xf32, #tpu.memory_space<vmem>> -> memref<1x64x128xf32, #tpu.memory_space<vmem>>
          %dma_start3A_158 = tpu.memref_squeeze %dma_start3A_157 : memref<1x64x128xf32, #tpu.memory_space<vmem>> -> memref<64x128xf32, #tpu.memory_space<vmem>>
          %dma_start3A_159 = arith.constant 0 : i32
          %dma_start3A_160 = tpu.memref_slice %arg8[%add3A_138, %dma_start3A_159] : memref<32x64xi32, #tpu.memory_space<vmem>> -> memref<1x64xi32, #tpu.memory_space<vmem>>
          %dma_start3A_161 = tpu.memref_squeeze %dma_start3A_160 : memref<1x64xi32, #tpu.memory_space<vmem>> -> memref<64xi32, #tpu.memory_space<vmem>>
          %dma_start3A_162 = arith.constant 0 : i32
          %dma_start3A_163 = arith.constant 0 : i32
          %dma_start3A_164 = tpu.memref_slice %arg10[%dma_start3A_162, %dma_start3A_163] : memref<10240x128xf32, #tpu.memory_space<vmem_shared>> -> memref<10240x128xf32, #tpu.memory_space<vmem_shared>>
          %dma_start3A_165 = tpu.memref_slice %arg12[%dma_start3A_154] : memref<4x!tpu.dma_semaphore, #tpu.memory_space<semaphore_mem>> -> memref<1x!tpu.dma_semaphore, #tpu.memory_space<semaphore_mem>>
          %dma_start3A_166 = tpu.memref_squeeze %dma_start3A_165 : memref<1x!tpu.dma_semaphore, #tpu.memory_space<semaphore_mem>> -> memref<!tpu.dma_semaphore, #tpu.memory_space<semaphore_mem>>
          tpu.enqueue_indirect_dma source(%dma_start3A_158 : memref<64x128xf32, #tpu.memory_space<vmem>>) target(%dma_start3A_164 : memref<10240x128xf32, #tpu.memory_space<vmem_shared>>) offsets(%dma_start3A_161 : memref<64xi32, #tpu.memory_space<vmem>>) semaphore(%dma_start3A_166 : memref<!tpu.dma_semaphore, #tpu.memory_space<semaphore_mem>>) {add = true}
          %add3A_167 = arith.constant 4 : i32
          %add3A_168 = arith.addi %add3A_138, %add3A_167 : i32
          %sub3A = arith.constant 1 : i32
          %sub3A_169 = arith.subi %add3A_168, %sub3A : i32
          %eq3A_170 = arith.constant 0 : i32
          %eq3A_171 = arith.cmpi eq, %add3A_138, %eq3A_170 : i32
          %convert_element_type3A_172 = arith.extui %eq3A_171 : i1 to i32
          %cond3A_173 = arith.constant 0 : i32
          %cond3A_174 = arith.cmpi ne, %convert_element_type3A_172, %cond3A_173 : i32
          scf.if %cond3A_174 {
            %dma_start3A_327 = arith.constant 3 : i32
            %dma_start3A_328 = arith.constant 3 : i32
            %dma_start3A_329 = arith.constant 0 : i32
            %dma_start3A_330 = arith.constant 0 : i32
            %dma_start3A_331 = tpu.memref_slice %arg9[%dma_start3A_327, %dma_start3A_329, %dma_start3A_330] : memref<4x64x128xf32, #tpu.memory_space<vmem>> -> memref<1x64x128xf32, #tpu.memory_space<vmem>>
            %dma_start3A_332 = tpu.memref_squeeze %dma_start3A_331 : memref<1x64x128xf32, #tpu.memory_space<vmem>> -> memref<64x128xf32, #tpu.memory_space<vmem>>
            %dma_start3A_333 = arith.constant 0 : i32
            %dma_start3A_334 = tpu.memref_slice %arg7[%sub3A_169, %dma_start3A_333] : memref<32x64xi32, #tpu.memory_space<vmem>> -> memref<1x64xi32, #tpu.memory_space<vmem>>
            %dma_start3A_335 = tpu.memref_squeeze %dma_start3A_334 : memref<1x64xi32, #tpu.memory_space<vmem>> -> memref<64xi32, #tpu.memory_space<vmem>>
            %dma_start3A_336 = arith.constant 0 : i32
            %dma_start3A_337 = arith.constant 0 : i32
            %dma_start3A_338 = tpu.memref_slice %arg2[%dma_start3A_336, %dma_start3A_337] : memref<10240x128xf32, #tpu.memory_space<hbm>> -> memref<10240x128xf32, #tpu.memory_space<hbm>>
            %dma_start3A_339 = tpu.memref_slice %arg11[%dma_start3A_328] : memref<4x!tpu.dma_semaphore, #tpu.memory_space<semaphore_mem>> -> memref<1x!tpu.dma_semaphore, #tpu.memory_space<semaphore_mem>>
            %dma_start3A_340 = tpu.memref_squeeze %dma_start3A_339 : memref<1x!tpu.dma_semaphore, #tpu.memory_space<semaphore_mem>> -> memref<!tpu.dma_semaphore, #tpu.memory_space<semaphore_mem>>
            tpu.enqueue_indirect_dma source(%dma_start3A_338 : memref<10240x128xf32, #tpu.memory_space<hbm>>) target(%dma_start3A_332 : memref<64x128xf32, #tpu.memory_space<vmem>>) offsets(%dma_start3A_335 : memref<64xi32, #tpu.memory_space<vmem>>) semaphore(%dma_start3A_340 : memref<!tpu.dma_semaphore, #tpu.memory_space<semaphore_mem>>)
          } else {
          }
          %ge3A = arith.constant 1 : i32
          %ge3A_175 = arith.cmpi sge, %add3A_138, %ge3A : i32
          %lt3A = arith.constant 32 : i32
          %lt3A_176 = arith.cmpi slt, %sub3A_169, %lt3A : i32
          %and3A = arith.andi %ge3A_175, %lt3A_176 : i1
          %convert_element_type3A_177 = arith.extui %and3A : i1 to i32
          %cond3A_178 = arith.constant 0 : i32
          %cond3A_179 = arith.cmpi ne, %convert_element_type3A_177, %cond3A_178 : i32
          scf.if %cond3A_179 {
            %sub3A_327 = arith.constant 1 : i32
            %sub3A_328 = arith.subi %add3A_138, %sub3A_327 : i32
            %dma_wait3A_329 = arith.constant 3 : i32
            %dma_wait3A_330 = arith.constant 3 : i32
            %dma_wait3A_331 = arith.constant 0 : i32
            %dma_wait3A_332 = arith.constant 0 : i32
            %dma_wait3A_333 = tpu.memref_slice %arg9[%dma_wait3A_329, %dma_wait3A_331, %dma_wait3A_332] : memref<4x64x128xf32, #tpu.memory_space<vmem>> -> memref<1x64x128xf32, #tpu.memory_space<vmem>>
            %dma_wait3A_334 = tpu.memref_squeeze %dma_wait3A_333 : memref<1x64x128xf32, #tpu.memory_space<vmem>> -> memref<64x128xf32, #tpu.memory_space<vmem>>
            %dma_wait3A_335 = arith.constant 0 : i32
            %dma_wait3A_336 = tpu.memref_slice %arg8[%sub3A_328, %dma_wait3A_335] : memref<32x64xi32, #tpu.memory_space<vmem>> -> memref<1x64xi32, #tpu.memory_space<vmem>>
            %dma_wait3A_337 = tpu.memref_squeeze %dma_wait3A_336 : memref<1x64xi32, #tpu.memory_space<vmem>> -> memref<64xi32, #tpu.memory_space<vmem>>
            %dma_wait3A_338 = arith.constant 0 : i32
            %dma_wait3A_339 = arith.constant 0 : i32
            %dma_wait3A_340 = tpu.memref_slice %arg10[%dma_wait3A_338, %dma_wait3A_339] : memref<10240x128xf32, #tpu.memory_space<vmem_shared>> -> memref<10240x128xf32, #tpu.memory_space<vmem_shared>>
            %dma_wait3A_341 = tpu.memref_slice %arg12[%dma_wait3A_330] : memref<4x!tpu.dma_semaphore, #tpu.memory_space<semaphore_mem>> -> memref<1x!tpu.dma_semaphore, #tpu.memory_space<semaphore_mem>>
            %dma_wait3A_342 = tpu.memref_squeeze %dma_wait3A_341 : memref<1x!tpu.dma_semaphore, #tpu.memory_space<semaphore_mem>> -> memref<!tpu.dma_semaphore, #tpu.memory_space<semaphore_mem>>
            tpu.wait_indirect_dma semaphore(%dma_wait3A_342 : memref<!tpu.dma_semaphore, #tpu.memory_space<semaphore_mem>>) src(%dma_wait3A_334 : memref<64x128xf32, #tpu.memory_space<vmem>>) dst(%dma_wait3A_340 : memref<10240x128xf32, #tpu.memory_space<vmem_shared>>)
            %dma_start3A_343 = arith.constant 3 : i32
            %dma_start3A_344 = arith.constant 3 : i32
            %dma_start3A_345 = arith.constant 0 : i32
            %dma_start3A_346 = arith.constant 0 : i32
            %dma_start3A_347 = tpu.memref_slice %arg9[%dma_start3A_343, %dma_start3A_345, %dma_start3A_346] : memref<4x64x128xf32, #tpu.memory_space<vmem>> -> memref<1x64x128xf32, #tpu.memory_space<vmem>>
            %dma_start3A_348 = tpu.memref_squeeze %dma_start3A_347 : memref<1x64x128xf32, #tpu.memory_space<vmem>> -> memref<64x128xf32, #tpu.memory_space<vmem>>
            %dma_start3A_349 = arith.constant 0 : i32
            %dma_start3A_350 = tpu.memref_slice %arg7[%sub3A_169, %dma_start3A_349] : memref<32x64xi32, #tpu.memory_space<vmem>> -> memref<1x64xi32, #tpu.memory_space<vmem>>
            %dma_start3A_351 = tpu.memref_squeeze %dma_start3A_350 : memref<1x64xi32, #tpu.memory_space<vmem>> -> memref<64xi32, #tpu.memory_space<vmem>>
            %dma_start3A_352 = arith.constant 0 : i32
            %dma_start3A_353 = arith.constant 0 : i32
            %dma_start3A_354 = tpu.memref_slice %arg2[%dma_start3A_352, %dma_start3A_353] : memref<10240x128xf32, #tpu.memory_space<hbm>> -> memref<10240x128xf32, #tpu.memory_space<hbm>>
            %dma_start3A_355 = tpu.memref_slice %arg11[%dma_start3A_344] : memref<4x!tpu.dma_semaphore, #tpu.memory_space<semaphore_mem>> -> memref<1x!tpu.dma_semaphore, #tpu.memory_space<semaphore_mem>>
            %dma_start3A_356 = tpu.memref_squeeze %dma_start3A_355 : memref<1x!tpu.dma_semaphore, #tpu.memory_space<semaphore_mem>> -> memref<!tpu.dma_semaphore, #tpu.memory_space<semaphore_mem>>
            tpu.enqueue_indirect_dma source(%dma_start3A_354 : memref<10240x128xf32, #tpu.memory_space<hbm>>) target(%dma_start3A_348 : memref<64x128xf32, #tpu.memory_space<vmem>>) offsets(%dma_start3A_351 : memref<64xi32, #tpu.memory_space<vmem>>) semaphore(%dma_start3A_356 : memref<!tpu.dma_semaphore, #tpu.memory_space<semaphore_mem>>)
          } else {
          }
          %mul3A_180 = arith.constant 4 : i32
          %mul3A_181 = arith.muli %scan3A_134, %mul3A_180 : i32
          %add3A_182 = arith.constant 1 : i32
          %add3A_183 = arith.addi %mul3A_181, %add3A_182 : i32
          %dma_wait3A_184 = arith.constant 1 : i32
          %dma_wait3A_185 = arith.constant 1 : i32
          %dma_wait3A_186 = arith.constant 0 : i32
          %dma_wait3A_187 = arith.constant 0 : i32
          %dma_wait3A_188 = tpu.memref_slice %arg9[%dma_wait3A_184, %dma_wait3A_186, %dma_wait3A_187] : memref<4x64x128xf32, #tpu.memory_space<vmem>> -> memref<1x64x128xf32, #tpu.memory_space<vmem>>
          %dma_wait3A_189 = tpu.memref_squeeze %dma_wait3A_188 : memref<1x64x128xf32, #tpu.memory_space<vmem>> -> memref<64x128xf32, #tpu.memory_space<vmem>>
          %dma_wait3A_190 = arith.constant 0 : i32
          %dma_wait3A_191 = tpu.memref_slice %arg7[%add3A_183, %dma_wait3A_190] : memref<32x64xi32, #tpu.memory_space<vmem>> -> memref<1x64xi32, #tpu.memory_space<vmem>>
          %dma_wait3A_192 = tpu.memref_squeeze %dma_wait3A_191 : memref<1x64xi32, #tpu.memory_space<vmem>> -> memref<64xi32, #tpu.memory_space<vmem>>
          %dma_wait3A_193 = arith.constant 0 : i32
          %dma_wait3A_194 = arith.constant 0 : i32
          %dma_wait3A_195 = tpu.memref_slice %arg2[%dma_wait3A_193, %dma_wait3A_194] : memref<10240x128xf32, #tpu.memory_space<hbm>> -> memref<10240x128xf32, #tpu.memory_space<hbm>>
          %dma_wait3A_196 = tpu.memref_slice %arg11[%dma_wait3A_185] : memref<4x!tpu.dma_semaphore, #tpu.memory_space<semaphore_mem>> -> memref<1x!tpu.dma_semaphore, #tpu.memory_space<semaphore_mem>>
          %dma_wait3A_197 = tpu.memref_squeeze %dma_wait3A_196 : memref<1x!tpu.dma_semaphore, #tpu.memory_space<semaphore_mem>> -> memref<!tpu.dma_semaphore, #tpu.memory_space<semaphore_mem>>
          tpu.wait_indirect_dma semaphore(%dma_wait3A_197 : memref<!tpu.dma_semaphore, #tpu.memory_space<semaphore_mem>>) src(%dma_wait3A_195 : memref<10240x128xf32, #tpu.memory_space<hbm>>) dst(%dma_wait3A_189 : memref<64x128xf32, #tpu.memory_space<vmem>>)
          %dma_start3A_198 = arith.constant 1 : i32
          %dma_start3A_199 = arith.constant 1 : i32
          %dma_start3A_200 = arith.constant 0 : i32
          %dma_start3A_201 = arith.constant 0 : i32
          %dma_start3A_202 = tpu.memref_slice %arg9[%dma_start3A_198, %dma_start3A_200, %dma_start3A_201] : memref<4x64x128xf32, #tpu.memory_space<vmem>> -> memref<1x64x128xf32, #tpu.memory_space<vmem>>
          %dma_start3A_203 = tpu.memref_squeeze %dma_start3A_202 : memref<1x64x128xf32, #tpu.memory_space<vmem>> -> memref<64x128xf32, #tpu.memory_space<vmem>>
          %dma_start3A_204 = arith.constant 0 : i32
          %dma_start3A_205 = tpu.memref_slice %arg8[%add3A_183, %dma_start3A_204] : memref<32x64xi32, #tpu.memory_space<vmem>> -> memref<1x64xi32, #tpu.memory_space<vmem>>
          %dma_start3A_206 = tpu.memref_squeeze %dma_start3A_205 : memref<1x64xi32, #tpu.memory_space<vmem>> -> memref<64xi32, #tpu.memory_space<vmem>>
          %dma_start3A_207 = arith.constant 0 : i32
          %dma_start3A_208 = arith.constant 0 : i32
          %dma_start3A_209 = tpu.memref_slice %arg10[%dma_start3A_207, %dma_start3A_208] : memref<10240x128xf32, #tpu.memory_space<vmem_shared>> -> memref<10240x128xf32, #tpu.memory_space<vmem_shared>>
          %dma_start3A_210 = tpu.memref_slice %arg12[%dma_start3A_199] : memref<4x!tpu.dma_semaphore, #tpu.memory_space<semaphore_mem>> -> memref<1x!tpu.dma_semaphore, #tpu.memory_space<semaphore_mem>>
          %dma_start3A_211 = tpu.memref_squeeze %dma_start3A_210 : memref<1x!tpu.dma_semaphore, #tpu.memory_space<semaphore_mem>> -> memref<!tpu.dma_semaphore, #tpu.memory_space<semaphore_mem>>
          tpu.enqueue_indirect_dma source(%dma_start3A_203 : memref<64x128xf32, #tpu.memory_space<vmem>>) target(%dma_start3A_209 : memref<10240x128xf32, #tpu.memory_space<vmem_shared>>) offsets(%dma_start3A_206 : memref<64xi32, #tpu.memory_space<vmem>>) semaphore(%dma_start3A_211 : memref<!tpu.dma_semaphore, #tpu.memory_space<semaphore_mem>>) {add = true}
          %add3A_212 = arith.constant 4 : i32
          %add3A_213 = arith.addi %add3A_183, %add3A_212 : i32
          %sub3A_214 = arith.constant 1 : i32
          %sub3A_215 = arith.subi %add3A_213, %sub3A_214 : i32
          %eq3A_216 = arith.constant 0 : i32
          %eq3A_217 = arith.cmpi eq, %add3A_183, %eq3A_216 : i32
          %convert_element_type3A_218 = arith.extui %eq3A_217 : i1 to i32
          %cond3A_219 = arith.constant 0 : i32
          %cond3A_220 = arith.cmpi ne, %convert_element_type3A_218, %cond3A_219 : i32
          scf.if %cond3A_220 {
            %dma_start3A_327 = arith.constant 0 : i32
            %dma_start3A_328 = arith.constant 0 : i32
            %dma_start3A_329 = arith.constant 0 : i32
            %dma_start3A_330 = arith.constant 0 : i32
            %dma_start3A_331 = tpu.memref_slice %arg9[%dma_start3A_327, %dma_start3A_329, %dma_start3A_330] : memref<4x64x128xf32, #tpu.memory_space<vmem>> -> memref<1x64x128xf32, #tpu.memory_space<vmem>>
            %dma_start3A_332 = tpu.memref_squeeze %dma_start3A_331 : memref<1x64x128xf32, #tpu.memory_space<vmem>> -> memref<64x128xf32, #tpu.memory_space<vmem>>
            %dma_start3A_333 = arith.constant 0 : i32
            %dma_start3A_334 = tpu.memref_slice %arg7[%sub3A_215, %dma_start3A_333] : memref<32x64xi32, #tpu.memory_space<vmem>> -> memref<1x64xi32, #tpu.memory_space<vmem>>
            %dma_start3A_335 = tpu.memref_squeeze %dma_start3A_334 : memref<1x64xi32, #tpu.memory_space<vmem>> -> memref<64xi32, #tpu.memory_space<vmem>>
            %dma_start3A_336 = arith.constant 0 : i32
            %dma_start3A_337 = arith.constant 0 : i32
            %dma_start3A_338 = tpu.memref_slice %arg2[%dma_start3A_336, %dma_start3A_337] : memref<10240x128xf32, #tpu.memory_space<hbm>> -> memref<10240x128xf32, #tpu.memory_space<hbm>>
            %dma_start3A_339 = tpu.memref_slice %arg11[%dma_start3A_328] : memref<4x!tpu.dma_semaphore, #tpu.memory_space<semaphore_mem>> -> memref<1x!tpu.dma_semaphore, #tpu.memory_space<semaphore_mem>>
            %dma_start3A_340 = tpu.memref_squeeze %dma_start3A_339 : memref<1x!tpu.dma_semaphore, #tpu.memory_space<semaphore_mem>> -> memref<!tpu.dma_semaphore, #tpu.memory_space<semaphore_mem>>
            tpu.enqueue_indirect_dma source(%dma_start3A_338 : memref<10240x128xf32, #tpu.memory_space<hbm>>) target(%dma_start3A_332 : memref<64x128xf32, #tpu.memory_space<vmem>>) offsets(%dma_start3A_335 : memref<64xi32, #tpu.memory_space<vmem>>) semaphore(%dma_start3A_340 : memref<!tpu.dma_semaphore, #tpu.memory_space<semaphore_mem>>)
          } else {
          }
          %ge3A_221 = arith.constant 1 : i32
          %ge3A_222 = arith.cmpi sge, %add3A_183, %ge3A_221 : i32
          %lt3A_223 = arith.constant 32 : i32
          %lt3A_224 = arith.cmpi slt, %sub3A_215, %lt3A_223 : i32
          %and3A_225 = arith.andi %ge3A_222, %lt3A_224 : i1
          %convert_element_type3A_226 = arith.extui %and3A_225 : i1 to i32
          %cond3A_227 = arith.constant 0 : i32
          %cond3A_228 = arith.cmpi ne, %convert_element_type3A_226, %cond3A_227 : i32
          scf.if %cond3A_228 {
            %sub3A_327 = arith.constant 1 : i32
            %sub3A_328 = arith.subi %add3A_183, %sub3A_327 : i32
            %dma_wait3A_329 = arith.constant 0 : i32
            %dma_wait3A_330 = arith.constant 0 : i32
            %dma_wait3A_331 = arith.constant 0 : i32
            %dma_wait3A_332 = arith.constant 0 : i32
            %dma_wait3A_333 = tpu.memref_slice %arg9[%dma_wait3A_329, %dma_wait3A_331, %dma_wait3A_332] : memref<4x64x128xf32, #tpu.memory_space<vmem>> -> memref<1x64x128xf32, #tpu.memory_space<vmem>>
            %dma_wait3A_334 = tpu.memref_squeeze %dma_wait3A_333 : memref<1x64x128xf32, #tpu.memory_space<vmem>> -> memref<64x128xf32, #tpu.memory_space<vmem>>
            %dma_wait3A_335 = arith.constant 0 : i32
            %dma_wait3A_336 = tpu.memref_slice %arg8[%sub3A_328, %dma_wait3A_335] : memref<32x64xi32, #tpu.memory_space<vmem>> -> memref<1x64xi32, #tpu.memory_space<vmem>>
            %dma_wait3A_337 = tpu.memref_squeeze %dma_wait3A_336 : memref<1x64xi32, #tpu.memory_space<vmem>> -> memref<64xi32, #tpu.memory_space<vmem>>
            %dma_wait3A_338 = arith.constant 0 : i32
            %dma_wait3A_339 = arith.constant 0 : i32
            %dma_wait3A_340 = tpu.memref_slice %arg10[%dma_wait3A_338, %dma_wait3A_339] : memref<10240x128xf32, #tpu.memory_space<vmem_shared>> -> memref<10240x128xf32, #tpu.memory_space<vmem_shared>>
            %dma_wait3A_341 = tpu.memref_slice %arg12[%dma_wait3A_330] : memref<4x!tpu.dma_semaphore, #tpu.memory_space<semaphore_mem>> -> memref<1x!tpu.dma_semaphore, #tpu.memory_space<semaphore_mem>>
            %dma_wait3A_342 = tpu.memref_squeeze %dma_wait3A_341 : memref<1x!tpu.dma_semaphore, #tpu.memory_space<semaphore_mem>> -> memref<!tpu.dma_semaphore, #tpu.memory_space<semaphore_mem>>
            tpu.wait_indirect_dma semaphore(%dma_wait3A_342 : memref<!tpu.dma_semaphore, #tpu.memory_space<semaphore_mem>>) src(%dma_wait3A_334 : memref<64x128xf32, #tpu.memory_space<vmem>>) dst(%dma_wait3A_340 : memref<10240x128xf32, #tpu.memory_space<vmem_shared>>)
            %dma_start3A_343 = arith.constant 0 : i32
            %dma_start3A_344 = arith.constant 0 : i32
            %dma_start3A_345 = arith.constant 0 : i32
            %dma_start3A_346 = arith.constant 0 : i32
            %dma_start3A_347 = tpu.memref_slice %arg9[%dma_start3A_343, %dma_start3A_345, %dma_start3A_346] : memref<4x64x128xf32, #tpu.memory_space<vmem>> -> memref<1x64x128xf32, #tpu.memory_space<vmem>>
            %dma_start3A_348 = tpu.memref_squeeze %dma_start3A_347 : memref<1x64x128xf32, #tpu.memory_space<vmem>> -> memref<64x128xf32, #tpu.memory_space<vmem>>
            %dma_start3A_349 = arith.constant 0 : i32
            %dma_start3A_350 = tpu.memref_slice %arg7[%sub3A_215, %dma_start3A_349] : memref<32x64xi32, #tpu.memory_space<vmem>> -> memref<1x64xi32, #tpu.memory_space<vmem>>
            %dma_start3A_351 = tpu.memref_squeeze %dma_start3A_350 : memref<1x64xi32, #tpu.memory_space<vmem>> -> memref<64xi32, #tpu.memory_space<vmem>>
            %dma_start3A_352 = arith.constant 0 : i32
            %dma_start3A_353 = arith.constant 0 : i32
            %dma_start3A_354 = tpu.memref_slice %arg2[%dma_start3A_352, %dma_start3A_353] : memref<10240x128xf32, #tpu.memory_space<hbm>> -> memref<10240x128xf32, #tpu.memory_space<hbm>>
            %dma_start3A_355 = tpu.memref_slice %arg11[%dma_start3A_344] : memref<4x!tpu.dma_semaphore, #tpu.memory_space<semaphore_mem>> -> memref<1x!tpu.dma_semaphore, #tpu.memory_space<semaphore_mem>>
            %dma_start3A_356 = tpu.memref_squeeze %dma_start3A_355 : memref<1x!tpu.dma_semaphore, #tpu.memory_space<semaphore_mem>> -> memref<!tpu.dma_semaphore, #tpu.memory_space<semaphore_mem>>
            tpu.enqueue_indirect_dma source(%dma_start3A_354 : memref<10240x128xf32, #tpu.memory_space<hbm>>) target(%dma_start3A_348 : memref<64x128xf32, #tpu.memory_space<vmem>>) offsets(%dma_start3A_351 : memref<64xi32, #tpu.memory_space<vmem>>) semaphore(%dma_start3A_356 : memref<!tpu.dma_semaphore, #tpu.memory_space<semaphore_mem>>)
          } else {
          }
          %mul3A_229 = arith.constant 4 : i32
          %mul3A_230 = arith.muli %scan3A_134, %mul3A_229 : i32
          %add3A_231 = arith.constant 2 : i32
          %add3A_232 = arith.addi %mul3A_230, %add3A_231 : i32
          %dma_wait3A_233 = arith.constant 2 : i32
          %dma_wait3A_234 = arith.constant 2 : i32
          %dma_wait3A_235 = arith.constant 0 : i32
          %dma_wait3A_236 = arith.constant 0 : i32
          %dma_wait3A_237 = tpu.memref_slice %arg9[%dma_wait3A_233, %dma_wait3A_235, %dma_wait3A_236] : memref<4x64x128xf32, #tpu.memory_space<vmem>> -> memref<1x64x128xf32, #tpu.memory_space<vmem>>
          %dma_wait3A_238 = tpu.memref_squeeze %dma_wait3A_237 : memref<1x64x128xf32, #tpu.memory_space<vmem>> -> memref<64x128xf32, #tpu.memory_space<vmem>>
          %dma_wait3A_239 = arith.constant 0 : i32
          %dma_wait3A_240 = tpu.memref_slice %arg7[%add3A_232, %dma_wait3A_239] : memref<32x64xi32, #tpu.memory_space<vmem>> -> memref<1x64xi32, #tpu.memory_space<vmem>>
          %dma_wait3A_241 = tpu.memref_squeeze %dma_wait3A_240 : memref<1x64xi32, #tpu.memory_space<vmem>> -> memref<64xi32, #tpu.memory_space<vmem>>
          %dma_wait3A_242 = arith.constant 0 : i32
          %dma_wait3A_243 = arith.constant 0 : i32
          %dma_wait3A_244 = tpu.memref_slice %arg2[%dma_wait3A_242, %dma_wait3A_243] : memref<10240x128xf32, #tpu.memory_space<hbm>> -> memref<10240x128xf32, #tpu.memory_space<hbm>>
          %dma_wait3A_245 = tpu.memref_slice %arg11[%dma_wait3A_234] : memref<4x!tpu.dma_semaphore, #tpu.memory_space<semaphore_mem>> -> memref<1x!tpu.dma_semaphore, #tpu.memory_space<semaphore_mem>>
          %dma_wait3A_246 = tpu.memref_squeeze %dma_wait3A_245 : memref<1x!tpu.dma_semaphore, #tpu.memory_space<semaphore_mem>> -> memref<!tpu.dma_semaphore, #tpu.memory_space<semaphore_mem>>
          tpu.wait_indirect_dma semaphore(%dma_wait3A_246 : memref<!tpu.dma_semaphore, #tpu.memory_space<semaphore_mem>>) src(%dma_wait3A_244 : memref<10240x128xf32, #tpu.memory_space<hbm>>) dst(%dma_wait3A_238 : memref<64x128xf32, #tpu.memory_space<vmem>>)
          %dma_start3A_247 = arith.constant 2 : i32
          %dma_start3A_248 = arith.constant 2 : i32
          %dma_start3A_249 = arith.constant 0 : i32
          %dma_start3A_250 = arith.constant 0 : i32
          %dma_start3A_251 = tpu.memref_slice %arg9[%dma_start3A_247, %dma_start3A_249, %dma_start3A_250] : memref<4x64x128xf32, #tpu.memory_space<vmem>> -> memref<1x64x128xf32, #tpu.memory_space<vmem>>
          %dma_start3A_252 = tpu.memref_squeeze %dma_start3A_251 : memref<1x64x128xf32, #tpu.memory_space<vmem>> -> memref<64x128xf32, #tpu.memory_space<vmem>>
          %dma_start3A_253 = arith.constant 0 : i32
          %dma_start3A_254 = tpu.memref_slice %arg8[%add3A_232, %dma_start3A_253] : memref<32x64xi32, #tpu.memory_space<vmem>> -> memref<1x64xi32, #tpu.memory_space<vmem>>
          %dma_start3A_255 = tpu.memref_squeeze %dma_start3A_254 : memref<1x64xi32, #tpu.memory_space<vmem>> -> memref<64xi32, #tpu.memory_space<vmem>>
          %dma_start3A_256 = arith.constant 0 : i32
          %dma_start3A_257 = arith.constant 0 : i32
          %dma_start3A_258 = tpu.memref_slice %arg10[%dma_start3A_256, %dma_start3A_257] : memref<10240x128xf32, #tpu.memory_space<vmem_shared>> -> memref<10240x128xf32, #tpu.memory_space<vmem_shared>>
          %dma_start3A_259 = tpu.memref_slice %arg12[%dma_start3A_248] : memref<4x!tpu.dma_semaphore, #tpu.memory_space<semaphore_mem>> -> memref<1x!tpu.dma_semaphore, #tpu.memory_space<semaphore_mem>>
          %dma_start3A_260 = tpu.memref_squeeze %dma_start3A_259 : memref<1x!tpu.dma_semaphore, #tpu.memory_space<semaphore_mem>> -> memref<!tpu.dma_semaphore, #tpu.memory_space<semaphore_mem>>
          tpu.enqueue_indirect_dma source(%dma_start3A_252 : memref<64x128xf32, #tpu.memory_space<vmem>>) target(%dma_start3A_258 : memref<10240x128xf32, #tpu.memory_space<vmem_shared>>) offsets(%dma_start3A_255 : memref<64xi32, #tpu.memory_space<vmem>>) semaphore(%dma_start3A_260 : memref<!tpu.dma_semaphore, #tpu.memory_space<semaphore_mem>>) {add = true}
          %add3A_261 = arith.constant 4 : i32
          %add3A_262 = arith.addi %add3A_232, %add3A_261 : i32
          %sub3A_263 = arith.constant 1 : i32
          %sub3A_264 = arith.subi %add3A_262, %sub3A_263 : i32
          %eq3A_265 = arith.constant 0 : i32
          %eq3A_266 = arith.cmpi eq, %add3A_232, %eq3A_265 : i32
          %convert_element_type3A_267 = arith.extui %eq3A_266 : i1 to i32
          %cond3A_268 = arith.constant 0 : i32
          %cond3A_269 = arith.cmpi ne, %convert_element_type3A_267, %cond3A_268 : i32
          scf.if %cond3A_269 {
            %dma_start3A_327 = arith.constant 1 : i32
            %dma_start3A_328 = arith.constant 1 : i32
            %dma_start3A_329 = arith.constant 0 : i32
            %dma_start3A_330 = arith.constant 0 : i32
            %dma_start3A_331 = tpu.memref_slice %arg9[%dma_start3A_327, %dma_start3A_329, %dma_start3A_330] : memref<4x64x128xf32, #tpu.memory_space<vmem>> -> memref<1x64x128xf32, #tpu.memory_space<vmem>>
            %dma_start3A_332 = tpu.memref_squeeze %dma_start3A_331 : memref<1x64x128xf32, #tpu.memory_space<vmem>> -> memref<64x128xf32, #tpu.memory_space<vmem>>
            %dma_start3A_333 = arith.constant 0 : i32
            %dma_start3A_334 = tpu.memref_slice %arg7[%sub3A_264, %dma_start3A_333] : memref<32x64xi32, #tpu.memory_space<vmem>> -> memref<1x64xi32, #tpu.memory_space<vmem>>
            %dma_start3A_335 = tpu.memref_squeeze %dma_start3A_334 : memref<1x64xi32, #tpu.memory_space<vmem>> -> memref<64xi32, #tpu.memory_space<vmem>>
            %dma_start3A_336 = arith.constant 0 : i32
            %dma_start3A_337 = arith.constant 0 : i32
            %dma_start3A_338 = tpu.memref_slice %arg2[%dma_start3A_336, %dma_start3A_337] : memref<10240x128xf32, #tpu.memory_space<hbm>> -> memref<10240x128xf32, #tpu.memory_space<hbm>>
            %dma_start3A_339 = tpu.memref_slice %arg11[%dma_start3A_328] : memref<4x!tpu.dma_semaphore, #tpu.memory_space<semaphore_mem>> -> memref<1x!tpu.dma_semaphore, #tpu.memory_space<semaphore_mem>>
            %dma_start3A_340 = tpu.memref_squeeze %dma_start3A_339 : memref<1x!tpu.dma_semaphore, #tpu.memory_space<semaphore_mem>> -> memref<!tpu.dma_semaphore, #tpu.memory_space<semaphore_mem>>
            tpu.enqueue_indirect_dma source(%dma_start3A_338 : memref<10240x128xf32, #tpu.memory_space<hbm>>) target(%dma_start3A_332 : memref<64x128xf32, #tpu.memory_space<vmem>>) offsets(%dma_start3A_335 : memref<64xi32, #tpu.memory_space<vmem>>) semaphore(%dma_start3A_340 : memref<!tpu.dma_semaphore, #tpu.memory_space<semaphore_mem>>)
          } else {
          }
          %ge3A_270 = arith.constant 1 : i32
          %ge3A_271 = arith.cmpi sge, %add3A_232, %ge3A_270 : i32
          %lt3A_272 = arith.constant 32 : i32
          %lt3A_273 = arith.cmpi slt, %sub3A_264, %lt3A_272 : i32
          %and3A_274 = arith.andi %ge3A_271, %lt3A_273 : i1
          %convert_element_type3A_275 = arith.extui %and3A_274 : i1 to i32
          %cond3A_276 = arith.constant 0 : i32
          %cond3A_277 = arith.cmpi ne, %convert_element_type3A_275, %cond3A_276 : i32
          scf.if %cond3A_277 {
            %sub3A_327 = arith.constant 1 : i32
            %sub3A_328 = arith.subi %add3A_232, %sub3A_327 : i32
            %dma_wait3A_329 = arith.constant 1 : i32
            %dma_wait3A_330 = arith.constant 1 : i32
            %dma_wait3A_331 = arith.constant 0 : i32
            %dma_wait3A_332 = arith.constant 0 : i32
            %dma_wait3A_333 = tpu.memref_slice %arg9[%dma_wait3A_329, %dma_wait3A_331, %dma_wait3A_332] : memref<4x64x128xf32, #tpu.memory_space<vmem>> -> memref<1x64x128xf32, #tpu.memory_space<vmem>>
            %dma_wait3A_334 = tpu.memref_squeeze %dma_wait3A_333 : memref<1x64x128xf32, #tpu.memory_space<vmem>> -> memref<64x128xf32, #tpu.memory_space<vmem>>
            %dma_wait3A_335 = arith.constant 0 : i32
            %dma_wait3A_336 = tpu.memref_slice %arg8[%sub3A_328, %dma_wait3A_335] : memref<32x64xi32, #tpu.memory_space<vmem>> -> memref<1x64xi32, #tpu.memory_space<vmem>>
            %dma_wait3A_337 = tpu.memref_squeeze %dma_wait3A_336 : memref<1x64xi32, #tpu.memory_space<vmem>> -> memref<64xi32, #tpu.memory_space<vmem>>
            %dma_wait3A_338 = arith.constant 0 : i32
            %dma_wait3A_339 = arith.constant 0 : i32
            %dma_wait3A_340 = tpu.memref_slice %arg10[%dma_wait3A_338, %dma_wait3A_339] : memref<10240x128xf32, #tpu.memory_space<vmem_shared>> -> memref<10240x128xf32, #tpu.memory_space<vmem_shared>>
            %dma_wait3A_341 = tpu.memref_slice %arg12[%dma_wait3A_330] : memref<4x!tpu.dma_semaphore, #tpu.memory_space<semaphore_mem>> -> memref<1x!tpu.dma_semaphore, #tpu.memory_space<semaphore_mem>>
            %dma_wait3A_342 = tpu.memref_squeeze %dma_wait3A_341 : memref<1x!tpu.dma_semaphore, #tpu.memory_space<semaphore_mem>> -> memref<!tpu.dma_semaphore, #tpu.memory_space<semaphore_mem>>
            tpu.wait_indirect_dma semaphore(%dma_wait3A_342 : memref<!tpu.dma_semaphore, #tpu.memory_space<semaphore_mem>>) src(%dma_wait3A_334 : memref<64x128xf32, #tpu.memory_space<vmem>>) dst(%dma_wait3A_340 : memref<10240x128xf32, #tpu.memory_space<vmem_shared>>)
            %dma_start3A_343 = arith.constant 1 : i32
            %dma_start3A_344 = arith.constant 1 : i32
            %dma_start3A_345 = arith.constant 0 : i32
            %dma_start3A_346 = arith.constant 0 : i32
            %dma_start3A_347 = tpu.memref_slice %arg9[%dma_start3A_343, %dma_start3A_345, %dma_start3A_346] : memref<4x64x128xf32, #tpu.memory_space<vmem>> -> memref<1x64x128xf32, #tpu.memory_space<vmem>>
            %dma_start3A_348 = tpu.memref_squeeze %dma_start3A_347 : memref<1x64x128xf32, #tpu.memory_space<vmem>> -> memref<64x128xf32, #tpu.memory_space<vmem>>
            %dma_start3A_349 = arith.constant 0 : i32
            %dma_start3A_350 = tpu.memref_slice %arg7[%sub3A_264, %dma_start3A_349] : memref<32x64xi32, #tpu.memory_space<vmem>> -> memref<1x64xi32, #tpu.memory_space<vmem>>
            %dma_start3A_351 = tpu.memref_squeeze %dma_start3A_350 : memref<1x64xi32, #tpu.memory_space<vmem>> -> memref<64xi32, #tpu.memory_space<vmem>>
            %dma_start3A_352 = arith.constant 0 : i32
            %dma_start3A_353 = arith.constant 0 : i32
            %dma_start3A_354 = tpu.memref_slice %arg2[%dma_start3A_352, %dma_start3A_353] : memref<10240x128xf32, #tpu.memory_space<hbm>> -> memref<10240x128xf32, #tpu.memory_space<hbm>>
            %dma_start3A_355 = tpu.memref_slice %arg11[%dma_start3A_344] : memref<4x!tpu.dma_semaphore, #tpu.memory_space<semaphore_mem>> -> memref<1x!tpu.dma_semaphore, #tpu.memory_space<semaphore_mem>>
            %dma_start3A_356 = tpu.memref_squeeze %dma_start3A_355 : memref<1x!tpu.dma_semaphore, #tpu.memory_space<semaphore_mem>> -> memref<!tpu.dma_semaphore, #tpu.memory_space<semaphore_mem>>
            tpu.enqueue_indirect_dma source(%dma_start3A_354 : memref<10240x128xf32, #tpu.memory_space<hbm>>) target(%dma_start3A_348 : memref<64x128xf32, #tpu.memory_space<vmem>>) offsets(%dma_start3A_351 : memref<64xi32, #tpu.memory_space<vmem>>) semaphore(%dma_start3A_356 : memref<!tpu.dma_semaphore, #tpu.memory_space<semaphore_mem>>)
          } else {
          }
          %mul3A_278 = arith.constant 4 : i32
          %mul3A_279 = arith.muli %scan3A_134, %mul3A_278 : i32
          %add3A_280 = arith.constant 3 : i32
          %add3A_281 = arith.addi %mul3A_279, %add3A_280 : i32
          %dma_wait3A_282 = arith.constant 3 : i32
          %dma_wait3A_283 = arith.constant 3 : i32
          %dma_wait3A_284 = arith.constant 0 : i32
          %dma_wait3A_285 = arith.constant 0 : i32
          %dma_wait3A_286 = tpu.memref_slice %arg9[%dma_wait3A_282, %dma_wait3A_284, %dma_wait3A_285] : memref<4x64x128xf32, #tpu.memory_space<vmem>> -> memref<1x64x128xf32, #tpu.memory_space<vmem>>
          %dma_wait3A_287 = tpu.memref_squeeze %dma_wait3A_286 : memref<1x64x128xf32, #tpu.memory_space<vmem>> -> memref<64x128xf32, #tpu.memory_space<vmem>>
          %dma_wait3A_288 = arith.constant 0 : i32
          %dma_wait3A_289 = tpu.memref_slice %arg7[%add3A_281, %dma_wait3A_288] : memref<32x64xi32, #tpu.memory_space<vmem>> -> memref<1x64xi32, #tpu.memory_space<vmem>>
          %dma_wait3A_290 = tpu.memref_squeeze %dma_wait3A_289 : memref<1x64xi32, #tpu.memory_space<vmem>> -> memref<64xi32, #tpu.memory_space<vmem>>
          %dma_wait3A_291 = arith.constant 0 : i32
          %dma_wait3A_292 = arith.constant 0 : i32
          %dma_wait3A_293 = tpu.memref_slice %arg2[%dma_wait3A_291, %dma_wait3A_292] : memref<10240x128xf32, #tpu.memory_space<hbm>> -> memref<10240x128xf32, #tpu.memory_space<hbm>>
          %dma_wait3A_294 = tpu.memref_slice %arg11[%dma_wait3A_283] : memref<4x!tpu.dma_semaphore, #tpu.memory_space<semaphore_mem>> -> memref<1x!tpu.dma_semaphore, #tpu.memory_space<semaphore_mem>>
          %dma_wait3A_295 = tpu.memref_squeeze %dma_wait3A_294 : memref<1x!tpu.dma_semaphore, #tpu.memory_space<semaphore_mem>> -> memref<!tpu.dma_semaphore, #tpu.memory_space<semaphore_mem>>
          tpu.wait_indirect_dma semaphore(%dma_wait3A_295 : memref<!tpu.dma_semaphore, #tpu.memory_space<semaphore_mem>>) src(%dma_wait3A_293 : memref<10240x128xf32, #tpu.memory_space<hbm>>) dst(%dma_wait3A_287 : memref<64x128xf32, #tpu.memory_space<vmem>>)
          %dma_start3A_296 = arith.constant 3 : i32
          %dma_start3A_297 = arith.constant 3 : i32
          %dma_start3A_298 = arith.constant 0 : i32
          %dma_start3A_299 = arith.constant 0 : i32
          %dma_start3A_300 = tpu.memref_slice %arg9[%dma_start3A_296, %dma_start3A_298, %dma_start3A_299] : memref<4x64x128xf32, #tpu.memory_space<vmem>> -> memref<1x64x128xf32, #tpu.memory_space<vmem>>
          %dma_start3A_301 = tpu.memref_squeeze %dma_start3A_300 : memref<1x64x128xf32, #tpu.memory_space<vmem>> -> memref<64x128xf32, #tpu.memory_space<vmem>>
          %dma_start3A_302 = arith.constant 0 : i32
          %dma_start3A_303 = tpu.memref_slice %arg8[%add3A_281, %dma_start3A_302] : memref<32x64xi32, #tpu.memory_space<vmem>> -> memref<1x64xi32, #tpu.memory_space<vmem>>
          %dma_start3A_304 = tpu.memref_squeeze %dma_start3A_303 : memref<1x64xi32, #tpu.memory_space<vmem>> -> memref<64xi32, #tpu.memory_space<vmem>>
          %dma_start3A_305 = arith.constant 0 : i32
          %dma_start3A_306 = arith.constant 0 : i32
          %dma_start3A_307 = tpu.memref_slice %arg10[%dma_start3A_305, %dma_start3A_306] : memref<10240x128xf32, #tpu.memory_space<vmem_shared>> -> memref<10240x128xf32, #tpu.memory_space<vmem_shared>>
          %dma_start3A_308 = tpu.memref_slice %arg12[%dma_start3A_297] : memref<4x!tpu.dma_semaphore, #tpu.memory_space<semaphore_mem>> -> memref<1x!tpu.dma_semaphore, #tpu.memory_space<semaphore_mem>>
          %dma_start3A_309 = tpu.memref_squeeze %dma_start3A_308 : memref<1x!tpu.dma_semaphore, #tpu.memory_space<semaphore_mem>> -> memref<!tpu.dma_semaphore, #tpu.memory_space<semaphore_mem>>
          tpu.enqueue_indirect_dma source(%dma_start3A_301 : memref<64x128xf32, #tpu.memory_space<vmem>>) target(%dma_start3A_307 : memref<10240x128xf32, #tpu.memory_space<vmem_shared>>) offsets(%dma_start3A_304 : memref<64xi32, #tpu.memory_space<vmem>>) semaphore(%dma_start3A_309 : memref<!tpu.dma_semaphore, #tpu.memory_space<semaphore_mem>>) {add = true}
          %add3A_310 = arith.constant 4 : i32
          %add3A_311 = arith.addi %add3A_281, %add3A_310 : i32
          %sub3A_312 = arith.constant 1 : i32
          %sub3A_313 = arith.subi %add3A_311, %sub3A_312 : i32
          %eq3A_314 = arith.constant 0 : i32
          %eq3A_315 = arith.cmpi eq, %add3A_281, %eq3A_314 : i32
          %convert_element_type3A_316 = arith.extui %eq3A_315 : i1 to i32
          %cond3A_317 = arith.constant 0 : i32
          %cond3A_318 = arith.cmpi ne, %convert_element_type3A_316, %cond3A_317 : i32
          scf.if %cond3A_318 {
            %dma_start3A_327 = arith.constant 2 : i32
            %dma_start3A_328 = arith.constant 2 : i32
            %dma_start3A_329 = arith.constant 0 : i32
            %dma_start3A_330 = arith.constant 0 : i32
            %dma_start3A_331 = tpu.memref_slice %arg9[%dma_start3A_327, %dma_start3A_329, %dma_start3A_330] : memref<4x64x128xf32, #tpu.memory_space<vmem>> -> memref<1x64x128xf32, #tpu.memory_space<vmem>>
            %dma_start3A_332 = tpu.memref_squeeze %dma_start3A_331 : memref<1x64x128xf32, #tpu.memory_space<vmem>> -> memref<64x128xf32, #tpu.memory_space<vmem>>
            %dma_start3A_333 = arith.constant 0 : i32
            %dma_start3A_334 = tpu.memref_slice %arg7[%sub3A_313, %dma_start3A_333] : memref<32x64xi32, #tpu.memory_space<vmem>> -> memref<1x64xi32, #tpu.memory_space<vmem>>
            %dma_start3A_335 = tpu.memref_squeeze %dma_start3A_334 : memref<1x64xi32, #tpu.memory_space<vmem>> -> memref<64xi32, #tpu.memory_space<vmem>>
            %dma_start3A_336 = arith.constant 0 : i32
            %dma_start3A_337 = arith.constant 0 : i32
            %dma_start3A_338 = tpu.memref_slice %arg2[%dma_start3A_336, %dma_start3A_337] : memref<10240x128xf32, #tpu.memory_space<hbm>> -> memref<10240x128xf32, #tpu.memory_space<hbm>>
            %dma_start3A_339 = tpu.memref_slice %arg11[%dma_start3A_328] : memref<4x!tpu.dma_semaphore, #tpu.memory_space<semaphore_mem>> -> memref<1x!tpu.dma_semaphore, #tpu.memory_space<semaphore_mem>>
            %dma_start3A_340 = tpu.memref_squeeze %dma_start3A_339 : memref<1x!tpu.dma_semaphore, #tpu.memory_space<semaphore_mem>> -> memref<!tpu.dma_semaphore, #tpu.memory_space<semaphore_mem>>
            tpu.enqueue_indirect_dma source(%dma_start3A_338 : memref<10240x128xf32, #tpu.memory_space<hbm>>) target(%dma_start3A_332 : memref<64x128xf32, #tpu.memory_space<vmem>>) offsets(%dma_start3A_335 : memref<64xi32, #tpu.memory_space<vmem>>) semaphore(%dma_start3A_340 : memref<!tpu.dma_semaphore, #tpu.memory_space<semaphore_mem>>)
          } else {
          }
          %ge3A_319 = arith.constant 1 : i32
          %ge3A_320 = arith.cmpi sge, %add3A_281, %ge3A_319 : i32
          %lt3A_321 = arith.constant 32 : i32
          %lt3A_322 = arith.cmpi slt, %sub3A_313, %lt3A_321 : i32
          %and3A_323 = arith.andi %ge3A_320, %lt3A_322 : i1
          %convert_element_type3A_324 = arith.extui %and3A_323 : i1 to i32
          %cond3A_325 = arith.constant 0 : i32
          %cond3A_326 = arith.cmpi ne, %convert_element_type3A_324, %cond3A_325 : i32
          scf.if %cond3A_326 {
            %sub3A_327 = arith.constant 1 : i32
            %sub3A_328 = arith.subi %add3A_281, %sub3A_327 : i32
            %dma_wait3A_329 = arith.constant 2 : i32
            %dma_wait3A_330 = arith.constant 2 : i32
            %dma_wait3A_331 = arith.constant 0 : i32
            %dma_wait3A_332 = arith.constant 0 : i32
            %dma_wait3A_333 = tpu.memref_slice %arg9[%dma_wait3A_329, %dma_wait3A_331, %dma_wait3A_332] : memref<4x64x128xf32, #tpu.memory_space<vmem>> -> memref<1x64x128xf32, #tpu.memory_space<vmem>>
            %dma_wait3A_334 = tpu.memref_squeeze %dma_wait3A_333 : memref<1x64x128xf32, #tpu.memory_space<vmem>> -> memref<64x128xf32, #tpu.memory_space<vmem>>
            %dma_wait3A_335 = arith.constant 0 : i32
            %dma_wait3A_336 = tpu.memref_slice %arg8[%sub3A_328, %dma_wait3A_335] : memref<32x64xi32, #tpu.memory_space<vmem>> -> memref<1x64xi32, #tpu.memory_space<vmem>>
            %dma_wait3A_337 = tpu.memref_squeeze %dma_wait3A_336 : memref<1x64xi32, #tpu.memory_space<vmem>> -> memref<64xi32, #tpu.memory_space<vmem>>
            %dma_wait3A_338 = arith.constant 0 : i32
            %dma_wait3A_339 = arith.constant 0 : i32
            %dma_wait3A_340 = tpu.memref_slice %arg10[%dma_wait3A_338, %dma_wait3A_339] : memref<10240x128xf32, #tpu.memory_space<vmem_shared>> -> memref<10240x128xf32, #tpu.memory_space<vmem_shared>>
            %dma_wait3A_341 = tpu.memref_slice %arg12[%dma_wait3A_330] : memref<4x!tpu.dma_semaphore, #tpu.memory_space<semaphore_mem>> -> memref<1x!tpu.dma_semaphore, #tpu.memory_space<semaphore_mem>>
            %dma_wait3A_342 = tpu.memref_squeeze %dma_wait3A_341 : memref<1x!tpu.dma_semaphore, #tpu.memory_space<semaphore_mem>> -> memref<!tpu.dma_semaphore, #tpu.memory_space<semaphore_mem>>
            tpu.wait_indirect_dma semaphore(%dma_wait3A_342 : memref<!tpu.dma_semaphore, #tpu.memory_space<semaphore_mem>>) src(%dma_wait3A_334 : memref<64x128xf32, #tpu.memory_space<vmem>>) dst(%dma_wait3A_340 : memref<10240x128xf32, #tpu.memory_space<vmem_shared>>)
            %dma_start3A_343 = arith.constant 2 : i32
            %dma_start3A_344 = arith.constant 2 : i32
            %dma_start3A_345 = arith.constant 0 : i32
            %dma_start3A_346 = arith.constant 0 : i32
            %dma_start3A_347 = tpu.memref_slice %arg9[%dma_start3A_343, %dma_start3A_345, %dma_start3A_346] : memref<4x64x128xf32, #tpu.memory_space<vmem>> -> memref<1x64x128xf32, #tpu.memory_space<vmem>>
            %dma_start3A_348 = tpu.memref_squeeze %dma_start3A_347 : memref<1x64x128xf32, #tpu.memory_space<vmem>> -> memref<64x128xf32, #tpu.memory_space<vmem>>
            %dma_start3A_349 = arith.constant 0 : i32
            %dma_start3A_350 = tpu.memref_slice %arg7[%sub3A_313, %dma_start3A_349] : memref<32x64xi32, #tpu.memory_space<vmem>> -> memref<1x64xi32, #tpu.memory_space<vmem>>
            %dma_start3A_351 = tpu.memref_squeeze %dma_start3A_350 : memref<1x64xi32, #tpu.memory_space<vmem>> -> memref<64xi32, #tpu.memory_space<vmem>>
            %dma_start3A_352 = arith.constant 0 : i32
            %dma_start3A_353 = arith.constant 0 : i32
            %dma_start3A_354 = tpu.memref_slice %arg2[%dma_start3A_352, %dma_start3A_353] : memref<10240x128xf32, #tpu.memory_space<hbm>> -> memref<10240x128xf32, #tpu.memory_space<hbm>>
            %dma_start3A_355 = tpu.memref_slice %arg11[%dma_start3A_344] : memref<4x!tpu.dma_semaphore, #tpu.memory_space<semaphore_mem>> -> memref<1x!tpu.dma_semaphore, #tpu.memory_space<semaphore_mem>>
            %dma_start3A_356 = tpu.memref_squeeze %dma_start3A_355 : memref<1x!tpu.dma_semaphore, #tpu.memory_space<semaphore_mem>> -> memref<!tpu.dma_semaphore, #tpu.memory_space<semaphore_mem>>
            tpu.enqueue_indirect_dma source(%dma_start3A_354 : memref<10240x128xf32, #tpu.memory_space<hbm>>) target(%dma_start3A_348 : memref<64x128xf32, #tpu.memory_space<vmem>>) offsets(%dma_start3A_351 : memref<64xi32, #tpu.memory_space<vmem>>) semaphore(%dma_start3A_356 : memref<!tpu.dma_semaphore, #tpu.memory_space<semaphore_mem>>)
          } else {
          }
        }
        %scan3A_74 = arith.constant 8 : i32
        %dma_wait3A = arith.constant 0 : i32
        %dma_wait3A_75 = arith.constant 28 : i32
        %dma_wait3A_76 = arith.constant 0 : i32
        %dma_wait3A_77 = arith.constant 0 : i32
        %dma_wait3A_78 = arith.constant 0 : i32
        %dma_wait3A_79 = tpu.memref_slice %arg9[%dma_wait3A, %dma_wait3A_77, %dma_wait3A_78] : memref<4x64x128xf32, #tpu.memory_space<vmem>> -> memref<1x64x128xf32, #tpu.memory_space<vmem>>
        %dma_wait3A_80 = tpu.memref_squeeze %dma_wait3A_79 : memref<1x64x128xf32, #tpu.memory_space<vmem>> -> memref<64x128xf32, #tpu.memory_space<vmem>>
        %dma_wait3A_81 = arith.constant 0 : i32
        %dma_wait3A_82 = tpu.memref_slice %arg8[%dma_wait3A_75, %dma_wait3A_81] : memref<32x64xi32, #tpu.memory_space<vmem>> -> memref<1x64xi32, #tpu.memory_space<vmem>>
        %dma_wait3A_83 = tpu.memref_squeeze %dma_wait3A_82 : memref<1x64xi32, #tpu.memory_space<vmem>> -> memref<64xi32, #tpu.memory_space<vmem>>
        %dma_wait3A_84 = arith.constant 0 : i32
        %dma_wait3A_85 = arith.constant 0 : i32
        %dma_wait3A_86 = tpu.memref_slice %arg10[%dma_wait3A_84, %dma_wait3A_85] : memref<10240x128xf32, #tpu.memory_space<vmem_shared>> -> memref<10240x128xf32, #tpu.memory_space<vmem_shared>>
        %dma_wait3A_87 = tpu.memref_slice %arg12[%dma_wait3A_76] : memref<4x!tpu.dma_semaphore, #tpu.memory_space<semaphore_mem>> -> memref<1x!tpu.dma_semaphore, #tpu.memory_space<semaphore_mem>>
        %dma_wait3A_88 = tpu.memref_squeeze %dma_wait3A_87 : memref<1x!tpu.dma_semaphore, #tpu.memory_space<semaphore_mem>> -> memref<!tpu.dma_semaphore, #tpu.memory_space<semaphore_mem>>
        tpu.wait_indirect_dma semaphore(%dma_wait3A_88 : memref<!tpu.dma_semaphore, #tpu.memory_space<semaphore_mem>>) src(%dma_wait3A_80 : memref<64x128xf32, #tpu.memory_space<vmem>>) dst(%dma_wait3A_86 : memref<10240x128xf32, #tpu.memory_space<vmem_shared>>)
        %dma_wait3A_89 = arith.constant 1 : i32
        %dma_wait3A_90 = arith.constant 29 : i32
        %dma_wait3A_91 = arith.constant 1 : i32
        %dma_wait3A_92 = arith.constant 0 : i32
        %dma_wait3A_93 = arith.constant 0 : i32
        %dma_wait3A_94 = tpu.memref_slice %arg9[%dma_wait3A_89, %dma_wait3A_92, %dma_wait3A_93] : memref<4x64x128xf32, #tpu.memory_space<vmem>> -> memref<1x64x128xf32, #tpu.memory_space<vmem>>
        %dma_wait3A_95 = tpu.memref_squeeze %dma_wait3A_94 : memref<1x64x128xf32, #tpu.memory_space<vmem>> -> memref<64x128xf32, #tpu.memory_space<vmem>>
        %dma_wait3A_96 = arith.constant 0 : i32
        %dma_wait3A_97 = tpu.memref_slice %arg8[%dma_wait3A_90, %dma_wait3A_96] : memref<32x64xi32, #tpu.memory_space<vmem>> -> memref<1x64xi32, #tpu.memory_space<vmem>>
        %dma_wait3A_98 = tpu.memref_squeeze %dma_wait3A_97 : memref<1x64xi32, #tpu.memory_space<vmem>> -> memref<64xi32, #tpu.memory_space<vmem>>
        %dma_wait3A_99 = arith.constant 0 : i32
        %dma_wait3A_100 = arith.constant 0 : i32
        %dma_wait3A_101 = tpu.memref_slice %arg10[%dma_wait3A_99, %dma_wait3A_100] : memref<10240x128xf32, #tpu.memory_space<vmem_shared>> -> memref<10240x128xf32, #tpu.memory_space<vmem_shared>>
        %dma_wait3A_102 = tpu.memref_slice %arg12[%dma_wait3A_91] : memref<4x!tpu.dma_semaphore, #tpu.memory_space<semaphore_mem>> -> memref<1x!tpu.dma_semaphore, #tpu.memory_space<semaphore_mem>>
        %dma_wait3A_103 = tpu.memref_squeeze %dma_wait3A_102 : memref<1x!tpu.dma_semaphore, #tpu.memory_space<semaphore_mem>> -> memref<!tpu.dma_semaphore, #tpu.memory_space<semaphore_mem>>
        tpu.wait_indirect_dma semaphore(%dma_wait3A_103 : memref<!tpu.dma_semaphore, #tpu.memory_space<semaphore_mem>>) src(%dma_wait3A_95 : memref<64x128xf32, #tpu.memory_space<vmem>>) dst(%dma_wait3A_101 : memref<10240x128xf32, #tpu.memory_space<vmem_shared>>)
        %dma_wait3A_104 = arith.constant 2 : i32
        %dma_wait3A_105 = arith.constant 30 : i32
        %dma_wait3A_106 = arith.constant 2 : i32
        %dma_wait3A_107 = arith.constant 0 : i32
        %dma_wait3A_108 = arith.constant 0 : i32
        %dma_wait3A_109 = tpu.memref_slice %arg9[%dma_wait3A_104, %dma_wait3A_107, %dma_wait3A_108] : memref<4x64x128xf32, #tpu.memory_space<vmem>> -> memref<1x64x128xf32, #tpu.memory_space<vmem>>
        %dma_wait3A_110 = tpu.memref_squeeze %dma_wait3A_109 : memref<1x64x128xf32, #tpu.memory_space<vmem>> -> memref<64x128xf32, #tpu.memory_space<vmem>>
        %dma_wait3A_111 = arith.constant 0 : i32
        %dma_wait3A_112 = tpu.memref_slice %arg8[%dma_wait3A_105, %dma_wait3A_111] : memref<32x64xi32, #tpu.memory_space<vmem>> -> memref<1x64xi32, #tpu.memory_space<vmem>>
        %dma_wait3A_113 = tpu.memref_squeeze %dma_wait3A_112 : memref<1x64xi32, #tpu.memory_space<vmem>> -> memref<64xi32, #tpu.memory_space<vmem>>
        %dma_wait3A_114 = arith.constant 0 : i32
        %dma_wait3A_115 = arith.constant 0 : i32
        %dma_wait3A_116 = tpu.memref_slice %arg10[%dma_wait3A_114, %dma_wait3A_115] : memref<10240x128xf32, #tpu.memory_space<vmem_shared>> -> memref<10240x128xf32, #tpu.memory_space<vmem_shared>>
        %dma_wait3A_117 = tpu.memref_slice %arg12[%dma_wait3A_106] : memref<4x!tpu.dma_semaphore, #tpu.memory_space<semaphore_mem>> -> memref<1x!tpu.dma_semaphore, #tpu.memory_space<semaphore_mem>>
        %dma_wait3A_118 = tpu.memref_squeeze %dma_wait3A_117 : memref<1x!tpu.dma_semaphore, #tpu.memory_space<semaphore_mem>> -> memref<!tpu.dma_semaphore, #tpu.memory_space<semaphore_mem>>
        tpu.wait_indirect_dma semaphore(%dma_wait3A_118 : memref<!tpu.dma_semaphore, #tpu.memory_space<semaphore_mem>>) src(%dma_wait3A_110 : memref<64x128xf32, #tpu.memory_space<vmem>>) dst(%dma_wait3A_116 : memref<10240x128xf32, #tpu.memory_space<vmem_shared>>)
        %dma_wait3A_119 = arith.constant 3 : i32
        %dma_wait3A_120 = arith.constant 31 : i32
        %dma_wait3A_121 = arith.constant 3 : i32
        %dma_wait3A_122 = arith.constant 0 : i32
        %dma_wait3A_123 = arith.constant 0 : i32
        %dma_wait3A_124 = tpu.memref_slice %arg9[%dma_wait3A_119, %dma_wait3A_122, %dma_wait3A_123] : memref<4x64x128xf32, #tpu.memory_space<vmem>> -> memref<1x64x128xf32, #tpu.memory_space<vmem>>
        %dma_wait3A_125 = tpu.memref_squeeze %dma_wait3A_124 : memref<1x64x128xf32, #tpu.memory_space<vmem>> -> memref<64x128xf32, #tpu.memory_space<vmem>>
        %dma_wait3A_126 = arith.constant 0 : i32
        %dma_wait3A_127 = tpu.memref_slice %arg8[%dma_wait3A_120, %dma_wait3A_126] : memref<32x64xi32, #tpu.memory_space<vmem>> -> memref<1x64xi32, #tpu.memory_space<vmem>>
        %dma_wait3A_128 = tpu.memref_squeeze %dma_wait3A_127 : memref<1x64xi32, #tpu.memory_space<vmem>> -> memref<64xi32, #tpu.memory_space<vmem>>
        %dma_wait3A_129 = arith.constant 0 : i32
        %dma_wait3A_130 = arith.constant 0 : i32
        %dma_wait3A_131 = tpu.memref_slice %arg10[%dma_wait3A_129, %dma_wait3A_130] : memref<10240x128xf32, #tpu.memory_space<vmem_shared>> -> memref<10240x128xf32, #tpu.memory_space<vmem_shared>>
        %dma_wait3A_132 = tpu.memref_slice %arg12[%dma_wait3A_121] : memref<4x!tpu.dma_semaphore, #tpu.memory_space<semaphore_mem>> -> memref<1x!tpu.dma_semaphore, #tpu.memory_space<semaphore_mem>>
        %dma_wait3A_133 = tpu.memref_squeeze %dma_wait3A_132 : memref<1x!tpu.dma_semaphore, #tpu.memory_space<semaphore_mem>> -> memref<!tpu.dma_semaphore, #tpu.memory_space<semaphore_mem>>
        tpu.wait_indirect_dma semaphore(%dma_wait3A_133 : memref<!tpu.dma_semaphore, #tpu.memory_space<semaphore_mem>>) src(%dma_wait3A_125 : memref<64x128xf32, #tpu.memory_space<vmem>>) dst(%dma_wait3A_131 : memref<10240x128xf32, #tpu.memory_space<vmem_shared>>)
      }
      %scan3A_20 = arith.constant 2 : i32
    } else {
    }
    %barrier3A_8 = arith.constant 0 : index
    tpu.barrier barrier_id(%barrier3A_8)
    %mul3A_9 = arith.constant 640 : i32
    %mul3A_10 = arith.muli %arg1, %mul3A_9 : i32
    %mul3A_11 = arith.constant 640 : i32
    %mul3A_12 = arith.muli %arg1, %mul3A_11 : i32
    "tpu.region"() ({
      %run_scoped3A = tpu.sem_alloc : memref<!tpu.dma_semaphore, #tpu.memory_space<semaphore_mem>>
      %dma_start3A = arith.constant 0 : i32
      %dma_start3A_13 = tpu.memref_slice %arg6[%arg0, %mul3A_12, %dma_start3A] : memref<2x10240x128xf32, #tpu.memory_space<hbm>> -> memref<1x640x128xf32, #tpu.memory_space<hbm>>
      %dma_start3A_14 = tpu.memref_squeeze %dma_start3A_13 : memref<1x640x128xf32, #tpu.memory_space<hbm>> -> memref<640x128xf32, #tpu.memory_space<hbm>>
      %dma_start3A_15 = arith.constant 0 : i32
      %dma_start3A_16 = tpu.memref_slice %arg10[%mul3A_10, %dma_start3A_15] : memref<10240x128xf32, #tpu.memory_space<vmem_shared>> -> memref<640x128xf32, #tpu.memory_space<vmem_shared>>
      tpu.enqueue_dma source(%dma_start3A_16 : memref<640x128xf32, #tpu.memory_space<vmem_shared>>) target(%dma_start3A_14 : memref<640x128xf32, #tpu.memory_space<hbm>>) target_semaphore(%run_scoped3A : memref<!tpu.dma_semaphore, #tpu.memory_space<semaphore_mem>>)
      %dma_wait3A = arith.constant 0 : i32
      %dma_wait3A_17 = tpu.memref_slice %arg6[%arg0, %mul3A_12, %dma_wait3A] : memref<2x10240x128xf32, #tpu.memory_space<hbm>> -> memref<1x640x128xf32, #tpu.memory_space<hbm>>
      %dma_wait3A_18 = tpu.memref_squeeze %dma_wait3A_17 : memref<1x640x128xf32, #tpu.memory_space<hbm>> -> memref<640x128xf32, #tpu.memory_space<hbm>>
      %dma_wait3A_19 = arith.constant 0 : i32
      %dma_wait3A_20 = tpu.memref_slice %arg10[%mul3A_10, %dma_wait3A_19] : memref<10240x128xf32, #tpu.memory_space<vmem_shared>> -> memref<640x128xf32, #tpu.memory_space<vmem_shared>>
      tpu.wait_dma2 semaphore(%run_scoped3A : memref<!tpu.dma_semaphore, #tpu.memory_space<semaphore_mem>>) src(%dma_wait3A_20 : memref<640x128xf32, #tpu.memory_space<vmem_shared>>) dst(%dma_wait3A_18 : memref<640x128xf32, #tpu.memory_space<hbm>>)
      tpu.yield
    }) : () -> ()
    return
  }
}

#map = affine_map<(d0, d1) -> (0, 0, 0)>
#map1 = affine_map<(d0, d1) -> (0, 0)>
module attributes {stable_mosaic.version = 14 : i64} {
  func.func @_deg_body(%arg0: i32, %arg1: i32, %arg2: memref<32x160x64xi32, #tpu.memory_space<hbm>>, %arg3: memref<64x128xf32, #tpu.memory_space<hbm>>, %arg4: memref<640x128xf32, #tpu.memory_space<hbm>>, %arg5: memref<2x10240x128xf32, #tpu.memory_space<hbm>>, %arg6: memref<160x64xi32, #tpu.memory_space<vmem>>, %arg7: memref<64x128xf32, #tpu.memory_space<vmem>>, %arg8: memref<10240x128xf32, #tpu.memory_space<vmem_shared>>, %arg9: memref<1x!tpu.dma_semaphore, #tpu.memory_space<semaphore_mem>>) attributes {dimension_semantics = [#tpu.dimension_semantics<core_parallel>, #tpu.dimension_semantics<subcore_parallel>], iteration_bounds = array<i64: 2, 16>, scalar_prefetch = 0 : i64, scratch_operands = 4 : i64, tpu.core_type = #tpu.core_type<sc_vector_subcore>, window_params = [{transform_indices = #map}, {transform_indices = #map1}, {transform_indices = #map1}, {transform_indices = #map}]} {
    %mul3A = arith.constant 2 : i32
    %mul3A_0 = arith.muli %arg1, %mul3A : i32
    %add3A = arith.addi %mul3A_0, %arg0 : i32
    %mul3A_1 = arith.constant 640 : i32
    %mul3A_2 = arith.muli %arg1, %mul3A_1 : i32
    "tpu.region"() ({
      %run_scoped3A = tpu.sem_alloc : memref<!tpu.dma_semaphore, #tpu.memory_space<semaphore_mem>>
      %dma_start3A = arith.constant 0 : i32
      %dma_start3A_52 = tpu.memref_slice %arg8[%mul3A_2, %dma_start3A] : memref<10240x128xf32, #tpu.memory_space<vmem_shared>> -> memref<640x128xf32, #tpu.memory_space<vmem_shared>>
      tpu.enqueue_dma source(%arg4 : memref<640x128xf32, #tpu.memory_space<hbm>>) target(%dma_start3A_52 : memref<640x128xf32, #tpu.memory_space<vmem_shared>>) target_semaphore(%run_scoped3A : memref<!tpu.dma_semaphore, #tpu.memory_space<semaphore_mem>>)
      %dma_wait3A_53 = arith.constant 0 : i32
      %dma_wait3A_54 = tpu.memref_slice %arg8[%mul3A_2, %dma_wait3A_53] : memref<10240x128xf32, #tpu.memory_space<vmem_shared>> -> memref<640x128xf32, #tpu.memory_space<vmem_shared>>
      tpu.wait_dma2 semaphore(%run_scoped3A : memref<!tpu.dma_semaphore, #tpu.memory_space<semaphore_mem>>) src(%arg4 : memref<640x128xf32, #tpu.memory_space<hbm>>) dst(%dma_wait3A_54 : memref<640x128xf32, #tpu.memory_space<vmem_shared>>)
      tpu.yield
    }) : () -> ()
    "tpu.region"() ({
      %run_scoped3A = tpu.sem_alloc : memref<!tpu.dma_semaphore, #tpu.memory_space<semaphore_mem>>
      tpu.enqueue_dma source(%arg3 : memref<64x128xf32, #tpu.memory_space<hbm>>) target(%arg7 : memref<64x128xf32, #tpu.memory_space<vmem>>) target_semaphore(%run_scoped3A : memref<!tpu.dma_semaphore, #tpu.memory_space<semaphore_mem>>)
      tpu.wait_dma2 semaphore(%run_scoped3A : memref<!tpu.dma_semaphore, #tpu.memory_space<semaphore_mem>>) src(%arg3 : memref<64x128xf32, #tpu.memory_space<hbm>>) dst(%arg7 : memref<64x128xf32, #tpu.memory_space<vmem>>)
      tpu.yield
    }) : () -> ()
    "tpu.region"() ({
      %run_scoped3A = tpu.sem_alloc : memref<!tpu.dma_semaphore, #tpu.memory_space<semaphore_mem>>
      %dma_start3A = arith.constant 0 : i32
      %dma_start3A_52 = arith.constant 0 : i32
      %dma_start3A_53 = tpu.memref_slice %arg2[%add3A, %dma_start3A, %dma_start3A_52] : memref<32x160x64xi32, #tpu.memory_space<hbm>> -> memref<1x160x64xi32, #tpu.memory_space<hbm>>
      %dma_start3A_54 = tpu.memref_squeeze %dma_start3A_53 : memref<1x160x64xi32, #tpu.memory_space<hbm>> -> memref<160x64xi32, #tpu.memory_space<hbm>>
      %dma_start3A_55 = arith.constant 0 : i32
      %dma_start3A_56 = arith.constant 0 : i32
      %dma_start3A_57 = tpu.memref_slice %arg2[%add3A, %dma_start3A_55, %dma_start3A_56] : memref<32x160x64xi32, #tpu.memory_space<hbm>> -> memref<1x160x64xi32, #tpu.memory_space<hbm>>
      %dma_start3A_58 = tpu.memref_squeeze %dma_start3A_57 : memref<1x160x64xi32, #tpu.memory_space<hbm>> -> memref<160x64xi32, #tpu.memory_space<hbm>>
      tpu.enqueue_dma source(%dma_start3A_58 : memref<160x64xi32, #tpu.memory_space<hbm>>) target(%arg6 : memref<160x64xi32, #tpu.memory_space<vmem>>) target_semaphore(%run_scoped3A : memref<!tpu.dma_semaphore, #tpu.memory_space<semaphore_mem>>)
      %dma_wait3A_59 = arith.constant 0 : i32
      %dma_wait3A_60 = arith.constant 0 : i32
      %dma_wait3A_61 = tpu.memref_slice %arg2[%add3A, %dma_wait3A_59, %dma_wait3A_60] : memref<32x160x64xi32, #tpu.memory_space<hbm>> -> memref<1x160x64xi32, #tpu.memory_space<hbm>>
      %dma_wait3A_62 = tpu.memref_squeeze %dma_wait3A_61 : memref<1x160x64xi32, #tpu.memory_space<hbm>> -> memref<160x64xi32, #tpu.memory_space<hbm>>
      %dma_wait3A_63 = arith.constant 0 : i32
      %dma_wait3A_64 = arith.constant 0 : i32
      %dma_wait3A_65 = tpu.memref_slice %arg2[%add3A, %dma_wait3A_63, %dma_wait3A_64] : memref<32x160x64xi32, #tpu.memory_space<hbm>> -> memref<1x160x64xi32, #tpu.memory_space<hbm>>
      %dma_wait3A_66 = tpu.memref_squeeze %dma_wait3A_65 : memref<1x160x64xi32, #tpu.memory_space<hbm>> -> memref<160x64xi32, #tpu.memory_space<hbm>>
      tpu.wait_dma2 semaphore(%run_scoped3A : memref<!tpu.dma_semaphore, #tpu.memory_space<semaphore_mem>>) src(%dma_wait3A_66 : memref<160x64xi32, #tpu.memory_space<hbm>>) dst(%arg6 : memref<160x64xi32, #tpu.memory_space<vmem>>)
      tpu.yield
    }) : () -> ()
    %barrier3A = arith.constant 0 : index
    tpu.barrier barrier_id(%barrier3A)
    %scan3A = arith.constant 0 : i32
    %scan3A_3 = arith.constant 0 : i32
    %scan3A_4 = arith.constant 160 : i32
    %scan3A_5 = arith.addi %scan3A_3, %scan3A_4 : i32
    %scan3A_6 = arith.constant 1 : i32
    scf.for %scan3A_52 = %scan3A_3 to %scan3A_5 step %scan3A_6  : i32 {
      %ge3A = arith.constant 4 : i32
      %ge3A_53 = arith.cmpi sge, %scan3A_52, %ge3A : i32
      %convert_element_type3A = arith.extui %ge3A_53 : i1 to i32
      %cond3A = arith.constant 0 : i32
      %cond3A_54 = arith.cmpi ne, %convert_element_type3A, %cond3A : i32
      scf.if %cond3A_54 {
        %sub3A = arith.constant 4 : i32
        %sub3A_63 = arith.subi %scan3A_52, %sub3A : i32
        %dma_wait3A_64 = arith.constant 0 : i32
        %dma_wait3A_65 = arith.constant 0 : i32
        %dma_wait3A_66 = tpu.memref_slice %arg6[%sub3A_63, %dma_wait3A_65] : memref<160x64xi32, #tpu.memory_space<vmem>> -> memref<1x64xi32, #tpu.memory_space<vmem>>
        %dma_wait3A_67 = tpu.memref_squeeze %dma_wait3A_66 : memref<1x64xi32, #tpu.memory_space<vmem>> -> memref<64xi32, #tpu.memory_space<vmem>>
        %dma_wait3A_68 = arith.constant 0 : i32
        %dma_wait3A_69 = arith.constant 0 : i32
        %dma_wait3A_70 = tpu.memref_slice %arg8[%dma_wait3A_68, %dma_wait3A_69] : memref<10240x128xf32, #tpu.memory_space<vmem_shared>> -> memref<10240x128xf32, #tpu.memory_space<vmem_shared>>
        %dma_wait3A_71 = tpu.memref_slice %arg9[%dma_wait3A_64] : memref<1x!tpu.dma_semaphore, #tpu.memory_space<semaphore_mem>> -> memref<1x!tpu.dma_semaphore, #tpu.memory_space<semaphore_mem>>
        %dma_wait3A_72 = tpu.memref_squeeze %dma_wait3A_71 : memref<1x!tpu.dma_semaphore, #tpu.memory_space<semaphore_mem>> -> memref<!tpu.dma_semaphore, #tpu.memory_space<semaphore_mem>>
        tpu.wait_indirect_dma semaphore(%dma_wait3A_72 : memref<!tpu.dma_semaphore, #tpu.memory_space<semaphore_mem>>) src(%arg7 : memref<64x128xf32, #tpu.memory_space<vmem>>) dst(%dma_wait3A_70 : memref<10240x128xf32, #tpu.memory_space<vmem_shared>>)
      } else {
      }
      %dma_start3A = arith.constant 0 : i32
      %dma_start3A_55 = arith.constant 0 : i32
      %dma_start3A_56 = tpu.memref_slice %arg6[%scan3A_52, %dma_start3A_55] : memref<160x64xi32, #tpu.memory_space<vmem>> -> memref<1x64xi32, #tpu.memory_space<vmem>>
      %dma_start3A_57 = tpu.memref_squeeze %dma_start3A_56 : memref<1x64xi32, #tpu.memory_space<vmem>> -> memref<64xi32, #tpu.memory_space<vmem>>
      %dma_start3A_58 = arith.constant 0 : i32
      %dma_start3A_59 = arith.constant 0 : i32
      %dma_start3A_60 = tpu.memref_slice %arg8[%dma_start3A_58, %dma_start3A_59] : memref<10240x128xf32, #tpu.memory_space<vmem_shared>> -> memref<10240x128xf32, #tpu.memory_space<vmem_shared>>
      %dma_start3A_61 = tpu.memref_slice %arg9[%dma_start3A] : memref<1x!tpu.dma_semaphore, #tpu.memory_space<semaphore_mem>> -> memref<1x!tpu.dma_semaphore, #tpu.memory_space<semaphore_mem>>
      %dma_start3A_62 = tpu.memref_squeeze %dma_start3A_61 : memref<1x!tpu.dma_semaphore, #tpu.memory_space<semaphore_mem>> -> memref<!tpu.dma_semaphore, #tpu.memory_space<semaphore_mem>>
      tpu.enqueue_indirect_dma source(%arg7 : memref<64x128xf32, #tpu.memory_space<vmem>>) target(%dma_start3A_60 : memref<10240x128xf32, #tpu.memory_space<vmem_shared>>) offsets(%dma_start3A_57 : memref<64xi32, #tpu.memory_space<vmem>>) semaphore(%dma_start3A_62 : memref<!tpu.dma_semaphore, #tpu.memory_space<semaphore_mem>>) {add = true}
    }
    %scan3A_7 = arith.constant 160 : i32
    %dma_wait3A = arith.constant 156 : i32
    %dma_wait3A_8 = arith.constant 0 : i32
    %dma_wait3A_9 = arith.constant 0 : i32
    %dma_wait3A_10 = tpu.memref_slice %arg6[%dma_wait3A, %dma_wait3A_9] : memref<160x64xi32, #tpu.memory_space<vmem>> -> memref<1x64xi32, #tpu.memory_space<vmem>>
    %dma_wait3A_11 = tpu.memref_squeeze %dma_wait3A_10 : memref<1x64xi32, #tpu.memory_space<vmem>> -> memref<64xi32, #tpu.memory_space<vmem>>
    %dma_wait3A_12 = arith.constant 0 : i32
    %dma_wait3A_13 = arith.constant 0 : i32
    %dma_wait3A_14 = tpu.memref_slice %arg8[%dma_wait3A_12, %dma_wait3A_13] : memref<10240x128xf32, #tpu.memory_space<vmem_shared>> -> memref<10240x128xf32, #tpu.memory_space<vmem_shared>>
    %dma_wait3A_15 = tpu.memref_slice %arg9[%dma_wait3A_8] : memref<1x!tpu.dma_semaphore, #tpu.memory_space<semaphore_mem>> -> memref<1x!tpu.dma_semaphore, #tpu.memory_space<semaphore_mem>>
    %dma_wait3A_16 = tpu.memref_squeeze %dma_wait3A_15 : memref<1x!tpu.dma_semaphore, #tpu.memory_space<semaphore_mem>> -> memref<!tpu.dma_semaphore, #tpu.memory_space<semaphore_mem>>
    tpu.wait_indirect_dma semaphore(%dma_wait3A_16 : memref<!tpu.dma_semaphore, #tpu.memory_space<semaphore_mem>>) src(%arg7 : memref<64x128xf32, #tpu.memory_space<vmem>>) dst(%dma_wait3A_14 : memref<10240x128xf32, #tpu.memory_space<vmem_shared>>)
    %dma_wait3A_17 = arith.constant 157 : i32
    %dma_wait3A_18 = arith.constant 0 : i32
    %dma_wait3A_19 = arith.constant 0 : i32
    %dma_wait3A_20 = tpu.memref_slice %arg6[%dma_wait3A_17, %dma_wait3A_19] : memref<160x64xi32, #tpu.memory_space<vmem>> -> memref<1x64xi32, #tpu.memory_space<vmem>>
    %dma_wait3A_21 = tpu.memref_squeeze %dma_wait3A_20 : memref<1x64xi32, #tpu.memory_space<vmem>> -> memref<64xi32, #tpu.memory_space<vmem>>
    %dma_wait3A_22 = arith.constant 0 : i32
    %dma_wait3A_23 = arith.constant 0 : i32
    %dma_wait3A_24 = tpu.memref_slice %arg8[%dma_wait3A_22, %dma_wait3A_23] : memref<10240x128xf32, #tpu.memory_space<vmem_shared>> -> memref<10240x128xf32, #tpu.memory_space<vmem_shared>>
    %dma_wait3A_25 = tpu.memref_slice %arg9[%dma_wait3A_18] : memref<1x!tpu.dma_semaphore, #tpu.memory_space<semaphore_mem>> -> memref<1x!tpu.dma_semaphore, #tpu.memory_space<semaphore_mem>>
    %dma_wait3A_26 = tpu.memref_squeeze %dma_wait3A_25 : memref<1x!tpu.dma_semaphore, #tpu.memory_space<semaphore_mem>> -> memref<!tpu.dma_semaphore, #tpu.memory_space<semaphore_mem>>
    tpu.wait_indirect_dma semaphore(%dma_wait3A_26 : memref<!tpu.dma_semaphore, #tpu.memory_space<semaphore_mem>>) src(%arg7 : memref<64x128xf32, #tpu.memory_space<vmem>>) dst(%dma_wait3A_24 : memref<10240x128xf32, #tpu.memory_space<vmem_shared>>)
    %dma_wait3A_27 = arith.constant 158 : i32
    %dma_wait3A_28 = arith.constant 0 : i32
    %dma_wait3A_29 = arith.constant 0 : i32
    %dma_wait3A_30 = tpu.memref_slice %arg6[%dma_wait3A_27, %dma_wait3A_29] : memref<160x64xi32, #tpu.memory_space<vmem>> -> memref<1x64xi32, #tpu.memory_space<vmem>>
    %dma_wait3A_31 = tpu.memref_squeeze %dma_wait3A_30 : memref<1x64xi32, #tpu.memory_space<vmem>> -> memref<64xi32, #tpu.memory_space<vmem>>
    %dma_wait3A_32 = arith.constant 0 : i32
    %dma_wait3A_33 = arith.constant 0 : i32
    %dma_wait3A_34 = tpu.memref_slice %arg8[%dma_wait3A_32, %dma_wait3A_33] : memref<10240x128xf32, #tpu.memory_space<vmem_shared>> -> memref<10240x128xf32, #tpu.memory_space<vmem_shared>>
    %dma_wait3A_35 = tpu.memref_slice %arg9[%dma_wait3A_28] : memref<1x!tpu.dma_semaphore, #tpu.memory_space<semaphore_mem>> -> memref<1x!tpu.dma_semaphore, #tpu.memory_space<semaphore_mem>>
    %dma_wait3A_36 = tpu.memref_squeeze %dma_wait3A_35 : memref<1x!tpu.dma_semaphore, #tpu.memory_space<semaphore_mem>> -> memref<!tpu.dma_semaphore, #tpu.memory_space<semaphore_mem>>
    tpu.wait_indirect_dma semaphore(%dma_wait3A_36 : memref<!tpu.dma_semaphore, #tpu.memory_space<semaphore_mem>>) src(%arg7 : memref<64x128xf32, #tpu.memory_space<vmem>>) dst(%dma_wait3A_34 : memref<10240x128xf32, #tpu.memory_space<vmem_shared>>)
    %dma_wait3A_37 = arith.constant 159 : i32
    %dma_wait3A_38 = arith.constant 0 : i32
    %dma_wait3A_39 = arith.constant 0 : i32
    %dma_wait3A_40 = tpu.memref_slice %arg6[%dma_wait3A_37, %dma_wait3A_39] : memref<160x64xi32, #tpu.memory_space<vmem>> -> memref<1x64xi32, #tpu.memory_space<vmem>>
    %dma_wait3A_41 = tpu.memref_squeeze %dma_wait3A_40 : memref<1x64xi32, #tpu.memory_space<vmem>> -> memref<64xi32, #tpu.memory_space<vmem>>
    %dma_wait3A_42 = arith.constant 0 : i32
    %dma_wait3A_43 = arith.constant 0 : i32
    %dma_wait3A_44 = tpu.memref_slice %arg8[%dma_wait3A_42, %dma_wait3A_43] : memref<10240x128xf32, #tpu.memory_space<vmem_shared>> -> memref<10240x128xf32, #tpu.memory_space<vmem_shared>>
    %dma_wait3A_45 = tpu.memref_slice %arg9[%dma_wait3A_38] : memref<1x!tpu.dma_semaphore, #tpu.memory_space<semaphore_mem>> -> memref<1x!tpu.dma_semaphore, #tpu.memory_space<semaphore_mem>>
    %dma_wait3A_46 = tpu.memref_squeeze %dma_wait3A_45 : memref<1x!tpu.dma_semaphore, #tpu.memory_space<semaphore_mem>> -> memref<!tpu.dma_semaphore, #tpu.memory_space<semaphore_mem>>
    tpu.wait_indirect_dma semaphore(%dma_wait3A_46 : memref<!tpu.dma_semaphore, #tpu.memory_space<semaphore_mem>>) src(%arg7 : memref<64x128xf32, #tpu.memory_space<vmem>>) dst(%dma_wait3A_44 : memref<10240x128xf32, #tpu.memory_space<vmem_shared>>)
    %barrier3A_47 = arith.constant 0 : index
    tpu.barrier barrier_id(%barrier3A_47)
    %mul3A_48 = arith.constant 640 : i32
    %mul3A_49 = arith.muli %arg1, %mul3A_48 : i32
    %mul3A_50 = arith.constant 640 : i32
    %mul3A_51 = arith.muli %arg1, %mul3A_50 : i32
    "tpu.region"() ({
      %run_scoped3A = tpu.sem_alloc : memref<!tpu.dma_semaphore, #tpu.memory_space<semaphore_mem>>
      %dma_start3A = arith.constant 0 : i32
      %dma_start3A_52 = tpu.memref_slice %arg5[%arg0, %mul3A_51, %dma_start3A] : memref<2x10240x128xf32, #tpu.memory_space<hbm>> -> memref<1x640x128xf32, #tpu.memory_space<hbm>>
      %dma_start3A_53 = tpu.memref_squeeze %dma_start3A_52 : memref<1x640x128xf32, #tpu.memory_space<hbm>> -> memref<640x128xf32, #tpu.memory_space<hbm>>
      %dma_start3A_54 = arith.constant 0 : i32
      %dma_start3A_55 = tpu.memref_slice %arg8[%mul3A_49, %dma_start3A_54] : memref<10240x128xf32, #tpu.memory_space<vmem_shared>> -> memref<640x128xf32, #tpu.memory_space<vmem_shared>>
      tpu.enqueue_dma source(%dma_start3A_55 : memref<640x128xf32, #tpu.memory_space<vmem_shared>>) target(%dma_start3A_53 : memref<640x128xf32, #tpu.memory_space<hbm>>) target_semaphore(%run_scoped3A : memref<!tpu.dma_semaphore, #tpu.memory_space<semaphore_mem>>)
      %dma_wait3A_56 = arith.constant 0 : i32
      %dma_wait3A_57 = tpu.memref_slice %arg5[%arg0, %mul3A_51, %dma_wait3A_56] : memref<2x10240x128xf32, #tpu.memory_space<hbm>> -> memref<1x640x128xf32, #tpu.memory_space<hbm>>
      %dma_wait3A_58 = tpu.memref_squeeze %dma_wait3A_57 : memref<1x640x128xf32, #tpu.memory_space<hbm>> -> memref<640x128xf32, #tpu.memory_space<hbm>>
      %dma_wait3A_59 = arith.constant 0 : i32
      %dma_wait3A_60 = tpu.memref_slice %arg8[%mul3A_49, %dma_wait3A_59] : memref<10240x128xf32, #tpu.memory_space<vmem_shared>> -> memref<640x128xf32, #tpu.memory_space<vmem_shared>>
      tpu.wait_dma2 semaphore(%run_scoped3A : memref<!tpu.dma_semaphore, #tpu.memory_space<semaphore_mem>>) src(%dma_wait3A_60 : memref<640x128xf32, #tpu.memory_space<vmem_shared>>) dst(%dma_wait3A_58 : memref<640x128xf32, #tpu.memory_space<hbm>>)
      tpu.yield
    }) : () -> ()
    return
  }
}

#map = affine_map<(d0, d1) -> (0, 0)>
#map1 = affine_map<(d0, d1) -> (0, 0, 0)>
module attributes {stable_mosaic.version = 14 : i64} {
  func.func @_route_body(%arg0: i32, %arg1: i32, %arg2: memref<10240x128xf32, #tpu.memory_space<hbm>>, %arg3: memref<5120x64xi32, #tpu.memory_space<hbm>>, %arg4: memref<5120x64xi32, #tpu.memory_space<hbm>>, %arg5: memref<640x128xf32, #tpu.memory_space<hbm>>, %arg6: memref<2x10240x128xf32, #tpu.memory_space<hbm>>, %arg7: memref<32x64xi32, #tpu.memory_space<vmem>>, %arg8: memref<32x64xi32, #tpu.memory_space<vmem>>, %arg9: memref<4x64x128xf32, #tpu.memory_space<vmem>>, %arg10: memref<10240x128xf32, #tpu.memory_space<vmem_shared>>, %arg11: memref<4x!tpu.dma_semaphore, #tpu.memory_space<semaphore_mem>>, %arg12: memref<4x!tpu.dma_semaphore, #tpu.memory_space<semaphore_mem>>) attributes {dimension_semantics = [#tpu.dimension_semantics<core_parallel>, #tpu.dimension_semantics<subcore_parallel>], iteration_bounds = array<i64: 2, 16>, scalar_prefetch = 0 : i64, scratch_operands = 6 : i64, tpu.core_type = #tpu.core_type<sc_vector_subcore>, window_params = [{transform_indices = #map}, {transform_indices = #map}, {transform_indices = #map}, {transform_indices = #map}, {transform_indices = #map1}]} {
    %mul3A = arith.constant 640 : i32
    %mul3A_0 = arith.muli %arg1, %mul3A : i32
    "tpu.region"() ({
      %run_scoped3A = tpu.sem_alloc : memref<!tpu.dma_semaphore, #tpu.memory_space<semaphore_mem>>
      %dma_start3A = arith.constant 0 : i32
      %dma_start3A_13 = tpu.memref_slice %arg10[%mul3A_0, %dma_start3A] : memref<10240x128xf32, #tpu.memory_space<vmem_shared>> -> memref<640x128xf32, #tpu.memory_space<vmem_shared>>
      tpu.enqueue_dma source(%arg5 : memref<640x128xf32, #tpu.memory_space<hbm>>) target(%dma_start3A_13 : memref<640x128xf32, #tpu.memory_space<vmem_shared>>) target_semaphore(%run_scoped3A : memref<!tpu.dma_semaphore, #tpu.memory_space<semaphore_mem>>)
      %dma_wait3A = arith.constant 0 : i32
      %dma_wait3A_14 = tpu.memref_slice %arg10[%mul3A_0, %dma_wait3A] : memref<10240x128xf32, #tpu.memory_space<vmem_shared>> -> memref<640x128xf32, #tpu.memory_space<vmem_shared>>
      tpu.wait_dma2 semaphore(%run_scoped3A : memref<!tpu.dma_semaphore, #tpu.memory_space<semaphore_mem>>) src(%arg5 : memref<640x128xf32, #tpu.memory_space<hbm>>) dst(%dma_wait3A_14 : memref<640x128xf32, #tpu.memory_space<vmem_shared>>)
      tpu.yield
    }) : () -> ()
    %barrier3A = arith.constant 0 : index
    tpu.barrier barrier_id(%barrier3A)
    %eq3A = arith.constant 0 : i32
    %eq3A_1 = arith.cmpi eq, %arg0, %eq3A : i32
    %convert_element_type3A = arith.extui %eq3A_1 : i1 to i32
    %cond3A = arith.constant 0 : i32
    %cond3A_2 = arith.cmpi ne, %convert_element_type3A, %cond3A : i32
    scf.if %cond3A_2 {
      %mul3A_13 = arith.constant 256 : i32
      %mul3A_14 = arith.muli %arg1, %mul3A_13 : i32
      %add3A = arith.constant 0 : i32
      %add3A_15 = arith.addi %add3A, %mul3A_14 : i32
      %scan3A = arith.constant 0 : i32
      %scan3A_16 = arith.constant 0 : i32
      %scan3A_17 = arith.constant 8 : i32
      %scan3A_18 = arith.addi %scan3A_16, %scan3A_17 : i32
      %scan3A_19 = arith.constant 1 : i32
      scf.for %scan3A_21 = %scan3A_16 to %scan3A_18 step %scan3A_19  : i32 {
        %mul3A_22 = arith.constant 32 : i32
        %mul3A_23 = arith.muli %scan3A_21, %mul3A_22 : i32
        %add3A_24 = arith.addi %add3A_15, %mul3A_23 : i32
        "tpu.region"() ({
          %run_scoped3A = tpu.sem_alloc : memref<!tpu.dma_semaphore, #tpu.memory_space<semaphore_mem>>
          %dma_start3A_134 = arith.constant 0 : i32
          %dma_start3A_135 = tpu.memref_slice %arg3[%add3A_24, %dma_start3A_134] : memref<5120x64xi32, #tpu.memory_space<hbm>> -> memref<32x64xi32, #tpu.memory_space<hbm>>
          %dma_start3A_136 = arith.constant 0 : i32
          %dma_start3A_137 = tpu.memref_slice %arg3[%add3A_24, %dma_start3A_136] : memref<5120x64xi32, #tpu.memory_space<hbm>> -> memref<32x64xi32, #tpu.memory_space<hbm>>
          tpu.enqueue_dma source(%dma_start3A_137 : memref<32x64xi32, #tpu.memory_space<hbm>>) target(%arg7 : memref<32x64xi32, #tpu.memory_space<vmem>>) target_semaphore(%run_scoped3A : memref<!tpu.dma_semaphore, #tpu.memory_space<semaphore_mem>>)
          %dma_wait3A_138 = arith.constant 0 : i32
          %dma_wait3A_139 = tpu.memref_slice %arg3[%add3A_24, %dma_wait3A_138] : memref<5120x64xi32, #tpu.memory_space<hbm>> -> memref<32x64xi32, #tpu.memory_space<hbm>>
          %dma_wait3A_140 = arith.constant 0 : i32
          %dma_wait3A_141 = tpu.memref_slice %arg3[%add3A_24, %dma_wait3A_140] : memref<5120x64xi32, #tpu.memory_space<hbm>> -> memref<32x64xi32, #tpu.memory_space<hbm>>
          tpu.wait_dma2 semaphore(%run_scoped3A : memref<!tpu.dma_semaphore, #tpu.memory_space<semaphore_mem>>) src(%dma_wait3A_141 : memref<32x64xi32, #tpu.memory_space<hbm>>) dst(%arg7 : memref<32x64xi32, #tpu.memory_space<vmem>>)
          tpu.yield
        }) : () -> ()
        "tpu.region"() ({
          %run_scoped3A = tpu.sem_alloc : memref<!tpu.dma_semaphore, #tpu.memory_space<semaphore_mem>>
          %dma_start3A_134 = arith.constant 0 : i32
          %dma_start3A_135 = tpu.memref_slice %arg4[%add3A_24, %dma_start3A_134] : memref<5120x64xi32, #tpu.memory_space<hbm>> -> memref<32x64xi32, #tpu.memory_space<hbm>>
          %dma_start3A_136 = arith.constant 0 : i32
          %dma_start3A_137 = tpu.memref_slice %arg4[%add3A_24, %dma_start3A_136] : memref<5120x64xi32, #tpu.memory_space<hbm>> -> memref<32x64xi32, #tpu.memory_space<hbm>>
          tpu.enqueue_dma source(%dma_start3A_137 : memref<32x64xi32, #tpu.memory_space<hbm>>) target(%arg8 : memref<32x64xi32, #tpu.memory_space<vmem>>) target_semaphore(%run_scoped3A : memref<!tpu.dma_semaphore, #tpu.memory_space<semaphore_mem>>)
          %dma_wait3A_138 = arith.constant 0 : i32
          %dma_wait3A_139 = tpu.memref_slice %arg4[%add3A_24, %dma_wait3A_138] : memref<5120x64xi32, #tpu.memory_space<hbm>> -> memref<32x64xi32, #tpu.memory_space<hbm>>
          %dma_wait3A_140 = arith.constant 0 : i32
          %dma_wait3A_141 = tpu.memref_slice %arg4[%add3A_24, %dma_wait3A_140] : memref<5120x64xi32, #tpu.memory_space<hbm>> -> memref<32x64xi32, #tpu.memory_space<hbm>>
          tpu.wait_dma2 semaphore(%run_scoped3A : memref<!tpu.dma_semaphore, #tpu.memory_space<semaphore_mem>>) src(%dma_wait3A_141 : memref<32x64xi32, #tpu.memory_space<hbm>>) dst(%arg8 : memref<32x64xi32, #tpu.memory_space<vmem>>)
          tpu.yield
        }) : () -> ()
        %dma_start3A = arith.constant 0 : i32
        %dma_start3A_25 = arith.constant 0 : i32
        %dma_start3A_26 = arith.constant 0 : i32
        %dma_start3A_27 = arith.constant 0 : i32
        %dma_start3A_28 = arith.constant 0 : i32
        %dma_start3A_29 = tpu.memref_slice %arg9[%dma_start3A_25, %dma_start3A_27, %dma_start3A_28] : memref<4x64x128xf32, #tpu.memory_space<vmem>> -> memref<1x64x128xf32, #tpu.memory_space<vmem>>
        %dma_start3A_30 = tpu.memref_squeeze %dma_start3A_29 : memref<1x64x128xf32, #tpu.memory_space<vmem>> -> memref<64x128xf32, #tpu.memory_space<vmem>>
        %dma_start3A_31 = arith.constant 0 : i32
        %dma_start3A_32 = tpu.memref_slice %arg7[%dma_start3A, %dma_start3A_31] : memref<32x64xi32, #tpu.memory_space<vmem>> -> memref<1x64xi32, #tpu.memory_space<vmem>>
        %dma_start3A_33 = tpu.memref_squeeze %dma_start3A_32 : memref<1x64xi32, #tpu.memory_space<vmem>> -> memref<64xi32, #tpu.memory_space<vmem>>
        %dma_start3A_34 = arith.constant 0 : i32
        %dma_start3A_35 = arith.constant 0 : i32
        %dma_start3A_36 = tpu.memref_slice %arg2[%dma_start3A_34, %dma_start3A_35] : memref<10240x128xf32, #tpu.memory_space<hbm>> -> memref<10240x128xf32, #tpu.memory_space<hbm>>
        %dma_start3A_37 = tpu.memref_slice %arg11[%dma_start3A_26] : memref<4x!tpu.dma_semaphore, #tpu.memory_space<semaphore_mem>> -> memref<1x!tpu.dma_semaphore, #tpu.memory_space<semaphore_mem>>
        %dma_start3A_38 = tpu.memref_squeeze %dma_start3A_37 : memref<1x!tpu.dma_semaphore, #tpu.memory_space<semaphore_mem>> -> memref<!tpu.dma_semaphore, #tpu.memory_space<semaphore_mem>>
        tpu.enqueue_indirect_dma source(%dma_start3A_36 : memref<10240x128xf32, #tpu.memory_space<hbm>>) target(%dma_start3A_30 : memref<64x128xf32, #tpu.memory_space<vmem>>) offsets(%dma_start3A_33 : memref<64xi32, #tpu.memory_space<vmem>>) semaphore(%dma_start3A_38 : memref<!tpu.dma_semaphore, #tpu.memory_space<semaphore_mem>>)
        %dma_start3A_39 = arith.constant 1 : i32
        %dma_start3A_40 = arith.constant 1 : i32
        %dma_start3A_41 = arith.constant 1 : i32
        %dma_start3A_42 = arith.constant 0 : i32
        %dma_start3A_43 = arith.constant 0 : i32
        %dma_start3A_44 = tpu.memref_slice %arg9[%dma_start3A_40, %dma_start3A_42, %dma_start3A_43] : memref<4x64x128xf32, #tpu.memory_space<vmem>> -> memref<1x64x128xf32, #tpu.memory_space<vmem>>
        %dma_start3A_45 = tpu.memref_squeeze %dma_start3A_44 : memref<1x64x128xf32, #tpu.memory_space<vmem>> -> memref<64x128xf32, #tpu.memory_space<vmem>>
        %dma_start3A_46 = arith.constant 0 : i32
        %dma_start3A_47 = tpu.memref_slice %arg7[%dma_start3A_39, %dma_start3A_46] : memref<32x64xi32, #tpu.memory_space<vmem>> -> memref<1x64xi32, #tpu.memory_space<vmem>>
        %dma_start3A_48 = tpu.memref_squeeze %dma_start3A_47 : memref<1x64xi32, #tpu.memory_space<vmem>> -> memref<64xi32, #tpu.memory_space<vmem>>
        %dma_start3A_49 = arith.constant 0 : i32
        %dma_start3A_50 = arith.constant 0 : i32
        %dma_start3A_51 = tpu.memref_slice %arg2[%dma_start3A_49, %dma_start3A_50] : memref<10240x128xf32, #tpu.memory_space<hbm>> -> memref<10240x128xf32, #tpu.memory_space<hbm>>
        %dma_start3A_52 = tpu.memref_slice %arg11[%dma_start3A_41] : memref<4x!tpu.dma_semaphore, #tpu.memory_space<semaphore_mem>> -> memref<1x!tpu.dma_semaphore, #tpu.memory_space<semaphore_mem>>
        %dma_start3A_53 = tpu.memref_squeeze %dma_start3A_52 : memref<1x!tpu.dma_semaphore, #tpu.memory_space<semaphore_mem>> -> memref<!tpu.dma_semaphore, #tpu.memory_space<semaphore_mem>>
        tpu.enqueue_indirect_dma source(%dma_start3A_51 : memref<10240x128xf32, #tpu.memory_space<hbm>>) target(%dma_start3A_45 : memref<64x128xf32, #tpu.memory_space<vmem>>) offsets(%dma_start3A_48 : memref<64xi32, #tpu.memory_space<vmem>>) semaphore(%dma_start3A_53 : memref<!tpu.dma_semaphore, #tpu.memory_space<semaphore_mem>>)
        %dma_start3A_54 = arith.constant 2 : i32
        %dma_start3A_55 = arith.constant 2 : i32
        %dma_start3A_56 = arith.constant 2 : i32
        %dma_start3A_57 = arith.constant 0 : i32
        %dma_start3A_58 = arith.constant 0 : i32
        %dma_start3A_59 = tpu.memref_slice %arg9[%dma_start3A_55, %dma_start3A_57, %dma_start3A_58] : memref<4x64x128xf32, #tpu.memory_space<vmem>> -> memref<1x64x128xf32, #tpu.memory_space<vmem>>
        %dma_start3A_60 = tpu.memref_squeeze %dma_start3A_59 : memref<1x64x128xf32, #tpu.memory_space<vmem>> -> memref<64x128xf32, #tpu.memory_space<vmem>>
        %dma_start3A_61 = arith.constant 0 : i32
        %dma_start3A_62 = tpu.memref_slice %arg7[%dma_start3A_54, %dma_start3A_61] : memref<32x64xi32, #tpu.memory_space<vmem>> -> memref<1x64xi32, #tpu.memory_space<vmem>>
        %dma_start3A_63 = tpu.memref_squeeze %dma_start3A_62 : memref<1x64xi32, #tpu.memory_space<vmem>> -> memref<64xi32, #tpu.memory_space<vmem>>
        %dma_start3A_64 = arith.constant 0 : i32
        %dma_start3A_65 = arith.constant 0 : i32
        %dma_start3A_66 = tpu.memref_slice %arg2[%dma_start3A_64, %dma_start3A_65] : memref<10240x128xf32, #tpu.memory_space<hbm>> -> memref<10240x128xf32, #tpu.memory_space<hbm>>
        %dma_start3A_67 = tpu.memref_slice %arg11[%dma_start3A_56] : memref<4x!tpu.dma_semaphore, #tpu.memory_space<semaphore_mem>> -> memref<1x!tpu.dma_semaphore, #tpu.memory_space<semaphore_mem>>
        %dma_start3A_68 = tpu.memref_squeeze %dma_start3A_67 : memref<1x!tpu.dma_semaphore, #tpu.memory_space<semaphore_mem>> -> memref<!tpu.dma_semaphore, #tpu.memory_space<semaphore_mem>>
        tpu.enqueue_indirect_dma source(%dma_start3A_66 : memref<10240x128xf32, #tpu.memory_space<hbm>>) target(%dma_start3A_60 : memref<64x128xf32, #tpu.memory_space<vmem>>) offsets(%dma_start3A_63 : memref<64xi32, #tpu.memory_space<vmem>>) semaphore(%dma_start3A_68 : memref<!tpu.dma_semaphore, #tpu.memory_space<semaphore_mem>>)
        %scan3A_69 = arith.constant 0 : i32
        %scan3A_70 = arith.constant 0 : i32
        %scan3A_71 = arith.constant 8 : i32
        %scan3A_72 = arith.addi %scan3A_70, %scan3A_71 : i32
        %scan3A_73 = arith.constant 1 : i32
        scf.for %scan3A_134 = %scan3A_70 to %scan3A_72 step %scan3A_73  : i32 {
          %mul3A_135 = arith.constant 4 : i32
          %mul3A_136 = arith.muli %scan3A_134, %mul3A_135 : i32
          %add3A_137 = arith.constant 0 : i32
          %add3A_138 = arith.addi %mul3A_136, %add3A_137 : i32
          %dma_wait3A_139 = arith.constant 0 : i32
          %dma_wait3A_140 = arith.constant 0 : i32
          %dma_wait3A_141 = arith.constant 0 : i32
          %dma_wait3A_142 = arith.constant 0 : i32
          %dma_wait3A_143 = tpu.memref_slice %arg9[%dma_wait3A_139, %dma_wait3A_141, %dma_wait3A_142] : memref<4x64x128xf32, #tpu.memory_space<vmem>> -> memref<1x64x128xf32, #tpu.memory_space<vmem>>
          %dma_wait3A_144 = tpu.memref_squeeze %dma_wait3A_143 : memref<1x64x128xf32, #tpu.memory_space<vmem>> -> memref<64x128xf32, #tpu.memory_space<vmem>>
          %dma_wait3A_145 = arith.constant 0 : i32
          %dma_wait3A_146 = tpu.memref_slice %arg7[%add3A_138, %dma_wait3A_145] : memref<32x64xi32, #tpu.memory_space<vmem>> -> memref<1x64xi32, #tpu.memory_space<vmem>>
          %dma_wait3A_147 = tpu.memref_squeeze %dma_wait3A_146 : memref<1x64xi32, #tpu.memory_space<vmem>> -> memref<64xi32, #tpu.memory_space<vmem>>
          %dma_wait3A_148 = arith.constant 0 : i32
          %dma_wait3A_149 = arith.constant 0 : i32
          %dma_wait3A_150 = tpu.memref_slice %arg2[%dma_wait3A_148, %dma_wait3A_149] : memref<10240x128xf32, #tpu.memory_space<hbm>> -> memref<10240x128xf32, #tpu.memory_space<hbm>>
          %dma_wait3A_151 = tpu.memref_slice %arg11[%dma_wait3A_140] : memref<4x!tpu.dma_semaphore, #tpu.memory_space<semaphore_mem>> -> memref<1x!tpu.dma_semaphore, #tpu.memory_space<semaphore_mem>>
          %dma_wait3A_152 = tpu.memref_squeeze %dma_wait3A_151 : memref<1x!tpu.dma_semaphore, #tpu.memory_space<semaphore_mem>> -> memref<!tpu.dma_semaphore, #tpu.memory_space<semaphore_mem>>
          tpu.wait_indirect_dma semaphore(%dma_wait3A_152 : memref<!tpu.dma_semaphore, #tpu.memory_space<semaphore_mem>>) src(%dma_wait3A_150 : memref<10240x128xf32, #tpu.memory_space<hbm>>) dst(%dma_wait3A_144 : memref<64x128xf32, #tpu.memory_space<vmem>>)
          %dma_start3A_153 = arith.constant 0 : i32
          %dma_start3A_154 = arith.constant 0 : i32
          %dma_start3A_155 = arith.constant 0 : i32
          %dma_start3A_156 = arith.constant 0 : i32
          %dma_start3A_157 = tpu.memref_slice %arg9[%dma_start3A_153, %dma_start3A_155, %dma_start3A_156] : memref<4x64x128xf32, #tpu.memory_space<vmem>> -> memref<1x64x128xf32, #tpu.memory_space<vmem>>
          %dma_start3A_158 = tpu.memref_squeeze %dma_start3A_157 : memref<1x64x128xf32, #tpu.memory_space<vmem>> -> memref<64x128xf32, #tpu.memory_space<vmem>>
          %dma_start3A_159 = arith.constant 0 : i32
          %dma_start3A_160 = tpu.memref_slice %arg8[%add3A_138, %dma_start3A_159] : memref<32x64xi32, #tpu.memory_space<vmem>> -> memref<1x64xi32, #tpu.memory_space<vmem>>
          %dma_start3A_161 = tpu.memref_squeeze %dma_start3A_160 : memref<1x64xi32, #tpu.memory_space<vmem>> -> memref<64xi32, #tpu.memory_space<vmem>>
          %dma_start3A_162 = arith.constant 0 : i32
          %dma_start3A_163 = arith.constant 0 : i32
          %dma_start3A_164 = tpu.memref_slice %arg10[%dma_start3A_162, %dma_start3A_163] : memref<10240x128xf32, #tpu.memory_space<vmem_shared>> -> memref<10240x128xf32, #tpu.memory_space<vmem_shared>>
          %dma_start3A_165 = tpu.memref_slice %arg12[%dma_start3A_154] : memref<4x!tpu.dma_semaphore, #tpu.memory_space<semaphore_mem>> -> memref<1x!tpu.dma_semaphore, #tpu.memory_space<semaphore_mem>>
          %dma_start3A_166 = tpu.memref_squeeze %dma_start3A_165 : memref<1x!tpu.dma_semaphore, #tpu.memory_space<semaphore_mem>> -> memref<!tpu.dma_semaphore, #tpu.memory_space<semaphore_mem>>
          tpu.enqueue_indirect_dma source(%dma_start3A_158 : memref<64x128xf32, #tpu.memory_space<vmem>>) target(%dma_start3A_164 : memref<10240x128xf32, #tpu.memory_space<vmem_shared>>) offsets(%dma_start3A_161 : memref<64xi32, #tpu.memory_space<vmem>>) semaphore(%dma_start3A_166 : memref<!tpu.dma_semaphore, #tpu.memory_space<semaphore_mem>>) {add = true}
          %add3A_167 = arith.constant 4 : i32
          %add3A_168 = arith.addi %add3A_138, %add3A_167 : i32
          %sub3A = arith.constant 1 : i32
          %sub3A_169 = arith.subi %add3A_168, %sub3A : i32
          %eq3A_170 = arith.constant 0 : i32
          %eq3A_171 = arith.cmpi eq, %add3A_138, %eq3A_170 : i32
          %convert_element_type3A_172 = arith.extui %eq3A_171 : i1 to i32
          %cond3A_173 = arith.constant 0 : i32
          %cond3A_174 = arith.cmpi ne, %convert_element_type3A_172, %cond3A_173 : i32
          scf.if %cond3A_174 {
            %dma_start3A_327 = arith.constant 3 : i32
            %dma_start3A_328 = arith.constant 3 : i32
            %dma_start3A_329 = arith.constant 0 : i32
            %dma_start3A_330 = arith.constant 0 : i32
            %dma_start3A_331 = tpu.memref_slice %arg9[%dma_start3A_327, %dma_start3A_329, %dma_start3A_330] : memref<4x64x128xf32, #tpu.memory_space<vmem>> -> memref<1x64x128xf32, #tpu.memory_space<vmem>>
            %dma_start3A_332 = tpu.memref_squeeze %dma_start3A_331 : memref<1x64x128xf32, #tpu.memory_space<vmem>> -> memref<64x128xf32, #tpu.memory_space<vmem>>
            %dma_start3A_333 = arith.constant 0 : i32
            %dma_start3A_334 = tpu.memref_slice %arg7[%sub3A_169, %dma_start3A_333] : memref<32x64xi32, #tpu.memory_space<vmem>> -> memref<1x64xi32, #tpu.memory_space<vmem>>
            %dma_start3A_335 = tpu.memref_squeeze %dma_start3A_334 : memref<1x64xi32, #tpu.memory_space<vmem>> -> memref<64xi32, #tpu.memory_space<vmem>>
            %dma_start3A_336 = arith.constant 0 : i32
            %dma_start3A_337 = arith.constant 0 : i32
            %dma_start3A_338 = tpu.memref_slice %arg2[%dma_start3A_336, %dma_start3A_337] : memref<10240x128xf32, #tpu.memory_space<hbm>> -> memref<10240x128xf32, #tpu.memory_space<hbm>>
            %dma_start3A_339 = tpu.memref_slice %arg11[%dma_start3A_328] : memref<4x!tpu.dma_semaphore, #tpu.memory_space<semaphore_mem>> -> memref<1x!tpu.dma_semaphore, #tpu.memory_space<semaphore_mem>>
            %dma_start3A_340 = tpu.memref_squeeze %dma_start3A_339 : memref<1x!tpu.dma_semaphore, #tpu.memory_space<semaphore_mem>> -> memref<!tpu.dma_semaphore, #tpu.memory_space<semaphore_mem>>
            tpu.enqueue_indirect_dma source(%dma_start3A_338 : memref<10240x128xf32, #tpu.memory_space<hbm>>) target(%dma_start3A_332 : memref<64x128xf32, #tpu.memory_space<vmem>>) offsets(%dma_start3A_335 : memref<64xi32, #tpu.memory_space<vmem>>) semaphore(%dma_start3A_340 : memref<!tpu.dma_semaphore, #tpu.memory_space<semaphore_mem>>)
          } else {
          }
          %ge3A = arith.constant 1 : i32
          %ge3A_175 = arith.cmpi sge, %add3A_138, %ge3A : i32
          %lt3A = arith.constant 32 : i32
          %lt3A_176 = arith.cmpi slt, %sub3A_169, %lt3A : i32
          %and3A = arith.andi %ge3A_175, %lt3A_176 : i1
          %convert_element_type3A_177 = arith.extui %and3A : i1 to i32
          %cond3A_178 = arith.constant 0 : i32
          %cond3A_179 = arith.cmpi ne, %convert_element_type3A_177, %cond3A_178 : i32
          scf.if %cond3A_179 {
            %sub3A_327 = arith.constant 1 : i32
            %sub3A_328 = arith.subi %add3A_138, %sub3A_327 : i32
            %dma_wait3A_329 = arith.constant 3 : i32
            %dma_wait3A_330 = arith.constant 3 : i32
            %dma_wait3A_331 = arith.constant 0 : i32
            %dma_wait3A_332 = arith.constant 0 : i32
            %dma_wait3A_333 = tpu.memref_slice %arg9[%dma_wait3A_329, %dma_wait3A_331, %dma_wait3A_332] : memref<4x64x128xf32, #tpu.memory_space<vmem>> -> memref<1x64x128xf32, #tpu.memory_space<vmem>>
            %dma_wait3A_334 = tpu.memref_squeeze %dma_wait3A_333 : memref<1x64x128xf32, #tpu.memory_space<vmem>> -> memref<64x128xf32, #tpu.memory_space<vmem>>
            %dma_wait3A_335 = arith.constant 0 : i32
            %dma_wait3A_336 = tpu.memref_slice %arg8[%sub3A_328, %dma_wait3A_335] : memref<32x64xi32, #tpu.memory_space<vmem>> -> memref<1x64xi32, #tpu.memory_space<vmem>>
            %dma_wait3A_337 = tpu.memref_squeeze %dma_wait3A_336 : memref<1x64xi32, #tpu.memory_space<vmem>> -> memref<64xi32, #tpu.memory_space<vmem>>
            %dma_wait3A_338 = arith.constant 0 : i32
            %dma_wait3A_339 = arith.constant 0 : i32
            %dma_wait3A_340 = tpu.memref_slice %arg10[%dma_wait3A_338, %dma_wait3A_339] : memref<10240x128xf32, #tpu.memory_space<vmem_shared>> -> memref<10240x128xf32, #tpu.memory_space<vmem_shared>>
            %dma_wait3A_341 = tpu.memref_slice %arg12[%dma_wait3A_330] : memref<4x!tpu.dma_semaphore, #tpu.memory_space<semaphore_mem>> -> memref<1x!tpu.dma_semaphore, #tpu.memory_space<semaphore_mem>>
            %dma_wait3A_342 = tpu.memref_squeeze %dma_wait3A_341 : memref<1x!tpu.dma_semaphore, #tpu.memory_space<semaphore_mem>> -> memref<!tpu.dma_semaphore, #tpu.memory_space<semaphore_mem>>
            tpu.wait_indirect_dma semaphore(%dma_wait3A_342 : memref<!tpu.dma_semaphore, #tpu.memory_space<semaphore_mem>>) src(%dma_wait3A_334 : memref<64x128xf32, #tpu.memory_space<vmem>>) dst(%dma_wait3A_340 : memref<10240x128xf32, #tpu.memory_space<vmem_shared>>)
            %dma_start3A_343 = arith.constant 3 : i32
            %dma_start3A_344 = arith.constant 3 : i32
            %dma_start3A_345 = arith.constant 0 : i32
            %dma_start3A_346 = arith.constant 0 : i32
            %dma_start3A_347 = tpu.memref_slice %arg9[%dma_start3A_343, %dma_start3A_345, %dma_start3A_346] : memref<4x64x128xf32, #tpu.memory_space<vmem>> -> memref<1x64x128xf32, #tpu.memory_space<vmem>>
            %dma_start3A_348 = tpu.memref_squeeze %dma_start3A_347 : memref<1x64x128xf32, #tpu.memory_space<vmem>> -> memref<64x128xf32, #tpu.memory_space<vmem>>
            %dma_start3A_349 = arith.constant 0 : i32
            %dma_start3A_350 = tpu.memref_slice %arg7[%sub3A_169, %dma_start3A_349] : memref<32x64xi32, #tpu.memory_space<vmem>> -> memref<1x64xi32, #tpu.memory_space<vmem>>
            %dma_start3A_351 = tpu.memref_squeeze %dma_start3A_350 : memref<1x64xi32, #tpu.memory_space<vmem>> -> memref<64xi32, #tpu.memory_space<vmem>>
            %dma_start3A_352 = arith.constant 0 : i32
            %dma_start3A_353 = arith.constant 0 : i32
            %dma_start3A_354 = tpu.memref_slice %arg2[%dma_start3A_352, %dma_start3A_353] : memref<10240x128xf32, #tpu.memory_space<hbm>> -> memref<10240x128xf32, #tpu.memory_space<hbm>>
            %dma_start3A_355 = tpu.memref_slice %arg11[%dma_start3A_344] : memref<4x!tpu.dma_semaphore, #tpu.memory_space<semaphore_mem>> -> memref<1x!tpu.dma_semaphore, #tpu.memory_space<semaphore_mem>>
            %dma_start3A_356 = tpu.memref_squeeze %dma_start3A_355 : memref<1x!tpu.dma_semaphore, #tpu.memory_space<semaphore_mem>> -> memref<!tpu.dma_semaphore, #tpu.memory_space<semaphore_mem>>
            tpu.enqueue_indirect_dma source(%dma_start3A_354 : memref<10240x128xf32, #tpu.memory_space<hbm>>) target(%dma_start3A_348 : memref<64x128xf32, #tpu.memory_space<vmem>>) offsets(%dma_start3A_351 : memref<64xi32, #tpu.memory_space<vmem>>) semaphore(%dma_start3A_356 : memref<!tpu.dma_semaphore, #tpu.memory_space<semaphore_mem>>)
          } else {
          }
          %mul3A_180 = arith.constant 4 : i32
          %mul3A_181 = arith.muli %scan3A_134, %mul3A_180 : i32
          %add3A_182 = arith.constant 1 : i32
          %add3A_183 = arith.addi %mul3A_181, %add3A_182 : i32
          %dma_wait3A_184 = arith.constant 1 : i32
          %dma_wait3A_185 = arith.constant 1 : i32
          %dma_wait3A_186 = arith.constant 0 : i32
          %dma_wait3A_187 = arith.constant 0 : i32
          %dma_wait3A_188 = tpu.memref_slice %arg9[%dma_wait3A_184, %dma_wait3A_186, %dma_wait3A_187] : memref<4x64x128xf32, #tpu.memory_space<vmem>> -> memref<1x64x128xf32, #tpu.memory_space<vmem>>
          %dma_wait3A_189 = tpu.memref_squeeze %dma_wait3A_188 : memref<1x64x128xf32, #tpu.memory_space<vmem>> -> memref<64x128xf32, #tpu.memory_space<vmem>>
          %dma_wait3A_190 = arith.constant 0 : i32
          %dma_wait3A_191 = tpu.memref_slice %arg7[%add3A_183, %dma_wait3A_190] : memref<32x64xi32, #tpu.memory_space<vmem>> -> memref<1x64xi32, #tpu.memory_space<vmem>>
          %dma_wait3A_192 = tpu.memref_squeeze %dma_wait3A_191 : memref<1x64xi32, #tpu.memory_space<vmem>> -> memref<64xi32, #tpu.memory_space<vmem>>
          %dma_wait3A_193 = arith.constant 0 : i32
          %dma_wait3A_194 = arith.constant 0 : i32
          %dma_wait3A_195 = tpu.memref_slice %arg2[%dma_wait3A_193, %dma_wait3A_194] : memref<10240x128xf32, #tpu.memory_space<hbm>> -> memref<10240x128xf32, #tpu.memory_space<hbm>>
          %dma_wait3A_196 = tpu.memref_slice %arg11[%dma_wait3A_185] : memref<4x!tpu.dma_semaphore, #tpu.memory_space<semaphore_mem>> -> memref<1x!tpu.dma_semaphore, #tpu.memory_space<semaphore_mem>>
          %dma_wait3A_197 = tpu.memref_squeeze %dma_wait3A_196 : memref<1x!tpu.dma_semaphore, #tpu.memory_space<semaphore_mem>> -> memref<!tpu.dma_semaphore, #tpu.memory_space<semaphore_mem>>
          tpu.wait_indirect_dma semaphore(%dma_wait3A_197 : memref<!tpu.dma_semaphore, #tpu.memory_space<semaphore_mem>>) src(%dma_wait3A_195 : memref<10240x128xf32, #tpu.memory_space<hbm>>) dst(%dma_wait3A_189 : memref<64x128xf32, #tpu.memory_space<vmem>>)
          %dma_start3A_198 = arith.constant 1 : i32
          %dma_start3A_199 = arith.constant 1 : i32
          %dma_start3A_200 = arith.constant 0 : i32
          %dma_start3A_201 = arith.constant 0 : i32
          %dma_start3A_202 = tpu.memref_slice %arg9[%dma_start3A_198, %dma_start3A_200, %dma_start3A_201] : memref<4x64x128xf32, #tpu.memory_space<vmem>> -> memref<1x64x128xf32, #tpu.memory_space<vmem>>
          %dma_start3A_203 = tpu.memref_squeeze %dma_start3A_202 : memref<1x64x128xf32, #tpu.memory_space<vmem>> -> memref<64x128xf32, #tpu.memory_space<vmem>>
          %dma_start3A_204 = arith.constant 0 : i32
          %dma_start3A_205 = tpu.memref_slice %arg8[%add3A_183, %dma_start3A_204] : memref<32x64xi32, #tpu.memory_space<vmem>> -> memref<1x64xi32, #tpu.memory_space<vmem>>
          %dma_start3A_206 = tpu.memref_squeeze %dma_start3A_205 : memref<1x64xi32, #tpu.memory_space<vmem>> -> memref<64xi32, #tpu.memory_space<vmem>>
          %dma_start3A_207 = arith.constant 0 : i32
          %dma_start3A_208 = arith.constant 0 : i32
          %dma_start3A_209 = tpu.memref_slice %arg10[%dma_start3A_207, %dma_start3A_208] : memref<10240x128xf32, #tpu.memory_space<vmem_shared>> -> memref<10240x128xf32, #tpu.memory_space<vmem_shared>>
          %dma_start3A_210 = tpu.memref_slice %arg12[%dma_start3A_199] : memref<4x!tpu.dma_semaphore, #tpu.memory_space<semaphore_mem>> -> memref<1x!tpu.dma_semaphore, #tpu.memory_space<semaphore_mem>>
          %dma_start3A_211 = tpu.memref_squeeze %dma_start3A_210 : memref<1x!tpu.dma_semaphore, #tpu.memory_space<semaphore_mem>> -> memref<!tpu.dma_semaphore, #tpu.memory_space<semaphore_mem>>
          tpu.enqueue_indirect_dma source(%dma_start3A_203 : memref<64x128xf32, #tpu.memory_space<vmem>>) target(%dma_start3A_209 : memref<10240x128xf32, #tpu.memory_space<vmem_shared>>) offsets(%dma_start3A_206 : memref<64xi32, #tpu.memory_space<vmem>>) semaphore(%dma_start3A_211 : memref<!tpu.dma_semaphore, #tpu.memory_space<semaphore_mem>>) {add = true}
          %add3A_212 = arith.constant 4 : i32
          %add3A_213 = arith.addi %add3A_183, %add3A_212 : i32
          %sub3A_214 = arith.constant 1 : i32
          %sub3A_215 = arith.subi %add3A_213, %sub3A_214 : i32
          %eq3A_216 = arith.constant 0 : i32
          %eq3A_217 = arith.cmpi eq, %add3A_183, %eq3A_216 : i32
          %convert_element_type3A_218 = arith.extui %eq3A_217 : i1 to i32
          %cond3A_219 = arith.constant 0 : i32
          %cond3A_220 = arith.cmpi ne, %convert_element_type3A_218, %cond3A_219 : i32
          scf.if %cond3A_220 {
            %dma_start3A_327 = arith.constant 0 : i32
            %dma_start3A_328 = arith.constant 0 : i32
            %dma_start3A_329 = arith.constant 0 : i32
            %dma_start3A_330 = arith.constant 0 : i32
            %dma_start3A_331 = tpu.memref_slice %arg9[%dma_start3A_327, %dma_start3A_329, %dma_start3A_330] : memref<4x64x128xf32, #tpu.memory_space<vmem>> -> memref<1x64x128xf32, #tpu.memory_space<vmem>>
            %dma_start3A_332 = tpu.memref_squeeze %dma_start3A_331 : memref<1x64x128xf32, #tpu.memory_space<vmem>> -> memref<64x128xf32, #tpu.memory_space<vmem>>
            %dma_start3A_333 = arith.constant 0 : i32
            %dma_start3A_334 = tpu.memref_slice %arg7[%sub3A_215, %dma_start3A_333] : memref<32x64xi32, #tpu.memory_space<vmem>> -> memref<1x64xi32, #tpu.memory_space<vmem>>
            %dma_start3A_335 = tpu.memref_squeeze %dma_start3A_334 : memref<1x64xi32, #tpu.memory_space<vmem>> -> memref<64xi32, #tpu.memory_space<vmem>>
            %dma_start3A_336 = arith.constant 0 : i32
            %dma_start3A_337 = arith.constant 0 : i32
            %dma_start3A_338 = tpu.memref_slice %arg2[%dma_start3A_336, %dma_start3A_337] : memref<10240x128xf32, #tpu.memory_space<hbm>> -> memref<10240x128xf32, #tpu.memory_space<hbm>>
            %dma_start3A_339 = tpu.memref_slice %arg11[%dma_start3A_328] : memref<4x!tpu.dma_semaphore, #tpu.memory_space<semaphore_mem>> -> memref<1x!tpu.dma_semaphore, #tpu.memory_space<semaphore_mem>>
            %dma_start3A_340 = tpu.memref_squeeze %dma_start3A_339 : memref<1x!tpu.dma_semaphore, #tpu.memory_space<semaphore_mem>> -> memref<!tpu.dma_semaphore, #tpu.memory_space<semaphore_mem>>
            tpu.enqueue_indirect_dma source(%dma_start3A_338 : memref<10240x128xf32, #tpu.memory_space<hbm>>) target(%dma_start3A_332 : memref<64x128xf32, #tpu.memory_space<vmem>>) offsets(%dma_start3A_335 : memref<64xi32, #tpu.memory_space<vmem>>) semaphore(%dma_start3A_340 : memref<!tpu.dma_semaphore, #tpu.memory_space<semaphore_mem>>)
          } else {
          }
          %ge3A_221 = arith.constant 1 : i32
          %ge3A_222 = arith.cmpi sge, %add3A_183, %ge3A_221 : i32
          %lt3A_223 = arith.constant 32 : i32
          %lt3A_224 = arith.cmpi slt, %sub3A_215, %lt3A_223 : i32
          %and3A_225 = arith.andi %ge3A_222, %lt3A_224 : i1
          %convert_element_type3A_226 = arith.extui %and3A_225 : i1 to i32
          %cond3A_227 = arith.constant 0 : i32
          %cond3A_228 = arith.cmpi ne, %convert_element_type3A_226, %cond3A_227 : i32
          scf.if %cond3A_228 {
            %sub3A_327 = arith.constant 1 : i32
            %sub3A_328 = arith.subi %add3A_183, %sub3A_327 : i32
            %dma_wait3A_329 = arith.constant 0 : i32
            %dma_wait3A_330 = arith.constant 0 : i32
            %dma_wait3A_331 = arith.constant 0 : i32
            %dma_wait3A_332 = arith.constant 0 : i32
            %dma_wait3A_333 = tpu.memref_slice %arg9[%dma_wait3A_329, %dma_wait3A_331, %dma_wait3A_332] : memref<4x64x128xf32, #tpu.memory_space<vmem>> -> memref<1x64x128xf32, #tpu.memory_space<vmem>>
            %dma_wait3A_334 = tpu.memref_squeeze %dma_wait3A_333 : memref<1x64x128xf32, #tpu.memory_space<vmem>> -> memref<64x128xf32, #tpu.memory_space<vmem>>
            %dma_wait3A_335 = arith.constant 0 : i32
            %dma_wait3A_336 = tpu.memref_slice %arg8[%sub3A_328, %dma_wait3A_335] : memref<32x64xi32, #tpu.memory_space<vmem>> -> memref<1x64xi32, #tpu.memory_space<vmem>>
            %dma_wait3A_337 = tpu.memref_squeeze %dma_wait3A_336 : memref<1x64xi32, #tpu.memory_space<vmem>> -> memref<64xi32, #tpu.memory_space<vmem>>
            %dma_wait3A_338 = arith.constant 0 : i32
            %dma_wait3A_339 = arith.constant 0 : i32
            %dma_wait3A_340 = tpu.memref_slice %arg10[%dma_wait3A_338, %dma_wait3A_339] : memref<10240x128xf32, #tpu.memory_space<vmem_shared>> -> memref<10240x128xf32, #tpu.memory_space<vmem_shared>>
            %dma_wait3A_341 = tpu.memref_slice %arg12[%dma_wait3A_330] : memref<4x!tpu.dma_semaphore, #tpu.memory_space<semaphore_mem>> -> memref<1x!tpu.dma_semaphore, #tpu.memory_space<semaphore_mem>>
            %dma_wait3A_342 = tpu.memref_squeeze %dma_wait3A_341 : memref<1x!tpu.dma_semaphore, #tpu.memory_space<semaphore_mem>> -> memref<!tpu.dma_semaphore, #tpu.memory_space<semaphore_mem>>
            tpu.wait_indirect_dma semaphore(%dma_wait3A_342 : memref<!tpu.dma_semaphore, #tpu.memory_space<semaphore_mem>>) src(%dma_wait3A_334 : memref<64x128xf32, #tpu.memory_space<vmem>>) dst(%dma_wait3A_340 : memref<10240x128xf32, #tpu.memory_space<vmem_shared>>)
            %dma_start3A_343 = arith.constant 0 : i32
            %dma_start3A_344 = arith.constant 0 : i32
            %dma_start3A_345 = arith.constant 0 : i32
            %dma_start3A_346 = arith.constant 0 : i32
            %dma_start3A_347 = tpu.memref_slice %arg9[%dma_start3A_343, %dma_start3A_345, %dma_start3A_346] : memref<4x64x128xf32, #tpu.memory_space<vmem>> -> memref<1x64x128xf32, #tpu.memory_space<vmem>>
            %dma_start3A_348 = tpu.memref_squeeze %dma_start3A_347 : memref<1x64x128xf32, #tpu.memory_space<vmem>> -> memref<64x128xf32, #tpu.memory_space<vmem>>
            %dma_start3A_349 = arith.constant 0 : i32
            %dma_start3A_350 = tpu.memref_slice %arg7[%sub3A_215, %dma_start3A_349] : memref<32x64xi32, #tpu.memory_space<vmem>> -> memref<1x64xi32, #tpu.memory_space<vmem>>
            %dma_start3A_351 = tpu.memref_squeeze %dma_start3A_350 : memref<1x64xi32, #tpu.memory_space<vmem>> -> memref<64xi32, #tpu.memory_space<vmem>>
            %dma_start3A_352 = arith.constant 0 : i32
            %dma_start3A_353 = arith.constant 0 : i32
            %dma_start3A_354 = tpu.memref_slice %arg2[%dma_start3A_352, %dma_start3A_353] : memref<10240x128xf32, #tpu.memory_space<hbm>> -> memref<10240x128xf32, #tpu.memory_space<hbm>>
            %dma_start3A_355 = tpu.memref_slice %arg11[%dma_start3A_344] : memref<4x!tpu.dma_semaphore, #tpu.memory_space<semaphore_mem>> -> memref<1x!tpu.dma_semaphore, #tpu.memory_space<semaphore_mem>>
            %dma_start3A_356 = tpu.memref_squeeze %dma_start3A_355 : memref<1x!tpu.dma_semaphore, #tpu.memory_space<semaphore_mem>> -> memref<!tpu.dma_semaphore, #tpu.memory_space<semaphore_mem>>
            tpu.enqueue_indirect_dma source(%dma_start3A_354 : memref<10240x128xf32, #tpu.memory_space<hbm>>) target(%dma_start3A_348 : memref<64x128xf32, #tpu.memory_space<vmem>>) offsets(%dma_start3A_351 : memref<64xi32, #tpu.memory_space<vmem>>) semaphore(%dma_start3A_356 : memref<!tpu.dma_semaphore, #tpu.memory_space<semaphore_mem>>)
          } else {
          }
          %mul3A_229 = arith.constant 4 : i32
          %mul3A_230 = arith.muli %scan3A_134, %mul3A_229 : i32
          %add3A_231 = arith.constant 2 : i32
          %add3A_232 = arith.addi %mul3A_230, %add3A_231 : i32
          %dma_wait3A_233 = arith.constant 2 : i32
          %dma_wait3A_234 = arith.constant 2 : i32
          %dma_wait3A_235 = arith.constant 0 : i32
          %dma_wait3A_236 = arith.constant 0 : i32
          %dma_wait3A_237 = tpu.memref_slice %arg9[%dma_wait3A_233, %dma_wait3A_235, %dma_wait3A_236] : memref<4x64x128xf32, #tpu.memory_space<vmem>> -> memref<1x64x128xf32, #tpu.memory_space<vmem>>
          %dma_wait3A_238 = tpu.memref_squeeze %dma_wait3A_237 : memref<1x64x128xf32, #tpu.memory_space<vmem>> -> memref<64x128xf32, #tpu.memory_space<vmem>>
          %dma_wait3A_239 = arith.constant 0 : i32
          %dma_wait3A_240 = tpu.memref_slice %arg7[%add3A_232, %dma_wait3A_239] : memref<32x64xi32, #tpu.memory_space<vmem>> -> memref<1x64xi32, #tpu.memory_space<vmem>>
          %dma_wait3A_241 = tpu.memref_squeeze %dma_wait3A_240 : memref<1x64xi32, #tpu.memory_space<vmem>> -> memref<64xi32, #tpu.memory_space<vmem>>
          %dma_wait3A_242 = arith.constant 0 : i32
          %dma_wait3A_243 = arith.constant 0 : i32
          %dma_wait3A_244 = tpu.memref_slice %arg2[%dma_wait3A_242, %dma_wait3A_243] : memref<10240x128xf32, #tpu.memory_space<hbm>> -> memref<10240x128xf32, #tpu.memory_space<hbm>>
          %dma_wait3A_245 = tpu.memref_slice %arg11[%dma_wait3A_234] : memref<4x!tpu.dma_semaphore, #tpu.memory_space<semaphore_mem>> -> memref<1x!tpu.dma_semaphore, #tpu.memory_space<semaphore_mem>>
          %dma_wait3A_246 = tpu.memref_squeeze %dma_wait3A_245 : memref<1x!tpu.dma_semaphore, #tpu.memory_space<semaphore_mem>> -> memref<!tpu.dma_semaphore, #tpu.memory_space<semaphore_mem>>
          tpu.wait_indirect_dma semaphore(%dma_wait3A_246 : memref<!tpu.dma_semaphore, #tpu.memory_space<semaphore_mem>>) src(%dma_wait3A_244 : memref<10240x128xf32, #tpu.memory_space<hbm>>) dst(%dma_wait3A_238 : memref<64x128xf32, #tpu.memory_space<vmem>>)
          %dma_start3A_247 = arith.constant 2 : i32
          %dma_start3A_248 = arith.constant 2 : i32
          %dma_start3A_249 = arith.constant 0 : i32
          %dma_start3A_250 = arith.constant 0 : i32
          %dma_start3A_251 = tpu.memref_slice %arg9[%dma_start3A_247, %dma_start3A_249, %dma_start3A_250] : memref<4x64x128xf32, #tpu.memory_space<vmem>> -> memref<1x64x128xf32, #tpu.memory_space<vmem>>
          %dma_start3A_252 = tpu.memref_squeeze %dma_start3A_251 : memref<1x64x128xf32, #tpu.memory_space<vmem>> -> memref<64x128xf32, #tpu.memory_space<vmem>>
          %dma_start3A_253 = arith.constant 0 : i32
          %dma_start3A_254 = tpu.memref_slice %arg8[%add3A_232, %dma_start3A_253] : memref<32x64xi32, #tpu.memory_space<vmem>> -> memref<1x64xi32, #tpu.memory_space<vmem>>
          %dma_start3A_255 = tpu.memref_squeeze %dma_start3A_254 : memref<1x64xi32, #tpu.memory_space<vmem>> -> memref<64xi32, #tpu.memory_space<vmem>>
          %dma_start3A_256 = arith.constant 0 : i32
          %dma_start3A_257 = arith.constant 0 : i32
          %dma_start3A_258 = tpu.memref_slice %arg10[%dma_start3A_256, %dma_start3A_257] : memref<10240x128xf32, #tpu.memory_space<vmem_shared>> -> memref<10240x128xf32, #tpu.memory_space<vmem_shared>>
          %dma_start3A_259 = tpu.memref_slice %arg12[%dma_start3A_248] : memref<4x!tpu.dma_semaphore, #tpu.memory_space<semaphore_mem>> -> memref<1x!tpu.dma_semaphore, #tpu.memory_space<semaphore_mem>>
          %dma_start3A_260 = tpu.memref_squeeze %dma_start3A_259 : memref<1x!tpu.dma_semaphore, #tpu.memory_space<semaphore_mem>> -> memref<!tpu.dma_semaphore, #tpu.memory_space<semaphore_mem>>
          tpu.enqueue_indirect_dma source(%dma_start3A_252 : memref<64x128xf32, #tpu.memory_space<vmem>>) target(%dma_start3A_258 : memref<10240x128xf32, #tpu.memory_space<vmem_shared>>) offsets(%dma_start3A_255 : memref<64xi32, #tpu.memory_space<vmem>>) semaphore(%dma_start3A_260 : memref<!tpu.dma_semaphore, #tpu.memory_space<semaphore_mem>>) {add = true}
          %add3A_261 = arith.constant 4 : i32
          %add3A_262 = arith.addi %add3A_232, %add3A_261 : i32
          %sub3A_263 = arith.constant 1 : i32
          %sub3A_264 = arith.subi %add3A_262, %sub3A_263 : i32
          %eq3A_265 = arith.constant 0 : i32
          %eq3A_266 = arith.cmpi eq, %add3A_232, %eq3A_265 : i32
          %convert_element_type3A_267 = arith.extui %eq3A_266 : i1 to i32
          %cond3A_268 = arith.constant 0 : i32
          %cond3A_269 = arith.cmpi ne, %convert_element_type3A_267, %cond3A_268 : i32
          scf.if %cond3A_269 {
            %dma_start3A_327 = arith.constant 1 : i32
            %dma_start3A_328 = arith.constant 1 : i32
            %dma_start3A_329 = arith.constant 0 : i32
            %dma_start3A_330 = arith.constant 0 : i32
            %dma_start3A_331 = tpu.memref_slice %arg9[%dma_start3A_327, %dma_start3A_329, %dma_start3A_330] : memref<4x64x128xf32, #tpu.memory_space<vmem>> -> memref<1x64x128xf32, #tpu.memory_space<vmem>>
            %dma_start3A_332 = tpu.memref_squeeze %dma_start3A_331 : memref<1x64x128xf32, #tpu.memory_space<vmem>> -> memref<64x128xf32, #tpu.memory_space<vmem>>
            %dma_start3A_333 = arith.constant 0 : i32
            %dma_start3A_334 = tpu.memref_slice %arg7[%sub3A_264, %dma_start3A_333] : memref<32x64xi32, #tpu.memory_space<vmem>> -> memref<1x64xi32, #tpu.memory_space<vmem>>
            %dma_start3A_335 = tpu.memref_squeeze %dma_start3A_334 : memref<1x64xi32, #tpu.memory_space<vmem>> -> memref<64xi32, #tpu.memory_space<vmem>>
            %dma_start3A_336 = arith.constant 0 : i32
            %dma_start3A_337 = arith.constant 0 : i32
            %dma_start3A_338 = tpu.memref_slice %arg2[%dma_start3A_336, %dma_start3A_337] : memref<10240x128xf32, #tpu.memory_space<hbm>> -> memref<10240x128xf32, #tpu.memory_space<hbm>>
            %dma_start3A_339 = tpu.memref_slice %arg11[%dma_start3A_328] : memref<4x!tpu.dma_semaphore, #tpu.memory_space<semaphore_mem>> -> memref<1x!tpu.dma_semaphore, #tpu.memory_space<semaphore_mem>>
            %dma_start3A_340 = tpu.memref_squeeze %dma_start3A_339 : memref<1x!tpu.dma_semaphore, #tpu.memory_space<semaphore_mem>> -> memref<!tpu.dma_semaphore, #tpu.memory_space<semaphore_mem>>
            tpu.enqueue_indirect_dma source(%dma_start3A_338 : memref<10240x128xf32, #tpu.memory_space<hbm>>) target(%dma_start3A_332 : memref<64x128xf32, #tpu.memory_space<vmem>>) offsets(%dma_start3A_335 : memref<64xi32, #tpu.memory_space<vmem>>) semaphore(%dma_start3A_340 : memref<!tpu.dma_semaphore, #tpu.memory_space<semaphore_mem>>)
          } else {
          }
          %ge3A_270 = arith.constant 1 : i32
          %ge3A_271 = arith.cmpi sge, %add3A_232, %ge3A_270 : i32
          %lt3A_272 = arith.constant 32 : i32
          %lt3A_273 = arith.cmpi slt, %sub3A_264, %lt3A_272 : i32
          %and3A_274 = arith.andi %ge3A_271, %lt3A_273 : i1
          %convert_element_type3A_275 = arith.extui %and3A_274 : i1 to i32
          %cond3A_276 = arith.constant 0 : i32
          %cond3A_277 = arith.cmpi ne, %convert_element_type3A_275, %cond3A_276 : i32
          scf.if %cond3A_277 {
            %sub3A_327 = arith.constant 1 : i32
            %sub3A_328 = arith.subi %add3A_232, %sub3A_327 : i32
            %dma_wait3A_329 = arith.constant 1 : i32
            %dma_wait3A_330 = arith.constant 1 : i32
            %dma_wait3A_331 = arith.constant 0 : i32
            %dma_wait3A_332 = arith.constant 0 : i32
            %dma_wait3A_333 = tpu.memref_slice %arg9[%dma_wait3A_329, %dma_wait3A_331, %dma_wait3A_332] : memref<4x64x128xf32, #tpu.memory_space<vmem>> -> memref<1x64x128xf32, #tpu.memory_space<vmem>>
            %dma_wait3A_334 = tpu.memref_squeeze %dma_wait3A_333 : memref<1x64x128xf32, #tpu.memory_space<vmem>> -> memref<64x128xf32, #tpu.memory_space<vmem>>
            %dma_wait3A_335 = arith.constant 0 : i32
            %dma_wait3A_336 = tpu.memref_slice %arg8[%sub3A_328, %dma_wait3A_335] : memref<32x64xi32, #tpu.memory_space<vmem>> -> memref<1x64xi32, #tpu.memory_space<vmem>>
            %dma_wait3A_337 = tpu.memref_squeeze %dma_wait3A_336 : memref<1x64xi32, #tpu.memory_space<vmem>> -> memref<64xi32, #tpu.memory_space<vmem>>
            %dma_wait3A_338 = arith.constant 0 : i32
            %dma_wait3A_339 = arith.constant 0 : i32
            %dma_wait3A_340 = tpu.memref_slice %arg10[%dma_wait3A_338, %dma_wait3A_339] : memref<10240x128xf32, #tpu.memory_space<vmem_shared>> -> memref<10240x128xf32, #tpu.memory_space<vmem_shared>>
            %dma_wait3A_341 = tpu.memref_slice %arg12[%dma_wait3A_330] : memref<4x!tpu.dma_semaphore, #tpu.memory_space<semaphore_mem>> -> memref<1x!tpu.dma_semaphore, #tpu.memory_space<semaphore_mem>>
            %dma_wait3A_342 = tpu.memref_squeeze %dma_wait3A_341 : memref<1x!tpu.dma_semaphore, #tpu.memory_space<semaphore_mem>> -> memref<!tpu.dma_semaphore, #tpu.memory_space<semaphore_mem>>
            tpu.wait_indirect_dma semaphore(%dma_wait3A_342 : memref<!tpu.dma_semaphore, #tpu.memory_space<semaphore_mem>>) src(%dma_wait3A_334 : memref<64x128xf32, #tpu.memory_space<vmem>>) dst(%dma_wait3A_340 : memref<10240x128xf32, #tpu.memory_space<vmem_shared>>)
            %dma_start3A_343 = arith.constant 1 : i32
            %dma_start3A_344 = arith.constant 1 : i32
            %dma_start3A_345 = arith.constant 0 : i32
            %dma_start3A_346 = arith.constant 0 : i32
            %dma_start3A_347 = tpu.memref_slice %arg9[%dma_start3A_343, %dma_start3A_345, %dma_start3A_346] : memref<4x64x128xf32, #tpu.memory_space<vmem>> -> memref<1x64x128xf32, #tpu.memory_space<vmem>>
            %dma_start3A_348 = tpu.memref_squeeze %dma_start3A_347 : memref<1x64x128xf32, #tpu.memory_space<vmem>> -> memref<64x128xf32, #tpu.memory_space<vmem>>
            %dma_start3A_349 = arith.constant 0 : i32
            %dma_start3A_350 = tpu.memref_slice %arg7[%sub3A_264, %dma_start3A_349] : memref<32x64xi32, #tpu.memory_space<vmem>> -> memref<1x64xi32, #tpu.memory_space<vmem>>
            %dma_start3A_351 = tpu.memref_squeeze %dma_start3A_350 : memref<1x64xi32, #tpu.memory_space<vmem>> -> memref<64xi32, #tpu.memory_space<vmem>>
            %dma_start3A_352 = arith.constant 0 : i32
            %dma_start3A_353 = arith.constant 0 : i32
            %dma_start3A_354 = tpu.memref_slice %arg2[%dma_start3A_352, %dma_start3A_353] : memref<10240x128xf32, #tpu.memory_space<hbm>> -> memref<10240x128xf32, #tpu.memory_space<hbm>>
            %dma_start3A_355 = tpu.memref_slice %arg11[%dma_start3A_344] : memref<4x!tpu.dma_semaphore, #tpu.memory_space<semaphore_mem>> -> memref<1x!tpu.dma_semaphore, #tpu.memory_space<semaphore_mem>>
            %dma_start3A_356 = tpu.memref_squeeze %dma_start3A_355 : memref<1x!tpu.dma_semaphore, #tpu.memory_space<semaphore_mem>> -> memref<!tpu.dma_semaphore, #tpu.memory_space<semaphore_mem>>
            tpu.enqueue_indirect_dma source(%dma_start3A_354 : memref<10240x128xf32, #tpu.memory_space<hbm>>) target(%dma_start3A_348 : memref<64x128xf32, #tpu.memory_space<vmem>>) offsets(%dma_start3A_351 : memref<64xi32, #tpu.memory_space<vmem>>) semaphore(%dma_start3A_356 : memref<!tpu.dma_semaphore, #tpu.memory_space<semaphore_mem>>)
          } else {
          }
          %mul3A_278 = arith.constant 4 : i32
          %mul3A_279 = arith.muli %scan3A_134, %mul3A_278 : i32
          %add3A_280 = arith.constant 3 : i32
          %add3A_281 = arith.addi %mul3A_279, %add3A_280 : i32
          %dma_wait3A_282 = arith.constant 3 : i32
          %dma_wait3A_283 = arith.constant 3 : i32
          %dma_wait3A_284 = arith.constant 0 : i32
          %dma_wait3A_285 = arith.constant 0 : i32
          %dma_wait3A_286 = tpu.memref_slice %arg9[%dma_wait3A_282, %dma_wait3A_284, %dma_wait3A_285] : memref<4x64x128xf32, #tpu.memory_space<vmem>> -> memref<1x64x128xf32, #tpu.memory_space<vmem>>
          %dma_wait3A_287 = tpu.memref_squeeze %dma_wait3A_286 : memref<1x64x128xf32, #tpu.memory_space<vmem>> -> memref<64x128xf32, #tpu.memory_space<vmem>>
          %dma_wait3A_288 = arith.constant 0 : i32
          %dma_wait3A_289 = tpu.memref_slice %arg7[%add3A_281, %dma_wait3A_288] : memref<32x64xi32, #tpu.memory_space<vmem>> -> memref<1x64xi32, #tpu.memory_space<vmem>>
          %dma_wait3A_290 = tpu.memref_squeeze %dma_wait3A_289 : memref<1x64xi32, #tpu.memory_space<vmem>> -> memref<64xi32, #tpu.memory_space<vmem>>
          %dma_wait3A_291 = arith.constant 0 : i32
          %dma_wait3A_292 = arith.constant 0 : i32
          %dma_wait3A_293 = tpu.memref_slice %arg2[%dma_wait3A_291, %dma_wait3A_292] : memref<10240x128xf32, #tpu.memory_space<hbm>> -> memref<10240x128xf32, #tpu.memory_space<hbm>>
          %dma_wait3A_294 = tpu.memref_slice %arg11[%dma_wait3A_283] : memref<4x!tpu.dma_semaphore, #tpu.memory_space<semaphore_mem>> -> memref<1x!tpu.dma_semaphore, #tpu.memory_space<semaphore_mem>>
          %dma_wait3A_295 = tpu.memref_squeeze %dma_wait3A_294 : memref<1x!tpu.dma_semaphore, #tpu.memory_space<semaphore_mem>> -> memref<!tpu.dma_semaphore, #tpu.memory_space<semaphore_mem>>
          tpu.wait_indirect_dma semaphore(%dma_wait3A_295 : memref<!tpu.dma_semaphore, #tpu.memory_space<semaphore_mem>>) src(%dma_wait3A_293 : memref<10240x128xf32, #tpu.memory_space<hbm>>) dst(%dma_wait3A_287 : memref<64x128xf32, #tpu.memory_space<vmem>>)
          %dma_start3A_296 = arith.constant 3 : i32
          %dma_start3A_297 = arith.constant 3 : i32
          %dma_start3A_298 = arith.constant 0 : i32
          %dma_start3A_299 = arith.constant 0 : i32
          %dma_start3A_300 = tpu.memref_slice %arg9[%dma_start3A_296, %dma_start3A_298, %dma_start3A_299] : memref<4x64x128xf32, #tpu.memory_space<vmem>> -> memref<1x64x128xf32, #tpu.memory_space<vmem>>
          %dma_start3A_301 = tpu.memref_squeeze %dma_start3A_300 : memref<1x64x128xf32, #tpu.memory_space<vmem>> -> memref<64x128xf32, #tpu.memory_space<vmem>>
          %dma_start3A_302 = arith.constant 0 : i32
          %dma_start3A_303 = tpu.memref_slice %arg8[%add3A_281, %dma_start3A_302] : memref<32x64xi32, #tpu.memory_space<vmem>> -> memref<1x64xi32, #tpu.memory_space<vmem>>
          %dma_start3A_304 = tpu.memref_squeeze %dma_start3A_303 : memref<1x64xi32, #tpu.memory_space<vmem>> -> memref<64xi32, #tpu.memory_space<vmem>>
          %dma_start3A_305 = arith.constant 0 : i32
          %dma_start3A_306 = arith.constant 0 : i32
          %dma_start3A_307 = tpu.memref_slice %arg10[%dma_start3A_305, %dma_start3A_306] : memref<10240x128xf32, #tpu.memory_space<vmem_shared>> -> memref<10240x128xf32, #tpu.memory_space<vmem_shared>>
          %dma_start3A_308 = tpu.memref_slice %arg12[%dma_start3A_297] : memref<4x!tpu.dma_semaphore, #tpu.memory_space<semaphore_mem>> -> memref<1x!tpu.dma_semaphore, #tpu.memory_space<semaphore_mem>>
          %dma_start3A_309 = tpu.memref_squeeze %dma_start3A_308 : memref<1x!tpu.dma_semaphore, #tpu.memory_space<semaphore_mem>> -> memref<!tpu.dma_semaphore, #tpu.memory_space<semaphore_mem>>
          tpu.enqueue_indirect_dma source(%dma_start3A_301 : memref<64x128xf32, #tpu.memory_space<vmem>>) target(%dma_start3A_307 : memref<10240x128xf32, #tpu.memory_space<vmem_shared>>) offsets(%dma_start3A_304 : memref<64xi32, #tpu.memory_space<vmem>>) semaphore(%dma_start3A_309 : memref<!tpu.dma_semaphore, #tpu.memory_space<semaphore_mem>>) {add = true}
          %add3A_310 = arith.constant 4 : i32
          %add3A_311 = arith.addi %add3A_281, %add3A_310 : i32
          %sub3A_312 = arith.constant 1 : i32
          %sub3A_313 = arith.subi %add3A_311, %sub3A_312 : i32
          %eq3A_314 = arith.constant 0 : i32
          %eq3A_315 = arith.cmpi eq, %add3A_281, %eq3A_314 : i32
          %convert_element_type3A_316 = arith.extui %eq3A_315 : i1 to i32
          %cond3A_317 = arith.constant 0 : i32
          %cond3A_318 = arith.cmpi ne, %convert_element_type3A_316, %cond3A_317 : i32
          scf.if %cond3A_318 {
            %dma_start3A_327 = arith.constant 2 : i32
            %dma_start3A_328 = arith.constant 2 : i32
            %dma_start3A_329 = arith.constant 0 : i32
            %dma_start3A_330 = arith.constant 0 : i32
            %dma_start3A_331 = tpu.memref_slice %arg9[%dma_start3A_327, %dma_start3A_329, %dma_start3A_330] : memref<4x64x128xf32, #tpu.memory_space<vmem>> -> memref<1x64x128xf32, #tpu.memory_space<vmem>>
            %dma_start3A_332 = tpu.memref_squeeze %dma_start3A_331 : memref<1x64x128xf32, #tpu.memory_space<vmem>> -> memref<64x128xf32, #tpu.memory_space<vmem>>
            %dma_start3A_333 = arith.constant 0 : i32
            %dma_start3A_334 = tpu.memref_slice %arg7[%sub3A_313, %dma_start3A_333] : memref<32x64xi32, #tpu.memory_space<vmem>> -> memref<1x64xi32, #tpu.memory_space<vmem>>
            %dma_start3A_335 = tpu.memref_squeeze %dma_start3A_334 : memref<1x64xi32, #tpu.memory_space<vmem>> -> memref<64xi32, #tpu.memory_space<vmem>>
            %dma_start3A_336 = arith.constant 0 : i32
            %dma_start3A_337 = arith.constant 0 : i32
            %dma_start3A_338 = tpu.memref_slice %arg2[%dma_start3A_336, %dma_start3A_337] : memref<10240x128xf32, #tpu.memory_space<hbm>> -> memref<10240x128xf32, #tpu.memory_space<hbm>>
            %dma_start3A_339 = tpu.memref_slice %arg11[%dma_start3A_328] : memref<4x!tpu.dma_semaphore, #tpu.memory_space<semaphore_mem>> -> memref<1x!tpu.dma_semaphore, #tpu.memory_space<semaphore_mem>>
            %dma_start3A_340 = tpu.memref_squeeze %dma_start3A_339 : memref<1x!tpu.dma_semaphore, #tpu.memory_space<semaphore_mem>> -> memref<!tpu.dma_semaphore, #tpu.memory_space<semaphore_mem>>
            tpu.enqueue_indirect_dma source(%dma_start3A_338 : memref<10240x128xf32, #tpu.memory_space<hbm>>) target(%dma_start3A_332 : memref<64x128xf32, #tpu.memory_space<vmem>>) offsets(%dma_start3A_335 : memref<64xi32, #tpu.memory_space<vmem>>) semaphore(%dma_start3A_340 : memref<!tpu.dma_semaphore, #tpu.memory_space<semaphore_mem>>)
          } else {
          }
          %ge3A_319 = arith.constant 1 : i32
          %ge3A_320 = arith.cmpi sge, %add3A_281, %ge3A_319 : i32
          %lt3A_321 = arith.constant 32 : i32
          %lt3A_322 = arith.cmpi slt, %sub3A_313, %lt3A_321 : i32
          %and3A_323 = arith.andi %ge3A_320, %lt3A_322 : i1
          %convert_element_type3A_324 = arith.extui %and3A_323 : i1 to i32
          %cond3A_325 = arith.constant 0 : i32
          %cond3A_326 = arith.cmpi ne, %convert_element_type3A_324, %cond3A_325 : i32
          scf.if %cond3A_326 {
            %sub3A_327 = arith.constant 1 : i32
            %sub3A_328 = arith.subi %add3A_281, %sub3A_327 : i32
            %dma_wait3A_329 = arith.constant 2 : i32
            %dma_wait3A_330 = arith.constant 2 : i32
            %dma_wait3A_331 = arith.constant 0 : i32
            %dma_wait3A_332 = arith.constant 0 : i32
            %dma_wait3A_333 = tpu.memref_slice %arg9[%dma_wait3A_329, %dma_wait3A_331, %dma_wait3A_332] : memref<4x64x128xf32, #tpu.memory_space<vmem>> -> memref<1x64x128xf32, #tpu.memory_space<vmem>>
            %dma_wait3A_334 = tpu.memref_squeeze %dma_wait3A_333 : memref<1x64x128xf32, #tpu.memory_space<vmem>> -> memref<64x128xf32, #tpu.memory_space<vmem>>
            %dma_wait3A_335 = arith.constant 0 : i32
            %dma_wait3A_336 = tpu.memref_slice %arg8[%sub3A_328, %dma_wait3A_335] : memref<32x64xi32, #tpu.memory_space<vmem>> -> memref<1x64xi32, #tpu.memory_space<vmem>>
            %dma_wait3A_337 = tpu.memref_squeeze %dma_wait3A_336 : memref<1x64xi32, #tpu.memory_space<vmem>> -> memref<64xi32, #tpu.memory_space<vmem>>
            %dma_wait3A_338 = arith.constant 0 : i32
            %dma_wait3A_339 = arith.constant 0 : i32
            %dma_wait3A_340 = tpu.memref_slice %arg10[%dma_wait3A_338, %dma_wait3A_339] : memref<10240x128xf32, #tpu.memory_space<vmem_shared>> -> memref<10240x128xf32, #tpu.memory_space<vmem_shared>>
            %dma_wait3A_341 = tpu.memref_slice %arg12[%dma_wait3A_330] : memref<4x!tpu.dma_semaphore, #tpu.memory_space<semaphore_mem>> -> memref<1x!tpu.dma_semaphore, #tpu.memory_space<semaphore_mem>>
            %dma_wait3A_342 = tpu.memref_squeeze %dma_wait3A_341 : memref<1x!tpu.dma_semaphore, #tpu.memory_space<semaphore_mem>> -> memref<!tpu.dma_semaphore, #tpu.memory_space<semaphore_mem>>
            tpu.wait_indirect_dma semaphore(%dma_wait3A_342 : memref<!tpu.dma_semaphore, #tpu.memory_space<semaphore_mem>>) src(%dma_wait3A_334 : memref<64x128xf32, #tpu.memory_space<vmem>>) dst(%dma_wait3A_340 : memref<10240x128xf32, #tpu.memory_space<vmem_shared>>)
            %dma_start3A_343 = arith.constant 2 : i32
            %dma_start3A_344 = arith.constant 2 : i32
            %dma_start3A_345 = arith.constant 0 : i32
            %dma_start3A_346 = arith.constant 0 : i32
            %dma_start3A_347 = tpu.memref_slice %arg9[%dma_start3A_343, %dma_start3A_345, %dma_start3A_346] : memref<4x64x128xf32, #tpu.memory_space<vmem>> -> memref<1x64x128xf32, #tpu.memory_space<vmem>>
            %dma_start3A_348 = tpu.memref_squeeze %dma_start3A_347 : memref<1x64x128xf32, #tpu.memory_space<vmem>> -> memref<64x128xf32, #tpu.memory_space<vmem>>
            %dma_start3A_349 = arith.constant 0 : i32
            %dma_start3A_350 = tpu.memref_slice %arg7[%sub3A_313, %dma_start3A_349] : memref<32x64xi32, #tpu.memory_space<vmem>> -> memref<1x64xi32, #tpu.memory_space<vmem>>
            %dma_start3A_351 = tpu.memref_squeeze %dma_start3A_350 : memref<1x64xi32, #tpu.memory_space<vmem>> -> memref<64xi32, #tpu.memory_space<vmem>>
            %dma_start3A_352 = arith.constant 0 : i32
            %dma_start3A_353 = arith.constant 0 : i32
            %dma_start3A_354 = tpu.memref_slice %arg2[%dma_start3A_352, %dma_start3A_353] : memref<10240x128xf32, #tpu.memory_space<hbm>> -> memref<10240x128xf32, #tpu.memory_space<hbm>>
            %dma_start3A_355 = tpu.memref_slice %arg11[%dma_start3A_344] : memref<4x!tpu.dma_semaphore, #tpu.memory_space<semaphore_mem>> -> memref<1x!tpu.dma_semaphore, #tpu.memory_space<semaphore_mem>>
            %dma_start3A_356 = tpu.memref_squeeze %dma_start3A_355 : memref<1x!tpu.dma_semaphore, #tpu.memory_space<semaphore_mem>> -> memref<!tpu.dma_semaphore, #tpu.memory_space<semaphore_mem>>
            tpu.enqueue_indirect_dma source(%dma_start3A_354 : memref<10240x128xf32, #tpu.memory_space<hbm>>) target(%dma_start3A_348 : memref<64x128xf32, #tpu.memory_space<vmem>>) offsets(%dma_start3A_351 : memref<64xi32, #tpu.memory_space<vmem>>) semaphore(%dma_start3A_356 : memref<!tpu.dma_semaphore, #tpu.memory_space<semaphore_mem>>)
          } else {
          }
        }
        %scan3A_74 = arith.constant 8 : i32
        %dma_wait3A = arith.constant 0 : i32
        %dma_wait3A_75 = arith.constant 28 : i32
        %dma_wait3A_76 = arith.constant 0 : i32
        %dma_wait3A_77 = arith.constant 0 : i32
        %dma_wait3A_78 = arith.constant 0 : i32
        %dma_wait3A_79 = tpu.memref_slice %arg9[%dma_wait3A, %dma_wait3A_77, %dma_wait3A_78] : memref<4x64x128xf32, #tpu.memory_space<vmem>> -> memref<1x64x128xf32, #tpu.memory_space<vmem>>
        %dma_wait3A_80 = tpu.memref_squeeze %dma_wait3A_79 : memref<1x64x128xf32, #tpu.memory_space<vmem>> -> memref<64x128xf32, #tpu.memory_space<vmem>>
        %dma_wait3A_81 = arith.constant 0 : i32
        %dma_wait3A_82 = tpu.memref_slice %arg8[%dma_wait3A_75, %dma_wait3A_81] : memref<32x64xi32, #tpu.memory_space<vmem>> -> memref<1x64xi32, #tpu.memory_space<vmem>>
        %dma_wait3A_83 = tpu.memref_squeeze %dma_wait3A_82 : memref<1x64xi32, #tpu.memory_space<vmem>> -> memref<64xi32, #tpu.memory_space<vmem>>
        %dma_wait3A_84 = arith.constant 0 : i32
        %dma_wait3A_85 = arith.constant 0 : i32
        %dma_wait3A_86 = tpu.memref_slice %arg10[%dma_wait3A_84, %dma_wait3A_85] : memref<10240x128xf32, #tpu.memory_space<vmem_shared>> -> memref<10240x128xf32, #tpu.memory_space<vmem_shared>>
        %dma_wait3A_87 = tpu.memref_slice %arg12[%dma_wait3A_76] : memref<4x!tpu.dma_semaphore, #tpu.memory_space<semaphore_mem>> -> memref<1x!tpu.dma_semaphore, #tpu.memory_space<semaphore_mem>>
        %dma_wait3A_88 = tpu.memref_squeeze %dma_wait3A_87 : memref<1x!tpu.dma_semaphore, #tpu.memory_space<semaphore_mem>> -> memref<!tpu.dma_semaphore, #tpu.memory_space<semaphore_mem>>
        tpu.wait_indirect_dma semaphore(%dma_wait3A_88 : memref<!tpu.dma_semaphore, #tpu.memory_space<semaphore_mem>>) src(%dma_wait3A_80 : memref<64x128xf32, #tpu.memory_space<vmem>>) dst(%dma_wait3A_86 : memref<10240x128xf32, #tpu.memory_space<vmem_shared>>)
        %dma_wait3A_89 = arith.constant 1 : i32
        %dma_wait3A_90 = arith.constant 29 : i32
        %dma_wait3A_91 = arith.constant 1 : i32
        %dma_wait3A_92 = arith.constant 0 : i32
        %dma_wait3A_93 = arith.constant 0 : i32
        %dma_wait3A_94 = tpu.memref_slice %arg9[%dma_wait3A_89, %dma_wait3A_92, %dma_wait3A_93] : memref<4x64x128xf32, #tpu.memory_space<vmem>> -> memref<1x64x128xf32, #tpu.memory_space<vmem>>
        %dma_wait3A_95 = tpu.memref_squeeze %dma_wait3A_94 : memref<1x64x128xf32, #tpu.memory_space<vmem>> -> memref<64x128xf32, #tpu.memory_space<vmem>>
        %dma_wait3A_96 = arith.constant 0 : i32
        %dma_wait3A_97 = tpu.memref_slice %arg8[%dma_wait3A_90, %dma_wait3A_96] : memref<32x64xi32, #tpu.memory_space<vmem>> -> memref<1x64xi32, #tpu.memory_space<vmem>>
        %dma_wait3A_98 = tpu.memref_squeeze %dma_wait3A_97 : memref<1x64xi32, #tpu.memory_space<vmem>> -> memref<64xi32, #tpu.memory_space<vmem>>
        %dma_wait3A_99 = arith.constant 0 : i32
        %dma_wait3A_100 = arith.constant 0 : i32
        %dma_wait3A_101 = tpu.memref_slice %arg10[%dma_wait3A_99, %dma_wait3A_100] : memref<10240x128xf32, #tpu.memory_space<vmem_shared>> -> memref<10240x128xf32, #tpu.memory_space<vmem_shared>>
        %dma_wait3A_102 = tpu.memref_slice %arg12[%dma_wait3A_91] : memref<4x!tpu.dma_semaphore, #tpu.memory_space<semaphore_mem>> -> memref<1x!tpu.dma_semaphore, #tpu.memory_space<semaphore_mem>>
        %dma_wait3A_103 = tpu.memref_squeeze %dma_wait3A_102 : memref<1x!tpu.dma_semaphore, #tpu.memory_space<semaphore_mem>> -> memref<!tpu.dma_semaphore, #tpu.memory_space<semaphore_mem>>
        tpu.wait_indirect_dma semaphore(%dma_wait3A_103 : memref<!tpu.dma_semaphore, #tpu.memory_space<semaphore_mem>>) src(%dma_wait3A_95 : memref<64x128xf32, #tpu.memory_space<vmem>>) dst(%dma_wait3A_101 : memref<10240x128xf32, #tpu.memory_space<vmem_shared>>)
        %dma_wait3A_104 = arith.constant 2 : i32
        %dma_wait3A_105 = arith.constant 30 : i32
        %dma_wait3A_106 = arith.constant 2 : i32
        %dma_wait3A_107 = arith.constant 0 : i32
        %dma_wait3A_108 = arith.constant 0 : i32
        %dma_wait3A_109 = tpu.memref_slice %arg9[%dma_wait3A_104, %dma_wait3A_107, %dma_wait3A_108] : memref<4x64x128xf32, #tpu.memory_space<vmem>> -> memref<1x64x128xf32, #tpu.memory_space<vmem>>
        %dma_wait3A_110 = tpu.memref_squeeze %dma_wait3A_109 : memref<1x64x128xf32, #tpu.memory_space<vmem>> -> memref<64x128xf32, #tpu.memory_space<vmem>>
        %dma_wait3A_111 = arith.constant 0 : i32
        %dma_wait3A_112 = tpu.memref_slice %arg8[%dma_wait3A_105, %dma_wait3A_111] : memref<32x64xi32, #tpu.memory_space<vmem>> -> memref<1x64xi32, #tpu.memory_space<vmem>>
        %dma_wait3A_113 = tpu.memref_squeeze %dma_wait3A_112 : memref<1x64xi32, #tpu.memory_space<vmem>> -> memref<64xi32, #tpu.memory_space<vmem>>
        %dma_wait3A_114 = arith.constant 0 : i32
        %dma_wait3A_115 = arith.constant 0 : i32
        %dma_wait3A_116 = tpu.memref_slice %arg10[%dma_wait3A_114, %dma_wait3A_115] : memref<10240x128xf32, #tpu.memory_space<vmem_shared>> -> memref<10240x128xf32, #tpu.memory_space<vmem_shared>>
        %dma_wait3A_117 = tpu.memref_slice %arg12[%dma_wait3A_106] : memref<4x!tpu.dma_semaphore, #tpu.memory_space<semaphore_mem>> -> memref<1x!tpu.dma_semaphore, #tpu.memory_space<semaphore_mem>>
        %dma_wait3A_118 = tpu.memref_squeeze %dma_wait3A_117 : memref<1x!tpu.dma_semaphore, #tpu.memory_space<semaphore_mem>> -> memref<!tpu.dma_semaphore, #tpu.memory_space<semaphore_mem>>
        tpu.wait_indirect_dma semaphore(%dma_wait3A_118 : memref<!tpu.dma_semaphore, #tpu.memory_space<semaphore_mem>>) src(%dma_wait3A_110 : memref<64x128xf32, #tpu.memory_space<vmem>>) dst(%dma_wait3A_116 : memref<10240x128xf32, #tpu.memory_space<vmem_shared>>)
        %dma_wait3A_119 = arith.constant 3 : i32
        %dma_wait3A_120 = arith.constant 31 : i32
        %dma_wait3A_121 = arith.constant 3 : i32
        %dma_wait3A_122 = arith.constant 0 : i32
        %dma_wait3A_123 = arith.constant 0 : i32
        %dma_wait3A_124 = tpu.memref_slice %arg9[%dma_wait3A_119, %dma_wait3A_122, %dma_wait3A_123] : memref<4x64x128xf32, #tpu.memory_space<vmem>> -> memref<1x64x128xf32, #tpu.memory_space<vmem>>
        %dma_wait3A_125 = tpu.memref_squeeze %dma_wait3A_124 : memref<1x64x128xf32, #tpu.memory_space<vmem>> -> memref<64x128xf32, #tpu.memory_space<vmem>>
        %dma_wait3A_126 = arith.constant 0 : i32
        %dma_wait3A_127 = tpu.memref_slice %arg8[%dma_wait3A_120, %dma_wait3A_126] : memref<32x64xi32, #tpu.memory_space<vmem>> -> memref<1x64xi32, #tpu.memory_space<vmem>>
        %dma_wait3A_128 = tpu.memref_squeeze %dma_wait3A_127 : memref<1x64xi32, #tpu.memory_space<vmem>> -> memref<64xi32, #tpu.memory_space<vmem>>
        %dma_wait3A_129 = arith.constant 0 : i32
        %dma_wait3A_130 = arith.constant 0 : i32
        %dma_wait3A_131 = tpu.memref_slice %arg10[%dma_wait3A_129, %dma_wait3A_130] : memref<10240x128xf32, #tpu.memory_space<vmem_shared>> -> memref<10240x128xf32, #tpu.memory_space<vmem_shared>>
        %dma_wait3A_132 = tpu.memref_slice %arg12[%dma_wait3A_121] : memref<4x!tpu.dma_semaphore, #tpu.memory_space<semaphore_mem>> -> memref<1x!tpu.dma_semaphore, #tpu.memory_space<semaphore_mem>>
        %dma_wait3A_133 = tpu.memref_squeeze %dma_wait3A_132 : memref<1x!tpu.dma_semaphore, #tpu.memory_space<semaphore_mem>> -> memref<!tpu.dma_semaphore, #tpu.memory_space<semaphore_mem>>
        tpu.wait_indirect_dma semaphore(%dma_wait3A_133 : memref<!tpu.dma_semaphore, #tpu.memory_space<semaphore_mem>>) src(%dma_wait3A_125 : memref<64x128xf32, #tpu.memory_space<vmem>>) dst(%dma_wait3A_131 : memref<10240x128xf32, #tpu.memory_space<vmem_shared>>)
      }
      %scan3A_20 = arith.constant 8 : i32
    } else {
    }
    %eq3A_3 = arith.constant 1 : i32
    %eq3A_4 = arith.cmpi eq, %arg0, %eq3A_3 : i32
    %convert_element_type3A_5 = arith.extui %eq3A_4 : i1 to i32
    %cond3A_6 = arith.constant 0 : i32
    %cond3A_7 = arith.cmpi ne, %convert_element_type3A_5, %cond3A_6 : i32
    scf.if %cond3A_7 {
      %mul3A_13 = arith.constant 64 : i32
      %mul3A_14 = arith.muli %arg1, %mul3A_13 : i32
      %add3A = arith.constant 4096 : i32
      %add3A_15 = arith.addi %add3A, %mul3A_14 : i32
      %scan3A = arith.constant 0 : i32
      %scan3A_16 = arith.constant 0 : i32
      %scan3A_17 = arith.constant 2 : i32
      %scan3A_18 = arith.addi %scan3A_16, %scan3A_17 : i32
      %scan3A_19 = arith.constant 1 : i32
      scf.for %scan3A_21 = %scan3A_16 to %scan3A_18 step %scan3A_19  : i32 {
        %mul3A_22 = arith.constant 32 : i32
        %mul3A_23 = arith.muli %scan3A_21, %mul3A_22 : i32
        %add3A_24 = arith.addi %add3A_15, %mul3A_23 : i32
        "tpu.region"() ({
          %run_scoped3A = tpu.sem_alloc : memref<!tpu.dma_semaphore, #tpu.memory_space<semaphore_mem>>
          %dma_start3A_134 = arith.constant 0 : i32
          %dma_start3A_135 = tpu.memref_slice %arg3[%add3A_24, %dma_start3A_134] : memref<5120x64xi32, #tpu.memory_space<hbm>> -> memref<32x64xi32, #tpu.memory_space<hbm>>
          %dma_start3A_136 = arith.constant 0 : i32
          %dma_start3A_137 = tpu.memref_slice %arg3[%add3A_24, %dma_start3A_136] : memref<5120x64xi32, #tpu.memory_space<hbm>> -> memref<32x64xi32, #tpu.memory_space<hbm>>
          tpu.enqueue_dma source(%dma_start3A_137 : memref<32x64xi32, #tpu.memory_space<hbm>>) target(%arg7 : memref<32x64xi32, #tpu.memory_space<vmem>>) target_semaphore(%run_scoped3A : memref<!tpu.dma_semaphore, #tpu.memory_space<semaphore_mem>>)
          %dma_wait3A_138 = arith.constant 0 : i32
          %dma_wait3A_139 = tpu.memref_slice %arg3[%add3A_24, %dma_wait3A_138] : memref<5120x64xi32, #tpu.memory_space<hbm>> -> memref<32x64xi32, #tpu.memory_space<hbm>>
          %dma_wait3A_140 = arith.constant 0 : i32
          %dma_wait3A_141 = tpu.memref_slice %arg3[%add3A_24, %dma_wait3A_140] : memref<5120x64xi32, #tpu.memory_space<hbm>> -> memref<32x64xi32, #tpu.memory_space<hbm>>
          tpu.wait_dma2 semaphore(%run_scoped3A : memref<!tpu.dma_semaphore, #tpu.memory_space<semaphore_mem>>) src(%dma_wait3A_141 : memref<32x64xi32, #tpu.memory_space<hbm>>) dst(%arg7 : memref<32x64xi32, #tpu.memory_space<vmem>>)
          tpu.yield
        }) : () -> ()
        "tpu.region"() ({
          %run_scoped3A = tpu.sem_alloc : memref<!tpu.dma_semaphore, #tpu.memory_space<semaphore_mem>>
          %dma_start3A_134 = arith.constant 0 : i32
          %dma_start3A_135 = tpu.memref_slice %arg4[%add3A_24, %dma_start3A_134] : memref<5120x64xi32, #tpu.memory_space<hbm>> -> memref<32x64xi32, #tpu.memory_space<hbm>>
          %dma_start3A_136 = arith.constant 0 : i32
          %dma_start3A_137 = tpu.memref_slice %arg4[%add3A_24, %dma_start3A_136] : memref<5120x64xi32, #tpu.memory_space<hbm>> -> memref<32x64xi32, #tpu.memory_space<hbm>>
          tpu.enqueue_dma source(%dma_start3A_137 : memref<32x64xi32, #tpu.memory_space<hbm>>) target(%arg8 : memref<32x64xi32, #tpu.memory_space<vmem>>) target_semaphore(%run_scoped3A : memref<!tpu.dma_semaphore, #tpu.memory_space<semaphore_mem>>)
          %dma_wait3A_138 = arith.constant 0 : i32
          %dma_wait3A_139 = tpu.memref_slice %arg4[%add3A_24, %dma_wait3A_138] : memref<5120x64xi32, #tpu.memory_space<hbm>> -> memref<32x64xi32, #tpu.memory_space<hbm>>
          %dma_wait3A_140 = arith.constant 0 : i32
          %dma_wait3A_141 = tpu.memref_slice %arg4[%add3A_24, %dma_wait3A_140] : memref<5120x64xi32, #tpu.memory_space<hbm>> -> memref<32x64xi32, #tpu.memory_space<hbm>>
          tpu.wait_dma2 semaphore(%run_scoped3A : memref<!tpu.dma_semaphore, #tpu.memory_space<semaphore_mem>>) src(%dma_wait3A_141 : memref<32x64xi32, #tpu.memory_space<hbm>>) dst(%arg8 : memref<32x64xi32, #tpu.memory_space<vmem>>)
          tpu.yield
        }) : () -> ()
        %dma_start3A = arith.constant 0 : i32
        %dma_start3A_25 = arith.constant 0 : i32
        %dma_start3A_26 = arith.constant 0 : i32
        %dma_start3A_27 = arith.constant 0 : i32
        %dma_start3A_28 = arith.constant 0 : i32
        %dma_start3A_29 = tpu.memref_slice %arg9[%dma_start3A_25, %dma_start3A_27, %dma_start3A_28] : memref<4x64x128xf32, #tpu.memory_space<vmem>> -> memref<1x64x128xf32, #tpu.memory_space<vmem>>
        %dma_start3A_30 = tpu.memref_squeeze %dma_start3A_29 : memref<1x64x128xf32, #tpu.memory_space<vmem>> -> memref<64x128xf32, #tpu.memory_space<vmem>>
        %dma_start3A_31 = arith.constant 0 : i32
        %dma_start3A_32 = tpu.memref_slice %arg7[%dma_start3A, %dma_start3A_31] : memref<32x64xi32, #tpu.memory_space<vmem>> -> memref<1x64xi32, #tpu.memory_space<vmem>>
        %dma_start3A_33 = tpu.memref_squeeze %dma_start3A_32 : memref<1x64xi32, #tpu.memory_space<vmem>> -> memref<64xi32, #tpu.memory_space<vmem>>
        %dma_start3A_34 = arith.constant 0 : i32
        %dma_start3A_35 = arith.constant 0 : i32
        %dma_start3A_36 = tpu.memref_slice %arg2[%dma_start3A_34, %dma_start3A_35] : memref<10240x128xf32, #tpu.memory_space<hbm>> -> memref<10240x128xf32, #tpu.memory_space<hbm>>
        %dma_start3A_37 = tpu.memref_slice %arg11[%dma_start3A_26] : memref<4x!tpu.dma_semaphore, #tpu.memory_space<semaphore_mem>> -> memref<1x!tpu.dma_semaphore, #tpu.memory_space<semaphore_mem>>
        %dma_start3A_38 = tpu.memref_squeeze %dma_start3A_37 : memref<1x!tpu.dma_semaphore, #tpu.memory_space<semaphore_mem>> -> memref<!tpu.dma_semaphore, #tpu.memory_space<semaphore_mem>>
        tpu.enqueue_indirect_dma source(%dma_start3A_36 : memref<10240x128xf32, #tpu.memory_space<hbm>>) target(%dma_start3A_30 : memref<64x128xf32, #tpu.memory_space<vmem>>) offsets(%dma_start3A_33 : memref<64xi32, #tpu.memory_space<vmem>>) semaphore(%dma_start3A_38 : memref<!tpu.dma_semaphore, #tpu.memory_space<semaphore_mem>>)
        %dma_start3A_39 = arith.constant 1 : i32
        %dma_start3A_40 = arith.constant 1 : i32
        %dma_start3A_41 = arith.constant 1 : i32
        %dma_start3A_42 = arith.constant 0 : i32
        %dma_start3A_43 = arith.constant 0 : i32
        %dma_start3A_44 = tpu.memref_slice %arg9[%dma_start3A_40, %dma_start3A_42, %dma_start3A_43] : memref<4x64x128xf32, #tpu.memory_space<vmem>> -> memref<1x64x128xf32, #tpu.memory_space<vmem>>
        %dma_start3A_45 = tpu.memref_squeeze %dma_start3A_44 : memref<1x64x128xf32, #tpu.memory_space<vmem>> -> memref<64x128xf32, #tpu.memory_space<vmem>>
        %dma_start3A_46 = arith.constant 0 : i32
        %dma_start3A_47 = tpu.memref_slice %arg7[%dma_start3A_39, %dma_start3A_46] : memref<32x64xi32, #tpu.memory_space<vmem>> -> memref<1x64xi32, #tpu.memory_space<vmem>>
        %dma_start3A_48 = tpu.memref_squeeze %dma_start3A_47 : memref<1x64xi32, #tpu.memory_space<vmem>> -> memref<64xi32, #tpu.memory_space<vmem>>
        %dma_start3A_49 = arith.constant 0 : i32
        %dma_start3A_50 = arith.constant 0 : i32
        %dma_start3A_51 = tpu.memref_slice %arg2[%dma_start3A_49, %dma_start3A_50] : memref<10240x128xf32, #tpu.memory_space<hbm>> -> memref<10240x128xf32, #tpu.memory_space<hbm>>
        %dma_start3A_52 = tpu.memref_slice %arg11[%dma_start3A_41] : memref<4x!tpu.dma_semaphore, #tpu.memory_space<semaphore_mem>> -> memref<1x!tpu.dma_semaphore, #tpu.memory_space<semaphore_mem>>
        %dma_start3A_53 = tpu.memref_squeeze %dma_start3A_52 : memref<1x!tpu.dma_semaphore, #tpu.memory_space<semaphore_mem>> -> memref<!tpu.dma_semaphore, #tpu.memory_space<semaphore_mem>>
        tpu.enqueue_indirect_dma source(%dma_start3A_51 : memref<10240x128xf32, #tpu.memory_space<hbm>>) target(%dma_start3A_45 : memref<64x128xf32, #tpu.memory_space<vmem>>) offsets(%dma_start3A_48 : memref<64xi32, #tpu.memory_space<vmem>>) semaphore(%dma_start3A_53 : memref<!tpu.dma_semaphore, #tpu.memory_space<semaphore_mem>>)
        %dma_start3A_54 = arith.constant 2 : i32
        %dma_start3A_55 = arith.constant 2 : i32
        %dma_start3A_56 = arith.constant 2 : i32
        %dma_start3A_57 = arith.constant 0 : i32
        %dma_start3A_58 = arith.constant 0 : i32
        %dma_start3A_59 = tpu.memref_slice %arg9[%dma_start3A_55, %dma_start3A_57, %dma_start3A_58] : memref<4x64x128xf32, #tpu.memory_space<vmem>> -> memref<1x64x128xf32, #tpu.memory_space<vmem>>
        %dma_start3A_60 = tpu.memref_squeeze %dma_start3A_59 : memref<1x64x128xf32, #tpu.memory_space<vmem>> -> memref<64x128xf32, #tpu.memory_space<vmem>>
        %dma_start3A_61 = arith.constant 0 : i32
        %dma_start3A_62 = tpu.memref_slice %arg7[%dma_start3A_54, %dma_start3A_61] : memref<32x64xi32, #tpu.memory_space<vmem>> -> memref<1x64xi32, #tpu.memory_space<vmem>>
        %dma_start3A_63 = tpu.memref_squeeze %dma_start3A_62 : memref<1x64xi32, #tpu.memory_space<vmem>> -> memref<64xi32, #tpu.memory_space<vmem>>
        %dma_start3A_64 = arith.constant 0 : i32
        %dma_start3A_65 = arith.constant 0 : i32
        %dma_start3A_66 = tpu.memref_slice %arg2[%dma_start3A_64, %dma_start3A_65] : memref<10240x128xf32, #tpu.memory_space<hbm>> -> memref<10240x128xf32, #tpu.memory_space<hbm>>
        %dma_start3A_67 = tpu.memref_slice %arg11[%dma_start3A_56] : memref<4x!tpu.dma_semaphore, #tpu.memory_space<semaphore_mem>> -> memref<1x!tpu.dma_semaphore, #tpu.memory_space<semaphore_mem>>
        %dma_start3A_68 = tpu.memref_squeeze %dma_start3A_67 : memref<1x!tpu.dma_semaphore, #tpu.memory_space<semaphore_mem>> -> memref<!tpu.dma_semaphore, #tpu.memory_space<semaphore_mem>>
        tpu.enqueue_indirect_dma source(%dma_start3A_66 : memref<10240x128xf32, #tpu.memory_space<hbm>>) target(%dma_start3A_60 : memref<64x128xf32, #tpu.memory_space<vmem>>) offsets(%dma_start3A_63 : memref<64xi32, #tpu.memory_space<vmem>>) semaphore(%dma_start3A_68 : memref<!tpu.dma_semaphore, #tpu.memory_space<semaphore_mem>>)
        %scan3A_69 = arith.constant 0 : i32
        %scan3A_70 = arith.constant 0 : i32
        %scan3A_71 = arith.constant 8 : i32
        %scan3A_72 = arith.addi %scan3A_70, %scan3A_71 : i32
        %scan3A_73 = arith.constant 1 : i32
        scf.for %scan3A_134 = %scan3A_70 to %scan3A_72 step %scan3A_73  : i32 {
          %mul3A_135 = arith.constant 4 : i32
          %mul3A_136 = arith.muli %scan3A_134, %mul3A_135 : i32
          %add3A_137 = arith.constant 0 : i32
          %add3A_138 = arith.addi %mul3A_136, %add3A_137 : i32
          %dma_wait3A_139 = arith.constant 0 : i32
          %dma_wait3A_140 = arith.constant 0 : i32
          %dma_wait3A_141 = arith.constant 0 : i32
          %dma_wait3A_142 = arith.constant 0 : i32
          %dma_wait3A_143 = tpu.memref_slice %arg9[%dma_wait3A_139, %dma_wait3A_141, %dma_wait3A_142] : memref<4x64x128xf32, #tpu.memory_space<vmem>> -> memref<1x64x128xf32, #tpu.memory_space<vmem>>
          %dma_wait3A_144 = tpu.memref_squeeze %dma_wait3A_143 : memref<1x64x128xf32, #tpu.memory_space<vmem>> -> memref<64x128xf32, #tpu.memory_space<vmem>>
          %dma_wait3A_145 = arith.constant 0 : i32
          %dma_wait3A_146 = tpu.memref_slice %arg7[%add3A_138, %dma_wait3A_145] : memref<32x64xi32, #tpu.memory_space<vmem>> -> memref<1x64xi32, #tpu.memory_space<vmem>>
          %dma_wait3A_147 = tpu.memref_squeeze %dma_wait3A_146 : memref<1x64xi32, #tpu.memory_space<vmem>> -> memref<64xi32, #tpu.memory_space<vmem>>
          %dma_wait3A_148 = arith.constant 0 : i32
          %dma_wait3A_149 = arith.constant 0 : i32
          %dma_wait3A_150 = tpu.memref_slice %arg2[%dma_wait3A_148, %dma_wait3A_149] : memref<10240x128xf32, #tpu.memory_space<hbm>> -> memref<10240x128xf32, #tpu.memory_space<hbm>>
          %dma_wait3A_151 = tpu.memref_slice %arg11[%dma_wait3A_140] : memref<4x!tpu.dma_semaphore, #tpu.memory_space<semaphore_mem>> -> memref<1x!tpu.dma_semaphore, #tpu.memory_space<semaphore_mem>>
          %dma_wait3A_152 = tpu.memref_squeeze %dma_wait3A_151 : memref<1x!tpu.dma_semaphore, #tpu.memory_space<semaphore_mem>> -> memref<!tpu.dma_semaphore, #tpu.memory_space<semaphore_mem>>
          tpu.wait_indirect_dma semaphore(%dma_wait3A_152 : memref<!tpu.dma_semaphore, #tpu.memory_space<semaphore_mem>>) src(%dma_wait3A_150 : memref<10240x128xf32, #tpu.memory_space<hbm>>) dst(%dma_wait3A_144 : memref<64x128xf32, #tpu.memory_space<vmem>>)
          %dma_start3A_153 = arith.constant 0 : i32
          %dma_start3A_154 = arith.constant 0 : i32
          %dma_start3A_155 = arith.constant 0 : i32
          %dma_start3A_156 = arith.constant 0 : i32
          %dma_start3A_157 = tpu.memref_slice %arg9[%dma_start3A_153, %dma_start3A_155, %dma_start3A_156] : memref<4x64x128xf32, #tpu.memory_space<vmem>> -> memref<1x64x128xf32, #tpu.memory_space<vmem>>
          %dma_start3A_158 = tpu.memref_squeeze %dma_start3A_157 : memref<1x64x128xf32, #tpu.memory_space<vmem>> -> memref<64x128xf32, #tpu.memory_space<vmem>>
          %dma_start3A_159 = arith.constant 0 : i32
          %dma_start3A_160 = tpu.memref_slice %arg8[%add3A_138, %dma_start3A_159] : memref<32x64xi32, #tpu.memory_space<vmem>> -> memref<1x64xi32, #tpu.memory_space<vmem>>
          %dma_start3A_161 = tpu.memref_squeeze %dma_start3A_160 : memref<1x64xi32, #tpu.memory_space<vmem>> -> memref<64xi32, #tpu.memory_space<vmem>>
          %dma_start3A_162 = arith.constant 0 : i32
          %dma_start3A_163 = arith.constant 0 : i32
          %dma_start3A_164 = tpu.memref_slice %arg10[%dma_start3A_162, %dma_start3A_163] : memref<10240x128xf32, #tpu.memory_space<vmem_shared>> -> memref<10240x128xf32, #tpu.memory_space<vmem_shared>>
          %dma_start3A_165 = tpu.memref_slice %arg12[%dma_start3A_154] : memref<4x!tpu.dma_semaphore, #tpu.memory_space<semaphore_mem>> -> memref<1x!tpu.dma_semaphore, #tpu.memory_space<semaphore_mem>>
          %dma_start3A_166 = tpu.memref_squeeze %dma_start3A_165 : memref<1x!tpu.dma_semaphore, #tpu.memory_space<semaphore_mem>> -> memref<!tpu.dma_semaphore, #tpu.memory_space<semaphore_mem>>
          tpu.enqueue_indirect_dma source(%dma_start3A_158 : memref<64x128xf32, #tpu.memory_space<vmem>>) target(%dma_start3A_164 : memref<10240x128xf32, #tpu.memory_space<vmem_shared>>) offsets(%dma_start3A_161 : memref<64xi32, #tpu.memory_space<vmem>>) semaphore(%dma_start3A_166 : memref<!tpu.dma_semaphore, #tpu.memory_space<semaphore_mem>>) {add = true}
          %add3A_167 = arith.constant 4 : i32
          %add3A_168 = arith.addi %add3A_138, %add3A_167 : i32
          %sub3A = arith.constant 1 : i32
          %sub3A_169 = arith.subi %add3A_168, %sub3A : i32
          %eq3A_170 = arith.constant 0 : i32
          %eq3A_171 = arith.cmpi eq, %add3A_138, %eq3A_170 : i32
          %convert_element_type3A_172 = arith.extui %eq3A_171 : i1 to i32
          %cond3A_173 = arith.constant 0 : i32
          %cond3A_174 = arith.cmpi ne, %convert_element_type3A_172, %cond3A_173 : i32
          scf.if %cond3A_174 {
            %dma_start3A_327 = arith.constant 3 : i32
            %dma_start3A_328 = arith.constant 3 : i32
            %dma_start3A_329 = arith.constant 0 : i32
            %dma_start3A_330 = arith.constant 0 : i32
            %dma_start3A_331 = tpu.memref_slice %arg9[%dma_start3A_327, %dma_start3A_329, %dma_start3A_330] : memref<4x64x128xf32, #tpu.memory_space<vmem>> -> memref<1x64x128xf32, #tpu.memory_space<vmem>>
            %dma_start3A_332 = tpu.memref_squeeze %dma_start3A_331 : memref<1x64x128xf32, #tpu.memory_space<vmem>> -> memref<64x128xf32, #tpu.memory_space<vmem>>
            %dma_start3A_333 = arith.constant 0 : i32
            %dma_start3A_334 = tpu.memref_slice %arg7[%sub3A_169, %dma_start3A_333] : memref<32x64xi32, #tpu.memory_space<vmem>> -> memref<1x64xi32, #tpu.memory_space<vmem>>
            %dma_start3A_335 = tpu.memref_squeeze %dma_start3A_334 : memref<1x64xi32, #tpu.memory_space<vmem>> -> memref<64xi32, #tpu.memory_space<vmem>>
            %dma_start3A_336 = arith.constant 0 : i32
            %dma_start3A_337 = arith.constant 0 : i32
            %dma_start3A_338 = tpu.memref_slice %arg2[%dma_start3A_336, %dma_start3A_337] : memref<10240x128xf32, #tpu.memory_space<hbm>> -> memref<10240x128xf32, #tpu.memory_space<hbm>>
            %dma_start3A_339 = tpu.memref_slice %arg11[%dma_start3A_328] : memref<4x!tpu.dma_semaphore, #tpu.memory_space<semaphore_mem>> -> memref<1x!tpu.dma_semaphore, #tpu.memory_space<semaphore_mem>>
            %dma_start3A_340 = tpu.memref_squeeze %dma_start3A_339 : memref<1x!tpu.dma_semaphore, #tpu.memory_space<semaphore_mem>> -> memref<!tpu.dma_semaphore, #tpu.memory_space<semaphore_mem>>
            tpu.enqueue_indirect_dma source(%dma_start3A_338 : memref<10240x128xf32, #tpu.memory_space<hbm>>) target(%dma_start3A_332 : memref<64x128xf32, #tpu.memory_space<vmem>>) offsets(%dma_start3A_335 : memref<64xi32, #tpu.memory_space<vmem>>) semaphore(%dma_start3A_340 : memref<!tpu.dma_semaphore, #tpu.memory_space<semaphore_mem>>)
          } else {
          }
          %ge3A = arith.constant 1 : i32
          %ge3A_175 = arith.cmpi sge, %add3A_138, %ge3A : i32
          %lt3A = arith.constant 32 : i32
          %lt3A_176 = arith.cmpi slt, %sub3A_169, %lt3A : i32
          %and3A = arith.andi %ge3A_175, %lt3A_176 : i1
          %convert_element_type3A_177 = arith.extui %and3A : i1 to i32
          %cond3A_178 = arith.constant 0 : i32
          %cond3A_179 = arith.cmpi ne, %convert_element_type3A_177, %cond3A_178 : i32
          scf.if %cond3A_179 {
            %sub3A_327 = arith.constant 1 : i32
            %sub3A_328 = arith.subi %add3A_138, %sub3A_327 : i32
            %dma_wait3A_329 = arith.constant 3 : i32
            %dma_wait3A_330 = arith.constant 3 : i32
            %dma_wait3A_331 = arith.constant 0 : i32
            %dma_wait3A_332 = arith.constant 0 : i32
            %dma_wait3A_333 = tpu.memref_slice %arg9[%dma_wait3A_329, %dma_wait3A_331, %dma_wait3A_332] : memref<4x64x128xf32, #tpu.memory_space<vmem>> -> memref<1x64x128xf32, #tpu.memory_space<vmem>>
            %dma_wait3A_334 = tpu.memref_squeeze %dma_wait3A_333 : memref<1x64x128xf32, #tpu.memory_space<vmem>> -> memref<64x128xf32, #tpu.memory_space<vmem>>
            %dma_wait3A_335 = arith.constant 0 : i32
            %dma_wait3A_336 = tpu.memref_slice %arg8[%sub3A_328, %dma_wait3A_335] : memref<32x64xi32, #tpu.memory_space<vmem>> -> memref<1x64xi32, #tpu.memory_space<vmem>>
            %dma_wait3A_337 = tpu.memref_squeeze %dma_wait3A_336 : memref<1x64xi32, #tpu.memory_space<vmem>> -> memref<64xi32, #tpu.memory_space<vmem>>
            %dma_wait3A_338 = arith.constant 0 : i32
            %dma_wait3A_339 = arith.constant 0 : i32
            %dma_wait3A_340 = tpu.memref_slice %arg10[%dma_wait3A_338, %dma_wait3A_339] : memref<10240x128xf32, #tpu.memory_space<vmem_shared>> -> memref<10240x128xf32, #tpu.memory_space<vmem_shared>>
            %dma_wait3A_341 = tpu.memref_slice %arg12[%dma_wait3A_330] : memref<4x!tpu.dma_semaphore, #tpu.memory_space<semaphore_mem>> -> memref<1x!tpu.dma_semaphore, #tpu.memory_space<semaphore_mem>>
            %dma_wait3A_342 = tpu.memref_squeeze %dma_wait3A_341 : memref<1x!tpu.dma_semaphore, #tpu.memory_space<semaphore_mem>> -> memref<!tpu.dma_semaphore, #tpu.memory_space<semaphore_mem>>
            tpu.wait_indirect_dma semaphore(%dma_wait3A_342 : memref<!tpu.dma_semaphore, #tpu.memory_space<semaphore_mem>>) src(%dma_wait3A_334 : memref<64x128xf32, #tpu.memory_space<vmem>>) dst(%dma_wait3A_340 : memref<10240x128xf32, #tpu.memory_space<vmem_shared>>)
            %dma_start3A_343 = arith.constant 3 : i32
            %dma_start3A_344 = arith.constant 3 : i32
            %dma_start3A_345 = arith.constant 0 : i32
            %dma_start3A_346 = arith.constant 0 : i32
            %dma_start3A_347 = tpu.memref_slice %arg9[%dma_start3A_343, %dma_start3A_345, %dma_start3A_346] : memref<4x64x128xf32, #tpu.memory_space<vmem>> -> memref<1x64x128xf32, #tpu.memory_space<vmem>>
            %dma_start3A_348 = tpu.memref_squeeze %dma_start3A_347 : memref<1x64x128xf32, #tpu.memory_space<vmem>> -> memref<64x128xf32, #tpu.memory_space<vmem>>
            %dma_start3A_349 = arith.constant 0 : i32
            %dma_start3A_350 = tpu.memref_slice %arg7[%sub3A_169, %dma_start3A_349] : memref<32x64xi32, #tpu.memory_space<vmem>> -> memref<1x64xi32, #tpu.memory_space<vmem>>
            %dma_start3A_351 = tpu.memref_squeeze %dma_start3A_350 : memref<1x64xi32, #tpu.memory_space<vmem>> -> memref<64xi32, #tpu.memory_space<vmem>>
            %dma_start3A_352 = arith.constant 0 : i32
            %dma_start3A_353 = arith.constant 0 : i32
            %dma_start3A_354 = tpu.memref_slice %arg2[%dma_start3A_352, %dma_start3A_353] : memref<10240x128xf32, #tpu.memory_space<hbm>> -> memref<10240x128xf32, #tpu.memory_space<hbm>>
            %dma_start3A_355 = tpu.memref_slice %arg11[%dma_start3A_344] : memref<4x!tpu.dma_semaphore, #tpu.memory_space<semaphore_mem>> -> memref<1x!tpu.dma_semaphore, #tpu.memory_space<semaphore_mem>>
            %dma_start3A_356 = tpu.memref_squeeze %dma_start3A_355 : memref<1x!tpu.dma_semaphore, #tpu.memory_space<semaphore_mem>> -> memref<!tpu.dma_semaphore, #tpu.memory_space<semaphore_mem>>
            tpu.enqueue_indirect_dma source(%dma_start3A_354 : memref<10240x128xf32, #tpu.memory_space<hbm>>) target(%dma_start3A_348 : memref<64x128xf32, #tpu.memory_space<vmem>>) offsets(%dma_start3A_351 : memref<64xi32, #tpu.memory_space<vmem>>) semaphore(%dma_start3A_356 : memref<!tpu.dma_semaphore, #tpu.memory_space<semaphore_mem>>)
          } else {
          }
          %mul3A_180 = arith.constant 4 : i32
          %mul3A_181 = arith.muli %scan3A_134, %mul3A_180 : i32
          %add3A_182 = arith.constant 1 : i32
          %add3A_183 = arith.addi %mul3A_181, %add3A_182 : i32
          %dma_wait3A_184 = arith.constant 1 : i32
          %dma_wait3A_185 = arith.constant 1 : i32
          %dma_wait3A_186 = arith.constant 0 : i32
          %dma_wait3A_187 = arith.constant 0 : i32
          %dma_wait3A_188 = tpu.memref_slice %arg9[%dma_wait3A_184, %dma_wait3A_186, %dma_wait3A_187] : memref<4x64x128xf32, #tpu.memory_space<vmem>> -> memref<1x64x128xf32, #tpu.memory_space<vmem>>
          %dma_wait3A_189 = tpu.memref_squeeze %dma_wait3A_188 : memref<1x64x128xf32, #tpu.memory_space<vmem>> -> memref<64x128xf32, #tpu.memory_space<vmem>>
          %dma_wait3A_190 = arith.constant 0 : i32
          %dma_wait3A_191 = tpu.memref_slice %arg7[%add3A_183, %dma_wait3A_190] : memref<32x64xi32, #tpu.memory_space<vmem>> -> memref<1x64xi32, #tpu.memory_space<vmem>>
          %dma_wait3A_192 = tpu.memref_squeeze %dma_wait3A_191 : memref<1x64xi32, #tpu.memory_space<vmem>> -> memref<64xi32, #tpu.memory_space<vmem>>
          %dma_wait3A_193 = arith.constant 0 : i32
          %dma_wait3A_194 = arith.constant 0 : i32
          %dma_wait3A_195 = tpu.memref_slice %arg2[%dma_wait3A_193, %dma_wait3A_194] : memref<10240x128xf32, #tpu.memory_space<hbm>> -> memref<10240x128xf32, #tpu.memory_space<hbm>>
          %dma_wait3A_196 = tpu.memref_slice %arg11[%dma_wait3A_185] : memref<4x!tpu.dma_semaphore, #tpu.memory_space<semaphore_mem>> -> memref<1x!tpu.dma_semaphore, #tpu.memory_space<semaphore_mem>>
          %dma_wait3A_197 = tpu.memref_squeeze %dma_wait3A_196 : memref<1x!tpu.dma_semaphore, #tpu.memory_space<semaphore_mem>> -> memref<!tpu.dma_semaphore, #tpu.memory_space<semaphore_mem>>
          tpu.wait_indirect_dma semaphore(%dma_wait3A_197 : memref<!tpu.dma_semaphore, #tpu.memory_space<semaphore_mem>>) src(%dma_wait3A_195 : memref<10240x128xf32, #tpu.memory_space<hbm>>) dst(%dma_wait3A_189 : memref<64x128xf32, #tpu.memory_space<vmem>>)
          %dma_start3A_198 = arith.constant 1 : i32
          %dma_start3A_199 = arith.constant 1 : i32
          %dma_start3A_200 = arith.constant 0 : i32
          %dma_start3A_201 = arith.constant 0 : i32
          %dma_start3A_202 = tpu.memref_slice %arg9[%dma_start3A_198, %dma_start3A_200, %dma_start3A_201] : memref<4x64x128xf32, #tpu.memory_space<vmem>> -> memref<1x64x128xf32, #tpu.memory_space<vmem>>
          %dma_start3A_203 = tpu.memref_squeeze %dma_start3A_202 : memref<1x64x128xf32, #tpu.memory_space<vmem>> -> memref<64x128xf32, #tpu.memory_space<vmem>>
          %dma_start3A_204 = arith.constant 0 : i32
          %dma_start3A_205 = tpu.memref_slice %arg8[%add3A_183, %dma_start3A_204] : memref<32x64xi32, #tpu.memory_space<vmem>> -> memref<1x64xi32, #tpu.memory_space<vmem>>
          %dma_start3A_206 = tpu.memref_squeeze %dma_start3A_205 : memref<1x64xi32, #tpu.memory_space<vmem>> -> memref<64xi32, #tpu.memory_space<vmem>>
          %dma_start3A_207 = arith.constant 0 : i32
          %dma_start3A_208 = arith.constant 0 : i32
          %dma_start3A_209 = tpu.memref_slice %arg10[%dma_start3A_207, %dma_start3A_208] : memref<10240x128xf32, #tpu.memory_space<vmem_shared>> -> memref<10240x128xf32, #tpu.memory_space<vmem_shared>>
          %dma_start3A_210 = tpu.memref_slice %arg12[%dma_start3A_199] : memref<4x!tpu.dma_semaphore, #tpu.memory_space<semaphore_mem>> -> memref<1x!tpu.dma_semaphore, #tpu.memory_space<semaphore_mem>>
          %dma_start3A_211 = tpu.memref_squeeze %dma_start3A_210 : memref<1x!tpu.dma_semaphore, #tpu.memory_space<semaphore_mem>> -> memref<!tpu.dma_semaphore, #tpu.memory_space<semaphore_mem>>
          tpu.enqueue_indirect_dma source(%dma_start3A_203 : memref<64x128xf32, #tpu.memory_space<vmem>>) target(%dma_start3A_209 : memref<10240x128xf32, #tpu.memory_space<vmem_shared>>) offsets(%dma_start3A_206 : memref<64xi32, #tpu.memory_space<vmem>>) semaphore(%dma_start3A_211 : memref<!tpu.dma_semaphore, #tpu.memory_space<semaphore_mem>>) {add = true}
          %add3A_212 = arith.constant 4 : i32
          %add3A_213 = arith.addi %add3A_183, %add3A_212 : i32
          %sub3A_214 = arith.constant 1 : i32
          %sub3A_215 = arith.subi %add3A_213, %sub3A_214 : i32
          %eq3A_216 = arith.constant 0 : i32
          %eq3A_217 = arith.cmpi eq, %add3A_183, %eq3A_216 : i32
          %convert_element_type3A_218 = arith.extui %eq3A_217 : i1 to i32
          %cond3A_219 = arith.constant 0 : i32
          %cond3A_220 = arith.cmpi ne, %convert_element_type3A_218, %cond3A_219 : i32
          scf.if %cond3A_220 {
            %dma_start3A_327 = arith.constant 0 : i32
            %dma_start3A_328 = arith.constant 0 : i32
            %dma_start3A_329 = arith.constant 0 : i32
            %dma_start3A_330 = arith.constant 0 : i32
            %dma_start3A_331 = tpu.memref_slice %arg9[%dma_start3A_327, %dma_start3A_329, %dma_start3A_330] : memref<4x64x128xf32, #tpu.memory_space<vmem>> -> memref<1x64x128xf32, #tpu.memory_space<vmem>>
            %dma_start3A_332 = tpu.memref_squeeze %dma_start3A_331 : memref<1x64x128xf32, #tpu.memory_space<vmem>> -> memref<64x128xf32, #tpu.memory_space<vmem>>
            %dma_start3A_333 = arith.constant 0 : i32
            %dma_start3A_334 = tpu.memref_slice %arg7[%sub3A_215, %dma_start3A_333] : memref<32x64xi32, #tpu.memory_space<vmem>> -> memref<1x64xi32, #tpu.memory_space<vmem>>
            %dma_start3A_335 = tpu.memref_squeeze %dma_start3A_334 : memref<1x64xi32, #tpu.memory_space<vmem>> -> memref<64xi32, #tpu.memory_space<vmem>>
            %dma_start3A_336 = arith.constant 0 : i32
            %dma_start3A_337 = arith.constant 0 : i32
            %dma_start3A_338 = tpu.memref_slice %arg2[%dma_start3A_336, %dma_start3A_337] : memref<10240x128xf32, #tpu.memory_space<hbm>> -> memref<10240x128xf32, #tpu.memory_space<hbm>>
            %dma_start3A_339 = tpu.memref_slice %arg11[%dma_start3A_328] : memref<4x!tpu.dma_semaphore, #tpu.memory_space<semaphore_mem>> -> memref<1x!tpu.dma_semaphore, #tpu.memory_space<semaphore_mem>>
            %dma_start3A_340 = tpu.memref_squeeze %dma_start3A_339 : memref<1x!tpu.dma_semaphore, #tpu.memory_space<semaphore_mem>> -> memref<!tpu.dma_semaphore, #tpu.memory_space<semaphore_mem>>
            tpu.enqueue_indirect_dma source(%dma_start3A_338 : memref<10240x128xf32, #tpu.memory_space<hbm>>) target(%dma_start3A_332 : memref<64x128xf32, #tpu.memory_space<vmem>>) offsets(%dma_start3A_335 : memref<64xi32, #tpu.memory_space<vmem>>) semaphore(%dma_start3A_340 : memref<!tpu.dma_semaphore, #tpu.memory_space<semaphore_mem>>)
          } else {
          }
          %ge3A_221 = arith.constant 1 : i32
          %ge3A_222 = arith.cmpi sge, %add3A_183, %ge3A_221 : i32
          %lt3A_223 = arith.constant 32 : i32
          %lt3A_224 = arith.cmpi slt, %sub3A_215, %lt3A_223 : i32
          %and3A_225 = arith.andi %ge3A_222, %lt3A_224 : i1
          %convert_element_type3A_226 = arith.extui %and3A_225 : i1 to i32
          %cond3A_227 = arith.constant 0 : i32
          %cond3A_228 = arith.cmpi ne, %convert_element_type3A_226, %cond3A_227 : i32
          scf.if %cond3A_228 {
            %sub3A_327 = arith.constant 1 : i32
            %sub3A_328 = arith.subi %add3A_183, %sub3A_327 : i32
            %dma_wait3A_329 = arith.constant 0 : i32
            %dma_wait3A_330 = arith.constant 0 : i32
            %dma_wait3A_331 = arith.constant 0 : i32
            %dma_wait3A_332 = arith.constant 0 : i32
            %dma_wait3A_333 = tpu.memref_slice %arg9[%dma_wait3A_329, %dma_wait3A_331, %dma_wait3A_332] : memref<4x64x128xf32, #tpu.memory_space<vmem>> -> memref<1x64x128xf32, #tpu.memory_space<vmem>>
            %dma_wait3A_334 = tpu.memref_squeeze %dma_wait3A_333 : memref<1x64x128xf32, #tpu.memory_space<vmem>> -> memref<64x128xf32, #tpu.memory_space<vmem>>
            %dma_wait3A_335 = arith.constant 0 : i32
            %dma_wait3A_336 = tpu.memref_slice %arg8[%sub3A_328, %dma_wait3A_335] : memref<32x64xi32, #tpu.memory_space<vmem>> -> memref<1x64xi32, #tpu.memory_space<vmem>>
            %dma_wait3A_337 = tpu.memref_squeeze %dma_wait3A_336 : memref<1x64xi32, #tpu.memory_space<vmem>> -> memref<64xi32, #tpu.memory_space<vmem>>
            %dma_wait3A_338 = arith.constant 0 : i32
            %dma_wait3A_339 = arith.constant 0 : i32
            %dma_wait3A_340 = tpu.memref_slice %arg10[%dma_wait3A_338, %dma_wait3A_339] : memref<10240x128xf32, #tpu.memory_space<vmem_shared>> -> memref<10240x128xf32, #tpu.memory_space<vmem_shared>>
            %dma_wait3A_341 = tpu.memref_slice %arg12[%dma_wait3A_330] : memref<4x!tpu.dma_semaphore, #tpu.memory_space<semaphore_mem>> -> memref<1x!tpu.dma_semaphore, #tpu.memory_space<semaphore_mem>>
            %dma_wait3A_342 = tpu.memref_squeeze %dma_wait3A_341 : memref<1x!tpu.dma_semaphore, #tpu.memory_space<semaphore_mem>> -> memref<!tpu.dma_semaphore, #tpu.memory_space<semaphore_mem>>
            tpu.wait_indirect_dma semaphore(%dma_wait3A_342 : memref<!tpu.dma_semaphore, #tpu.memory_space<semaphore_mem>>) src(%dma_wait3A_334 : memref<64x128xf32, #tpu.memory_space<vmem>>) dst(%dma_wait3A_340 : memref<10240x128xf32, #tpu.memory_space<vmem_shared>>)
            %dma_start3A_343 = arith.constant 0 : i32
            %dma_start3A_344 = arith.constant 0 : i32
            %dma_start3A_345 = arith.constant 0 : i32
            %dma_start3A_346 = arith.constant 0 : i32
            %dma_start3A_347 = tpu.memref_slice %arg9[%dma_start3A_343, %dma_start3A_345, %dma_start3A_346] : memref<4x64x128xf32, #tpu.memory_space<vmem>> -> memref<1x64x128xf32, #tpu.memory_space<vmem>>
            %dma_start3A_348 = tpu.memref_squeeze %dma_start3A_347 : memref<1x64x128xf32, #tpu.memory_space<vmem>> -> memref<64x128xf32, #tpu.memory_space<vmem>>
            %dma_start3A_349 = arith.constant 0 : i32
            %dma_start3A_350 = tpu.memref_slice %arg7[%sub3A_215, %dma_start3A_349] : memref<32x64xi32, #tpu.memory_space<vmem>> -> memref<1x64xi32, #tpu.memory_space<vmem>>
            %dma_start3A_351 = tpu.memref_squeeze %dma_start3A_350 : memref<1x64xi32, #tpu.memory_space<vmem>> -> memref<64xi32, #tpu.memory_space<vmem>>
            %dma_start3A_352 = arith.constant 0 : i32
            %dma_start3A_353 = arith.constant 0 : i32
            %dma_start3A_354 = tpu.memref_slice %arg2[%dma_start3A_352, %dma_start3A_353] : memref<10240x128xf32, #tpu.memory_space<hbm>> -> memref<10240x128xf32, #tpu.memory_space<hbm>>
            %dma_start3A_355 = tpu.memref_slice %arg11[%dma_start3A_344] : memref<4x!tpu.dma_semaphore, #tpu.memory_space<semaphore_mem>> -> memref<1x!tpu.dma_semaphore, #tpu.memory_space<semaphore_mem>>
            %dma_start3A_356 = tpu.memref_squeeze %dma_start3A_355 : memref<1x!tpu.dma_semaphore, #tpu.memory_space<semaphore_mem>> -> memref<!tpu.dma_semaphore, #tpu.memory_space<semaphore_mem>>
            tpu.enqueue_indirect_dma source(%dma_start3A_354 : memref<10240x128xf32, #tpu.memory_space<hbm>>) target(%dma_start3A_348 : memref<64x128xf32, #tpu.memory_space<vmem>>) offsets(%dma_start3A_351 : memref<64xi32, #tpu.memory_space<vmem>>) semaphore(%dma_start3A_356 : memref<!tpu.dma_semaphore, #tpu.memory_space<semaphore_mem>>)
          } else {
          }
          %mul3A_229 = arith.constant 4 : i32
          %mul3A_230 = arith.muli %scan3A_134, %mul3A_229 : i32
          %add3A_231 = arith.constant 2 : i32
          %add3A_232 = arith.addi %mul3A_230, %add3A_231 : i32
          %dma_wait3A_233 = arith.constant 2 : i32
          %dma_wait3A_234 = arith.constant 2 : i32
          %dma_wait3A_235 = arith.constant 0 : i32
          %dma_wait3A_236 = arith.constant 0 : i32
          %dma_wait3A_237 = tpu.memref_slice %arg9[%dma_wait3A_233, %dma_wait3A_235, %dma_wait3A_236] : memref<4x64x128xf32, #tpu.memory_space<vmem>> -> memref<1x64x128xf32, #tpu.memory_space<vmem>>
          %dma_wait3A_238 = tpu.memref_squeeze %dma_wait3A_237 : memref<1x64x128xf32, #tpu.memory_space<vmem>> -> memref<64x128xf32, #tpu.memory_space<vmem>>
          %dma_wait3A_239 = arith.constant 0 : i32
          %dma_wait3A_240 = tpu.memref_slice %arg7[%add3A_232, %dma_wait3A_239] : memref<32x64xi32, #tpu.memory_space<vmem>> -> memref<1x64xi32, #tpu.memory_space<vmem>>
          %dma_wait3A_241 = tpu.memref_squeeze %dma_wait3A_240 : memref<1x64xi32, #tpu.memory_space<vmem>> -> memref<64xi32, #tpu.memory_space<vmem>>
          %dma_wait3A_242 = arith.constant 0 : i32
          %dma_wait3A_243 = arith.constant 0 : i32
          %dma_wait3A_244 = tpu.memref_slice %arg2[%dma_wait3A_242, %dma_wait3A_243] : memref<10240x128xf32, #tpu.memory_space<hbm>> -> memref<10240x128xf32, #tpu.memory_space<hbm>>
          %dma_wait3A_245 = tpu.memref_slice %arg11[%dma_wait3A_234] : memref<4x!tpu.dma_semaphore, #tpu.memory_space<semaphore_mem>> -> memref<1x!tpu.dma_semaphore, #tpu.memory_space<semaphore_mem>>
          %dma_wait3A_246 = tpu.memref_squeeze %dma_wait3A_245 : memref<1x!tpu.dma_semaphore, #tpu.memory_space<semaphore_mem>> -> memref<!tpu.dma_semaphore, #tpu.memory_space<semaphore_mem>>
          tpu.wait_indirect_dma semaphore(%dma_wait3A_246 : memref<!tpu.dma_semaphore, #tpu.memory_space<semaphore_mem>>) src(%dma_wait3A_244 : memref<10240x128xf32, #tpu.memory_space<hbm>>) dst(%dma_wait3A_238 : memref<64x128xf32, #tpu.memory_space<vmem>>)
          %dma_start3A_247 = arith.constant 2 : i32
          %dma_start3A_248 = arith.constant 2 : i32
          %dma_start3A_249 = arith.constant 0 : i32
          %dma_start3A_250 = arith.constant 0 : i32
          %dma_start3A_251 = tpu.memref_slice %arg9[%dma_start3A_247, %dma_start3A_249, %dma_start3A_250] : memref<4x64x128xf32, #tpu.memory_space<vmem>> -> memref<1x64x128xf32, #tpu.memory_space<vmem>>
          %dma_start3A_252 = tpu.memref_squeeze %dma_start3A_251 : memref<1x64x128xf32, #tpu.memory_space<vmem>> -> memref<64x128xf32, #tpu.memory_space<vmem>>
          %dma_start3A_253 = arith.constant 0 : i32
          %dma_start3A_254 = tpu.memref_slice %arg8[%add3A_232, %dma_start3A_253] : memref<32x64xi32, #tpu.memory_space<vmem>> -> memref<1x64xi32, #tpu.memory_space<vmem>>
          %dma_start3A_255 = tpu.memref_squeeze %dma_start3A_254 : memref<1x64xi32, #tpu.memory_space<vmem>> -> memref<64xi32, #tpu.memory_space<vmem>>
          %dma_start3A_256 = arith.constant 0 : i32
          %dma_start3A_257 = arith.constant 0 : i32
          %dma_start3A_258 = tpu.memref_slice %arg10[%dma_start3A_256, %dma_start3A_257] : memref<10240x128xf32, #tpu.memory_space<vmem_shared>> -> memref<10240x128xf32, #tpu.memory_space<vmem_shared>>
          %dma_start3A_259 = tpu.memref_slice %arg12[%dma_start3A_248] : memref<4x!tpu.dma_semaphore, #tpu.memory_space<semaphore_mem>> -> memref<1x!tpu.dma_semaphore, #tpu.memory_space<semaphore_mem>>
          %dma_start3A_260 = tpu.memref_squeeze %dma_start3A_259 : memref<1x!tpu.dma_semaphore, #tpu.memory_space<semaphore_mem>> -> memref<!tpu.dma_semaphore, #tpu.memory_space<semaphore_mem>>
          tpu.enqueue_indirect_dma source(%dma_start3A_252 : memref<64x128xf32, #tpu.memory_space<vmem>>) target(%dma_start3A_258 : memref<10240x128xf32, #tpu.memory_space<vmem_shared>>) offsets(%dma_start3A_255 : memref<64xi32, #tpu.memory_space<vmem>>) semaphore(%dma_start3A_260 : memref<!tpu.dma_semaphore, #tpu.memory_space<semaphore_mem>>) {add = true}
          %add3A_261 = arith.constant 4 : i32
          %add3A_262 = arith.addi %add3A_232, %add3A_261 : i32
          %sub3A_263 = arith.constant 1 : i32
          %sub3A_264 = arith.subi %add3A_262, %sub3A_263 : i32
          %eq3A_265 = arith.constant 0 : i32
          %eq3A_266 = arith.cmpi eq, %add3A_232, %eq3A_265 : i32
          %convert_element_type3A_267 = arith.extui %eq3A_266 : i1 to i32
          %cond3A_268 = arith.constant 0 : i32
          %cond3A_269 = arith.cmpi ne, %convert_element_type3A_267, %cond3A_268 : i32
          scf.if %cond3A_269 {
            %dma_start3A_327 = arith.constant 1 : i32
            %dma_start3A_328 = arith.constant 1 : i32
            %dma_start3A_329 = arith.constant 0 : i32
            %dma_start3A_330 = arith.constant 0 : i32
            %dma_start3A_331 = tpu.memref_slice %arg9[%dma_start3A_327, %dma_start3A_329, %dma_start3A_330] : memref<4x64x128xf32, #tpu.memory_space<vmem>> -> memref<1x64x128xf32, #tpu.memory_space<vmem>>
            %dma_start3A_332 = tpu.memref_squeeze %dma_start3A_331 : memref<1x64x128xf32, #tpu.memory_space<vmem>> -> memref<64x128xf32, #tpu.memory_space<vmem>>
            %dma_start3A_333 = arith.constant 0 : i32
            %dma_start3A_334 = tpu.memref_slice %arg7[%sub3A_264, %dma_start3A_333] : memref<32x64xi32, #tpu.memory_space<vmem>> -> memref<1x64xi32, #tpu.memory_space<vmem>>
            %dma_start3A_335 = tpu.memref_squeeze %dma_start3A_334 : memref<1x64xi32, #tpu.memory_space<vmem>> -> memref<64xi32, #tpu.memory_space<vmem>>
            %dma_start3A_336 = arith.constant 0 : i32
            %dma_start3A_337 = arith.constant 0 : i32
            %dma_start3A_338 = tpu.memref_slice %arg2[%dma_start3A_336, %dma_start3A_337] : memref<10240x128xf32, #tpu.memory_space<hbm>> -> memref<10240x128xf32, #tpu.memory_space<hbm>>
            %dma_start3A_339 = tpu.memref_slice %arg11[%dma_start3A_328] : memref<4x!tpu.dma_semaphore, #tpu.memory_space<semaphore_mem>> -> memref<1x!tpu.dma_semaphore, #tpu.memory_space<semaphore_mem>>
            %dma_start3A_340 = tpu.memref_squeeze %dma_start3A_339 : memref<1x!tpu.dma_semaphore, #tpu.memory_space<semaphore_mem>> -> memref<!tpu.dma_semaphore, #tpu.memory_space<semaphore_mem>>
            tpu.enqueue_indirect_dma source(%dma_start3A_338 : memref<10240x128xf32, #tpu.memory_space<hbm>>) target(%dma_start3A_332 : memref<64x128xf32, #tpu.memory_space<vmem>>) offsets(%dma_start3A_335 : memref<64xi32, #tpu.memory_space<vmem>>) semaphore(%dma_start3A_340 : memref<!tpu.dma_semaphore, #tpu.memory_space<semaphore_mem>>)
          } else {
          }
          %ge3A_270 = arith.constant 1 : i32
          %ge3A_271 = arith.cmpi sge, %add3A_232, %ge3A_270 : i32
          %lt3A_272 = arith.constant 32 : i32
          %lt3A_273 = arith.cmpi slt, %sub3A_264, %lt3A_272 : i32
          %and3A_274 = arith.andi %ge3A_271, %lt3A_273 : i1
          %convert_element_type3A_275 = arith.extui %and3A_274 : i1 to i32
          %cond3A_276 = arith.constant 0 : i32
          %cond3A_277 = arith.cmpi ne, %convert_element_type3A_275, %cond3A_276 : i32
          scf.if %cond3A_277 {
            %sub3A_327 = arith.constant 1 : i32
            %sub3A_328 = arith.subi %add3A_232, %sub3A_327 : i32
            %dma_wait3A_329 = arith.constant 1 : i32
            %dma_wait3A_330 = arith.constant 1 : i32
            %dma_wait3A_331 = arith.constant 0 : i32
            %dma_wait3A_332 = arith.constant 0 : i32
            %dma_wait3A_333 = tpu.memref_slice %arg9[%dma_wait3A_329, %dma_wait3A_331, %dma_wait3A_332] : memref<4x64x128xf32, #tpu.memory_space<vmem>> -> memref<1x64x128xf32, #tpu.memory_space<vmem>>
            %dma_wait3A_334 = tpu.memref_squeeze %dma_wait3A_333 : memref<1x64x128xf32, #tpu.memory_space<vmem>> -> memref<64x128xf32, #tpu.memory_space<vmem>>
            %dma_wait3A_335 = arith.constant 0 : i32
            %dma_wait3A_336 = tpu.memref_slice %arg8[%sub3A_328, %dma_wait3A_335] : memref<32x64xi32, #tpu.memory_space<vmem>> -> memref<1x64xi32, #tpu.memory_space<vmem>>
            %dma_wait3A_337 = tpu.memref_squeeze %dma_wait3A_336 : memref<1x64xi32, #tpu.memory_space<vmem>> -> memref<64xi32, #tpu.memory_space<vmem>>
            %dma_wait3A_338 = arith.constant 0 : i32
            %dma_wait3A_339 = arith.constant 0 : i32
            %dma_wait3A_340 = tpu.memref_slice %arg10[%dma_wait3A_338, %dma_wait3A_339] : memref<10240x128xf32, #tpu.memory_space<vmem_shared>> -> memref<10240x128xf32, #tpu.memory_space<vmem_shared>>
            %dma_wait3A_341 = tpu.memref_slice %arg12[%dma_wait3A_330] : memref<4x!tpu.dma_semaphore, #tpu.memory_space<semaphore_mem>> -> memref<1x!tpu.dma_semaphore, #tpu.memory_space<semaphore_mem>>
            %dma_wait3A_342 = tpu.memref_squeeze %dma_wait3A_341 : memref<1x!tpu.dma_semaphore, #tpu.memory_space<semaphore_mem>> -> memref<!tpu.dma_semaphore, #tpu.memory_space<semaphore_mem>>
            tpu.wait_indirect_dma semaphore(%dma_wait3A_342 : memref<!tpu.dma_semaphore, #tpu.memory_space<semaphore_mem>>) src(%dma_wait3A_334 : memref<64x128xf32, #tpu.memory_space<vmem>>) dst(%dma_wait3A_340 : memref<10240x128xf32, #tpu.memory_space<vmem_shared>>)
            %dma_start3A_343 = arith.constant 1 : i32
            %dma_start3A_344 = arith.constant 1 : i32
            %dma_start3A_345 = arith.constant 0 : i32
            %dma_start3A_346 = arith.constant 0 : i32
            %dma_start3A_347 = tpu.memref_slice %arg9[%dma_start3A_343, %dma_start3A_345, %dma_start3A_346] : memref<4x64x128xf32, #tpu.memory_space<vmem>> -> memref<1x64x128xf32, #tpu.memory_space<vmem>>
            %dma_start3A_348 = tpu.memref_squeeze %dma_start3A_347 : memref<1x64x128xf32, #tpu.memory_space<vmem>> -> memref<64x128xf32, #tpu.memory_space<vmem>>
            %dma_start3A_349 = arith.constant 0 : i32
            %dma_start3A_350 = tpu.memref_slice %arg7[%sub3A_264, %dma_start3A_349] : memref<32x64xi32, #tpu.memory_space<vmem>> -> memref<1x64xi32, #tpu.memory_space<vmem>>
            %dma_start3A_351 = tpu.memref_squeeze %dma_start3A_350 : memref<1x64xi32, #tpu.memory_space<vmem>> -> memref<64xi32, #tpu.memory_space<vmem>>
            %dma_start3A_352 = arith.constant 0 : i32
            %dma_start3A_353 = arith.constant 0 : i32
            %dma_start3A_354 = tpu.memref_slice %arg2[%dma_start3A_352, %dma_start3A_353] : memref<10240x128xf32, #tpu.memory_space<hbm>> -> memref<10240x128xf32, #tpu.memory_space<hbm>>
            %dma_start3A_355 = tpu.memref_slice %arg11[%dma_start3A_344] : memref<4x!tpu.dma_semaphore, #tpu.memory_space<semaphore_mem>> -> memref<1x!tpu.dma_semaphore, #tpu.memory_space<semaphore_mem>>
            %dma_start3A_356 = tpu.memref_squeeze %dma_start3A_355 : memref<1x!tpu.dma_semaphore, #tpu.memory_space<semaphore_mem>> -> memref<!tpu.dma_semaphore, #tpu.memory_space<semaphore_mem>>
            tpu.enqueue_indirect_dma source(%dma_start3A_354 : memref<10240x128xf32, #tpu.memory_space<hbm>>) target(%dma_start3A_348 : memref<64x128xf32, #tpu.memory_space<vmem>>) offsets(%dma_start3A_351 : memref<64xi32, #tpu.memory_space<vmem>>) semaphore(%dma_start3A_356 : memref<!tpu.dma_semaphore, #tpu.memory_space<semaphore_mem>>)
          } else {
          }
          %mul3A_278 = arith.constant 4 : i32
          %mul3A_279 = arith.muli %scan3A_134, %mul3A_278 : i32
          %add3A_280 = arith.constant 3 : i32
          %add3A_281 = arith.addi %mul3A_279, %add3A_280 : i32
          %dma_wait3A_282 = arith.constant 3 : i32
          %dma_wait3A_283 = arith.constant 3 : i32
          %dma_wait3A_284 = arith.constant 0 : i32
          %dma_wait3A_285 = arith.constant 0 : i32
          %dma_wait3A_286 = tpu.memref_slice %arg9[%dma_wait3A_282, %dma_wait3A_284, %dma_wait3A_285] : memref<4x64x128xf32, #tpu.memory_space<vmem>> -> memref<1x64x128xf32, #tpu.memory_space<vmem>>
          %dma_wait3A_287 = tpu.memref_squeeze %dma_wait3A_286 : memref<1x64x128xf32, #tpu.memory_space<vmem>> -> memref<64x128xf32, #tpu.memory_space<vmem>>
          %dma_wait3A_288 = arith.constant 0 : i32
          %dma_wait3A_289 = tpu.memref_slice %arg7[%add3A_281, %dma_wait3A_288] : memref<32x64xi32, #tpu.memory_space<vmem>> -> memref<1x64xi32, #tpu.memory_space<vmem>>
          %dma_wait3A_290 = tpu.memref_squeeze %dma_wait3A_289 : memref<1x64xi32, #tpu.memory_space<vmem>> -> memref<64xi32, #tpu.memory_space<vmem>>
          %dma_wait3A_291 = arith.constant 0 : i32
          %dma_wait3A_292 = arith.constant 0 : i32
          %dma_wait3A_293 = tpu.memref_slice %arg2[%dma_wait3A_291, %dma_wait3A_292] : memref<10240x128xf32, #tpu.memory_space<hbm>> -> memref<10240x128xf32, #tpu.memory_space<hbm>>
          %dma_wait3A_294 = tpu.memref_slice %arg11[%dma_wait3A_283] : memref<4x!tpu.dma_semaphore, #tpu.memory_space<semaphore_mem>> -> memref<1x!tpu.dma_semaphore, #tpu.memory_space<semaphore_mem>>
          %dma_wait3A_295 = tpu.memref_squeeze %dma_wait3A_294 : memref<1x!tpu.dma_semaphore, #tpu.memory_space<semaphore_mem>> -> memref<!tpu.dma_semaphore, #tpu.memory_space<semaphore_mem>>
          tpu.wait_indirect_dma semaphore(%dma_wait3A_295 : memref<!tpu.dma_semaphore, #tpu.memory_space<semaphore_mem>>) src(%dma_wait3A_293 : memref<10240x128xf32, #tpu.memory_space<hbm>>) dst(%dma_wait3A_287 : memref<64x128xf32, #tpu.memory_space<vmem>>)
          %dma_start3A_296 = arith.constant 3 : i32
          %dma_start3A_297 = arith.constant 3 : i32
          %dma_start3A_298 = arith.constant 0 : i32
          %dma_start3A_299 = arith.constant 0 : i32
          %dma_start3A_300 = tpu.memref_slice %arg9[%dma_start3A_296, %dma_start3A_298, %dma_start3A_299] : memref<4x64x128xf32, #tpu.memory_space<vmem>> -> memref<1x64x128xf32, #tpu.memory_space<vmem>>
          %dma_start3A_301 = tpu.memref_squeeze %dma_start3A_300 : memref<1x64x128xf32, #tpu.memory_space<vmem>> -> memref<64x128xf32, #tpu.memory_space<vmem>>
          %dma_start3A_302 = arith.constant 0 : i32
          %dma_start3A_303 = tpu.memref_slice %arg8[%add3A_281, %dma_start3A_302] : memref<32x64xi32, #tpu.memory_space<vmem>> -> memref<1x64xi32, #tpu.memory_space<vmem>>
          %dma_start3A_304 = tpu.memref_squeeze %dma_start3A_303 : memref<1x64xi32, #tpu.memory_space<vmem>> -> memref<64xi32, #tpu.memory_space<vmem>>
          %dma_start3A_305 = arith.constant 0 : i32
          %dma_start3A_306 = arith.constant 0 : i32
          %dma_start3A_307 = tpu.memref_slice %arg10[%dma_start3A_305, %dma_start3A_306] : memref<10240x128xf32, #tpu.memory_space<vmem_shared>> -> memref<10240x128xf32, #tpu.memory_space<vmem_shared>>
          %dma_start3A_308 = tpu.memref_slice %arg12[%dma_start3A_297] : memref<4x!tpu.dma_semaphore, #tpu.memory_space<semaphore_mem>> -> memref<1x!tpu.dma_semaphore, #tpu.memory_space<semaphore_mem>>
          %dma_start3A_309 = tpu.memref_squeeze %dma_start3A_308 : memref<1x!tpu.dma_semaphore, #tpu.memory_space<semaphore_mem>> -> memref<!tpu.dma_semaphore, #tpu.memory_space<semaphore_mem>>
          tpu.enqueue_indirect_dma source(%dma_start3A_301 : memref<64x128xf32, #tpu.memory_space<vmem>>) target(%dma_start3A_307 : memref<10240x128xf32, #tpu.memory_space<vmem_shared>>) offsets(%dma_start3A_304 : memref<64xi32, #tpu.memory_space<vmem>>) semaphore(%dma_start3A_309 : memref<!tpu.dma_semaphore, #tpu.memory_space<semaphore_mem>>) {add = true}
          %add3A_310 = arith.constant 4 : i32
          %add3A_311 = arith.addi %add3A_281, %add3A_310 : i32
          %sub3A_312 = arith.constant 1 : i32
          %sub3A_313 = arith.subi %add3A_311, %sub3A_312 : i32
          %eq3A_314 = arith.constant 0 : i32
          %eq3A_315 = arith.cmpi eq, %add3A_281, %eq3A_314 : i32
          %convert_element_type3A_316 = arith.extui %eq3A_315 : i1 to i32
          %cond3A_317 = arith.constant 0 : i32
          %cond3A_318 = arith.cmpi ne, %convert_element_type3A_316, %cond3A_317 : i32
          scf.if %cond3A_318 {
            %dma_start3A_327 = arith.constant 2 : i32
            %dma_start3A_328 = arith.constant 2 : i32
            %dma_start3A_329 = arith.constant 0 : i32
            %dma_start3A_330 = arith.constant 0 : i32
            %dma_start3A_331 = tpu.memref_slice %arg9[%dma_start3A_327, %dma_start3A_329, %dma_start3A_330] : memref<4x64x128xf32, #tpu.memory_space<vmem>> -> memref<1x64x128xf32, #tpu.memory_space<vmem>>
            %dma_start3A_332 = tpu.memref_squeeze %dma_start3A_331 : memref<1x64x128xf32, #tpu.memory_space<vmem>> -> memref<64x128xf32, #tpu.memory_space<vmem>>
            %dma_start3A_333 = arith.constant 0 : i32
            %dma_start3A_334 = tpu.memref_slice %arg7[%sub3A_313, %dma_start3A_333] : memref<32x64xi32, #tpu.memory_space<vmem>> -> memref<1x64xi32, #tpu.memory_space<vmem>>
            %dma_start3A_335 = tpu.memref_squeeze %dma_start3A_334 : memref<1x64xi32, #tpu.memory_space<vmem>> -> memref<64xi32, #tpu.memory_space<vmem>>
            %dma_start3A_336 = arith.constant 0 : i32
            %dma_start3A_337 = arith.constant 0 : i32
            %dma_start3A_338 = tpu.memref_slice %arg2[%dma_start3A_336, %dma_start3A_337] : memref<10240x128xf32, #tpu.memory_space<hbm>> -> memref<10240x128xf32, #tpu.memory_space<hbm>>
            %dma_start3A_339 = tpu.memref_slice %arg11[%dma_start3A_328] : memref<4x!tpu.dma_semaphore, #tpu.memory_space<semaphore_mem>> -> memref<1x!tpu.dma_semaphore, #tpu.memory_space<semaphore_mem>>
            %dma_start3A_340 = tpu.memref_squeeze %dma_start3A_339 : memref<1x!tpu.dma_semaphore, #tpu.memory_space<semaphore_mem>> -> memref<!tpu.dma_semaphore, #tpu.memory_space<semaphore_mem>>
            tpu.enqueue_indirect_dma source(%dma_start3A_338 : memref<10240x128xf32, #tpu.memory_space<hbm>>) target(%dma_start3A_332 : memref<64x128xf32, #tpu.memory_space<vmem>>) offsets(%dma_start3A_335 : memref<64xi32, #tpu.memory_space<vmem>>) semaphore(%dma_start3A_340 : memref<!tpu.dma_semaphore, #tpu.memory_space<semaphore_mem>>)
          } else {
          }
          %ge3A_319 = arith.constant 1 : i32
          %ge3A_320 = arith.cmpi sge, %add3A_281, %ge3A_319 : i32
          %lt3A_321 = arith.constant 32 : i32
          %lt3A_322 = arith.cmpi slt, %sub3A_313, %lt3A_321 : i32
          %and3A_323 = arith.andi %ge3A_320, %lt3A_322 : i1
          %convert_element_type3A_324 = arith.extui %and3A_323 : i1 to i32
          %cond3A_325 = arith.constant 0 : i32
          %cond3A_326 = arith.cmpi ne, %convert_element_type3A_324, %cond3A_325 : i32
          scf.if %cond3A_326 {
            %sub3A_327 = arith.constant 1 : i32
            %sub3A_328 = arith.subi %add3A_281, %sub3A_327 : i32
            %dma_wait3A_329 = arith.constant 2 : i32
            %dma_wait3A_330 = arith.constant 2 : i32
            %dma_wait3A_331 = arith.constant 0 : i32
            %dma_wait3A_332 = arith.constant 0 : i32
            %dma_wait3A_333 = tpu.memref_slice %arg9[%dma_wait3A_329, %dma_wait3A_331, %dma_wait3A_332] : memref<4x64x128xf32, #tpu.memory_space<vmem>> -> memref<1x64x128xf32, #tpu.memory_space<vmem>>
            %dma_wait3A_334 = tpu.memref_squeeze %dma_wait3A_333 : memref<1x64x128xf32, #tpu.memory_space<vmem>> -> memref<64x128xf32, #tpu.memory_space<vmem>>
            %dma_wait3A_335 = arith.constant 0 : i32
            %dma_wait3A_336 = tpu.memref_slice %arg8[%sub3A_328, %dma_wait3A_335] : memref<32x64xi32, #tpu.memory_space<vmem>> -> memref<1x64xi32, #tpu.memory_space<vmem>>
            %dma_wait3A_337 = tpu.memref_squeeze %dma_wait3A_336 : memref<1x64xi32, #tpu.memory_space<vmem>> -> memref<64xi32, #tpu.memory_space<vmem>>
            %dma_wait3A_338 = arith.constant 0 : i32
            %dma_wait3A_339 = arith.constant 0 : i32
            %dma_wait3A_340 = tpu.memref_slice %arg10[%dma_wait3A_338, %dma_wait3A_339] : memref<10240x128xf32, #tpu.memory_space<vmem_shared>> -> memref<10240x128xf32, #tpu.memory_space<vmem_shared>>
            %dma_wait3A_341 = tpu.memref_slice %arg12[%dma_wait3A_330] : memref<4x!tpu.dma_semaphore, #tpu.memory_space<semaphore_mem>> -> memref<1x!tpu.dma_semaphore, #tpu.memory_space<semaphore_mem>>
            %dma_wait3A_342 = tpu.memref_squeeze %dma_wait3A_341 : memref<1x!tpu.dma_semaphore, #tpu.memory_space<semaphore_mem>> -> memref<!tpu.dma_semaphore, #tpu.memory_space<semaphore_mem>>
            tpu.wait_indirect_dma semaphore(%dma_wait3A_342 : memref<!tpu.dma_semaphore, #tpu.memory_space<semaphore_mem>>) src(%dma_wait3A_334 : memref<64x128xf32, #tpu.memory_space<vmem>>) dst(%dma_wait3A_340 : memref<10240x128xf32, #tpu.memory_space<vmem_shared>>)
            %dma_start3A_343 = arith.constant 2 : i32
            %dma_start3A_344 = arith.constant 2 : i32
            %dma_start3A_345 = arith.constant 0 : i32
            %dma_start3A_346 = arith.constant 0 : i32
            %dma_start3A_347 = tpu.memref_slice %arg9[%dma_start3A_343, %dma_start3A_345, %dma_start3A_346] : memref<4x64x128xf32, #tpu.memory_space<vmem>> -> memref<1x64x128xf32, #tpu.memory_space<vmem>>
            %dma_start3A_348 = tpu.memref_squeeze %dma_start3A_347 : memref<1x64x128xf32, #tpu.memory_space<vmem>> -> memref<64x128xf32, #tpu.memory_space<vmem>>
            %dma_start3A_349 = arith.constant 0 : i32
            %dma_start3A_350 = tpu.memref_slice %arg7[%sub3A_313, %dma_start3A_349] : memref<32x64xi32, #tpu.memory_space<vmem>> -> memref<1x64xi32, #tpu.memory_space<vmem>>
            %dma_start3A_351 = tpu.memref_squeeze %dma_start3A_350 : memref<1x64xi32, #tpu.memory_space<vmem>> -> memref<64xi32, #tpu.memory_space<vmem>>
            %dma_start3A_352 = arith.constant 0 : i32
            %dma_start3A_353 = arith.constant 0 : i32
            %dma_start3A_354 = tpu.memref_slice %arg2[%dma_start3A_352, %dma_start3A_353] : memref<10240x128xf32, #tpu.memory_space<hbm>> -> memref<10240x128xf32, #tpu.memory_space<hbm>>
            %dma_start3A_355 = tpu.memref_slice %arg11[%dma_start3A_344] : memref<4x!tpu.dma_semaphore, #tpu.memory_space<semaphore_mem>> -> memref<1x!tpu.dma_semaphore, #tpu.memory_space<semaphore_mem>>
            %dma_start3A_356 = tpu.memref_squeeze %dma_start3A_355 : memref<1x!tpu.dma_semaphore, #tpu.memory_space<semaphore_mem>> -> memref<!tpu.dma_semaphore, #tpu.memory_space<semaphore_mem>>
            tpu.enqueue_indirect_dma source(%dma_start3A_354 : memref<10240x128xf32, #tpu.memory_space<hbm>>) target(%dma_start3A_348 : memref<64x128xf32, #tpu.memory_space<vmem>>) offsets(%dma_start3A_351 : memref<64xi32, #tpu.memory_space<vmem>>) semaphore(%dma_start3A_356 : memref<!tpu.dma_semaphore, #tpu.memory_space<semaphore_mem>>)
          } else {
          }
        }
        %scan3A_74 = arith.constant 8 : i32
        %dma_wait3A = arith.constant 0 : i32
        %dma_wait3A_75 = arith.constant 28 : i32
        %dma_wait3A_76 = arith.constant 0 : i32
        %dma_wait3A_77 = arith.constant 0 : i32
        %dma_wait3A_78 = arith.constant 0 : i32
        %dma_wait3A_79 = tpu.memref_slice %arg9[%dma_wait3A, %dma_wait3A_77, %dma_wait3A_78] : memref<4x64x128xf32, #tpu.memory_space<vmem>> -> memref<1x64x128xf32, #tpu.memory_space<vmem>>
        %dma_wait3A_80 = tpu.memref_squeeze %dma_wait3A_79 : memref<1x64x128xf32, #tpu.memory_space<vmem>> -> memref<64x128xf32, #tpu.memory_space<vmem>>
        %dma_wait3A_81 = arith.constant 0 : i32
        %dma_wait3A_82 = tpu.memref_slice %arg8[%dma_wait3A_75, %dma_wait3A_81] : memref<32x64xi32, #tpu.memory_space<vmem>> -> memref<1x64xi32, #tpu.memory_space<vmem>>
        %dma_wait3A_83 = tpu.memref_squeeze %dma_wait3A_82 : memref<1x64xi32, #tpu.memory_space<vmem>> -> memref<64xi32, #tpu.memory_space<vmem>>
        %dma_wait3A_84 = arith.constant 0 : i32
        %dma_wait3A_85 = arith.constant 0 : i32
        %dma_wait3A_86 = tpu.memref_slice %arg10[%dma_wait3A_84, %dma_wait3A_85] : memref<10240x128xf32, #tpu.memory_space<vmem_shared>> -> memref<10240x128xf32, #tpu.memory_space<vmem_shared>>
        %dma_wait3A_87 = tpu.memref_slice %arg12[%dma_wait3A_76] : memref<4x!tpu.dma_semaphore, #tpu.memory_space<semaphore_mem>> -> memref<1x!tpu.dma_semaphore, #tpu.memory_space<semaphore_mem>>
        %dma_wait3A_88 = tpu.memref_squeeze %dma_wait3A_87 : memref<1x!tpu.dma_semaphore, #tpu.memory_space<semaphore_mem>> -> memref<!tpu.dma_semaphore, #tpu.memory_space<semaphore_mem>>
        tpu.wait_indirect_dma semaphore(%dma_wait3A_88 : memref<!tpu.dma_semaphore, #tpu.memory_space<semaphore_mem>>) src(%dma_wait3A_80 : memref<64x128xf32, #tpu.memory_space<vmem>>) dst(%dma_wait3A_86 : memref<10240x128xf32, #tpu.memory_space<vmem_shared>>)
        %dma_wait3A_89 = arith.constant 1 : i32
        %dma_wait3A_90 = arith.constant 29 : i32
        %dma_wait3A_91 = arith.constant 1 : i32
        %dma_wait3A_92 = arith.constant 0 : i32
        %dma_wait3A_93 = arith.constant 0 : i32
        %dma_wait3A_94 = tpu.memref_slice %arg9[%dma_wait3A_89, %dma_wait3A_92, %dma_wait3A_93] : memref<4x64x128xf32, #tpu.memory_space<vmem>> -> memref<1x64x128xf32, #tpu.memory_space<vmem>>
        %dma_wait3A_95 = tpu.memref_squeeze %dma_wait3A_94 : memref<1x64x128xf32, #tpu.memory_space<vmem>> -> memref<64x128xf32, #tpu.memory_space<vmem>>
        %dma_wait3A_96 = arith.constant 0 : i32
        %dma_wait3A_97 = tpu.memref_slice %arg8[%dma_wait3A_90, %dma_wait3A_96] : memref<32x64xi32, #tpu.memory_space<vmem>> -> memref<1x64xi32, #tpu.memory_space<vmem>>
        %dma_wait3A_98 = tpu.memref_squeeze %dma_wait3A_97 : memref<1x64xi32, #tpu.memory_space<vmem>> -> memref<64xi32, #tpu.memory_space<vmem>>
        %dma_wait3A_99 = arith.constant 0 : i32
        %dma_wait3A_100 = arith.constant 0 : i32
        %dma_wait3A_101 = tpu.memref_slice %arg10[%dma_wait3A_99, %dma_wait3A_100] : memref<10240x128xf32, #tpu.memory_space<vmem_shared>> -> memref<10240x128xf32, #tpu.memory_space<vmem_shared>>
        %dma_wait3A_102 = tpu.memref_slice %arg12[%dma_wait3A_91] : memref<4x!tpu.dma_semaphore, #tpu.memory_space<semaphore_mem>> -> memref<1x!tpu.dma_semaphore, #tpu.memory_space<semaphore_mem>>
        %dma_wait3A_103 = tpu.memref_squeeze %dma_wait3A_102 : memref<1x!tpu.dma_semaphore, #tpu.memory_space<semaphore_mem>> -> memref<!tpu.dma_semaphore, #tpu.memory_space<semaphore_mem>>
        tpu.wait_indirect_dma semaphore(%dma_wait3A_103 : memref<!tpu.dma_semaphore, #tpu.memory_space<semaphore_mem>>) src(%dma_wait3A_95 : memref<64x128xf32, #tpu.memory_space<vmem>>) dst(%dma_wait3A_101 : memref<10240x128xf32, #tpu.memory_space<vmem_shared>>)
        %dma_wait3A_104 = arith.constant 2 : i32
        %dma_wait3A_105 = arith.constant 30 : i32
        %dma_wait3A_106 = arith.constant 2 : i32
        %dma_wait3A_107 = arith.constant 0 : i32
        %dma_wait3A_108 = arith.constant 0 : i32
        %dma_wait3A_109 = tpu.memref_slice %arg9[%dma_wait3A_104, %dma_wait3A_107, %dma_wait3A_108] : memref<4x64x128xf32, #tpu.memory_space<vmem>> -> memref<1x64x128xf32, #tpu.memory_space<vmem>>
        %dma_wait3A_110 = tpu.memref_squeeze %dma_wait3A_109 : memref<1x64x128xf32, #tpu.memory_space<vmem>> -> memref<64x128xf32, #tpu.memory_space<vmem>>
        %dma_wait3A_111 = arith.constant 0 : i32
        %dma_wait3A_112 = tpu.memref_slice %arg8[%dma_wait3A_105, %dma_wait3A_111] : memref<32x64xi32, #tpu.memory_space<vmem>> -> memref<1x64xi32, #tpu.memory_space<vmem>>
        %dma_wait3A_113 = tpu.memref_squeeze %dma_wait3A_112 : memref<1x64xi32, #tpu.memory_space<vmem>> -> memref<64xi32, #tpu.memory_space<vmem>>
        %dma_wait3A_114 = arith.constant 0 : i32
        %dma_wait3A_115 = arith.constant 0 : i32
        %dma_wait3A_116 = tpu.memref_slice %arg10[%dma_wait3A_114, %dma_wait3A_115] : memref<10240x128xf32, #tpu.memory_space<vmem_shared>> -> memref<10240x128xf32, #tpu.memory_space<vmem_shared>>
        %dma_wait3A_117 = tpu.memref_slice %arg12[%dma_wait3A_106] : memref<4x!tpu.dma_semaphore, #tpu.memory_space<semaphore_mem>> -> memref<1x!tpu.dma_semaphore, #tpu.memory_space<semaphore_mem>>
        %dma_wait3A_118 = tpu.memref_squeeze %dma_wait3A_117 : memref<1x!tpu.dma_semaphore, #tpu.memory_space<semaphore_mem>> -> memref<!tpu.dma_semaphore, #tpu.memory_space<semaphore_mem>>
        tpu.wait_indirect_dma semaphore(%dma_wait3A_118 : memref<!tpu.dma_semaphore, #tpu.memory_space<semaphore_mem>>) src(%dma_wait3A_110 : memref<64x128xf32, #tpu.memory_space<vmem>>) dst(%dma_wait3A_116 : memref<10240x128xf32, #tpu.memory_space<vmem_shared>>)
        %dma_wait3A_119 = arith.constant 3 : i32
        %dma_wait3A_120 = arith.constant 31 : i32
        %dma_wait3A_121 = arith.constant 3 : i32
        %dma_wait3A_122 = arith.constant 0 : i32
        %dma_wait3A_123 = arith.constant 0 : i32
        %dma_wait3A_124 = tpu.memref_slice %arg9[%dma_wait3A_119, %dma_wait3A_122, %dma_wait3A_123] : memref<4x64x128xf32, #tpu.memory_space<vmem>> -> memref<1x64x128xf32, #tpu.memory_space<vmem>>
        %dma_wait3A_125 = tpu.memref_squeeze %dma_wait3A_124 : memref<1x64x128xf32, #tpu.memory_space<vmem>> -> memref<64x128xf32, #tpu.memory_space<vmem>>
        %dma_wait3A_126 = arith.constant 0 : i32
        %dma_wait3A_127 = tpu.memref_slice %arg8[%dma_wait3A_120, %dma_wait3A_126] : memref<32x64xi32, #tpu.memory_space<vmem>> -> memref<1x64xi32, #tpu.memory_space<vmem>>
        %dma_wait3A_128 = tpu.memref_squeeze %dma_wait3A_127 : memref<1x64xi32, #tpu.memory_space<vmem>> -> memref<64xi32, #tpu.memory_space<vmem>>
        %dma_wait3A_129 = arith.constant 0 : i32
        %dma_wait3A_130 = arith.constant 0 : i32
        %dma_wait3A_131 = tpu.memref_slice %arg10[%dma_wait3A_129, %dma_wait3A_130] : memref<10240x128xf32, #tpu.memory_space<vmem_shared>> -> memref<10240x128xf32, #tpu.memory_space<vmem_shared>>
        %dma_wait3A_132 = tpu.memref_slice %arg12[%dma_wait3A_121] : memref<4x!tpu.dma_semaphore, #tpu.memory_space<semaphore_mem>> -> memref<1x!tpu.dma_semaphore, #tpu.memory_space<semaphore_mem>>
        %dma_wait3A_133 = tpu.memref_squeeze %dma_wait3A_132 : memref<1x!tpu.dma_semaphore, #tpu.memory_space<semaphore_mem>> -> memref<!tpu.dma_semaphore, #tpu.memory_space<semaphore_mem>>
        tpu.wait_indirect_dma semaphore(%dma_wait3A_133 : memref<!tpu.dma_semaphore, #tpu.memory_space<semaphore_mem>>) src(%dma_wait3A_125 : memref<64x128xf32, #tpu.memory_space<vmem>>) dst(%dma_wait3A_131 : memref<10240x128xf32, #tpu.memory_space<vmem_shared>>)
      }
      %scan3A_20 = arith.constant 2 : i32
    } else {
    }
    %barrier3A_8 = arith.constant 0 : index
    tpu.barrier barrier_id(%barrier3A_8)
    %mul3A_9 = arith.constant 640 : i32
    %mul3A_10 = arith.muli %arg1, %mul3A_9 : i32
    %mul3A_11 = arith.constant 640 : i32
    %mul3A_12 = arith.muli %arg1, %mul3A_11 : i32
    "tpu.region"() ({
      %run_scoped3A = tpu.sem_alloc : memref<!tpu.dma_semaphore, #tpu.memory_space<semaphore_mem>>
      %dma_start3A = arith.constant 0 : i32
      %dma_start3A_13 = tpu.memref_slice %arg6[%arg0, %mul3A_12, %dma_start3A] : memref<2x10240x128xf32, #tpu.memory_space<hbm>> -> memref<1x640x128xf32, #tpu.memory_space<hbm>>
      %dma_start3A_14 = tpu.memref_squeeze %dma_start3A_13 : memref<1x640x128xf32, #tpu.memory_space<hbm>> -> memref<640x128xf32, #tpu.memory_space<hbm>>
      %dma_start3A_15 = arith.constant 0 : i32
      %dma_start3A_16 = tpu.memref_slice %arg10[%mul3A_10, %dma_start3A_15] : memref<10240x128xf32, #tpu.memory_space<vmem_shared>> -> memref<640x128xf32, #tpu.memory_space<vmem_shared>>
      tpu.enqueue_dma source(%dma_start3A_16 : memref<640x128xf32, #tpu.memory_space<vmem_shared>>) target(%dma_start3A_14 : memref<640x128xf32, #tpu.memory_space<hbm>>) target_semaphore(%run_scoped3A : memref<!tpu.dma_semaphore, #tpu.memory_space<semaphore_mem>>)
      %dma_wait3A = arith.constant 0 : i32
      %dma_wait3A_17 = tpu.memref_slice %arg6[%arg0, %mul3A_12, %dma_wait3A] : memref<2x10240x128xf32, #tpu.memory_space<hbm>> -> memref<1x640x128xf32, #tpu.memory_space<hbm>>
      %dma_wait3A_18 = tpu.memref_squeeze %dma_wait3A_17 : memref<1x640x128xf32, #tpu.memory_space<hbm>> -> memref<640x128xf32, #tpu.memory_space<hbm>>
      %dma_wait3A_19 = arith.constant 0 : i32
      %dma_wait3A_20 = tpu.memref_slice %arg10[%mul3A_10, %dma_wait3A_19] : memref<10240x128xf32, #tpu.memory_space<vmem_shared>> -> memref<640x128xf32, #tpu.memory_space<vmem_shared>>
      tpu.wait_dma2 semaphore(%run_scoped3A : memref<!tpu.dma_semaphore, #tpu.memory_space<semaphore_mem>>) src(%dma_wait3A_20 : memref<640x128xf32, #tpu.memory_space<vmem_shared>>) dst(%dma_wait3A_18 : memref<640x128xf32, #tpu.memory_space<hbm>>)
      tpu.yield
    }) : () -> ()
    return
  }
}

module attributes {stable_mosaic.version = 14 : i64} {
  func.func @_scale_body(%arg0: i32, %arg1: memref<256x128xf32, #tpu.memory_space<vmem>>, %arg2: memref<256x128xf32, #tpu.memory_space<vmem>>, %arg3: memref<256x128xf32, #tpu.memory_space<vmem>>, %arg4: memref<256x128xf32, #tpu.memory_space<vmem>>) attributes {dimension_semantics = [#tpu.dimension_semantics<arbitrary>], iteration_bounds = array<i64: 40>, scalar_prefetch = 0 : i64, scratch_operands = 0 : i64, tpu.core_type = #tpu.core_type<tc>, window_params = [{transform_indices = @transform_0, window_bounds = array<i64: 256, 128>}, {transform_indices = @transform_1, window_bounds = array<i64: 256, 128>}, {transform_indices = @transform_2, window_bounds = array<i64: 256, 128>}, {transform_indices = @transform_3, window_bounds = array<i64: 256, 128>}]} {
    %get3A = arith.constant 0 : index
    %get3A_0 = arith.constant 0 : index
    %get3A_1 = vector.load %arg1[%get3A, %get3A_0] : memref<256x128xf32, #tpu.memory_space<vmem>>, vector<256x128xf32>
    %get3A_2 = arith.constant 0 : index
    %get3A_3 = arith.constant 0 : index
    %get3A_4 = vector.load %arg2[%get3A_2, %get3A_3] : memref<256x128xf32, #tpu.memory_space<vmem>>, vector<256x1xf32>
    %get3A_5 = arith.constant 0 : index
    %get3A_6 = arith.constant 0 : index
    %get3A_7 = vector.load %arg3[%get3A_5, %get3A_6] : memref<256x128xf32, #tpu.memory_space<vmem>>, vector<256x1xf32>
    %add3A = arith.addf %get3A_4, %get3A_7 : vector<256x1xf32>
    %max3A = arith.constant 1.000000e+00 : f32
    %max3A_8 = vector.broadcast %max3A : f32 to vector<256x1xf32>
    %max3A_9 = arith.maximumf %add3A, %max3A_8 : vector<256x1xf32>
    %rsqrt3A = math.rsqrt %max3A_9 : vector<256x1xf32>
    %mul3A = vector.broadcast %rsqrt3A : vector<256x1xf32> to vector<256x128xf32>
    %mul3A_10 = arith.mulf %get3A_1, %mul3A : vector<256x128xf32>
    %swap3A = arith.constant 0 : index
    %swap3A_11 = arith.constant 0 : index
    %swap3A_12 = vector.load %arg4[%swap3A, %swap3A_11] : memref<256x128xf32, #tpu.memory_space<vmem>>, vector<256x128xf32>
    tpu.vector_store %arg4[%swap3A, %swap3A_11], %mul3A_10 {strides = array<i32>} : memref<256x128xf32, #tpu.memory_space<vmem>>, vector<256x128xf32>,
    return
  }
  func.func @transform_0(%arg0: i32) -> (i32, i32) {
    %c0_i32 = arith.constant 0 : i32
    %c0_i32_0 = arith.constant 0 : i32
    return %arg0, %c0_i32 : i32, i32
  }
  func.func @transform_1(%arg0: i32) -> (i32, i32) {
    %c0_i32 = arith.constant 0 : i32
    %c0_i32_0 = arith.constant 0 : i32
    return %arg0, %c0_i32 : i32, i32
  }
  func.func @transform_2(%arg0: i32) -> (i32, i32) {
    %c0_i32 = arith.constant 0 : i32
    %c0_i32_0 = arith.constant 0 : i32
    return %arg0, %c0_i32 : i32, i32
  }
  func.func @transform_3(%arg0: i32) -> (i32, i32) {
    %c0_i32 = arith.constant 0 : i32
    %c0_i32_0 = arith.constant 0 : i32
    return %arg0, %c0_i32 : i32, i32
  }
}

module attributes {stable_mosaic.version = 14 : i64} {
  func.func @_mm_stats_body(%arg0: i32, %arg1: memref<256x128xf32, #tpu.memory_space<vmem>>, %arg2: memref<256x128xf32, #tpu.memory_space<vmem>>, %arg3: memref<256x128xf32, #tpu.memory_space<vmem>>, %arg4: memref<256x128xf32, #tpu.memory_space<vmem>>, %arg5: memref<128x128xf32, #tpu.memory_space<vmem>>, %arg6: memref<1x128xf32, #tpu.memory_space<vmem>>, %arg7: memref<256x128xf32, #tpu.memory_space<vmem>>, %arg8: memref<8x128xf32, #tpu.memory_space<vmem>>) attributes {dimension_semantics = [#tpu.dimension_semantics<arbitrary>], iteration_bounds = array<i64: 40>, scalar_prefetch = 0 : i64, scratch_operands = 0 : i64, tpu.core_type = #tpu.core_type<tc>, window_params = [{transform_indices = @transform_0, window_bounds = array<i64: 256, 128>}, {transform_indices = @transform_1, window_bounds = array<i64: 256, 128>}, {transform_indices = @transform_2, window_bounds = array<i64: 256, 128>}, {transform_indices = @transform_3, window_bounds = array<i64: 256, 128>}, {pipeline_mode = #tpu.pipeline_mode<synchronous>, transform_indices = @transform_4, window_bounds = array<i64: 128, 128>}, {pipeline_mode = #tpu.pipeline_mode<synchronous>, transform_indices = @transform_5, window_bounds = array<i64: 1, 128>}, {transform_indices = @transform_6, window_bounds = array<i64: 256, 128>}, {pipeline_mode = #tpu.pipeline_mode<synchronous>, transform_indices = @transform_7, window_bounds = array<i64: 8, 128>}]} {
    %get3A = arith.constant 0 : index
    %get3A_0 = arith.constant 0 : index
    %get3A_1 = vector.load %arg1[%get3A, %get3A_0] : memref<256x128xf32, #tpu.memory_space<vmem>>, vector<256x128xf32>
    %get3A_2 = arith.constant 0 : index
    %get3A_3 = arith.constant 0 : index
    %get3A_4 = vector.load %arg2[%get3A_2, %get3A_3] : memref<256x128xf32, #tpu.memory_space<vmem>>, vector<256x128xf32>
    %add3A = arith.addf %get3A_1, %get3A_4 : vector<256x128xf32>
    %get3A_5 = arith.constant 0 : index
    %get3A_6 = arith.constant 0 : index
    %get3A_7 = vector.load %arg3[%get3A_5, %get3A_6] : memref<256x128xf32, #tpu.memory_space<vmem>>, vector<256x1xf32>
    %get3A_8 = arith.constant 0 : index
    %get3A_9 = arith.constant 0 : index
    %get3A_10 = vector.load %arg4[%get3A_8, %get3A_9] : memref<256x128xf32, #tpu.memory_space<vmem>>, vector<256x1xf32>
    %add3A_11 = arith.addf %get3A_7, %get3A_10 : vector<256x1xf32>
    %max3A = arith.constant 1.000000e+00 : f32
    %max3A_12 = vector.broadcast %max3A : f32 to vector<256x1xf32>
    %max3A_13 = arith.maximumf %add3A_11, %max3A_12 : vector<256x1xf32>
    %rsqrt3A = math.rsqrt %max3A_13 : vector<256x1xf32>
    %mul3A = vector.broadcast %rsqrt3A : vector<256x1xf32> to vector<256x128xf32>
    %mul3A_14 = arith.mulf %add3A, %mul3A : vector<256x128xf32>
    %get3A_15 = arith.constant 0 : index
    %get3A_16 = arith.constant 0 : index
    %get3A_17 = vector.load %arg5[%get3A_15, %get3A_16] : memref<128x128xf32, #tpu.memory_space<vmem>>, vector<128x128xf32>
    %dot_general3A = arith.constant dense<0.000000e+00> : vector<256x128xf32>
    %dot_general3A_18 = tpu.matmul %mul3A_14, %get3A_17, %dot_general3A {dimension_numbers = #tpu.dot_dimension_numbers<[1], [0], [0], [1], [0, 0, 1, 1], [], []>, precision = #tpu.contract_precision<fp32>, transpose_lhs_hint = false} : vector<256x128xf32>, vector<128x128xf32>, vector<256x128xf32> -> vector<256x128xf32>
    %get3A_19 = arith.constant 0 : index
    %get3A_20 = arith.constant 0 : index
    %get3A_21 = vector.load %arg6[%get3A_19, %get3A_20] : memref<1x128xf32, #tpu.memory_space<vmem>>, vector<1x128xf32>
    %add3A_22 = vector.broadcast %get3A_21 : vector<1x128xf32> to vector<256x128xf32>
    %add3A_23 = arith.addf %dot_general3A_18, %add3A_22 : vector<256x128xf32>
    %max3A_24 = arith.constant 0.000000e+00 : f32
    %max3A_25 = vector.broadcast %max3A_24 : f32 to vector<256x128xf32>
    %max3A_26 = arith.maximumf %add3A_23, %max3A_25 : vector<256x128xf32>
    %swap3A = arith.constant 0 : index
    %swap3A_27 = arith.constant 0 : index
    %swap3A_28 = vector.load %arg7[%swap3A, %swap3A_27] : memref<256x128xf32, #tpu.memory_space<vmem>>, vector<256x128xf32>
    tpu.vector_store %arg7[%swap3A, %swap3A_27], %max3A_26 {strides = array<i32>} : memref<256x128xf32, #tpu.memory_space<vmem>>, vector<256x128xf32>,
    %mul3A_29 = arith.constant 256 : i32
    %mul3A_30 = arith.muli %arg0, %mul3A_29 : i32
    %iota3A = tpu.iota {dimensions = array<i32: 0>} : vector<256x1xi32>
    %add3A_31 = vector.broadcast %mul3A_30 : i32 to vector<256x1xi32>
    %add3A_32 = arith.addi %add3A_31, %iota3A : vector<256x1xi32>
    %lt3A = arith.constant 10000 : i32
    %lt3A_33 = vector.broadcast %lt3A : i32 to vector<256x1xi32>
    %lt3A_34 = arith.cmpi slt, %add3A_32, %lt3A_33 : vector<256x1xi32>
    %jit3A = arith.constant 0.000000e+00 : f32
    %broadcast_in_dim3A = vector.shape_cast %lt3A_34 : vector<256x1xi1> to vector<256x1xi1>
    %broadcast_in_dim3A_35 = vector.broadcast %broadcast_in_dim3A : vector<256x1xi1> to vector<256x128xi1>
    %broadcast_in_dim3A_36 = vector.broadcast %jit3A : f32 to vector<256x128xf32>
    %select_n3A = arith.select %broadcast_in_dim3A_35, %max3A_26, %broadcast_in_dim3A_36 : vector<256x128xi1>, vector<256x128xf32>
    %reduce_sum3A = arith.constant dense<0.000000e+00> : vector<128xf32>
    %reduce_sum3A_37 = vector.multi_reduction <add>, %select_n3A, %reduce_sum3A [0] : vector<256x128xf32> to vector<128xf32>
    %broadcast_in_dim3A_38 = vector.shape_cast %reduce_sum3A_37 : vector<128xf32> to vector<1x128xf32>
    %mul3A_39 = arith.mulf %select_n3A, %select_n3A : vector<256x128xf32>
    %reduce_sum3A_40 = arith.constant dense<0.000000e+00> : vector<128xf32>
    %reduce_sum3A_41 = vector.multi_reduction <add>, %mul3A_39, %reduce_sum3A_40 [0] : vector<256x128xf32> to vector<128xf32>
    %broadcast_in_dim3A_42 = vector.shape_cast %reduce_sum3A_41 : vector<128xf32> to vector<1x128xf32>
    %broadcast_in_dim3A_43 = arith.constant 0.000000e+00 : f32
    %broadcast_in_dim3A_44 = vector.broadcast %broadcast_in_dim3A_43 : f32 to vector<6x128xf32>
    %concatenate3A = tpu.concatenate %broadcast_in_dim3A_38, %broadcast_in_dim3A_42, %broadcast_in_dim3A_44 in 0 : vector<1x128xf32>, vector<1x128xf32>, vector<6x128xf32> -> vector<8x128xf32>
    %eq3A = arith.constant 0 : i32
    %eq3A_45 = arith.cmpi eq, %arg0, %eq3A : i32
    %convert_element_type3A = arith.extui %eq3A_45 : i1 to i32
    %cond3A = arith.constant 0 : i32
    %cond3A_46 = arith.cmpi ne, %convert_element_type3A, %cond3A : i32
    scf.if %cond3A_46 {
      %swap3A_51 = arith.constant 0 : index
      %swap3A_52 = arith.constant 0 : index
      %swap3A_53 = vector.load %arg8[%swap3A_51, %swap3A_52] : memref<8x128xf32, #tpu.memory_space<vmem>>, vector<8x128xf32>
      tpu.vector_store %arg8[%swap3A_51, %swap3A_52], %concatenate3A {strides = array<i32>} : memref<8x128xf32, #tpu.memory_space<vmem>>, vector<8x128xf32>,
    } else {
    }
    %gt3A = arith.constant 0 : i32
    %gt3A_47 = arith.cmpi sgt, %arg0, %gt3A : i32
    %convert_element_type3A_48 = arith.extui %gt3A_47 : i1 to i32
    %cond3A_49 = arith.constant 0 : i32
    %cond3A_50 = arith.cmpi ne, %convert_element_type3A_48, %cond3A_49 : i32
    scf.if %cond3A_50 {
      %get3A_51 = arith.constant 0 : index
      %get3A_52 = arith.constant 0 : index
      %get3A_53 = vector.load %arg8[%get3A_51, %get3A_52] : memref<8x128xf32, #tpu.memory_space<vmem>>, vector<8x128xf32>
      %add3A_54 = arith.addf %get3A_53, %concatenate3A : vector<8x128xf32>
      %swap3A_55 = arith.constant 0 : index
      %swap3A_56 = arith.constant 0 : index
      %swap3A_57 = vector.load %arg8[%swap3A_55, %swap3A_56] : memref<8x128xf32, #tpu.memory_space<vmem>>, vector<8x128xf32>
      tpu.vector_store %arg8[%swap3A_55, %swap3A_56], %add3A_54 {strides = array<i32>} : memref<8x128xf32, #tpu.memory_space<vmem>>, vector<8x128xf32>,
    } else {
    }
    return
  }
  func.func @transform_0(%arg0: i32) -> (i32, i32) {
    %c0_i32 = arith.constant 0 : i32
    %c0_i32_0 = arith.constant 0 : i32
    return %arg0, %c0_i32 : i32, i32
  }
  func.func @transform_1(%arg0: i32) -> (i32, i32) {
    %c0_i32 = arith.constant 0 : i32
    %c0_i32_0 = arith.constant 0 : i32
    return %arg0, %c0_i32 : i32, i32
  }
  func.func @transform_2(%arg0: i32) -> (i32, i32) {
    %c0_i32 = arith.constant 0 : i32
    %c0_i32_0 = arith.constant 0 : i32
    return %arg0, %c0_i32 : i32, i32
  }
  func.func @transform_3(%arg0: i32) -> (i32, i32) {
    %c0_i32 = arith.constant 0 : i32
    %c0_i32_0 = arith.constant 0 : i32
    return %arg0, %c0_i32 : i32, i32
  }
  func.func @transform_4(%arg0: i32) -> (i32, i32) {
    %c0_i32 = arith.constant 0 : i32
    %c0_i32_0 = arith.constant 0 : i32
    %c0_i32_1 = arith.constant 0 : i32
    return %c0_i32, %c0_i32_0 : i32, i32
  }
  func.func @transform_5(%arg0: i32) -> (i32, i32) {
    %c0_i32 = arith.constant 0 : i32
    %c0_i32_0 = arith.constant 0 : i32
    %c0_i32_1 = arith.constant 0 : i32
    return %c0_i32, %c0_i32_0 : i32, i32
  }
  func.func @transform_6(%arg0: i32) -> (i32, i32) {
    %c0_i32 = arith.constant 0 : i32
    %c0_i32_0 = arith.constant 0 : i32
    return %arg0, %c0_i32 : i32, i32
  }
  func.func @transform_7(%arg0: i32) -> (i32, i32) {
    %c0_i32 = arith.constant 0 : i32
    %c0_i32_0 = arith.constant 0 : i32
    %c0_i32_1 = arith.constant 0 : i32
    return %c0_i32, %c0_i32_0 : i32, i32
  }
}

module attributes {stable_mosaic.version = 14 : i64} {
  func.func @_bnscale_body(%arg0: i32, %arg1: memref<256x128xf32, #tpu.memory_space<vmem>>, %arg2: memref<8x128xf32, #tpu.memory_space<vmem>>, %arg3: memref<1x128xf32, #tpu.memory_space<vmem>>, %arg4: memref<1x128xf32, #tpu.memory_space<vmem>>, %arg5: memref<256x128xf32, #tpu.memory_space<vmem>>, %arg6: memref<256x128xf32, #tpu.memory_space<vmem>>, %arg7: memref<256x128xf32, #tpu.memory_space<vmem>>) attributes {dimension_semantics = [#tpu.dimension_semantics<arbitrary>], iteration_bounds = array<i64: 40>, scalar_prefetch = 0 : i64, scratch_operands = 0 : i64, tpu.core_type = #tpu.core_type<tc>, window_params = [{transform_indices = @transform_0, window_bounds = array<i64: 256, 128>}, {pipeline_mode = #tpu.pipeline_mode<synchronous>, transform_indices = @transform_1, window_bounds = array<i64: 8, 128>}, {pipeline_mode = #tpu.pipeline_mode<synchronous>, transform_indices = @transform_2, window_bounds = array<i64: 1, 128>}, {pipeline_mode = #tpu.pipeline_mode<synchronous>, transform_indices = @transform_3, window_bounds = array<i64: 1, 128>}, {transform_indices = @transform_4, window_bounds = array<i64: 256, 128>}, {transform_indices = @transform_5, window_bounds = array<i64: 256, 128>}, {transform_indices = @transform_6, window_bounds = array<i64: 256, 128>}]} {
    %get3A = arith.constant 0 : index
    %get3A_0 = arith.constant 0 : index
    %get3A_1 = vector.load %arg2[%get3A, %get3A_0] : memref<8x128xf32, #tpu.memory_space<vmem>>, vector<1x128xf32>
    %mul3A = arith.constant 9.99999974E-5 : f32
    %mul3A_2 = vector.broadcast %mul3A : f32 to vector<1x128xf32>
    %mul3A_3 = arith.mulf %get3A_1, %mul3A_2 : vector<1x128xf32>
    %get3A_4 = arith.constant 1 : index
    %get3A_5 = arith.constant 0 : index
    %get3A_6 = vector.load %arg2[%get3A_4, %get3A_5] : memref<8x128xf32, #tpu.memory_space<vmem>>, vector<1x128xf32>
    %mul3A_7 = arith.constant 9.99999974E-5 : f32
    %mul3A_8 = vector.broadcast %mul3A_7 : f32 to vector<1x128xf32>
    %mul3A_9 = arith.mulf %get3A_6, %mul3A_8 : vector<1x128xf32>
    %mul3A_10 = arith.mulf %mul3A_3, %mul3A_3 : vector<1x128xf32>
    %sub3A = arith.subf %mul3A_9, %mul3A_10 : vector<1x128xf32>
    %get3A_11 = arith.constant 0 : index
    %get3A_12 = arith.constant 0 : index
    %get3A_13 = vector.load %arg3[%get3A_11, %get3A_12] : memref<1x128xf32, #tpu.memory_space<vmem>>, vector<1x128xf32>
    %add3A = arith.constant 9.99999974E-6 : f32
    %add3A_14 = vector.broadcast %add3A : f32 to vector<1x128xf32>
    %add3A_15 = arith.addf %sub3A, %add3A_14 : vector<1x128xf32>
    %rsqrt3A = math.rsqrt %add3A_15 : vector<1x128xf32>
    %mul3A_16 = arith.mulf %get3A_13, %rsqrt3A : vector<1x128xf32>
    %get3A_17 = arith.constant 0 : index
    %get3A_18 = arith.constant 0 : index
    %get3A_19 = vector.load %arg1[%get3A_17, %get3A_18] : memref<256x128xf32, #tpu.memory_space<vmem>>, vector<256x128xf32>
    %sub3A_20 = vector.broadcast %mul3A_3 : vector<1x128xf32> to vector<256x128xf32>
    %sub3A_21 = arith.subf %get3A_19, %sub3A_20 : vector<256x128xf32>
    %mul3A_22 = vector.broadcast %mul3A_16 : vector<1x128xf32> to vector<256x128xf32>
    %mul3A_23 = arith.mulf %sub3A_21, %mul3A_22 : vector<256x128xf32>
    %get3A_24 = arith.constant 0 : index
    %get3A_25 = arith.constant 0 : index
    %get3A_26 = vector.load %arg4[%get3A_24, %get3A_25] : memref<1x128xf32, #tpu.memory_space<vmem>>, vector<1x128xf32>
    %add3A_27 = vector.broadcast %get3A_26 : vector<1x128xf32> to vector<256x128xf32>
    %add3A_28 = arith.addf %mul3A_23, %add3A_27 : vector<256x128xf32>
    %mul3A_29 = arith.constant 256 : i32
    %mul3A_30 = arith.muli %arg0, %mul3A_29 : i32
    %iota3A = tpu.iota {dimensions = array<i32: 0>} : vector<256x1xi32>
    %add3A_31 = vector.broadcast %mul3A_30 : i32 to vector<256x1xi32>
    %add3A_32 = arith.addi %add3A_31, %iota3A : vector<256x1xi32>
    %lt3A = arith.constant 10000 : i32
    %lt3A_33 = vector.broadcast %lt3A : i32 to vector<256x1xi32>
    %lt3A_34 = arith.cmpi slt, %add3A_32, %lt3A_33 : vector<256x1xi32>
    %get3A_35 = arith.constant 0 : index
    %get3A_36 = arith.constant 0 : index
    %get3A_37 = vector.load %arg5[%get3A_35, %get3A_36] : memref<256x128xf32, #tpu.memory_space<vmem>>, vector<256x1xf32>
    %get3A_38 = arith.constant 0 : index
    %get3A_39 = arith.constant 0 : index
    %get3A_40 = vector.load %arg6[%get3A_38, %get3A_39] : memref<256x128xf32, #tpu.memory_space<vmem>>, vector<256x1xf32>
    %add3A_41 = arith.addf %get3A_37, %get3A_40 : vector<256x1xf32>
    %max3A = arith.constant 1.000000e+00 : f32
    %max3A_42 = vector.broadcast %max3A : f32 to vector<256x1xf32>
    %max3A_43 = arith.maximumf %add3A_41, %max3A_42 : vector<256x1xf32>
    %rsqrt3A_44 = math.rsqrt %max3A_43 : vector<256x1xf32>
    %mul3A_45 = vector.broadcast %rsqrt3A_44 : vector<256x1xf32> to vector<256x128xf32>
    %mul3A_46 = arith.mulf %add3A_28, %mul3A_45 : vector<256x128xf32>
    %jit3A = arith.constant 0.000000e+00 : f32
    %broadcast_in_dim3A = vector.shape_cast %lt3A_34 : vector<256x1xi1> to vector<256x1xi1>
    %broadcast_in_dim3A_47 = vector.broadcast %broadcast_in_dim3A : vector<256x1xi1> to vector<256x128xi1>
    %broadcast_in_dim3A_48 = vector.broadcast %jit3A : f32 to vector<256x128xf32>
    %select_n3A = arith.select %broadcast_in_dim3A_47, %mul3A_46, %broadcast_in_dim3A_48 : vector<256x128xi1>, vector<256x128xf32>
    %swap3A = arith.constant 0 : index
    %swap3A_49 = arith.constant 0 : index
    %swap3A_50 = vector.load %arg7[%swap3A, %swap3A_49] : memref<256x128xf32, #tpu.memory_space<vmem>>, vector<256x128xf32>
    tpu.vector_store %arg7[%swap3A, %swap3A_49], %select_n3A {strides = array<i32>} : memref<256x128xf32, #tpu.memory_space<vmem>>, vector<256x128xf32>,
    return
  }
  func.func @transform_0(%arg0: i32) -> (i32, i32) {
    %c0_i32 = arith.constant 0 : i32
    %c0_i32_0 = arith.constant 0 : i32
    return %arg0, %c0_i32 : i32, i32
  }
  func.func @transform_1(%arg0: i32) -> (i32, i32) {
    %c0_i32 = arith.constant 0 : i32
    %c0_i32_0 = arith.constant 0 : i32
    %c0_i32_1 = arith.constant 0 : i32
    return %c0_i32, %c0_i32_0 : i32, i32
  }
  func.func @transform_2(%arg0: i32) -> (i32, i32) {
    %c0_i32 = arith.constant 0 : i32
    %c0_i32_0 = arith.constant 0 : i32
    %c0_i32_1 = arith.constant 0 : i32
    return %c0_i32, %c0_i32_0 : i32, i32
  }
  func.func @transform_3(%arg0: i32) -> (i32, i32) {
    %c0_i32 = arith.constant 0 : i32
    %c0_i32_0 = arith.constant 0 : i32
    %c0_i32_1 = arith.constant 0 : i32
    return %c0_i32, %c0_i32_0 : i32, i32
  }
  func.func @transform_4(%arg0: i32) -> (i32, i32) {
    %c0_i32 = arith.constant 0 : i32
    %c0_i32_0 = arith.constant 0 : i32
    return %arg0, %c0_i32 : i32, i32
  }
  func.func @transform_5(%arg0: i32) -> (i32, i32) {
    %c0_i32 = arith.constant 0 : i32
    %c0_i32_0 = arith.constant 0 : i32
    return %arg0, %c0_i32 : i32, i32
  }
  func.func @transform_6(%arg0: i32) -> (i32, i32) {
    %c0_i32 = arith.constant 0 : i32
    %c0_i32_0 = arith.constant 0 : i32
    return %arg0, %c0_i32 : i32, i32
  }
}

module attributes {stable_mosaic.version = 14 : i64} {
  func.func @_mm_pool_body(%arg0: i32, %arg1: memref<256x128xf32, #tpu.memory_space<vmem>>, %arg2: memref<256x128xf32, #tpu.memory_space<vmem>>, %arg3: memref<256x128xf32, #tpu.memory_space<vmem>>, %arg4: memref<256x128xf32, #tpu.memory_space<vmem>>, %arg5: memref<128x128xf32, #tpu.memory_space<vmem>>, %arg6: memref<1x128xf32, #tpu.memory_space<vmem>>, %arg7: memref<1x1x256xi32, #tpu.memory_space<vmem>>, %arg8: memref<8x128xf32, #tpu.memory_space<vmem>>, %arg9: memref<64x128xf32, #tpu.memory_space<vmem>>, %arg10: memref<64x128xf32, #tpu.memory_space<vmem>>) attributes {dimension_semantics = [#tpu.dimension_semantics<arbitrary>], iteration_bounds = array<i64: 40>, scalar_prefetch = 0 : i64, scratch_operands = 0 : i64, tpu.core_type = #tpu.core_type<tc>, window_params = [{transform_indices = @transform_0, window_bounds = array<i64: 256, 128>}, {transform_indices = @transform_1, window_bounds = array<i64: 256, 128>}, {transform_indices = @transform_2, window_bounds = array<i64: 256, 128>}, {transform_indices = @transform_3, window_bounds = array<i64: 256, 128>}, {pipeline_mode = #tpu.pipeline_mode<synchronous>, transform_indices = @transform_4, window_bounds = array<i64: 128, 128>}, {pipeline_mode = #tpu.pipeline_mode<synchronous>, transform_indices = @transform_5, window_bounds = array<i64: 1, 128>}, {transform_indices = @transform_6, window_bounds = array<i64: 1, 1, 256>}, {pipeline_mode = #tpu.pipeline_mode<synchronous>, transform_indices = @transform_7, window_bounds = array<i64: 8, 128>}, {pipeline_mode = #tpu.pipeline_mode<synchronous>, transform_indices = @transform_8, window_bounds = array<i64: 64, 128>}, {pipeline_mode = #tpu.pipeline_mode<synchronous>, transform_indices = @transform_9, window_bounds = array<i64: 64, 128>}]} {
    %get3A = arith.constant 0 : index
    %get3A_0 = arith.constant 0 : index
    %get3A_1 = vector.load %arg1[%get3A, %get3A_0] : memref<256x128xf32, #tpu.memory_space<vmem>>, vector<256x128xf32>
    %get3A_2 = arith.constant 0 : index
    %get3A_3 = arith.constant 0 : index
    %get3A_4 = vector.load %arg2[%get3A_2, %get3A_3] : memref<256x128xf32, #tpu.memory_space<vmem>>, vector<256x128xf32>
    %add3A = arith.addf %get3A_1, %get3A_4 : vector<256x128xf32>
    %get3A_5 = arith.constant 0 : index
    %get3A_6 = arith.constant 0 : index
    %get3A_7 = vector.load %arg3[%get3A_5, %get3A_6] : memref<256x128xf32, #tpu.memory_space<vmem>>, vector<256x1xf32>
    %get3A_8 = arith.constant 0 : index
    %get3A_9 = arith.constant 0 : index
    %get3A_10 = vector.load %arg4[%get3A_8, %get3A_9] : memref<256x128xf32, #tpu.memory_space<vmem>>, vector<256x1xf32>
    %add3A_11 = arith.addf %get3A_7, %get3A_10 : vector<256x1xf32>
    %max3A = arith.constant 1.000000e+00 : f32
    %max3A_12 = vector.broadcast %max3A : f32 to vector<256x1xf32>
    %max3A_13 = arith.maximumf %add3A_11, %max3A_12 : vector<256x1xf32>
    %rsqrt3A = math.rsqrt %max3A_13 : vector<256x1xf32>
    %mul3A = vector.broadcast %rsqrt3A : vector<256x1xf32> to vector<256x128xf32>
    %mul3A_14 = arith.mulf %add3A, %mul3A : vector<256x128xf32>
    %get3A_15 = arith.constant 0 : index
    %get3A_16 = arith.constant 0 : index
    %get3A_17 = vector.load %arg5[%get3A_15, %get3A_16] : memref<128x128xf32, #tpu.memory_space<vmem>>, vector<128x128xf32>
    %dot_general3A = arith.constant dense<0.000000e+00> : vector<256x128xf32>
    %dot_general3A_18 = tpu.matmul %mul3A_14, %get3A_17, %dot_general3A {dimension_numbers = #tpu.dot_dimension_numbers<[1], [0], [0], [1], [0, 0, 1, 1], [], []>, precision = #tpu.contract_precision<fp32>, transpose_lhs_hint = false} : vector<256x128xf32>, vector<128x128xf32>, vector<256x128xf32> -> vector<256x128xf32>
    %get3A_19 = arith.constant 0 : index
    %get3A_20 = arith.constant 0 : index
    %get3A_21 = vector.load %arg6[%get3A_19, %get3A_20] : memref<1x128xf32, #tpu.memory_space<vmem>>, vector<1x128xf32>
    %add3A_22 = vector.broadcast %get3A_21 : vector<1x128xf32> to vector<256x128xf32>
    %add3A_23 = arith.addf %dot_general3A_18, %add3A_22 : vector<256x128xf32>
    %max3A_24 = arith.constant 0.000000e+00 : f32
    %max3A_25 = vector.broadcast %max3A_24 : f32 to vector<256x128xf32>
    %max3A_26 = arith.maximumf %add3A_23, %max3A_25 : vector<256x128xf32>
    %get3A_27 = arith.constant 0 : index
    %get3A_28 = arith.constant 0 : index
    %get3A_29 = arith.constant 0 : index
    %get3A_30 = vector.load %arg7[%get3A_27, %get3A_28, %get3A_29] : memref<1x1x256xi32, #tpu.memory_space<vmem>>, vector<1x1x256xi32>
    %get3A_31 = vector.shape_cast %get3A_30 : vector<1x1x256xi32> to vector<1x256xi32>
    %iota3A = tpu.iota {dimensions = array<i32: 0>} : vector<64x256xi32>
    %eq3A = vector.broadcast %get3A_31 : vector<1x256xi32> to vector<64x256xi32>
    %eq3A_32 = arith.cmpi eq, %iota3A, %eq3A : vector<64x256xi32>
    %convert_element_type3A = arith.extui %eq3A_32 : vector<64x256xi1> to vector<64x256xi32>
    %convert_element_type3A_33 = arith.sitofp %convert_element_type3A : vector<64x256xi32> to vector<64x256xf32>
    %dot_general3A_34 = arith.constant dense<0.000000e+00> : vector<64x128xf32>
    %dot_general3A_35 = tpu.matmul %convert_element_type3A_33, %max3A_26, %dot_general3A_34 {dimension_numbers = #tpu.dot_dimension_numbers<[1], [0], [0], [1], [0, 0, 1, 1], [], []>, precision = #tpu.contract_precision<fp32>, transpose_lhs_hint = false} : vector<64x256xf32>, vector<256x128xf32>, vector<64x128xf32> -> vector<64x128xf32>
    %broadcast_in_dim3A = arith.constant 1.000000e+00 : f32
    %broadcast_in_dim3A_36 = vector.broadcast %broadcast_in_dim3A : f32 to vector<256x128xf32>
    %dot_general3A_37 = arith.constant dense<0.000000e+00> : vector<64x128xf32>
    %dot_general3A_38 = tpu.matmul %convert_element_type3A_33, %broadcast_in_dim3A_36, %dot_general3A_37 {dimension_numbers = #tpu.dot_dimension_numbers<[1], [0], [0], [1], [0, 0, 1, 1], [], []>, precision = #tpu.contract_precision<fp32>, transpose_lhs_hint = false} : vector<64x256xf32>, vector<256x128xf32>, vector<64x128xf32> -> vector<64x128xf32>
    %transpose3A = tpu.transpose %get3A_31, [1, 0] : vector<1x256xi32> -> vector<256x1xi32>
    %lt3A = arith.constant 64 : i32
    %lt3A_39 = vector.broadcast %lt3A : i32 to vector<256x1xi32>
    %lt3A_40 = arith.cmpi slt, %transpose3A, %lt3A_39 : vector<256x1xi32>
    %jit3A = arith.constant 0.000000e+00 : f32
    %broadcast_in_dim3A_41 = vector.shape_cast %lt3A_40 : vector<256x1xi1> to vector<256x1xi1>
    %broadcast_in_dim3A_42 = vector.broadcast %broadcast_in_dim3A_41 : vector<256x1xi1> to vector<256x128xi1>
    %broadcast_in_dim3A_43 = vector.broadcast %jit3A : f32 to vector<256x128xf32>
    %select_n3A = arith.select %broadcast_in_dim3A_42, %max3A_26, %broadcast_in_dim3A_43 : vector<256x128xi1>, vector<256x128xf32>
    %reduce_sum3A = arith.constant dense<0.000000e+00> : vector<128xf32>
    %reduce_sum3A_44 = vector.multi_reduction <add>, %select_n3A, %reduce_sum3A [0] : vector<256x128xf32> to vector<128xf32>
    %broadcast_in_dim3A_45 = vector.shape_cast %reduce_sum3A_44 : vector<128xf32> to vector<1x128xf32>
    %mul3A_46 = arith.mulf %select_n3A, %select_n3A : vector<256x128xf32>
    %reduce_sum3A_47 = arith.constant dense<0.000000e+00> : vector<128xf32>
    %reduce_sum3A_48 = vector.multi_reduction <add>, %mul3A_46, %reduce_sum3A_47 [0] : vector<256x128xf32> to vector<128xf32>
    %broadcast_in_dim3A_49 = vector.shape_cast %reduce_sum3A_48 : vector<128xf32> to vector<1x128xf32>
    %broadcast_in_dim3A_50 = arith.constant 0.000000e+00 : f32
    %broadcast_in_dim3A_51 = vector.broadcast %broadcast_in_dim3A_50 : f32 to vector<6x128xf32>
    %concatenate3A = tpu.concatenate %broadcast_in_dim3A_45, %broadcast_in_dim3A_49, %broadcast_in_dim3A_51 in 0 : vector<1x128xf32>, vector<1x128xf32>, vector<6x128xf32> -> vector<8x128xf32>
    %eq3A_52 = arith.constant 0 : i32
    %eq3A_53 = arith.cmpi eq, %arg0, %eq3A_52 : i32
    %convert_element_type3A_54 = arith.extui %eq3A_53 : i1 to i32
    %cond3A = arith.constant 0 : i32
    %cond3A_55 = arith.cmpi ne, %convert_element_type3A_54, %cond3A : i32
    scf.if %cond3A_55 {
      %swap3A = arith.constant 0 : index
      %swap3A_60 = arith.constant 0 : index
      %swap3A_61 = vector.load %arg8[%swap3A, %swap3A_60] : memref<8x128xf32, #tpu.memory_space<vmem>>, vector<8x128xf32>
      tpu.vector_store %arg8[%swap3A, %swap3A_60], %concatenate3A {strides = array<i32>} : memref<8x128xf32, #tpu.memory_space<vmem>>, vector<8x128xf32>,
      %swap3A_62 = arith.constant 0 : index
      %swap3A_63 = arith.constant 0 : index
      %swap3A_64 = vector.load %arg9[%swap3A_62, %swap3A_63] : memref<64x128xf32, #tpu.memory_space<vmem>>, vector<64x128xf32>
      tpu.vector_store %arg9[%swap3A_62, %swap3A_63], %dot_general3A_35 {strides = array<i32>} : memref<64x128xf32, #tpu.memory_space<vmem>>, vector<64x128xf32>,
      %swap3A_65 = arith.constant 0 : index
      %swap3A_66 = arith.constant 0 : index
      %swap3A_67 = vector.load %arg10[%swap3A_65, %swap3A_66] : memref<64x128xf32, #tpu.memory_space<vmem>>, vector<64x128xf32>
      tpu.vector_store %arg10[%swap3A_65, %swap3A_66], %dot_general3A_38 {strides = array<i32>} : memref<64x128xf32, #tpu.memory_space<vmem>>, vector<64x128xf32>,
    } else {
    }
    %gt3A = arith.constant 0 : i32
    %gt3A_56 = arith.cmpi sgt, %arg0, %gt3A : i32
    %convert_element_type3A_57 = arith.extui %gt3A_56 : i1 to i32
    %cond3A_58 = arith.constant 0 : i32
    %cond3A_59 = arith.cmpi ne, %convert_element_type3A_57, %cond3A_58 : i32
    scf.if %cond3A_59 {
      %get3A_60 = arith.constant 0 : index
      %get3A_61 = arith.constant 0 : index
      %get3A_62 = vector.load %arg8[%get3A_60, %get3A_61] : memref<8x128xf32, #tpu.memory_space<vmem>>, vector<8x128xf32>
      %add3A_63 = arith.addf %get3A_62, %concatenate3A : vector<8x128xf32>
      %swap3A = arith.constant 0 : index
      %swap3A_64 = arith.constant 0 : index
      %swap3A_65 = vector.load %arg8[%swap3A, %swap3A_64] : memref<8x128xf32, #tpu.memory_space<vmem>>, vector<8x128xf32>
      tpu.vector_store %arg8[%swap3A, %swap3A_64], %add3A_63 {strides = array<i32>} : memref<8x128xf32, #tpu.memory_space<vmem>>, vector<8x128xf32>,
      %get3A_66 = arith.constant 0 : index
      %get3A_67 = arith.constant 0 : index
      %get3A_68 = vector.load %arg9[%get3A_66, %get3A_67] : memref<64x128xf32, #tpu.memory_space<vmem>>, vector<64x128xf32>
      %add3A_69 = arith.addf %get3A_68, %dot_general3A_35 : vector<64x128xf32>
      %swap3A_70 = arith.constant 0 : index
      %swap3A_71 = arith.constant 0 : index
      %swap3A_72 = vector.load %arg9[%swap3A_70, %swap3A_71] : memref<64x128xf32, #tpu.memory_space<vmem>>, vector<64x128xf32>
      tpu.vector_store %arg9[%swap3A_70, %swap3A_71], %add3A_69 {strides = array<i32>} : memref<64x128xf32, #tpu.memory_space<vmem>>, vector<64x128xf32>,
      %get3A_73 = arith.constant 0 : index
      %get3A_74 = arith.constant 0 : index
      %get3A_75 = vector.load %arg10[%get3A_73, %get3A_74] : memref<64x128xf32, #tpu.memory_space<vmem>>, vector<64x128xf32>
      %add3A_76 = arith.addf %get3A_75, %dot_general3A_38 : vector<64x128xf32>
      %swap3A_77 = arith.constant 0 : index
      %swap3A_78 = arith.constant 0 : index
      %swap3A_79 = vector.load %arg10[%swap3A_77, %swap3A_78] : memref<64x128xf32, #tpu.memory_space<vmem>>, vector<64x128xf32>
      tpu.vector_store %arg10[%swap3A_77, %swap3A_78], %add3A_76 {strides = array<i32>} : memref<64x128xf32, #tpu.memory_space<vmem>>, vector<64x128xf32>,
    } else {
    }
    return
  }
  func.func @transform_0(%arg0: i32) -> (i32, i32) {
    %c0_i32 = arith.constant 0 : i32
    %c0_i32_0 = arith.constant 0 : i32
    return %arg0, %c0_i32 : i32, i32
  }
  func.func @transform_1(%arg0: i32) -> (i32, i32) {
    %c0_i32 = arith.constant 0 : i32
    %c0_i32_0 = arith.constant 0 : i32
    return %arg0, %c0_i32 : i32, i32
  }
  func.func @transform_2(%arg0: i32) -> (i32, i32) {
    %c0_i32 = arith.constant 0 : i32
    %c0_i32_0 = arith.constant 0 : i32
    return %arg0, %c0_i32 : i32, i32
  }
  func.func @transform_3(%arg0: i32) -> (i32, i32) {
    %c0_i32 = arith.constant 0 : i32
    %c0_i32_0 = arith.constant 0 : i32
    return %arg0, %c0_i32 : i32, i32
  }
  func.func @transform_4(%arg0: i32) -> (i32, i32) {
    %c0_i32 = arith.constant 0 : i32
    %c0_i32_0 = arith.constant 0 : i32
    %c0_i32_1 = arith.constant 0 : i32
    return %c0_i32, %c0_i32_0 : i32, i32
  }
  func.func @transform_5(%arg0: i32) -> (i32, i32) {
    %c0_i32 = arith.constant 0 : i32
    %c0_i32_0 = arith.constant 0 : i32
    %c0_i32_1 = arith.constant 0 : i32
    return %c0_i32, %c0_i32_0 : i32, i32
  }
  func.func @transform_6(%arg0: i32) -> (i32, i32, i32) {
    %c0_i32 = arith.constant 0 : i32
    %c0_i32_0 = arith.constant 0 : i32
    %c0_i32_1 = arith.constant 0 : i32
    return %arg0, %c0_i32, %c0_i32_0 : i32, i32, i32
  }
  func.func @transform_7(%arg0: i32) -> (i32, i32) {
    %c0_i32 = arith.constant 0 : i32
    %c0_i32_0 = arith.constant 0 : i32
    %c0_i32_1 = arith.constant 0 : i32
    return %c0_i32, %c0_i32_0 : i32, i32
  }
  func.func @transform_8(%arg0: i32) -> (i32, i32) {
    %c0_i32 = arith.constant 0 : i32
    %c0_i32_0 = arith.constant 0 : i32
    %c0_i32_1 = arith.constant 0 : i32
    return %c0_i32, %c0_i32_0 : i32, i32
  }
  func.func @transform_9(%arg0: i32) -> (i32, i32) {
    %c0_i32 = arith.constant 0 : i32
    %c0_i32_0 = arith.constant 0 : i32
    %c0_i32_1 = arith.constant 0 : i32
    return %c0_i32, %c0_i32_0 : i32, i32
  }
}

module attributes {stable_mosaic.version = 14 : i64} {
  func.func @_head_body(%arg0: i32, %arg1: memref<8x128xf32, #tpu.memory_space<vmem>>, %arg2: memref<64x128xf32, #tpu.memory_space<vmem>>, %arg3: memref<64x128xf32, #tpu.memory_space<vmem>>, %arg4: memref<1x128xf32, #tpu.memory_space<vmem>>, %arg5: memref<1x128xf32, #tpu.memory_space<vmem>>, %arg6: memref<64x32xf32, #tpu.memory_space<vmem>>, %arg7: memref<160x128xf32, #tpu.memory_space<vmem>>, %arg8: memref<1x128xf32, #tpu.memory_space<vmem>>, %arg9: memref<1x128xf32, #tpu.memory_space<vmem>>, %arg10: memref<1x128xf32, #tpu.memory_space<vmem>>, %arg11: memref<128x128xf32, #tpu.memory_space<vmem>>, %arg12: memref<1x128xf32, #tpu.memory_space<vmem>>, %arg13: memref<64x128xf32, #tpu.memory_space<vmem>>, %arg14: memref<64x128xf32, #tpu.memory_space<vmem>>) attributes {dimension_semantics = [#tpu.dimension_semantics<arbitrary>], iteration_bounds = array<i64: 1>, scalar_prefetch = 0 : i64, scratch_operands = 0 : i64, tpu.core_type = #tpu.core_type<tc>, window_params = [{pipeline_mode = #tpu.pipeline_mode<synchronous>, transform_indices = @transform_0, window_bounds = array<i64: 8, 128>}, {pipeline_mode = #tpu.pipeline_mode<synchronous>, transform_indices = @transform_1, window_bounds = array<i64: 64, 128>}, {pipeline_mode = #tpu.pipeline_mode<synchronous>, transform_indices = @transform_2, window_bounds = array<i64: 64, 128>}, {pipeline_mode = #tpu.pipeline_mode<synchronous>, transform_indices = @transform_3, window_bounds = array<i64: 1, 128>}, {pipeline_mode = #tpu.pipeline_mode<synchronous>, transform_indices = @transform_4, window_bounds = array<i64: 1, 128>}, {pipeline_mode = #tpu.pipeline_mode<synchronous>, transform_indices = @transform_5, window_bounds = array<i64: 64, 32>}, {pipeline_mode = #tpu.pipeline_mode<synchronous>, transform_indices = @transform_6, window_bounds = array<i64: 160, 128>}, {pipeline_mode = #tpu.pipeline_mode<synchronous>, transform_indices = @transform_7, window_bounds = array<i64: 1, 128>}, {pipeline_mode = #tpu.pipeline_mode<synchronous>, transform_indices = @transform_8, window_bounds = array<i64: 1, 128>}, {pipeline_mode = #tpu.pipeline_mode<synchronous>, transform_indices = @transform_9, window_bounds = array<i64: 1, 128>}, {pipeline_mode = #tpu.pipeline_mode<synchronous>, transform_indices = @transform_10, window_bounds = array<i64: 128, 128>}, {pipeline_mode = #tpu.pipeline_mode<synchronous>, transform_indices = @transform_11, window_bounds = array<i64: 1, 128>}, {pipeline_mode = #tpu.pipeline_mode<synchronous>, transform_indices = @transform_12, window_bounds = array<i64: 64, 128>}, {pipeline_mode = #tpu.pipeline_mode<synchronous>, transform_indices = @transform_13, window_bounds = array<i64: 64, 128>}]} {
    %get3A = arith.constant 0 : index
    %get3A_0 = arith.constant 0 : index
    %get3A_1 = vector.load %arg1[%get3A, %get3A_0] : memref<8x128xf32, #tpu.memory_space<vmem>>, vector<1x128xf32>
    %mul3A = arith.constant 9.99999974E-5 : f32
    %mul3A_2 = vector.broadcast %mul3A : f32 to vector<1x128xf32>
    %mul3A_3 = arith.mulf %get3A_1, %mul3A_2 : vector<1x128xf32>
    %get3A_4 = arith.constant 1 : index
    %get3A_5 = arith.constant 0 : index
    %get3A_6 = vector.load %arg1[%get3A_4, %get3A_5] : memref<8x128xf32, #tpu.memory_space<vmem>>, vector<1x128xf32>
    %mul3A_7 = arith.constant 9.99999974E-5 : f32
    %mul3A_8 = vector.broadcast %mul3A_7 : f32 to vector<1x128xf32>
    %mul3A_9 = arith.mulf %get3A_6, %mul3A_8 : vector<1x128xf32>
    %mul3A_10 = arith.mulf %mul3A_3, %mul3A_3 : vector<1x128xf32>
    %sub3A = arith.subf %mul3A_9, %mul3A_10 : vector<1x128xf32>
    %get3A_11 = arith.constant 0 : index
    %get3A_12 = arith.constant 0 : index
    %get3A_13 = vector.load %arg4[%get3A_11, %get3A_12] : memref<1x128xf32, #tpu.memory_space<vmem>>, vector<1x128xf32>
    %add3A = arith.constant 9.99999974E-6 : f32
    %add3A_14 = vector.broadcast %add3A : f32 to vector<1x128xf32>
    %add3A_15 = arith.addf %sub3A, %add3A_14 : vector<1x128xf32>
    %rsqrt3A = math.rsqrt %add3A_15 : vector<1x128xf32>
    %mul3A_16 = arith.mulf %get3A_13, %rsqrt3A : vector<1x128xf32>
    %get3A_17 = arith.constant 0 : index
    %get3A_18 = arith.constant 0 : index
    %get3A_19 = vector.load %arg3[%get3A_17, %get3A_18] : memref<64x128xf32, #tpu.memory_space<vmem>>, vector<64x128xf32>
    %get3A_20 = arith.constant 0 : index
    %get3A_21 = arith.constant 0 : index
    %get3A_22 = vector.load %arg2[%get3A_20, %get3A_21] : memref<64x128xf32, #tpu.memory_space<vmem>>, vector<64x128xf32>
    %max3A = arith.constant 1.000000e+00 : f32
    %max3A_23 = vector.broadcast %max3A : f32 to vector<64x128xf32>
    %max3A_24 = arith.maximumf %get3A_19, %max3A_23 : vector<64x128xf32>
    %div3A = arith.divf %get3A_22, %max3A_24 : vector<64x128xf32>
    %gt3A = arith.constant 0.000000e+00 : f32
    %gt3A_25 = vector.broadcast %gt3A : f32 to vector<64x128xf32>
    %gt3A_26 = arith.cmpf ogt, %get3A_19, %gt3A_25 : vector<64x128xf32>
    %sub3A_27 = vector.broadcast %mul3A_3 : vector<1x128xf32> to vector<64x128xf32>
    %sub3A_28 = arith.subf %div3A, %sub3A_27 : vector<64x128xf32>
    %mul3A_29 = vector.broadcast %mul3A_16 : vector<1x128xf32> to vector<64x128xf32>
    %mul3A_30 = arith.mulf %sub3A_28, %mul3A_29 : vector<64x128xf32>
    %get3A_31 = arith.constant 0 : index
    %get3A_32 = arith.constant 0 : index
    %get3A_33 = vector.load %arg5[%get3A_31, %get3A_32] : memref<1x128xf32, #tpu.memory_space<vmem>>, vector<1x128xf32>
    %add3A_34 = vector.broadcast %get3A_33 : vector<1x128xf32> to vector<64x128xf32>
    %add3A_35 = arith.addf %mul3A_30, %add3A_34 : vector<64x128xf32>
    %jit3A = arith.constant 0.000000e+00 : f32
    %broadcast_in_dim3A = vector.broadcast %jit3A : f32 to vector<64x128xf32>
    %select_n3A = arith.select %gt3A_26, %add3A_35, %broadcast_in_dim3A : vector<64x128xi1>, vector<64x128xf32>
    %get3A_36 = arith.constant 0 : index
    %get3A_37 = arith.constant 0 : index
    %get3A_38 = vector.load %arg7[%get3A_36, %get3A_37] : memref<160x128xf32, #tpu.memory_space<vmem>>, vector<128x128xf32>
    %dot_general3A = arith.constant dense<0.000000e+00> : vector<64x128xf32>
    %dot_general3A_39 = tpu.matmul %select_n3A, %get3A_38, %dot_general3A {dimension_numbers = #tpu.dot_dimension_numbers<[1], [0], [0], [1], [0, 0, 1, 1], [], []>, precision = #tpu.contract_precision<fp32>, transpose_lhs_hint = false} : vector<64x128xf32>, vector<128x128xf32>, vector<64x128xf32> -> vector<64x128xf32>
    %get3A_40 = arith.constant 0 : index
    %get3A_41 = arith.constant 0 : index
    %get3A_42 = vector.load %arg6[%get3A_40, %get3A_41] : memref<64x32xf32, #tpu.memory_space<vmem>>, vector<64x32xf32>
    %get3A_43 = arith.constant 128 : index
    %get3A_44 = arith.constant 0 : index
    %get3A_45 = vector.load %arg7[%get3A_43, %get3A_44] : memref<160x128xf32, #tpu.memory_space<vmem>>, vector<32x128xf32>
    %dot_general3A_46 = arith.constant dense<0.000000e+00> : vector<64x128xf32>
    %dot_general3A_47 = tpu.matmul %get3A_42, %get3A_45, %dot_general3A_46 {dimension_numbers = #tpu.dot_dimension_numbers<[1], [0], [0], [1], [0, 0, 1, 1], [], []>, precision = #tpu.contract_precision<fp32>, transpose_lhs_hint = false} : vector<64x32xf32>, vector<32x128xf32>, vector<64x128xf32> -> vector<64x128xf32>
    %add3A_48 = arith.addf %dot_general3A_39, %dot_general3A_47 : vector<64x128xf32>
    %get3A_49 = arith.constant 0 : index
    %get3A_50 = arith.constant 0 : index
    %get3A_51 = vector.load %arg8[%get3A_49, %get3A_50] : memref<1x128xf32, #tpu.memory_space<vmem>>, vector<1x128xf32>
    %add3A_52 = vector.broadcast %get3A_51 : vector<1x128xf32> to vector<64x128xf32>
    %add3A_53 = arith.addf %add3A_48, %add3A_52 : vector<64x128xf32>
    %max3A_54 = arith.constant 0.000000e+00 : f32
    %max3A_55 = vector.broadcast %max3A_54 : f32 to vector<64x128xf32>
    %max3A_56 = arith.maximumf %add3A_53, %max3A_55 : vector<64x128xf32>
    %reduce_sum3A = arith.constant dense<0.000000e+00> : vector<128xf32>
    %reduce_sum3A_57 = vector.multi_reduction <add>, %max3A_56, %reduce_sum3A [0] : vector<64x128xf32> to vector<128xf32>
    %broadcast_in_dim3A_58 = vector.shape_cast %reduce_sum3A_57 : vector<128xf32> to vector<1x128xf32>
    %div3A_59 = arith.constant 6.400000e+01 : f32
    %div3A_60 = vector.broadcast %div3A_59 : f32 to vector<1x128xf32>
    %div3A_61 = arith.divf %broadcast_in_dim3A_58, %div3A_60 : vector<1x128xf32>
    %sub3A_62 = vector.broadcast %div3A_61 : vector<1x128xf32> to vector<64x128xf32>
    %sub3A_63 = arith.subf %max3A_56, %sub3A_62 : vector<64x128xf32>
    %sub3A_64 = vector.broadcast %div3A_61 : vector<1x128xf32> to vector<64x128xf32>
    %sub3A_65 = arith.subf %max3A_56, %sub3A_64 : vector<64x128xf32>
    %mul3A_66 = arith.mulf %sub3A_63, %sub3A_65 : vector<64x128xf32>
    %reduce_sum3A_67 = arith.constant dense<0.000000e+00> : vector<128xf32>
    %reduce_sum3A_68 = vector.multi_reduction <add>, %mul3A_66, %reduce_sum3A_67 [0] : vector<64x128xf32> to vector<128xf32>
    %broadcast_in_dim3A_69 = vector.shape_cast %reduce_sum3A_68 : vector<128xf32> to vector<1x128xf32>
    %div3A_70 = arith.constant 6.400000e+01 : f32
    %div3A_71 = vector.broadcast %div3A_70 : f32 to vector<1x128xf32>
    %div3A_72 = arith.divf %broadcast_in_dim3A_69, %div3A_71 : vector<1x128xf32>
    %sub3A_73 = vector.broadcast %div3A_61 : vector<1x128xf32> to vector<64x128xf32>
    %sub3A_74 = arith.subf %max3A_56, %sub3A_73 : vector<64x128xf32>
    %add3A_75 = arith.constant 9.99999974E-6 : f32
    %add3A_76 = vector.broadcast %add3A_75 : f32 to vector<1x128xf32>
    %add3A_77 = arith.addf %div3A_72, %add3A_76 : vector<1x128xf32>
    %rsqrt3A_78 = math.rsqrt %add3A_77 : vector<1x128xf32>
    %mul3A_79 = vector.broadcast %rsqrt3A_78 : vector<1x128xf32> to vector<64x128xf32>
    %mul3A_80 = arith.mulf %sub3A_74, %mul3A_79 : vector<64x128xf32>
    %get3A_81 = arith.constant 0 : index
    %get3A_82 = arith.constant 0 : index
    %get3A_83 = vector.load %arg9[%get3A_81, %get3A_82] : memref<1x128xf32, #tpu.memory_space<vmem>>, vector<1x128xf32>
    %mul3A_84 = vector.broadcast %get3A_83 : vector<1x128xf32> to vector<64x128xf32>
    %mul3A_85 = arith.mulf %mul3A_80, %mul3A_84 : vector<64x128xf32>
    %get3A_86 = arith.constant 0 : index
    %get3A_87 = arith.constant 0 : index
    %get3A_88 = vector.load %arg10[%get3A_86, %get3A_87] : memref<1x128xf32, #tpu.memory_space<vmem>>, vector<1x128xf32>
    %add3A_89 = vector.broadcast %get3A_88 : vector<1x128xf32> to vector<64x128xf32>
    %add3A_90 = arith.addf %mul3A_85, %add3A_89 : vector<64x128xf32>
    %swap3A = arith.constant 0 : index
    %swap3A_91 = arith.constant 0 : index
    %swap3A_92 = vector.load %arg14[%swap3A, %swap3A_91] : memref<64x128xf32, #tpu.memory_space<vmem>>, vector<64x128xf32>
    tpu.vector_store %arg14[%swap3A, %swap3A_91], %add3A_90 {strides = array<i32>} : memref<64x128xf32, #tpu.memory_space<vmem>>, vector<64x128xf32>,
    %get3A_93 = arith.constant 0 : index
    %get3A_94 = arith.constant 0 : index
    %get3A_95 = vector.load %arg11[%get3A_93, %get3A_94] : memref<128x128xf32, #tpu.memory_space<vmem>>, vector<128x128xf32>
    %dot_general3A_96 = arith.constant dense<0.000000e+00> : vector<64x128xf32>
    %dot_general3A_97 = tpu.matmul %add3A_90, %get3A_95, %dot_general3A_96 {dimension_numbers = #tpu.dot_dimension_numbers<[1], [0], [0], [1], [0, 0, 1, 1], [], []>, precision = #tpu.contract_precision<fp32>, transpose_lhs_hint = false} : vector<64x128xf32>, vector<128x128xf32>, vector<64x128xf32> -> vector<64x128xf32>
    %get3A_98 = arith.constant 0 : index
    %get3A_99 = arith.constant 0 : index
    %get3A_100 = vector.load %arg12[%get3A_98, %get3A_99] : memref<1x128xf32, #tpu.memory_space<vmem>>, vector<1x128xf32>
    %add3A_101 = vector.broadcast %get3A_100 : vector<1x128xf32> to vector<64x128xf32>
    %add3A_102 = arith.addf %dot_general3A_97, %add3A_101 : vector<64x128xf32>
    %swap3A_103 = arith.constant 0 : index
    %swap3A_104 = arith.constant 0 : index
    %swap3A_105 = vector.load %arg13[%swap3A_103, %swap3A_104] : memref<64x128xf32, #tpu.memory_space<vmem>>, vector<64x128xf32>
    tpu.vector_store %arg13[%swap3A_103, %swap3A_104], %add3A_102 {strides = array<i32>} : memref<64x128xf32, #tpu.memory_space<vmem>>, vector<64x128xf32>,
    return
  }
  func.func @transform_0(%arg0: i32) -> (i32, i32) {
    %c0_i32 = arith.constant 0 : i32
    %c0_i32_0 = arith.constant 0 : i32
    %c0_i32_1 = arith.constant 0 : i32
    return %c0_i32, %c0_i32_0 : i32, i32
  }
  func.func @transform_1(%arg0: i32) -> (i32, i32) {
    %c0_i32 = arith.constant 0 : i32
    %c0_i32_0 = arith.constant 0 : i32
    %c0_i32_1 = arith.constant 0 : i32
    return %c0_i32, %c0_i32_0 : i32, i32
  }
  func.func @transform_2(%arg0: i32) -> (i32, i32) {
    %c0_i32 = arith.constant 0 : i32
    %c0_i32_0 = arith.constant 0 : i32
    %c0_i32_1 = arith.constant 0 : i32
    return %c0_i32, %c0_i32_0 : i32, i32
  }
  func.func @transform_3(%arg0: i32) -> (i32, i32) {
    %c0_i32 = arith.constant 0 : i32
    %c0_i32_0 = arith.constant 0 : i32
    %c0_i32_1 = arith.constant 0 : i32
    return %c0_i32, %c0_i32_0 : i32, i32
  }
  func.func @transform_4(%arg0: i32) -> (i32, i32) {
    %c0_i32 = arith.constant 0 : i32
    %c0_i32_0 = arith.constant 0 : i32
    %c0_i32_1 = arith.constant 0 : i32
    return %c0_i32, %c0_i32_0 : i32, i32
  }
  func.func @transform_5(%arg0: i32) -> (i32, i32) {
    %c0_i32 = arith.constant 0 : i32
    %c0_i32_0 = arith.constant 0 : i32
    %c0_i32_1 = arith.constant 0 : i32
    return %c0_i32, %c0_i32_0 : i32, i32
  }
  func.func @transform_6(%arg0: i32) -> (i32, i32) {
    %c0_i32 = arith.constant 0 : i32
    %c0_i32_0 = arith.constant 0 : i32
    %c0_i32_1 = arith.constant 0 : i32
    return %c0_i32, %c0_i32_0 : i32, i32
  }
  func.func @transform_7(%arg0: i32) -> (i32, i32) {
    %c0_i32 = arith.constant 0 : i32
    %c0_i32_0 = arith.constant 0 : i32
    %c0_i32_1 = arith.constant 0 : i32
    return %c0_i32, %c0_i32_0 : i32, i32
  }
  func.func @transform_8(%arg0: i32) -> (i32, i32) {
    %c0_i32 = arith.constant 0 : i32
    %c0_i32_0 = arith.constant 0 : i32
    %c0_i32_1 = arith.constant 0 : i32
    return %c0_i32, %c0_i32_0 : i32, i32
  }
  func.func @transform_9(%arg0: i32) -> (i32, i32) {
    %c0_i32 = arith.constant 0 : i32
    %c0_i32_0 = arith.constant 0 : i32
    %c0_i32_1 = arith.constant 0 : i32
    return %c0_i32, %c0_i32_0 : i32, i32
  }
  func.func @transform_10(%arg0: i32) -> (i32, i32) {
    %c0_i32 = arith.constant 0 : i32
    %c0_i32_0 = arith.constant 0 : i32
    %c0_i32_1 = arith.constant 0 : i32
    return %c0_i32, %c0_i32_0 : i32, i32
  }
  func.func @transform_11(%arg0: i32) -> (i32, i32) {
    %c0_i32 = arith.constant 0 : i32
    %c0_i32_0 = arith.constant 0 : i32
    %c0_i32_1 = arith.constant 0 : i32
    return %c0_i32, %c0_i32_0 : i32, i32
  }
  func.func @transform_12(%arg0: i32) -> (i32, i32) {
    %c0_i32 = arith.constant 0 : i32
    %c0_i32_0 = arith.constant 0 : i32
    %c0_i32_1 = arith.constant 0 : i32
    return %c0_i32, %c0_i32_0 : i32, i32
  }
  func.func @transform_13(%arg0: i32) -> (i32, i32) {
    %c0_i32 = arith.constant 0 : i32
    %c0_i32_0 = arith.constant 0 : i32
    %c0_i32_1 = arith.constant 0 : i32
    return %c0_i32, %c0_i32_0 : i32, i32
  }
}

</mosaic_0001>

<sc_bundles>
// kernel: kernel.10.cloned.1.call-start
scs
__scs_entry_jumppad:
0x0: {  	(pc) =	sbr.rel $0x88, $3  }
0x1: {  	(tag) =	ssettag $0x0;
	lr =	simm.s32 $0x1  }
0x2: {  	[smem:$0x3F8F] =	sst lr;
	_ =	strace $0xD0000000  }
0x3: {  	_ = 	snop  }
0x4: {  	_ = 	snop  }
0x5: {  	_ = 	snop  }
0x6: {  	_ = 	snop  }
0x7: {  	_ = 	snop  }
__scs_overlays_trampoline_lowered:
0x8: {  	[smem:$0x3F9E] =	sst s0  }
0x9: {  	[smem:$0x3F9F] =	sst s1  }
0xa: {  	[smem:$0x3FA0] =	sst s2  }
0xb: {  	[smem:$0x3FA1] =	sst s3  }
0xc: {  	[smem:$0x3FA2] =	sst s4  }
0xd: {  	[smem:$0x3FA3] =	sst s5  }
0xe: {  	[smem:$0x3FA4] =	sst s6  }
0xf: {  	[smem:$0x3FA5] =	sst s7  }
0x10: {  	[smem:$0x3FA6] =	sst s8  }
0x11: {  	[smem:$0x3FA7] =	sst s9;
	s0 =	simm.s32 @!p0 $0x0  }
0x12: {  	s1 =	sld [smem:$0x3F8D];
	s0 =	simm.s32 @p0 $0x1  }
0x13: {  	[smem:$0x3FA8] =	sst s0;
	s0 =	simm.s32 @!p1 $0x0  }
0x14: {  	s2 =	sld [smem:$0x3F8C];
	s0 =	simm.s32 @p1 $0x1  }
0x15: {  	[smem:$0x3FA9] =	sst s0;
	s0 =	simm.s32 @!p2 $0x0  }
0x16: {  	s3 =	sld [smem:$0x3FDB];
	s0 =	simm.s32 @p2 $0x1  }
0x17: {  	s4 =	simm.s32 $0x1BF5;
	[smem:$0x3FAB] =	sst s0  }
0x18: {  	s0 =	sld [smem:$0x3F8E];
	_ =	swait.ge [sflag:s4], $0x0  }
0x19: {  	s7 =	sld [smem:$0x3F8F]  }
0x1a: {  	s8 =	sadd.s32 $0xFFFFE003, lr  }
0x1b: {  	s9 =	sadd.s32 $0xFFFFFEF7, lr;
	s5 =	simm.s32 $0xFFFFFFFF;
	p2 =	slt.u32 s8, $0xFFFFF086  }
0x1c: {  	p1 =	slt.u32 s9, $0xF7A;
	s5 =	simm.s32 @!p2 $0x0  }
0x1d: {  	s5 =	simm.s32 @p1 $0x1;
	p0 =	seq.s32 s7, s2  }
0x1e: {  	s7 =	smul.u32 @!p0 $0xF7A, s2;
	p2 =	seq.s32 @!p0 s5, $0x0  }
0x1f: {  	s9 =	smul.u32 $0xF7A, s1;
	s8 =	simm.s32 @!p0 $0x1BF5;
	p2 =	por !p2, p0  }
0x20: {  	[sflag:s8] =	ssyncset.s32 @!p0 $0xFFFFF086;
	s6 =	sadd.s32 @!p0 s3, s7;
	s7 =	simm.s32 @!p0 $0x108  }
0x21: {  	s3 =	sadd.s32 s3, s9;
	s6 =	sadd.s32 @!p0 $0x88, s6;
	s7 =	simm.s32 @p2 $0x1082  }
0x22: {  	[simem:s7], [sflag:s8] =	dma.local @!p0 [hbm:s6], $0xF7A  }
0x23: {  	s9 =	sor.u32 $0xD0000000, s2;
	s6 =	simm.s32 $0x108;
	_ =	swait.ge @!p0 [sflag:s8], $0x0  }
0x24: {  	s3 =	sadd.s32 $0x88, s3;
	s6 =	simm.s32 @!p1 $0x1082;
	[sflag:s4] =	ssyncset.s32 $0xFFFFF086  }
0x25: {  	[simem:s6], [sflag:s4] =	dma.local [hbm:s3], $0xF7A  }
0x26: {  	[smem:$0x3F8F] =	sst s1;
	(tag) =	ssettag s2;
	_ =	strace s9  }
0x27: {  	s1 =	sld [smem:$0x3F9F]  }
0x28: {  	s2 =	sld [smem:$0x3FA0]  }
0x29: {  	s4 =	sld [smem:$0x3FA2]  }
0x2a: {  	p0 =	seq.s32 s5, $0x0;
	s5 =	sld [smem:$0x3FA3]  }
0x2b: {  	s6 =	sld [smem:$0x3FA4]  }
0x2c: {  	s7 =	sld [smem:$0x3FA5]  }
0x2d: {  	s3 =	simm.s32 $0x108;
	s8 =	sld [smem:$0x3FA6]  }
0x2e: {  	s3 =	simm.s32 @!p0 $0x1082;
	s9 =	sld [smem:$0x3FA7]  }
0x2f: {  	lr =	sadd.s32 s0, s3;
	s0 =	sld [smem:$0x3F9E]  }
0x30: {  	s3 =	sld [smem:$0x3FA1]  }
0x31: {  	[smem:$0x3FAA] =	sst s10  }
0x32: {  	s10 =	sld [smem:$0x3FA8];
	_ =	sdelay $0x3  }
0x33: {  	p0 =	seq.s32 s10, $0x1;
	s10 =	sld [smem:$0x3FAA];
	_ =	sdelay $0x3  }
0x34: {  	[smem:$0x3FAA] =	sst s10  }
0x35: {  	s10 =	sld [smem:$0x3FA9];
	_ =	sdelay $0x3  }
0x36: {  	p1 =	seq.s32 s10, $0x1;
	s10 =	sld [smem:$0x3FAA];
	_ =	sdelay $0x3  }
0x37: {  	[smem:$0x3FAA] =	sst s10  }
0x38: {  	s10 =	sld [smem:$0x3FAB]  }
0x39: {  	_ = 	snop;
	(pc) =	sbr.ind lr, $3  }
0x3a: {  	_ = 	snop  }
0x3b: {  	_ = 	snop  }
0x3c: {  	p2 =	seq.s32 s10, $0x1;
	s10 =	sld [smem:$0x3FAA]  }
0x3d: {  	_ =	shalt  }
0x3e: {  	_ =	shalt  }
0x3f: {  	_ =	shalt  }
0x40: {  	_ =	shalt  }
0x41: {  	_ =	shalt  }
0x42: {  	_ =	shalt  }
0x43: {  	_ =	shalt  }
0x44: {  	_ =	shalt  }
0x45: {  	_ =	shalt  }
0x46: {  	_ =	shalt  }
0x47: {  	_ =	shalt  }
0x48: {  	_ =	shalt  }
0x49: {  	_ =	shalt  }
0x4a: {  	_ =	shalt  }
0x4b: {  	_ =	shalt  }
0x4c: {  	_ =	shalt  }
0x4d: {  	_ =	shalt  }
0x4e: {  	_ =	shalt  }
0x4f: {  	_ =	shalt  }
0x50: {  	_ =	shalt  }
0x51: {  	_ =	shalt  }
0x52: {  	_ =	shalt  }
0x53: {  	_ =	shalt  }
0x54: {  	_ =	shalt  }
0x55: {  	_ =	shalt  }
0x56: {  	_ =	shalt  }
0x57: {  	_ =	shalt  }
0x58: {  	_ =	shalt  }
0x59: {  	_ =	shalt  }
0x5a: {  	_ =	shalt  }
0x5b: {  	_ =	shalt  }
0x5c: {  	_ =	shalt  }
0x5d: {  	_ =	shalt  }
0x5e: {  	_ =	shalt  }
0x5f: {  	_ =	shalt  }
0x60: {  	_ =	shalt  }
0x61: {  	_ =	shalt  }
0x62: {  	_ =	shalt  }
0x63: {  	_ =	shalt  }
0x64: {  	_ =	shalt  }
0x65: {  	_ =	shalt  }
0x66: {  	_ =	shalt  }
0x67: {  	_ =	shalt  }
0x68: {  	_ =	shalt  }
0x69: {  	_ =	shalt  }
0x6a: {  	_ =	shalt  }
0x6b: {  	_ =	shalt  }
0x6c: {  	_ =	shalt  }
0x6d: {  	_ =	shalt  }
0x6e: {  	_ =	shalt  }
0x6f: {  	_ =	shalt  }
0x70: {  	_ =	shalt  }
0x71: {  	_ =	shalt  }
0x72: {  	_ =	shalt  }
0x73: {  	_ =	shalt  }
0x74: {  	_ =	shalt  }
0x75: {  	_ =	shalt  }
0x76: {  	_ =	shalt  }
0x77: {  	_ =	shalt  }
0x78: {  	_ =	shalt  }
0x79: {  	_ =	shalt  }
0x7a: {  	_ =	shalt  }
0x7b: {  	_ =	shalt  }
0x7c: {  	_ =	shalt  }
0x7d: {  	_ =	shalt  }
0x7e: {  	_ =	shalt  }
0x7f: {  	_ =	shalt  }
0x80: {  	_ =	shalt  }
0x81: {  	_ =	shalt  }
0x82: {  	_ =	shalt  }
0x83: {  	_ =	shalt  }
0x84: {  	_ =	shalt  }
0x85: {  	_ =	shalt  }
0x86: {  	_ =	shalt  }
0x87: {  	_ =	shalt  }
.Lfunc_end0:
.L_simem_size_0:
called_computation_lowered:
.L_overlay_start_0:
0x88: {  	s2 =	sld [smem:$0x3FD9]  }
0x89: {  	s3 =	sld [smem:$0x3FFE];
	_ =	sdelay $0x1  }
0x8a: {  	s1 =	srdreg.scid  }
0x8b: {  	s0 =	sand.u32 $0x1, s1  }
0x8c: {  	s14 =	sshll.u32 s0, $0xA;
	s2 =	sadd.s32 s3, s2  }
0x8d: {  	s2 =	sadd.s32 s2, s14  }
0x8e: {  	[smem:$0x3FB6] =	sst s2  }
0x8f: {  	_ = 	snop  }
0x90: {  	s2 =	sld [smem:$0x3FD0];
	_ =	sdelay $0x2  }
0x91: {  	s15 =	simm.s32 $0xA;
	s4 =	simm.s32 $0x10  }
0x92: {  	[smem:s4], [sflag:s15] =	dma.local [hbm:s2], $0x1  }
0x93: {  	_ =	swait.eq [sflag:s15], $0x1  }
0x94: {  	[sflag:s15] =	ssyncset.done $0x0  }
0x95: {  	[sflag:s15] =	ssyncadd.s32 $0xFFFFFFFF  }
0x96: {  	s16 =	sld [smem:$0x11];
	(tm) =	ssettm $0x1  }
0x97: {  	s17 =	sld [smem:$0x3FFB];
	_ =	sdelay $0x3  }
0x98: {  	_ =	strace s17  }
0x99: {  	s3 =	sld [smem:$0x3FFC];
	_ =	sdelay $0x3  }
0x9a: {  	_ =	strace s3  }
0x9b: {  	s3 =	sld [smem:$0x3FFD];
	_ =	sdelay $0x3  }
0x9c: {  	_ =	strace s3  }
0x9d: {  	_ =	strace $0x8FFFFFFF  }
0x9e: {  	s18 =	sld [smem:$0x3FDB];
	_ =	sdelay $0x1  }
0x9f: {  	s19 =	simm.s32 $_scs_section_size  }
0xa0: {  	s5 =	simm.s32 $_size__tile_overlayer_lowered;
	s6 =	simm.s32 $_tile_overlayer_lowered  }
0xa1: {  	s22 =	simm.s32 $0x1BFF;
	s21 =	sshll.u32 s6, $0x1;
	s3 =	sadd.s32 s19, s18  }
0xa2: {  	s7 =	simm.s32 $0x0;
	s20 =	sshll.u32 s5, $0x1;
	s5 =	sadd.s32 s21, s3  }
0xa3: {  	[timem:s7], [sflag:s22] =	dma.local [hbm:s5], s20  }
0xa4: {  	_ =	swait.ge [sflag:s22], s20  }
0xa5: {  	s4 =	ssub.s32 $0x0, s20;
	[sflag:s22] =	ssyncset.done $0x0  }
0xa6: {  	[sflag:s22] =	ssyncadd.s32 s4;
	_ =	sdelay $0x1  }
0xa7: {  	s23 =	simm.s32 $0x1B8B  }
0xa8: {  	_ =	swait.ge [sflag:s23], $0x1  }
0xa9: {  	[sflag:s23] =	ssyncset.done $0x0  }
0xaa: {  	s25 =	simm.s32 $0x1B8E;
	s24 =	sld [smem:$0x3FFE];
	[sflag:s23] =	ssyncadd.s32 $0xFFFFFFFF  }
0xab: {  	s26 =	simm.s32 $execute0_lowered;
	[smem:$0x3FD2] =	sst s25  }
0xac: {  	s5 =	sshll.u32 s26, $0x1;
	_ =	strace $0x80000046;
	[dreg:$0x1] =	wrdreg $0xFFFFFFFF  }
0xad: {  	s28 =	simm.s32 $_size_execute0_lowered;
	s3 =	sadd.s32 s3, s5;
	[dreg:$0x0] =	wrdreg $0x0  }
0xae: {  	s5 =	sshll.u32 s28, $0x1;
	[dreg:$0x2] =	wrdreg s3  }
0xaf: {  	[dreg:$0x3] =	wrdreg s5  }
0xb0: {  	[dreg:$0x4] =	wrdreg $0xC0  }
0xb1: {  	_ =	task [dreg:s7], $0x5FFFF  }
0xb2: {  	[dreg:$0x1] =	wrdreg $0xFFFFFFFF  }
0xb3: {  	[dreg:$0x0] =	wrdreg $0x60  }
0xb4: {  	[dreg:$0x2] =	wrdreg s24  }
0xb5: {  	[dreg:$0x3] =	wrdreg s16  }
0xb6: {  	[dreg:$0x4] =	wrdreg $0x70000  }
0xb7: {  	[dreg:$0x5] =	wrdreg $0x9  }
0xb8: {  	_ =	task.clear_ibuf [dreg:s7], $0x6FFFF;
	_ =	strace $0x90000046  }
0xb9: {  	s29 =	simm.s32 $0x9;
	_ =	strace $0x80000048  }
0xba: {  	_ =	swait.ge [sflag:s29], $0x1  }
0xbb: {  	[sflag:s29] =	ssyncadd.s32 $0xFFFFFFFF  }
0xbc: {  	_ =	strace $0x90000048  }
0xbd: {  	_ =	sfence  }
0xbe: {  	s30 =	sld [smem:$0x0];
	_ =	sdelay $0x2  }
0xbf: {  	s31 =	sshll.u32 s1, $0xD;
	s1 =	sshrl.u32 s1, $0x2  }
0xc0: {  	s3 =	sand.u32 $0x4000, s31;
	s1 =	sadd.s32 s1, s30  }
0xc1: {  	s0 =	sor.u32 s3, s0;
	s1 =	sshll.u32 s1, $0x11  }
0xc2: {  	s0 =	sor.u32 s1, s0  }
0xc3: {  	s0 =	sadd.s32 $0x8F2B, s0  }
0xc4: {  	[sflag:s0] =	ssyncadd.remote.s32 $0x1  }
0xc5: {  	_ =	sfence.sel $0xFFFF  }
0xc6: {  	[dreg:$0x0] =	wrdreg $0xFFFFFFFF;
	(pc) =	sbr.abs _section_cstart, $3  }
0xc7: {  	[dreg:$0x1] =	wrdreg $0xFFFFFFFF  }
0xc8: {  	_ =	task.clear_ibuf [dreg:s7], $0x2FFFF;
	_ =	strace $0x9FFFFFFF  }
0xc9: {  	(tm) =	ssettm $0x7FFFFFFF  }
tec
execute0_lowered:
.L_overlay_start_1:
0x0: {  	(tag) =	ssettag $0x1  }
0x1: {  	s6 =	rddreg [dreg:$0x0]  }
0x2: {  	s2 =	rddreg [dreg:$0x1]  }
0x3: {  	s0 =	srdreg.scid;
	s3 =	rddreg [dreg:$0x2]  }
0x4: {  	s1 =	stileid.u32;
	s4 =	simm.s32 $0x0;
	s13 =	simm.s32 $0x40  }
0x5: {  	s14 =	simm.s32 $0x80;
	s15 =	simm.s32 $0x100;
	s16 =	simm.s32 $0x180  }
0x6: {  	s17 =	simm.s32 $0x1;
	s18 =	simm.s32 $0x0;
	s7 =	sand.u32 $0x1, s0  }
0x7: {  	s0 =	rddreg [dreg:$0x3];
	s5 =	sshll.u32 s1, $0x1;
	s9 =	smul.u32 $0x14000, s1  }
0x8: {  	[smem:$0x7FF] =	sst s4;
	s10 =	smul.u32 $0x50000, s1;
	s11 =	sshll.u32 s1, $0x6  }
0x9: {  	s8 =	smul.u32 $0x140000, s7;
	s5 =	sor.u32 s7, s5;
	s31 =	ssub.s32 $0x2, s7  }
0xa: {  	_ =	strace $0x80000047;
	s5 =	smul.u32 $0xA00, s5;
	s7 =	sshrl.u32 s31, $0x1  }
0xb: {  	s10 =	sshrl.u32 s10, $0x2;
	s8 =	sadd.s32 s9, s8;
	s12 =	ssub.s32 s31, s7  }
0xc: {  	s10 =	sadd.s32 s10, s3;
	s30 =	sadd.s32 s5, s6;
	s8 =	sshrl.u32 s8, $0x3  }
0xd: {  	s5 =	sadd.s32 $0x18000, s6;
	s9 =	smax.u32 s12, $0x1;
	s10 =	sshrl.u32 s10, $0x3  }
0xe: {  	s12 =	simm.s32 $0x5000;
	s8 =	sadd.s32 s8, s6;
	s6 =	sor.u32 $0x1C02, s11  }
0xf: {  	s7 =	sadd.s32 $0x4000, s30;
	s11 =	simm.s32 $0x2;
	s8 =	sadd.s32 $0x1A800, s8  }
.LBB2_1:
0x10: {  	[spmem:s10], [sflag:s6] =	dma.local [hbm:s5], $0x2800  }
0x11: {  	_ =	swait.ge [sflag:s11], $0x2800  }
0x12: {  	[sflag:s11] =	ssyncset.done $0x0  }
0x13: {  	[sflag:s11] =	ssyncadd.s32 $0xFFFFD800  }
0x14: {  	[tilespmem:s12], [sflag:$0x2] =	stream.linear.gather [hbm4b:s2+s4], $0x2000, $0x38;
	[tilespmem:$0x1B000] =	vst v63  }
0x15: {  	_ =	swait.ge [sflag:s11], $0x2000  }
0x16: {  	[sflag:s11] =	ssyncset.done $0x0  }
0x17: {  	[sflag:s11] =	ssyncadd.s32 $0xFFFFE000  }
0x18: {  	[tilespmem:s4], [sflag:$0x2] =	stream.linear.gather [hbm4b:s7+s4], $0x5000, $0x38;
	[tilespmem:$0x1B000] =	vst v63  }
0x19: {  	_ =	swait.ge [sflag:s11], $0x5000  }
0x1a: {  	[sflag:s11] =	ssyncset.done $0x0  }
0x1b: {  	[sflag:s11] =	ssyncadd.s32 $0xFFFFB000  }
0x1c: {  	[bflag:$0x0] =	sbarrier.arrive $0xFFFF  }
0x1d: {  	[spmem:s3] =	stream.indirect.scatter.add.f32 [tilespmem:s12], [sflag:$0x1], $0x80, s4, s13, $0xb8;
	[tilespmem:$0x1B000] =	vst v63  }
0x1e: {  	_ = 	snop  }
0x1f: {  	[spmem:s3] =	stream.indirect.scatter.add.f32 [tilespmem:s12], [sflag:$0x1], $0x80, s14, s13, $0xb8;
	[tilespmem:$0x1B000] =	vst v63  }
0x20: {  	_ = 	snop  }
0x21: {  	[spmem:s3] =	stream.indirect.scatter.add.f32 [tilespmem:s12], [sflag:$0x1], $0x80, s15, s13, $0xb8;
	[tilespmem:$0x1B000] =	vst v63  }
0x22: {  	_ = 	snop  }
0x23: {  	[spmem:s3] =	stream.indirect.scatter.add.f32 [tilespmem:s12], [sflag:$0x1], $0x80, s16, s13, $0xb8;
	[tilespmem:$0x1B000] =	vst v63  }
0x24: {  	_ =	swait.ge [sflag:s17], $0x2000  }
0x25: {  	[sflag:s17] =	ssyncset.done $0x0  }
0x26: {  	s19 =	simm.s32 $0xA00;
	s20 =	simm.s32 $0x200;
	[sflag:s17] =	ssyncadd.s32 $0xFFFFE000  }
.LBB2_2:
0x27: {  	[spmem:s3] =	stream.indirect.scatter.add.f32 [tilespmem:s12], [sflag:$0x1], $0x80, s20, s13, $0xb8;
	[tilespmem:$0x1B000] =	vst v63  }
0x28: {  	s20 =	smov.u32 s19;
	p0 =	sne.s32 s19, $0x13E00  }
.Ltmp0:
0x29: {  	s19 =	sadd.s32 $0x200, s19;
	(pc) =	sbr.rel @p0 .LBB2_2-.Ltmp0, $4  }
0x2a: {  	_ = 	snop  }
0x2b: {  	_ =	swait.ge [sflag:s17], $0x2000  }
0x2c: {  	[sflag:s17] =	ssyncset.done $0x0  }
0x2d: {  	s20 =	sshra.s32 s20, $0x2;
	[sflag:s17] =	ssyncadd.s32 $0xFFFFE000  }
0x2e: {  	[spmem:s3] =	stream.indirect.scatter.add.f32 [tilespmem:s12], [sflag:$0x1], $0x80, s20, s13, $0xb8;
	[tilespmem:$0x1B000] =	vst v63  }
0x2f: {  	_ =	swait.ge [sflag:s17], $0x2000  }
0x30: {  	[sflag:s17] =	ssyncset.done $0x0  }
0x31: {  	[sflag:s17] =	ssyncadd.s32 $0xFFFFE000  }
0x32: {  	_ =	swait.ge [sflag:s17], $0x2000  }
0x33: {  	[sflag:s17] =	ssyncset.done $0x0  }
0x34: {  	[sflag:s17] =	ssyncadd.s32 $0xFFFFE000  }
0x35: {  	_ =	swait.ge [sflag:s17], $0x2000  }
0x36: {  	[sflag:s17] =	ssyncset.done $0x0  }
0x37: {  	[sflag:s17] =	ssyncadd.s32 $0xFFFFE000  }
0x38: {  	_ =	swait.ge [sflag:s17], $0x2000  }
0x39: {  	s18 =	sadd.s32 $0x1, s18;
	[sflag:s17] =	ssyncset.done $0x0  }
0x3a: {  	p0 =	sne.s32 s18, s9;
	[sflag:s17] =	ssyncadd.s32 $0xFFFFE000  }
.Ltmp1:
0x3b: {  	[bflag:$0x0] =	sbarrier.arrive $0xFFFF;
	(pc) =	sbr.rel @p0 .LBB2_1-.Ltmp1, $4  }
0x3c: {  	[hbm:s8], [sflag:s6] =	dma.local [spmem:s10], $0x2800  }
0x3d: {  	_ =	swait.ge [sflag:s11], $0x2800  }
0x3e: {  	[sflag:s11] =	ssyncset.done $0x0  }
0x3f: {  	[sflag:s11] =	ssyncadd.s32 $0xFFFFD800  }
0x40: {  	_ =	sfence.sel $0x180000  }
0x41: {  	[bflag:$0x0] =	sbarrier.arrive $0xFFFF  }
0x42: {  	p0 =	sne.s32 s1, $0x0;
	_ =	strace $0x90000047  }
0x43: {  	s0 =	sadd.s32 @!p0 $0x100000, s0;
	[bflag:$0x2] =	sbarrier.arrive $0xFFFF  }
0x44: {  	[sflag:s0] =	ssyncadd.tile.s32 @!p0 $0x1;
	_ =	shalt  }
.Lfunc_end2:
_tile_overlayer_lowered:
.L_overlay_start_2:
0x45: {  	(tag) =	ssettag $0x2  }
0x46: {  	s0 =	rddreg [dreg:$0x0];
	s2 =	stileid.u32  }
0x47: {  	s1 =	rddreg [dreg:$0x1];
	p0 =	sne.s32 s2, $0x0  }
0x48: {  	s3 =	rddreg [dreg:$0x2];
	[bflag:$0x3] =	sbarrier.arrive $0xFFFF;
	s2 =	simm.s32 @!p0 $0x1C02  }
0x49: {  	[timem:s3], [sflag:s2] =	dma.local @!p0 [hbm:s0], s1  }
0x4a: {  	s0 =	simm.s32 @!p0 $0x2  }
0x4b: {  	_ =	swait.ge @!p0 [sflag:s0], s1  }
0x4c: {  	s1 =	ssub.s32 @!p0 $0x0, s1;
	[sflag:s0] =	ssyncset.done @!p0 $0x0  }
0x4d: {  	[sflag:s0] =	ssyncadd.s32 @!p0 s1  }
0x4e: {  	[bflag:$0x3] =	sbarrier.arrive $0xFFFF  }
0x4f: {  	_ =	shalt  }

// kernel: kernel.13.cloned.1.call-start
scs
__scs_entry_jumppad:
0x0: {  	(pc) =	sbr.rel $0x88, $3  }
0x1: {  	(tag) =	ssettag $0x0;
	lr =	simm.s32 $0x1  }
0x2: {  	[smem:$0x3F8F] =	sst lr;
	_ =	strace $0xD0000000  }
0x3: {  	_ = 	snop  }
0x4: {  	_ = 	snop  }
0x5: {  	_ = 	snop  }
0x6: {  	_ = 	snop  }
0x7: {  	_ = 	snop  }
__scs_overlays_trampoline_lowered:
0x8: {  	[smem:$0x3F9E] =	sst s0  }
0x9: {  	[smem:$0x3F9F] =	sst s1  }
0xa: {  	[smem:$0x3FA0] =	sst s2  }
0xb: {  	[smem:$0x3FA1] =	sst s3  }
0xc: {  	[smem:$0x3FA2] =	sst s4  }
0xd: {  	[smem:$0x3FA3] =	sst s5  }
0xe: {  	[smem:$0x3FA4] =	sst s6  }
0xf: {  	[smem:$0x3FA5] =	sst s7  }
0x10: {  	[smem:$0x3FA6] =	sst s8  }
0x11: {  	[smem:$0x3FA7] =	sst s9;
	s0 =	simm.s32 @!p0 $0x0  }
0x12: {  	s1 =	sld [smem:$0x3F8D];
	s0 =	simm.s32 @p0 $0x1  }
0x13: {  	[smem:$0x3FA8] =	sst s0;
	s0 =	simm.s32 @!p1 $0x0  }
0x14: {  	s2 =	sld [smem:$0x3F8C];
	s0 =	simm.s32 @p1 $0x1  }
0x15: {  	[smem:$0x3FA9] =	sst s0;
	s0 =	simm.s32 @!p2 $0x0  }
0x16: {  	s3 =	sld [smem:$0x3FDB];
	s0 =	simm.s32 @p2 $0x1  }
0x17: {  	s4 =	simm.s32 $0x1BF5;
	[smem:$0x3FAB] =	sst s0  }
0x18: {  	s0 =	sld [smem:$0x3F8E];
	_ =	swait.ge [sflag:s4], $0x0  }
0x19: {  	s7 =	sld [smem:$0x3F8F]  }
0x1a: {  	s8 =	sadd.s32 $0xFFFFE003, lr  }
0x1b: {  	s9 =	sadd.s32 $0xFFFFFEF7, lr;
	s5 =	simm.s32 $0xFFFFFFFF;
	p2 =	slt.u32 s8, $0xFFFFF086  }
0x1c: {  	p1 =	slt.u32 s9, $0xF7A;
	s5 =	simm.s32 @!p2 $0x0  }
0x1d: {  	s5 =	simm.s32 @p1 $0x1;
	p0 =	seq.s32 s7, s2  }
0x1e: {  	s7 =	smul.u32 @!p0 $0xF7A, s2;
	p2 =	seq.s32 @!p0 s5, $0x0  }
0x1f: {  	s9 =	smul.u32 $0xF7A, s1;
	s8 =	simm.s32 @!p0 $0x1BF5;
	p2 =	por !p2, p0  }
0x20: {  	[sflag:s8] =	ssyncset.s32 @!p0 $0xFFFFF086;
	s6 =	sadd.s32 @!p0 s3, s7;
	s7 =	simm.s32 @!p0 $0x108  }
0x21: {  	s3 =	sadd.s32 s3, s9;
	s6 =	sadd.s32 @!p0 $0x88, s6;
	s7 =	simm.s32 @p2 $0x1082  }
0x22: {  	[simem:s7], [sflag:s8] =	dma.local @!p0 [hbm:s6], $0xF7A  }
0x23: {  	s9 =	sor.u32 $0xD0000000, s2;
	s6 =	simm.s32 $0x108;
	_ =	swait.ge @!p0 [sflag:s8], $0x0  }
0x24: {  	s3 =	sadd.s32 $0x88, s3;
	s6 =	simm.s32 @!p1 $0x1082;
	[sflag:s4] =	ssyncset.s32 $0xFFFFF086  }
0x25: {  	[simem:s6], [sflag:s4] =	dma.local [hbm:s3], $0xF7A  }
0x26: {  	[smem:$0x3F8F] =	sst s1;
	(tag) =	ssettag s2;
	_ =	strace s9  }
0x27: {  	s1 =	sld [smem:$0x3F9F]  }
0x28: {  	s2 =	sld [smem:$0x3FA0]  }
0x29: {  	s4 =	sld [smem:$0x3FA2]  }
0x2a: {  	p0 =	seq.s32 s5, $0x0;
	s5 =	sld [smem:$0x3FA3]  }
0x2b: {  	s6 =	sld [smem:$0x3FA4]  }
0x2c: {  	s7 =	sld [smem:$0x3FA5]  }
0x2d: {  	s3 =	simm.s32 $0x108;
	s8 =	sld [smem:$0x3FA6]  }
0x2e: {  	s3 =	simm.s32 @!p0 $0x1082;
	s9 =	sld [smem:$0x3FA7]  }
0x2f: {  	lr =	sadd.s32 s0, s3;
	s0 =	sld [smem:$0x3F9E]  }
0x30: {  	s3 =	sld [smem:$0x3FA1]  }
0x31: {  	[smem:$0x3FAA] =	sst s10  }
0x32: {  	s10 =	sld [smem:$0x3FA8];
	_ =	sdelay $0x3  }
0x33: {  	p0 =	seq.s32 s10, $0x1;
	s10 =	sld [smem:$0x3FAA];
	_ =	sdelay $0x3  }
0x34: {  	[smem:$0x3FAA] =	sst s10  }
0x35: {  	s10 =	sld [smem:$0x3FA9];
	_ =	sdelay $0x3  }
0x36: {  	p1 =	seq.s32 s10, $0x1;
	s10 =	sld [smem:$0x3FAA];
	_ =	sdelay $0x3  }
0x37: {  	[smem:$0x3FAA] =	sst s10  }
0x38: {  	s10 =	sld [smem:$0x3FAB]  }
0x39: {  	_ = 	snop;
	(pc) =	sbr.ind lr, $3  }
0x3a: {  	_ = 	snop  }
0x3b: {  	_ = 	snop  }
0x3c: {  	p2 =	seq.s32 s10, $0x1;
	s10 =	sld [smem:$0x3FAA]  }
0x3d: {  	_ =	shalt  }
0x3e: {  	_ =	shalt  }
0x3f: {  	_ =	shalt  }
0x40: {  	_ =	shalt  }
0x41: {  	_ =	shalt  }
0x42: {  	_ =	shalt  }
0x43: {  	_ =	shalt  }
0x44: {  	_ =	shalt  }
0x45: {  	_ =	shalt  }
0x46: {  	_ =	shalt  }
0x47: {  	_ =	shalt  }
0x48: {  	_ =	shalt  }
0x49: {  	_ =	shalt  }
0x4a: {  	_ =	shalt  }
0x4b: {  	_ =	shalt  }
0x4c: {  	_ =	shalt  }
0x4d: {  	_ =	shalt  }
0x4e: {  	_ =	shalt  }
0x4f: {  	_ =	shalt  }
0x50: {  	_ =	shalt  }
0x51: {  	_ =	shalt  }
0x52: {  	_ =	shalt  }
0x53: {  	_ =	shalt  }
0x54: {  	_ =	shalt  }
0x55: {  	_ =	shalt  }
0x56: {  	_ =	shalt  }
0x57: {  	_ =	shalt  }
0x58: {  	_ =	shalt  }
0x59: {  	_ =	shalt  }
0x5a: {  	_ =	shalt  }
0x5b: {  	_ =	shalt  }
0x5c: {  	_ =	shalt  }
0x5d: {  	_ =	shalt  }
0x5e: {  	_ =	shalt  }
0x5f: {  	_ =	shalt  }
0x60: {  	_ =	shalt  }
0x61: {  	_ =	shalt  }
0x62: {  	_ =	shalt  }
0x63: {  	_ =	shalt  }
0x64: {  	_ =	shalt  }
0x65: {  	_ =	shalt  }
0x66: {  	_ =	shalt  }
0x67: {  	_ =	shalt  }
0x68: {  	_ =	shalt  }
0x69: {  	_ =	shalt  }
0x6a: {  	_ =	shalt  }
0x6b: {  	_ =	shalt  }
0x6c: {  	_ =	shalt  }
0x6d: {  	_ =	shalt  }
0x6e: {  	_ =	shalt  }
0x6f: {  	_ =	shalt  }
0x70: {  	_ =	shalt  }
0x71: {  	_ =	shalt  }
0x72: {  	_ =	shalt  }
0x73: {  	_ =	shalt  }
0x74: {  	_ =	shalt  }
0x75: {  	_ =	shalt  }
0x76: {  	_ =	shalt  }
0x77: {  	_ =	shalt  }
0x78: {  	_ =	shalt  }
0x79: {  	_ =	shalt  }
0x7a: {  	_ =	shalt  }
0x7b: {  	_ =	shalt  }
0x7c: {  	_ =	shalt  }
0x7d: {  	_ =	shalt  }
0x7e: {  	_ =	shalt  }
0x7f: {  	_ =	shalt  }
0x80: {  	_ =	shalt  }
0x81: {  	_ =	shalt  }
0x82: {  	_ =	shalt  }
0x83: {  	_ =	shalt  }
0x84: {  	_ =	shalt  }
0x85: {  	_ =	shalt  }
0x86: {  	_ =	shalt  }
0x87: {  	_ =	shalt  }
.Lfunc_end0:
.L_simem_size_0:
called_computation.1_lowered:
.L_overlay_start_0:
0x88: {  	s2 =	sld [smem:$0x3FD9]  }
0x89: {  	s3 =	sld [smem:$0x3FFE];
	_ =	sdelay $0x1  }
0x8a: {  	s1 =	srdreg.scid  }
0x8b: {  	s0 =	sand.u32 $0x1, s1  }
0x8c: {  	s16 =	sshll.u32 s0, $0xA;
	s2 =	sadd.s32 s3, s2  }
0x8d: {  	s2 =	sadd.s32 s2, s16  }
0x8e: {  	[smem:$0x3FB6] =	sst s2  }
0x8f: {  	_ = 	snop  }
0x90: {  	(tm) =	ssettm $0x1  }
0x91: {  	s17 =	sld [smem:$0x3FFB];
	_ =	sdelay $0x3  }
0x92: {  	_ =	strace s17  }
0x93: {  	s2 =	sld [smem:$0x3FFC];
	_ =	sdelay $0x3  }
0x94: {  	_ =	strace s2  }
0x95: {  	s2 =	sld [smem:$0x3FFD];
	_ =	sdelay $0x3  }
0x96: {  	_ =	strace s2  }
0x97: {  	_ =	strace $0x8FFFFFFF  }
0x98: {  	s18 =	sld [smem:$0x3FDB];
	_ =	sdelay $0x1  }
0x99: {  	s19 =	simm.s32 $_scs_section_size  }
0x9a: {  	s4 =	simm.s32 $_size__tile_overlayer_lowered;
	s5 =	simm.s32 $_tile_overlayer_lowered  }
0x9b: {  	s22 =	simm.s32 $0x1BFF;
	s21 =	sshll.u32 s5, $0x1;
	s2 =	sadd.s32 s19, s18  }
0x9c: {  	s6 =	simm.s32 $0x0;
	s20 =	sshll.u32 s4, $0x1;
	s4 =	sadd.s32 s21, s2  }
0x9d: {  	[timem:s6], [sflag:s22] =	dma.local [hbm:s4], s20  }
0x9e: {  	_ =	swait.ge [sflag:s22], s20  }
0x9f: {  	s3 =	ssub.s32 $0x0, s20;
	[sflag:s22] =	ssyncset.done $0x0  }
0xa0: {  	[sflag:s22] =	ssyncadd.s32 s3;
	_ =	sdelay $0x1  }
0xa1: {  	s23 =	simm.s32 $0x1B8B  }
0xa2: {  	_ =	swait.ge [sflag:s23], $0x1  }
0xa3: {  	[sflag:s23] =	ssyncset.done $0x0  }
0xa4: {  	s25 =	simm.s32 $0x1B8E;
	s24 =	sld [smem:$0x3FFE];
	[sflag:s23] =	ssyncadd.s32 $0xFFFFFFFF  }
0xa5: {  	s26 =	simm.s32 $execute0_lowered;
	[smem:$0x3FD2] =	sst s25  }
0xa6: {  	s4 =	sshll.u32 s26, $0x1;
	_ =	strace $0x80000049;
	[dreg:$0x1] =	wrdreg $0xFFFFFFFF  }
0xa7: {  	s28 =	simm.s32 $_size_execute0_lowered;
	s2 =	sadd.s32 s2, s4;
	[dreg:$0x0] =	wrdreg $0x0  }
0xa8: {  	s4 =	sshll.u32 s28, $0x1;
	[dreg:$0x2] =	wrdreg s2  }
0xa9: {  	[dreg:$0x3] =	wrdreg s4  }
0xaa: {  	[dreg:$0x4] =	wrdreg $0xC0  }
0xab: {  	_ =	task [dreg:s6], $0x5FFFF  }
0xac: {  	[dreg:$0x1] =	wrdreg $0xFFFFFFFF  }
0xad: {  	[dreg:$0x0] =	wrdreg $0x60  }
0xae: {  	[dreg:$0x2] =	wrdreg s24  }
0xaf: {  	[dreg:$0x3] =	wrdreg $0xA0000  }
0xb0: {  	[dreg:$0x4] =	wrdreg $0x9  }
0xb1: {  	_ =	task.clear_ibuf [dreg:s6], $0x5FFFF;
	_ =	strace $0x90000049  }
0xb2: {  	s29 =	simm.s32 $0x9;
	_ =	strace $0x8000004B  }
0xb3: {  	_ =	swait.ge [sflag:s29], $0x1  }
0xb4: {  	[sflag:s29] =	ssyncadd.s32 $0xFFFFFFFF  }
0xb5: {  	_ =	strace $0x9000004B  }
0xb6: {  	_ =	sfence  }
0xb7: {  	s30 =	sld [smem:$0x0];
	_ =	sdelay $0x2  }
0xb8: {  	s31 =	sshll.u32 s1, $0xD;
	s1 =	sshrl.u32 s1, $0x2  }
0xb9: {  	s3 =	sand.u32 $0x4000, s31;
	s1 =	sadd.s32 s1, s30  }
0xba: {  	s0 =	sor.u32 s3, s0;
	s1 =	sshll.u32 s1, $0x11  }
0xbb: {  	s0 =	sor.u32 s1, s0  }
0xbc: {  	s0 =	sadd.s32 $0x8F2B, s0  }
0xbd: {  	[sflag:s0] =	ssyncadd.remote.s32 $0x1  }
0xbe: {  	_ =	sfence.sel $0xFFFF  }
0xbf: {  	[dreg:$0x0] =	wrdreg $0xFFFFFFFF;
	(pc) =	sbr.abs _section_cstart, $3  }
0xc0: {  	[dreg:$0x1] =	wrdreg $0xFFFFFFFF  }
0xc1: {  	_ =	task.clear_ibuf [dreg:s6], $0x2FFFF;
	_ =	strace $0x9FFFFFFF  }
0xc2: {  	(tm) =	ssettm $0x7FFFFFFF  }
0xc3: {  	_ =	shalt  }
tec
execute0_lowered:
.L_overlay_start_1:
0x0: {  	(tag) =	ssettag $0x1  }
0x1: {  	s0 =	rddreg [dreg:$0x0]  }
0x2: {  	s1 =	rddreg [dreg:$0x1];
	s2 =	srdreg.scid  }
0x3: {  	s10 =	simm.s32 $0x0;
	s9 =	stileid.u32;
	s14 =	simm.s32 $0x9  }
0x4: {  	s15 =	simm.s32 $0x1000;
	s16 =	simm.s32 $0x40;
	s17 =	simm.s32 $0x2000  }
0x5: {  	s19 =	simm.s32 $0x4000;
	s28 =	simm.s32 $0x5;
	s29 =	simm.s32 $0x200  }
0x6: {  	s30 =	simm.s32 $0x3;
	s31 =	simm.s32 $0x1100;
	s11 =	simm.s32 $0x1180  }
0x7: {  	s12 =	simm.s32 $0x7;
	s13 =	simm.s32 $0x8;
	s2 =	sand.u32 $0x1, s2  }
0x8: {  	[smem:$0x7FF] =	sst s10;
	s7 =	smul.u32 $0x14000, s9;
	s4 =	sadd.s32 $0x42800, s0  }
0x9: {  	s5 =	sadd.s32 $0x7E800, s0;
	s6 =	sadd.s32 $0x6A800, s0;
	s20 =	smul.u32 $0x50000, s9  }
0xa: {  	s8 =	sadd.s32 $0x18000, s0;
	s23 =	sshll.u32 s9, $0x6;
	s24 =	sshll.u32 s9, $0xA  }
0xb: {  	s25 =	sshll.u32 s9, $0xC;
	s3 =	smul.u32 $0x140000, s2;
	_ =	strace $0x8000004A  }
0xc: {  	[dreg:$0x4] =	wrdreg s8;
	s21 =	ssub.s32 $0x2, s2;
	s18 =	sor.u32 $0x1C09, s23  }
0xd: {  	p0 =	seq.s32 s2, $0x1;
	[dreg:$0x6] =	wrdreg s25;
	s2 =	sor.u32 $0x10000, s24  }
0xe: {  	s24 =	simm.s32 $0x8000;
	s25 =	simm.s32 $0x2;
	s8 =	simm.s32 $0x300  }
0xf: {  	s22 =	sshrl.u32 s21, $0x1;
	[dreg:$0x7] =	wrdreg s2;
	s3 =	sadd.s32 s7, s3  }
0x10: {  	s2 =	simm.s32 $0x280;
	[dreg:$0x5] =	wrdreg s18;
	s3 =	sshrl.u32 s3, $0x3  }
.Ltmp0:
0x11: {  	s7 =	sshrl.u32 s20, $0x2;
	s0 =	sadd.s32 s3, s0;
	(pc) =	sbr.rel .LBB2_1-.Ltmp0, $4  }
0x12: {  	s7 =	sadd.s32 s7, s1;
	s3 =	ssub.s32 s21, s22;
	s0 =	sadd.s32 $0x92800, s0  }
0x13: {  	s21 =	simm.s32 $0x6000;
	s26 =	smax.u32 s3, $0x1;
	[dreg:$0x8] =	wrdreg s0  }
0x14: {  	s22 =	simm.s32 $0x1;
	s3 =	simm.s32 $0x1F80;
	[dreg:$0x9] =	wrdreg s26  }
0x15: {  	s26 =	sshrl.u32 s7, $0x3;
	s0 =	simm.s32 $0x6;
	s7 =	simm.s32 $0x4  }
.LBB2_10:
0x16: {  	[bflag:$0x0] =	sbarrier.arrive $0xFFFF  }
0x17: {  	s18 =	rddreg [dreg:$0x5]  }
0x18: {  	s9 =	rddreg [dreg:$0x8]  }
0x19: {  	[hbm:s9], [sflag:s18] =	dma.local [spmem:s26], $0x2800  }
0x1a: {  	_ =	swait.ge [sflag:s14], $0x2800  }
0x1b: {  	s10 =	rddreg [dreg:$0x3]  }
0x1c: {  	s23 =	rddreg [dreg:$0x9];
	s10 =	sadd.s32 $0x1, s10  }
0x1d: {  	p1 =	sne.s32 s10, s23  }
.Ltmp1:
0x1e: {  	_ = 	snop;
	(pc) =	sbr.rel @!p1 .LBB2_11-.Ltmp1, $3  }
0x1f: {  	_ =	sdelay $0x1  }
0x20: {  	[sflag:s14] =	ssyncset.done $0x0  }
0x21: {  	[sflag:s14] =	ssyncadd.s32 $0xFFFFD800  }
.LBB2_1:
0x22: {  	[dreg:$0x3] =	wrdreg s10  }
0x23: {  	s9 =	rddreg [dreg:$0x4]  }
0x24: {  	[spmem:s26], [sflag:s18] =	dma.local [hbm:s9], $0x2800  }
.Ltmp2:
0x25: {  	_ =	swait.ge [sflag:s14], $0x2800;
	(pc) =	sbr.rel @p0 .LBB2_6-.Ltmp2, $4  }
.Ltmp3:
0x26: {  	[sflag:s14] =	ssyncset.done $0x0;
	(pc) =	sbr.rel @!p0 .LBB2_2-.Ltmp3, $4  }
0x27: {  	[sflag:s14] =	ssyncadd.s32 $0xFFFFD800  }
0x28: {  	[bflag:$0x0] =	sbarrier.arrive $0xFFFF  }
0x29: {  	p2 =	por $0x1, $0x1;
	s10 =	simm.s32 $0x0;
	s9 =	simm.s32 $0x0  }
0x2a: {  	_ = 	snop  }
.LBB2_9:
0x2b: {  	_ =	swait.ge [sflag:s30], $0x2000  }
0x2c: {  	[sflag:s30] =	ssyncset.done $0x0  }
0x2d: {  	[sflag:s30] =	ssyncadd.s32 $0xFFFFE000  }
0x2e: {  	[spmem:s1] =	stream.indirect.scatter.add.f32 [tilespmem:s21], [sflag:$0x7], $0x80, s18, s16, $0xb8;
	[tilespmem:$0x1E000] =	vst v63  }
0x2f: {  	_ =	swait.ge [sflag:s7], $0x2000  }
0x30: {  	[sflag:s7] =	ssyncset.done $0x0  }
0x31: {  	[sflag:s7] =	ssyncadd.s32 $0xFFFFE000  }
0x32: {  	[spmem:s1] =	stream.indirect.scatter.add.f32 [tilespmem:s24], [sflag:$0x8], $0x80, s3, s16, $0xb8;
	[tilespmem:$0x1E000] =	vst v63  }
0x33: {  	_ =	swait.ge [sflag:s28], $0x2000  }
0x34: {  	[sflag:s28] =	ssyncset.done $0x0  }
0x35: {  	[sflag:s28] =	ssyncadd.s32 $0xFFFFE000  }
0x36: {  	_ =	swait.ge [sflag:s0], $0x2000  }
0x37: {  	[sflag:s0] =	ssyncset.done $0x0  }
0x38: {  	[sflag:s0] =	ssyncadd.s32 $0xFFFFE000  }
0x39: {  	_ =	swait.ge [sflag:s12], $0x2000  }
.Ltmp4:
0x3a: {  	[sflag:s12] =	ssyncset.done $0x0;
	(pc) =	sbr.rel @!p1 .LBB2_10-.Ltmp4, $4  }
0x3b: {  	[sflag:s12] =	ssyncadd.s32 $0xFFFFE000  }
0x3c: {  	_ =	swait.ge [sflag:s13], $0x2000  }
0x3d: {  	[sflag:s13] =	ssyncset.done $0x0  }
0x3e: {  	s10 =	simm.s32 $0x200;
	p2 =	por $0x0, $0x0;
	[sflag:s13] =	ssyncadd.s32 $0xFFFFE000  }
.LBB2_6:
0x3f: {  	s9 =	rddreg [dreg:$0x7]  }
0x40: {  	s10 =	sor.u32 s9, s10  }
0x41: {  	s9 =	simm.s32 $0x0;
	s18 =	sadd.s32 s5, s10  }
0x42: {  	[tilespmem:s9], [sflag:$0x9] =	stream.linear.gather [hbm4b:s18+s9], $0x1000, $0x38;
	[tilespmem:$0x1E000] =	vst v63  }
0x43: {  	_ =	swait.ge [sflag:s14], $0x1000  }
0x44: {  	[sflag:s14] =	ssyncset.done $0x0  }
0x45: {  	s10 =	sadd.s32 s6, s10;
	[sflag:s14] =	ssyncadd.s32 $0xFFFFF000  }
0x46: {  	[tilespmem:s15], [sflag:$0x9] =	stream.linear.gather [hbm4b:s10+s9], $0x1000, $0x38;
	[tilespmem:$0x1E000] =	vst v63  }
0x47: {  	_ =	swait.ge [sflag:s14], $0x1000  }
0x48: {  	[sflag:s14] =	ssyncset.done $0x0  }
0x49: {  	[sflag:s14] =	ssyncadd.s32 $0xFFFFF000  }
0x4a: {  	[tilespmem:s17], [sflag:$0x1] =	stream.indirect.gather [hbm4b:s4+s16], $0x80, s9, s16, $0xb8;
	[tilespmem:$0x1E000] =	vst v63  }
0x4b: {  	s23 =	simm.s32 $0x80  }
0x4c: {  	[tilespmem:s19], [sflag:$0x2] =	stream.indirect.gather [hbm4b:s4+s16], $0x80, s23, s16, $0xb8;
	[tilespmem:$0x1E000] =	vst v63  }
0x4d: {  	s18 =	simm.s32 $0x100  }
0x4e: {  	[tilespmem:s21], [sflag:$0x3] =	stream.indirect.gather [hbm4b:s4+s16], $0x80, s18, s16, $0xb8;
	[tilespmem:$0x1E000] =	vst v63  }
0x4f: {  	_ =	swait.ge [sflag:s22], $0x2000  }
0x50: {  	[sflag:s22] =	ssyncset.done $0x0  }
0x51: {  	[sflag:s22] =	ssyncadd.s32 $0xFFFFE000  }
0x52: {  	[spmem:s1] =	stream.indirect.scatter.add.f32 [tilespmem:s17], [sflag:$0x5], $0x80, s15, s16, $0xb8;
	[tilespmem:$0x1E000] =	vst v63  }
0x53: {  	s20 =	simm.s32 $0x180  }
0x54: {  	[tilespmem:s24], [sflag:$0x4] =	stream.indirect.gather [hbm4b:s4+s16], $0x80, s20, s16, $0xb8;
	[tilespmem:$0x1E000] =	vst v63  }
0x55: {  	_ =	swait.ge [sflag:s25], $0x2000  }
0x56: {  	[sflag:s25] =	ssyncset.done $0x0  }
0x57: {  	s23 =	simm.s32 $0x1080;
	[sflag:s25] =	ssyncadd.s32 $0xFFFFE000  }
0x58: {  	[spmem:s1] =	stream.indirect.scatter.add.f32 [tilespmem:s19], [sflag:$0x6], $0x80, s23, s16, $0xb8;
	[tilespmem:$0x1E000] =	vst v63  }
0x59: {  	_ =	swait.ge [sflag:s28], $0x2000  }
0x5a: {  	[sflag:s28] =	ssyncset.done $0x0  }
0x5b: {  	[sflag:s28] =	ssyncadd.s32 $0xFFFFE000  }
0x5c: {  	[tilespmem:s17], [sflag:$0x1] =	stream.indirect.gather [hbm4b:s4+s16], $0x80, s29, s16, $0xb8;
	[tilespmem:$0x1E000] =	vst v63  }
0x5d: {  	_ =	swait.ge [sflag:s30], $0x2000  }
0x5e: {  	[sflag:s30] =	ssyncset.done $0x0  }
0x5f: {  	[sflag:s30] =	ssyncadd.s32 $0xFFFFE000  }
0x60: {  	[spmem:s1] =	stream.indirect.scatter.add.f32 [tilespmem:s21], [sflag:$0x7], $0x80, s31, s16, $0xb8;
	[tilespmem:$0x1E000] =	vst v63  }
0x61: {  	_ =	swait.ge [sflag:s0], $0x2000  }
0x62: {  	[sflag:s0] =	ssyncset.done $0x0  }
0x63: {  	[sflag:s0] =	ssyncadd.s32 $0xFFFFE000  }
0x64: {  	[tilespmem:s19], [sflag:$0x2] =	stream.indirect.gather [hbm4b:s4+s16], $0x80, s2, s16, $0xb8;
	[tilespmem:$0x1E000] =	vst v63  }
0x65: {  	_ =	swait.ge [sflag:s7], $0x2000  }
0x66: {  	[sflag:s7] =	ssyncset.done $0x0  }
0x67: {  	[sflag:s7] =	ssyncadd.s32 $0xFFFFE000  }
0x68: {  	[spmem:s1] =	stream.indirect.scatter.add.f32 [tilespmem:s24], [sflag:$0x8], $0x80, s11, s16, $0xb8;
	[tilespmem:$0x1E000] =	vst v63  }
0x69: {  	_ =	swait.ge [sflag:s12], $0x2000  }
0x6a: {  	[sflag:s12] =	ssyncset.done $0x0  }
0x6b: {  	p1 =	por p2, p2;
	[sflag:s12] =	ssyncadd.s32 $0xFFFFE000  }
0x6c: {  	[tilespmem:s21], [sflag:$0x3] =	stream.indirect.gather [hbm4b:s4+s16], $0x80, s8, s16, $0xb8;
	[tilespmem:$0x1E000] =	vst v63  }
.LBB2_7:
0x6d: {  	_ =	swait.ge [sflag:s22], $0x2000  }
0x6e: {  	s10 =	sshra.s32 s9, $0x2;
	[sflag:s22] =	ssyncset.done $0x0  }
0x6f: {  	s18 =	sadd.s32 $0x1200, s10;
	[sflag:s22] =	ssyncadd.s32 $0xFFFFE000  }
0x70: {  	[spmem:s1] =	stream.indirect.scatter.add.f32 [tilespmem:s17], [sflag:$0x5], $0x80, s18, s16, $0xb8;
	[tilespmem:$0x1E000] =	vst v63  }
0x71: {  	_ =	swait.ge [sflag:s13], $0x2000  }
0x72: {  	[sflag:s13] =	ssyncset.done $0x0  }
0x73: {  	p2 =	seq.s32 s9, $0x3000;
	s20 =	sadd.s32 $0x380, s10;
	[sflag:s13] =	ssyncadd.s32 $0xFFFFE000  }
0x74: {  	[tilespmem:s24], [sflag:$0x4] =	stream.indirect.gather [hbm4b:s4+s16], $0x80, s20, s16, $0xb8;
	[tilespmem:$0x1E000] =	vst v63  }
.Ltmp5:
0x75: {  	_ = 	snop;
	(pc) =	sbr.rel @p2 .LBB2_9-.Ltmp5, $4  }
0x76: {  	_ =	swait.ge [sflag:s25], $0x2000  }
0x77: {  	[sflag:s25] =	ssyncset.done $0x0  }
0x78: {  	s23 =	sadd.s32 $0x1280, s10;
	s18 =	sadd.s32 $0x1300, s10;
	[sflag:s25] =	ssyncadd.s32 $0xFFFFE000  }
0x79: {  	[spmem:s1] =	stream.indirect.scatter.add.f32 [tilespmem:s19], [sflag:$0x6], $0x80, s23, s16, $0xb8;
	[tilespmem:$0x1E000] =	vst v63  }
0x7a: {  	_ =	swait.ge [sflag:s28], $0x2000  }
0x7b: {  	[sflag:s28] =	ssyncset.done $0x0  }
0x7c: {  	s20 =	sadd.s32 $0x400, s10;
	[sflag:s28] =	ssyncadd.s32 $0xFFFFE000  }
0x7d: {  	[tilespmem:s17], [sflag:$0x1] =	stream.indirect.gather [hbm4b:s4+s16], $0x80, s20, s16, $0xb8;
	[tilespmem:$0x1E000] =	vst v63  }
0x7e: {  	_ =	swait.ge [sflag:s30], $0x2000  }
0x7f: {  	[sflag:s30] =	ssyncset.done $0x0  }
0x80: {  	[sflag:s30] =	ssyncadd.s32 $0xFFFFE000  }
0x81: {  	[spmem:s1] =	stream.indirect.scatter.add.f32 [tilespmem:s21], [sflag:$0x7], $0x80, s18, s16, $0xb8;
	[tilespmem:$0x1E000] =	vst v63  }
0x82: {  	_ =	swait.ge [sflag:s0], $0x2000  }
0x83: {  	[sflag:s0] =	ssyncset.done $0x0  }
0x84: {  	s23 =	sadd.s32 $0x480, s10;
	[sflag:s0] =	ssyncadd.s32 $0xFFFFE000  }
0x85: {  	[tilespmem:s19], [sflag:$0x2] =	stream.indirect.gather [hbm4b:s4+s16], $0x80, s23, s16, $0xb8;
	[tilespmem:$0x1E000] =	vst v63  }
0x86: {  	_ =	swait.ge [sflag:s7], $0x2000  }
0x87: {  	[sflag:s7] =	ssyncset.done $0x0  }
0x88: {  	s20 =	sadd.s32 $0x1380, s10;
	[sflag:s7] =	ssyncadd.s32 $0xFFFFE000  }
0x89: {  	[spmem:s1] =	stream.indirect.scatter.add.f32 [tilespmem:s24], [sflag:$0x8], $0x80, s20, s16, $0xb8;
	[tilespmem:$0x1E000] =	vst v63  }
.Ltmp6:
0x8a: {  	_ = 	snop;
	(pc) =	sbr.rel .LBB2_7-.Ltmp6, $4  }
0x8b: {  	_ =	swait.ge [sflag:s12], $0x2000  }
0x8c: {  	[sflag:s12] =	ssyncset.done $0x0  }
0x8d: {  	s9 =	sadd.s32 $0x800, s9;
	s23 =	sadd.s32 $0x500, s10;
	[sflag:s12] =	ssyncadd.s32 $0xFFFFE000  }
0x8e: {  	[tilespmem:s21], [sflag:$0x3] =	stream.indirect.gather [hbm4b:s4+s16], $0x80, s23, s16, $0xb8;
	[tilespmem:$0x1E000] =	vst v63  }
.LBB2_5:
0x8f: {  	_ =	swait.ge [sflag:s30], $0x2000  }
0x90: {  	[sflag:s30] =	ssyncset.done $0x0  }
0x91: {  	[sflag:s30] =	ssyncadd.s32 $0xFFFFE000  }
0x92: {  	[spmem:s1] =	stream.indirect.scatter.add.f32 [tilespmem:s21], [sflag:$0x7], $0x80, s20, s16, $0xb8;
	[tilespmem:$0x1E000] =	vst v63  }
0x93: {  	_ =	swait.ge [sflag:s7], $0x2000  }
0x94: {  	[sflag:s7] =	ssyncset.done $0x0  }
0x95: {  	[sflag:s7] =	ssyncadd.s32 $0xFFFFE000  }
0x96: {  	[spmem:s1] =	stream.indirect.scatter.add.f32 [tilespmem:s24], [sflag:$0x8], $0x80, s3, s16, $0xb8;
	[tilespmem:$0x1E000] =	vst v63  }
0x97: {  	_ =	swait.ge [sflag:s28], $0x2000  }
0x98: {  	[sflag:s28] =	ssyncset.done $0x0  }
0x99: {  	[sflag:s28] =	ssyncadd.s32 $0xFFFFE000  }
0x9a: {  	_ =	swait.ge [sflag:s0], $0x2000  }
0x9b: {  	[sflag:s0] =	ssyncset.done $0x0  }
0x9c: {  	s9 =	sadd.s32 $0x1, s9;
	[sflag:s0] =	ssyncadd.s32 $0xFFFFE000  }
0x9d: {  	p1 =	seq.s32 s9, $0x8;
	_ =	swait.ge [sflag:s12], $0x2000  }
.Ltmp7:
0x9e: {  	[sflag:s12] =	ssyncset.done $0x0;
	(pc) =	sbr.rel @p1 .LBB2_10-.Ltmp7, $4  }
0x9f: {  	[sflag:s12] =	ssyncadd.s32 $0xFFFFE000  }
0xa0: {  	_ =	swait.ge [sflag:s13], $0x2000  }
0xa1: {  	[sflag:s13] =	ssyncset.done $0x0  }
0xa2: {  	[sflag:s13] =	ssyncadd.s32 $0xFFFFE000  }
.LBB2_2:
0xa3: {  	s10 =	sshll.u32 s9, $0x9;
	s18 =	rddreg [dreg:$0x6]  }
0xa4: {  	s18 =	sadd.s32 s18, s10  }
0xa5: {  	s10 =	simm.s32 $0x0;
	s20 =	sadd.s32 s5, s18  }
0xa6: {  	[tilespmem:s10], [sflag:$0x9] =	stream.linear.gather [hbm4b:s20+s10], $0x1000, $0x38;
	[tilespmem:$0x1E000] =	vst v63  }
0xa7: {  	_ =	swait.ge [sflag:s14], $0x1000  }
0xa8: {  	[sflag:s14] =	ssyncset.done $0x0  }
0xa9: {  	s18 =	sadd.s32 s6, s18;
	[sflag:s14] =	ssyncadd.s32 $0xFFFFF000  }
0xaa: {  	[tilespmem:s15], [sflag:$0x9] =	stream.linear.gather [hbm4b:s18+s10], $0x1000, $0x38;
	[tilespmem:$0x1E000] =	vst v63  }
0xab: {  	_ =	swait.ge [sflag:s14], $0x1000  }
0xac: {  	[sflag:s14] =	ssyncset.done $0x0  }
0xad: {  	[sflag:s14] =	ssyncadd.s32 $0xFFFFF000  }
0xae: {  	[tilespmem:s17], [sflag:$0x1] =	stream.indirect.gather [hbm4b:s4+s16], $0x80, s10, s16, $0xb8;
	[tilespmem:$0x1E000] =	vst v63  }
0xaf: {  	s20 =	simm.s32 $0x80  }
0xb0: {  	[tilespmem:s19], [sflag:$0x2] =	stream.indirect.gather [hbm4b:s4+s16], $0x80, s20, s16, $0xb8;
	[tilespmem:$0x1E000] =	vst v63  }
0xb1: {  	s23 =	simm.s32 $0x100  }
0xb2: {  	[tilespmem:s21], [sflag:$0x3] =	stream.indirect.gather [hbm4b:s4+s16], $0x80, s23, s16, $0xb8;
	[tilespmem:$0x1E000] =	vst v63  }
0xb3: {  	_ =	swait.ge [sflag:s22], $0x2000  }
0xb4: {  	[sflag:s22] =	ssyncset.done $0x0  }
0xb5: {  	[sflag:s22] =	ssyncadd.s32 $0xFFFFE000  }
0xb6: {  	[spmem:s1] =	stream.indirect.scatter.add.f32 [tilespmem:s17], [sflag:$0x5], $0x80, s15, s16, $0xb8;
	[tilespmem:$0x1E000] =	vst v63  }
0xb7: {  	s20 =	simm.s32 $0x180  }
0xb8: {  	[tilespmem:s24], [sflag:$0x4] =	stream.indirect.gather [hbm4b:s4+s16], $0x80, s20, s16, $0xb8;
	[tilespmem:$0x1E000] =	vst v63  }
0xb9: {  	_ =	swait.ge [sflag:s25], $0x2000  }
0xba: {  	[sflag:s25] =	ssyncset.done $0x0  }
0xbb: {  	s23 =	simm.s32 $0x1080;
	[sflag:s25] =	ssyncadd.s32 $0xFFFFE000  }
0xbc: {  	[spmem:s1] =	stream.indirect.scatter.add.f32 [tilespmem:s19], [sflag:$0x6], $0x80, s23, s16, $0xb8;
	[tilespmem:$0x1E000] =	vst v63  }
0xbd: {  	_ =	swait.ge [sflag:s28], $0x2000  }
0xbe: {  	[sflag:s28] =	ssyncset.done $0x0  }
0xbf: {  	[sflag:s28] =	ssyncadd.s32 $0xFFFFE000  }
0xc0: {  	[tilespmem:s17], [sflag:$0x1] =	stream.indirect.gather [hbm4b:s4+s16], $0x80, s29, s16, $0xb8;
	[tilespmem:$0x1E000] =	vst v63  }
0xc1: {  	_ =	swait.ge [sflag:s30], $0x2000  }
0xc2: {  	[sflag:s30] =	ssyncset.done $0x0  }
0xc3: {  	[sflag:s30] =	ssyncadd.s32 $0xFFFFE000  }
0xc4: {  	[spmem:s1] =	stream.indirect.scatter.add.f32 [tilespmem:s21], [sflag:$0x7], $0x80, s31, s16, $0xb8;
	[tilespmem:$0x1E000] =	vst v63  }
0xc5: {  	_ =	swait.ge [sflag:s0], $0x2000  }
0xc6: {  	[sflag:s0] =	ssyncset.done $0x0  }
0xc7: {  	[sflag:s0] =	ssyncadd.s32 $0xFFFFE000  }
0xc8: {  	[tilespmem:s19], [sflag:$0x2] =	stream.indirect.gather [hbm4b:s4+s16], $0x80, s2, s16, $0xb8;
	[tilespmem:$0x1E000] =	vst v63  }
0xc9: {  	_ =	swait.ge [sflag:s7], $0x2000  }
0xca: {  	[sflag:s7] =	ssyncset.done $0x0  }
0xcb: {  	[sflag:s7] =	ssyncadd.s32 $0xFFFFE000  }
0xcc: {  	[spmem:s1] =	stream.indirect.scatter.add.f32 [tilespmem:s24], [sflag:$0x8], $0x80, s11, s16, $0xb8;
	[tilespmem:$0x1E000] =	vst v63  }
0xcd: {  	_ =	swait.ge [sflag:s12], $0x2000  }
0xce: {  	[sflag:s12] =	ssyncset.done $0x0  }
0xcf: {  	[sflag:s12] =	ssyncadd.s32 $0xFFFFE000  }
0xd0: {  	[tilespmem:s21], [sflag:$0x3] =	stream.indirect.gather [hbm4b:s4+s16], $0x80, s8, s16, $0xb8;
	[tilespmem:$0x1E000] =	vst v63  }
.LBB2_3:
0xd1: {  	_ =	swait.ge [sflag:s22], $0x2000  }
0xd2: {  	s18 =	sshra.s32 s10, $0x2;
	[sflag:s22] =	ssyncset.done $0x0  }
0xd3: {  	s20 =	sadd.s32 $0x1200, s18;
	[sflag:s22] =	ssyncadd.s32 $0xFFFFE000  }
0xd4: {  	[spmem:s1] =	stream.indirect.scatter.add.f32 [tilespmem:s17], [sflag:$0x5], $0x80, s20, s16, $0xb8;
	[tilespmem:$0x1E000] =	vst v63  }
0xd5: {  	_ =	swait.ge [sflag:s13], $0x2000  }
0xd6: {  	[sflag:s13] =	ssyncset.done $0x0  }
0xd7: {  	p1 =	seq.s32 s10, $0x3000;
	s23 =	sadd.s32 $0x380, s18;
	[sflag:s13] =	ssyncadd.s32 $0xFFFFE000  }
0xd8: {  	[tilespmem:s24], [sflag:$0x4] =	stream.indirect.gather [hbm4b:s4+s16], $0x80, s23, s16, $0xb8;
	[tilespmem:$0x1E000] =	vst v63  }
.Ltmp8:
0xd9: {  	_ = 	snop;
	(pc) =	sbr.rel @p1 .LBB2_5-.Ltmp8, $4  }
0xda: {  	_ =	swait.ge [sflag:s25], $0x2000  }
0xdb: {  	[sflag:s25] =	ssyncset.done $0x0  }
0xdc: {  	s20 =	sadd.s32 $0x1300, s18;
	s23 =	sadd.s32 $0x1280, s18;
	[sflag:s25] =	ssyncadd.s32 $0xFFFFE000  }
0xdd: {  	[spmem:s1] =	stream.indirect.scatter.add.f32 [tilespmem:s19], [sflag:$0x6], $0x80, s23, s16, $0xb8;
	[tilespmem:$0x1E000] =	vst v63  }
0xde: {  	_ =	swait.ge [sflag:s28], $0x2000  }
0xdf: {  	[sflag:s28] =	ssyncset.done $0x0  }
0xe0: {  	s23 =	sadd.s32 $0x400, s18;
	[sflag:s28] =	ssyncadd.s32 $0xFFFFE000  }
0xe1: {  	[tilespmem:s17], [sflag:$0x1] =	stream.indirect.gather [hbm4b:s4+s16], $0x80, s23, s16, $0xb8;
	[tilespmem:$0x1E000] =	vst v63  }
0xe2: {  	_ =	swait.ge [sflag:s30], $0x2000  }
0xe3: {  	[sflag:s30] =	ssyncset.done $0x0  }
0xe4: {  	[sflag:s30] =	ssyncadd.s32 $0xFFFFE000  }
0xe5: {  	[spmem:s1] =	stream.indirect.scatter.add.f32 [tilespmem:s21], [sflag:$0x7], $0x80, s20, s16, $0xb8;
	[tilespmem:$0x1E000] =	vst v63  }
0xe6: {  	_ =	swait.ge [sflag:s0], $0x2000  }
0xe7: {  	[sflag:s0] =	ssyncset.done $0x0  }
0xe8: {  	s23 =	sadd.s32 $0x480, s18;
	[sflag:s0] =	ssyncadd.s32 $0xFFFFE000  }
0xe9: {  	[tilespmem:s19], [sflag:$0x2] =	stream.indirect.gather [hbm4b:s4+s16], $0x80, s23, s16, $0xb8;
	[tilespmem:$0x1E000] =	vst v63  }
0xea: {  	_ =	swait.ge [sflag:s7], $0x2000  }
0xeb: {  	[sflag:s7] =	ssyncset.done $0x0  }
0xec: {  	s23 =	sadd.s32 $0x1380, s18;
	[sflag:s7] =	ssyncadd.s32 $0xFFFFE000  }
0xed: {  	[spmem:s1] =	stream.indirect.scatter.add.f32 [tilespmem:s24], [sflag:$0x8], $0x80, s23, s16, $0xb8;
	[tilespmem:$0x1E000] =	vst v63  }
.Ltmp9:
0xee: {  	_ = 	snop;
	(pc) =	sbr.rel .LBB2_3-.Ltmp9, $4  }
0xef: {  	_ =	swait.ge [sflag:s12], $0x2000  }
0xf0: {  	[sflag:s12] =	ssyncset.done $0x0  }
0xf1: {  	s10 =	sadd.s32 $0x800, s10;
	s23 =	sadd.s32 $0x500, s18;
	[sflag:s12] =	ssyncadd.s32 $0xFFFFE000  }
0xf2: {  	[tilespmem:s21], [sflag:$0x3] =	stream.indirect.gather [hbm4b:s4+s16], $0x80, s23, s16, $0xb8;
	[tilespmem:$0x1E000] =	vst v63  }
.LBB2_11:
0xf3: {  	_ =	sfence.sel $0x180000  }
0xf4: {  	[bflag:$0x0] =	sbarrier.arrive $0xFFFF  }
0xf5: {  	_ =	strace $0x9000004A  }
0xf6: {  	s0 =	stileid.u32;
	[bflag:$0x2] =	sbarrier.arrive $0xFFFF  }
0xf7: {  	p0 =	sne.s32 s0, $0x0;
	s0 =	rddreg [dreg:$0x2]  }
0xf8: {  	s0 =	sadd.s32 @!p0 $0x100000, s0  }
0xf9: {  	[sflag:s0] =	ssyncadd.tile.s32 @!p0 $0x1;
	_ =	shalt  }
.Lfunc_end2:
_tile_overlayer_lowered:
.L_overlay_start_2:
0xfa: {  	(tag) =	ssettag $0x2  }
0xfb: {  	s0 =	rddreg [dreg:$0x0];
	s2 =	stileid.u32  }
0xfc: {  	s1 =	rddreg [dreg:$0x1];
	p0 =	sne.s32 s2, $0x0  }
0xfd: {  	s3 =	rddreg [dreg:$0x2];
	[bflag:$0x3] =	sbarrier.arrive $0xFFFF;
	s2 =	simm.s32 @!p0 $0x1C09  }
0xfe: {  	[timem:s3], [sflag:s2] =	dma.local @!p0 [hbm:s0], s1  }
0xff: {  	s0 =	simm.s32 @!p0 $0x9  }
0x100: {  	_ =	swait.ge @!p0 [sflag:s0], s1  }
0x101: {  	s1 =	ssub.s32 @!p0 $0x0, s1;
	[sflag:s0] =	ssyncset.done @!p0 $0x0  }
0x102: {  	[sflag:s0] =	ssyncadd.s32 @!p0 s1  }
0x103: {  	[bflag:$0x3] =	sbarrier.arrive $0xFFFF  }
0x104: {  	_ =	shalt  }

// kernel: kernel.16.cloned.1.call-start
scs
__scs_entry_jumppad:
0x0: {  	(pc) =	sbr.rel $0x88, $3  }
0x1: {  	(tag) =	ssettag $0x0;
	lr =	simm.s32 $0x1  }
0x2: {  	[smem:$0x3F8F] =	sst lr;
	_ =	strace $0xD0000000  }
0x3: {  	_ = 	snop  }
0x4: {  	_ = 	snop  }
0x5: {  	_ = 	snop  }
0x6: {  	_ = 	snop  }
0x7: {  	_ = 	snop  }
__scs_overlays_trampoline_lowered:
0x8: {  	[smem:$0x3F9E] =	sst s0  }
0x9: {  	[smem:$0x3F9F] =	sst s1  }
0xa: {  	[smem:$0x3FA0] =	sst s2  }
0xb: {  	[smem:$0x3FA1] =	sst s3  }
0xc: {  	[smem:$0x3FA2] =	sst s4  }
0xd: {  	[smem:$0x3FA3] =	sst s5  }
0xe: {  	[smem:$0x3FA4] =	sst s6  }
0xf: {  	[smem:$0x3FA5] =	sst s7  }
0x10: {  	[smem:$0x3FA6] =	sst s8  }
0x11: {  	[smem:$0x3FA7] =	sst s9;
	s0 =	simm.s32 @!p0 $0x0  }
0x12: {  	s1 =	sld [smem:$0x3F8D];
	s0 =	simm.s32 @p0 $0x1  }
0x13: {  	[smem:$0x3FA8] =	sst s0;
	s0 =	simm.s32 @!p1 $0x0  }
0x14: {  	s2 =	sld [smem:$0x3F8C];
	s0 =	simm.s32 @p1 $0x1  }
0x15: {  	[smem:$0x3FA9] =	sst s0;
	s0 =	simm.s32 @!p2 $0x0  }
0x16: {  	s3 =	sld [smem:$0x3FDB];
	s0 =	simm.s32 @p2 $0x1  }
0x17: {  	s4 =	simm.s32 $0x1BF5;
	[smem:$0x3FAB] =	sst s0  }
0x18: {  	s0 =	sld [smem:$0x3F8E];
	_ =	swait.ge [sflag:s4], $0x0  }
0x19: {  	s7 =	sld [smem:$0x3F8F]  }
0x1a: {  	s8 =	sadd.s32 $0xFFFFE003, lr  }
0x1b: {  	s9 =	sadd.s32 $0xFFFFFEF7, lr;
	s5 =	simm.s32 $0xFFFFFFFF;
	p2 =	slt.u32 s8, $0xFFFFF086  }
0x1c: {  	p1 =	slt.u32 s9, $0xF7A;
	s5 =	simm.s32 @!p2 $0x0  }
0x1d: {  	s5 =	simm.s32 @p1 $0x1;
	p0 =	seq.s32 s7, s2  }
0x1e: {  	s7 =	smul.u32 @!p0 $0xF7A, s2;
	p2 =	seq.s32 @!p0 s5, $0x0  }
0x1f: {  	s9 =	smul.u32 $0xF7A, s1;
	s8 =	simm.s32 @!p0 $0x1BF5;
	p2 =	por !p2, p0  }
0x20: {  	[sflag:s8] =	ssyncset.s32 @!p0 $0xFFFFF086;
	s6 =	sadd.s32 @!p0 s3, s7;
	s7 =	simm.s32 @!p0 $0x108  }
0x21: {  	s3 =	sadd.s32 s3, s9;
	s6 =	sadd.s32 @!p0 $0x88, s6;
	s7 =	simm.s32 @p2 $0x1082  }
0x22: {  	[simem:s7], [sflag:s8] =	dma.local @!p0 [hbm:s6], $0xF7A  }
0x23: {  	s9 =	sor.u32 $0xD0000000, s2;
	s6 =	simm.s32 $0x108;
	_ =	swait.ge @!p0 [sflag:s8], $0x0  }
0x24: {  	s3 =	sadd.s32 $0x88, s3;
	s6 =	simm.s32 @!p1 $0x1082;
	[sflag:s4] =	ssyncset.s32 $0xFFFFF086  }
0x25: {  	[simem:s6], [sflag:s4] =	dma.local [hbm:s3], $0xF7A  }
0x26: {  	[smem:$0x3F8F] =	sst s1;
	(tag) =	ssettag s2;
	_ =	strace s9  }
0x27: {  	s1 =	sld [smem:$0x3F9F]  }
0x28: {  	s2 =	sld [smem:$0x3FA0]  }
0x29: {  	s4 =	sld [smem:$0x3FA2]  }
0x2a: {  	p0 =	seq.s32 s5, $0x0;
	s5 =	sld [smem:$0x3FA3]  }
0x2b: {  	s6 =	sld [smem:$0x3FA4]  }
0x2c: {  	s7 =	sld [smem:$0x3FA5]  }
0x2d: {  	s3 =	simm.s32 $0x108;
	s8 =	sld [smem:$0x3FA6]  }
0x2e: {  	s3 =	simm.s32 @!p0 $0x1082;
	s9 =	sld [smem:$0x3FA7]  }
0x2f: {  	lr =	sadd.s32 s0, s3;
	s0 =	sld [smem:$0x3F9E]  }
0x30: {  	s3 =	sld [smem:$0x3FA1]  }
0x31: {  	[smem:$0x3FAA] =	sst s10  }
0x32: {  	s10 =	sld [smem:$0x3FA8];
	_ =	sdelay $0x3  }
0x33: {  	p0 =	seq.s32 s10, $0x1;
	s10 =	sld [smem:$0x3FAA];
	_ =	sdelay $0x3  }
0x34: {  	[smem:$0x3FAA] =	sst s10  }
0x35: {  	s10 =	sld [smem:$0x3FA9];
	_ =	sdelay $0x3  }
0x36: {  	p1 =	seq.s32 s10, $0x1;
	s10 =	sld [smem:$0x3FAA];
	_ =	sdelay $0x3  }
0x37: {  	[smem:$0x3FAA] =	sst s10  }
0x38: {  	s10 =	sld [smem:$0x3FAB]  }
0x39: {  	_ = 	snop;
	(pc) =	sbr.ind lr, $3  }
0x3a: {  	_ = 	snop  }
0x3b: {  	_ = 	snop  }
0x3c: {  	p2 =	seq.s32 s10, $0x1;
	s10 =	sld [smem:$0x3FAA]  }
0x3d: {  	_ =	shalt  }
0x3e: {  	_ =	shalt  }
0x3f: {  	_ =	shalt  }
0x40: {  	_ =	shalt  }
0x41: {  	_ =	shalt  }
0x42: {  	_ =	shalt  }
0x43: {  	_ =	shalt  }
0x44: {  	_ =	shalt  }
0x45: {  	_ =	shalt  }
0x46: {  	_ =	shalt  }
0x47: {  	_ =	shalt  }
0x48: {  	_ =	shalt  }
0x49: {  	_ =	shalt  }
0x4a: {  	_ =	shalt  }
0x4b: {  	_ =	shalt  }
0x4c: {  	_ =	shalt  }
0x4d: {  	_ =	shalt  }
0x4e: {  	_ =	shalt  }
0x4f: {  	_ =	shalt  }
0x50: {  	_ =	shalt  }
0x51: {  	_ =	shalt  }
0x52: {  	_ =	shalt  }
0x53: {  	_ =	shalt  }
0x54: {  	_ =	shalt  }
0x55: {  	_ =	shalt  }
0x56: {  	_ =	shalt  }
0x57: {  	_ =	shalt  }
0x58: {  	_ =	shalt  }
0x59: {  	_ =	shalt  }
0x5a: {  	_ =	shalt  }
0x5b: {  	_ =	shalt  }
0x5c: {  	_ =	shalt  }
0x5d: {  	_ =	shalt  }
0x5e: {  	_ =	shalt  }
0x5f: {  	_ =	shalt  }
0x60: {  	_ =	shalt  }
0x61: {  	_ =	shalt  }
0x62: {  	_ =	shalt  }
0x63: {  	_ =	shalt  }
0x64: {  	_ =	shalt  }
0x65: {  	_ =	shalt  }
0x66: {  	_ =	shalt  }
0x67: {  	_ =	shalt  }
0x68: {  	_ =	shalt  }
0x69: {  	_ =	shalt  }
0x6a: {  	_ =	shalt  }
0x6b: {  	_ =	shalt  }
0x6c: {  	_ =	shalt  }
0x6d: {  	_ =	shalt  }
0x6e: {  	_ =	shalt  }
0x6f: {  	_ =	shalt  }
0x70: {  	_ =	shalt  }
0x71: {  	_ =	shalt  }
0x72: {  	_ =	shalt  }
0x73: {  	_ =	shalt  }
0x74: {  	_ =	shalt  }
0x75: {  	_ =	shalt  }
0x76: {  	_ =	shalt  }
0x77: {  	_ =	shalt  }
0x78: {  	_ =	shalt  }
0x79: {  	_ =	shalt  }
0x7a: {  	_ =	shalt  }
0x7b: {  	_ =	shalt  }
0x7c: {  	_ =	shalt  }
0x7d: {  	_ =	shalt  }
0x7e: {  	_ =	shalt  }
0x7f: {  	_ =	shalt  }
0x80: {  	_ =	shalt  }
0x81: {  	_ =	shalt  }
0x82: {  	_ =	shalt  }
0x83: {  	_ =	shalt  }
0x84: {  	_ =	shalt  }
0x85: {  	_ =	shalt  }
0x86: {  	_ =	shalt  }
0x87: {  	_ =	shalt  }
.Lfunc_end0:
.L_simem_size_0:
called_computation.2_lowered:
.L_overlay_start_0:
0x88: {  	s2 =	sld [smem:$0x3FD9]  }
0x89: {  	s3 =	sld [smem:$0x3FFE];
	_ =	sdelay $0x1  }
0x8a: {  	s1 =	srdreg.scid  }
0x8b: {  	s0 =	sand.u32 $0x1, s1  }
0x8c: {  	s16 =	sshll.u32 s0, $0xA;
	s2 =	sadd.s32 s3, s2  }
0x8d: {  	s2 =	sadd.s32 s2, s16  }
0x8e: {  	[smem:$0x3FB6] =	sst s2  }
0x8f: {  	_ = 	snop  }
0x90: {  	(tm) =	ssettm $0x1  }
0x91: {  	s17 =	sld [smem:$0x3FFB];
	_ =	sdelay $0x3  }
0x92: {  	_ =	strace s17  }
0x93: {  	s2 =	sld [smem:$0x3FFC];
	_ =	sdelay $0x3  }
0x94: {  	_ =	strace s2  }
0x95: {  	s2 =	sld [smem:$0x3FFD];
	_ =	sdelay $0x3  }
0x96: {  	_ =	strace s2  }
0x97: {  	_ =	strace $0x8FFFFFFF  }
0x98: {  	s18 =	sld [smem:$0x3FDB];
	_ =	sdelay $0x1  }
0x99: {  	s19 =	simm.s32 $_scs_section_size  }
0x9a: {  	s4 =	simm.s32 $_size__tile_overlayer_lowered;
	s5 =	simm.s32 $_tile_overlayer_lowered  }
0x9b: {  	s22 =	simm.s32 $0x1BFF;
	s21 =	sshll.u32 s5, $0x1;
	s2 =	sadd.s32 s19, s18  }
0x9c: {  	s6 =	simm.s32 $0x0;
	s20 =	sshll.u32 s4, $0x1;
	s4 =	sadd.s32 s21, s2  }
0x9d: {  	[timem:s6], [sflag:s22] =	dma.local [hbm:s4], s20  }
0x9e: {  	_ =	swait.ge [sflag:s22], s20  }
0x9f: {  	s3 =	ssub.s32 $0x0, s20;
	[sflag:s22] =	ssyncset.done $0x0  }
0xa0: {  	[sflag:s22] =	ssyncadd.s32 s3;
	_ =	sdelay $0x1  }
0xa1: {  	s23 =	simm.s32 $0x1B8B  }
0xa2: {  	_ =	swait.ge [sflag:s23], $0x1  }
0xa3: {  	[sflag:s23] =	ssyncset.done $0x0  }
0xa4: {  	s25 =	simm.s32 $0x1B8E;
	s24 =	sld [smem:$0x3FFE];
	[sflag:s23] =	ssyncadd.s32 $0xFFFFFFFF  }
0xa5: {  	s26 =	simm.s32 $execute0_lowered;
	[smem:$0x3FD2] =	sst s25  }
0xa6: {  	s4 =	sshll.u32 s26, $0x1;
	_ =	strace $0x8000004C;
	[dreg:$0x1] =	wrdreg $0xFFFFFFFF  }
0xa7: {  	s28 =	simm.s32 $_size_execute0_lowered;
	s2 =	sadd.s32 s2, s4;
	[dreg:$0x0] =	wrdreg $0x0  }
0xa8: {  	s4 =	sshll.u32 s28, $0x1;
	[dreg:$0x2] =	wrdreg s2  }
0xa9: {  	[dreg:$0x3] =	wrdreg s4  }
0xaa: {  	[dreg:$0x4] =	wrdreg $0xC0  }
0xab: {  	_ =	task [dreg:s6], $0x5FFFF  }
0xac: {  	[dreg:$0x1] =	wrdreg $0xFFFFFFFF  }
0xad: {  	[dreg:$0x0] =	wrdreg $0x60  }
0xae: {  	[dreg:$0x2] =	wrdreg s24  }
0xaf: {  	[dreg:$0x3] =	wrdreg $0xA0000  }
0xb0: {  	[dreg:$0x4] =	wrdreg $0x9  }
0xb1: {  	_ =	task.clear_ibuf [dreg:s6], $0x5FFFF;
	_ =	strace $0x9000004C  }
0xb2: {  	s29 =	simm.s32 $0x9;
	_ =	strace $0x8000004E  }
0xb3: {  	_ =	swait.ge [sflag:s29], $0x1  }
0xb4: {  	[sflag:s29] =	ssyncadd.s32 $0xFFFFFFFF  }
0xb5: {  	_ =	strace $0x9000004E  }
0xb6: {  	_ =	sfence  }
0xb7: {  	s30 =	sld [smem:$0x0];
	_ =	sdelay $0x2  }
0xb8: {  	s31 =	sshll.u32 s1, $0xD;
	s1 =	sshrl.u32 s1, $0x2  }
0xb9: {  	s3 =	sand.u32 $0x4000, s31;
	s1 =	sadd.s32 s1, s30  }
0xba: {  	s0 =	sor.u32 s3, s0;
	s1 =	sshll.u32 s1, $0x11  }
0xbb: {  	s0 =	sor.u32 s1, s0  }
0xbc: {  	s0 =	sadd.s32 $0x8F2B, s0  }
0xbd: {  	[sflag:s0] =	ssyncadd.remote.s32 $0x1  }
0xbe: {  	_ =	sfence.sel $0xFFFF  }
0xbf: {  	[dreg:$0x0] =	wrdreg $0xFFFFFFFF;
	(pc) =	sbr.abs _section_cstart, $3  }
0xc0: {  	[dreg:$0x1] =	wrdreg $0xFFFFFFFF  }
0xc1: {  	_ =	task.clear_ibuf [dreg:s6], $0x2FFFF;
	_ =	strace $0x9FFFFFFF  }
0xc2: {  	(tm) =	ssettm $0x7FFFFFFF  }
0xc3: {  	_ =	shalt  }
tec
execute0_lowered:
.L_overlay_start_1:
0x0: {  	(tag) =	ssettag $0x1  }
0x1: {  	s0 =	rddreg [dreg:$0x0]  }
0x2: {  	s1 =	rddreg [dreg:$0x1];
	s2 =	srdreg.scid  }
0x3: {  	s10 =	simm.s32 $0x0;
	s9 =	stileid.u32;
	s14 =	simm.s32 $0x9  }
0x4: {  	s15 =	simm.s32 $0x1000;
	s16 =	simm.s32 $0x40;
	s17 =	simm.s32 $0x2000  }
0x5: {  	s19 =	simm.s32 $0x4000;
	s28 =	simm.s32 $0x5;
	s29 =	simm.s32 $0x200  }
0x6: {  	s30 =	simm.s32 $0x3;
	s31 =	simm.s32 $0x1100;
	s11 =	simm.s32 $0x1180  }
0x7: {  	s12 =	simm.s32 $0x7;
	s13 =	simm.s32 $0x8;
	s2 =	sand.u32 $0x1, s2  }
0x8: {  	[smem:$0x7FF] =	sst s10;
	s7 =	smul.u32 $0x14000, s9;
	s4 =	sadd.s32 $0x1A800, s0  }
0x9: {  	s5 =	sadd.s32 $0x7E800, s0;
	s6 =	sadd.s32 $0x6A800, s0;
	s20 =	smul.u32 $0x50000, s9  }
0xa: {  	s8 =	sadd.s32 $0x18000, s0;
	s23 =	sshll.u32 s9, $0x6;
	s24 =	sshll.u32 s9, $0xA  }
0xb: {  	s25 =	sshll.u32 s9, $0xC;
	s3 =	smul.u32 $0x140000, s2;
	_ =	strace $0x8000004D  }
0xc: {  	[dreg:$0x4] =	wrdreg s8;
	s21 =	ssub.s32 $0x2, s2;
	s18 =	sor.u32 $0x1C09, s23  }
0xd: {  	p0 =	seq.s32 s2, $0x1;
	[dreg:$0x6] =	wrdreg s25;
	s2 =	sor.u32 $0x10000, s24  }
0xe: {  	s24 =	simm.s32 $0x8000;
	s25 =	simm.s32 $0x2;
	s8 =	simm.s32 $0x300  }
0xf: {  	s22 =	sshrl.u32 s21, $0x1;
	[dreg:$0x7] =	wrdreg s2;
	s3 =	sadd.s32 s7, s3  }
0x10: {  	s2 =	simm.s32 $0x280;
	[dreg:$0x5] =	wrdreg s18;
	s3 =	sshrl.u32 s3, $0x3  }
.Ltmp0:
0x11: {  	s7 =	sshrl.u32 s20, $0x2;
	s0 =	sadd.s32 s3, s0;
	(pc) =	sbr.rel .LBB2_1-.Ltmp0, $4  }
0x12: {  	s7 =	sadd.s32 s7, s1;
	s3 =	ssub.s32 s21, s22;
	s0 =	sadd.s32 $0x92800, s0  }
0x13: {  	s21 =	simm.s32 $0x6000;
	s26 =	smax.u32 s3, $0x1;
	[dreg:$0x8] =	wrdreg s0  }
0x14: {  	s22 =	simm.s32 $0x1;
	s3 =	simm.s32 $0x1F80;
	[dreg:$0x9] =	wrdreg s26  }
0x15: {  	s26 =	sshrl.u32 s7, $0x3;
	s0 =	simm.s32 $0x6;
	s7 =	simm.s32 $0x4  }
.LBB2_10:
0x16: {  	[bflag:$0x0] =	sbarrier.arrive $0xFFFF  }
0x17: {  	s18 =	rddreg [dreg:$0x5]  }
0x18: {  	s9 =	rddreg [dreg:$0x8]  }
0x19: {  	[hbm:s9], [sflag:s18] =	dma.local [spmem:s26], $0x2800  }
0x1a: {  	_ =	swait.ge [sflag:s14], $0x2800  }
0x1b: {  	s10 =	rddreg [dreg:$0x3]  }
0x1c: {  	s23 =	rddreg [dreg:$0x9];
	s10 =	sadd.s32 $0x1, s10  }
0x1d: {  	p1 =	sne.s32 s10, s23  }
.Ltmp1:
0x1e: {  	_ = 	snop;
	(pc) =	sbr.rel @!p1 .LBB2_11-.Ltmp1, $3  }
0x1f: {  	_ =	sdelay $0x1  }
0x20: {  	[sflag:s14] =	ssyncset.done $0x0  }
0x21: {  	[sflag:s14] =	ssyncadd.s32 $0xFFFFD800  }
.LBB2_1:
0x22: {  	[dreg:$0x3] =	wrdreg s10  }
0x23: {  	s9 =	rddreg [dreg:$0x4]  }
0x24: {  	[spmem:s26], [sflag:s18] =	dma.local [hbm:s9], $0x2800  }
.Ltmp2:
0x25: {  	_ =	swait.ge [sflag:s14], $0x2800;
	(pc) =	sbr.rel @p0 .LBB2_6-.Ltmp2, $4  }
.Ltmp3:
0x26: {  	[sflag:s14] =	ssyncset.done $0x0;
	(pc) =	sbr.rel @!p0 .LBB2_2-.Ltmp3, $4  }
0x27: {  	[sflag:s14] =	ssyncadd.s32 $0xFFFFD800  }
0x28: {  	[bflag:$0x0] =	sbarrier.arrive $0xFFFF  }
0x29: {  	p2 =	por $0x1, $0x1;
	s10 =	simm.s32 $0x0;
	s9 =	simm.s32 $0x0  }
0x2a: {  	_ = 	snop  }
.LBB2_9:
0x2b: {  	_ =	swait.ge [sflag:s30], $0x2000  }
0x2c: {  	[sflag:s30] =	ssyncset.done $0x0  }
0x2d: {  	[sflag:s30] =	ssyncadd.s32 $0xFFFFE000  }
0x2e: {  	[spmem:s1] =	stream.indirect.scatter.add.f32 [tilespmem:s21], [sflag:$0x7], $0x80, s18, s16, $0xb8;
	[tilespmem:$0x1E000] =	vst v63  }
0x2f: {  	_ =	swait.ge [sflag:s7], $0x2000  }
0x30: {  	[sflag:s7] =	ssyncset.done $0x0  }
0x31: {  	[sflag:s7] =	ssyncadd.s32 $0xFFFFE000  }
0x32: {  	[spmem:s1] =	stream.indirect.scatter.add.f32 [tilespmem:s24], [sflag:$0x8], $0x80, s3, s16, $0xb8;
	[tilespmem:$0x1E000] =	vst v63  }
0x33: {  	_ =	swait.ge [sflag:s28], $0x2000  }
0x34: {  	[sflag:s28] =	ssyncset.done $0x0  }
0x35: {  	[sflag:s28] =	ssyncadd.s32 $0xFFFFE000  }
0x36: {  	_ =	swait.ge [sflag:s0], $0x2000  }
0x37: {  	[sflag:s0] =	ssyncset.done $0x0  }
0x38: {  	[sflag:s0] =	ssyncadd.s32 $0xFFFFE000  }
0x39: {  	_ =	swait.ge [sflag:s12], $0x2000  }
.Ltmp4:
0x3a: {  	[sflag:s12] =	ssyncset.done $0x0;
	(pc) =	sbr.rel @!p1 .LBB2_10-.Ltmp4, $4  }
0x3b: {  	[sflag:s12] =	ssyncadd.s32 $0xFFFFE000  }
0x3c: {  	_ =	swait.ge [sflag:s13], $0x2000  }
0x3d: {  	[sflag:s13] =	ssyncset.done $0x0  }
0x3e: {  	s10 =	simm.s32 $0x200;
	p2 =	por $0x0, $0x0;
	[sflag:s13] =	ssyncadd.s32 $0xFFFFE000  }
.LBB2_6:
0x3f: {  	s9 =	rddreg [dreg:$0x7]  }
0x40: {  	s10 =	sor.u32 s9, s10  }
0x41: {  	s9 =	simm.s32 $0x0;
	s18 =	sadd.s32 s5, s10  }
0x42: {  	[tilespmem:s9], [sflag:$0x9] =	stream.linear.gather [hbm4b:s18+s9], $0x1000, $0x38;
	[tilespmem:$0x1E000] =	vst v63  }
0x43: {  	_ =	swait.ge [sflag:s14], $0x1000  }
0x44: {  	[sflag:s14] =	ssyncset.done $0x0  }
0x45: {  	s10 =	sadd.s32 s6, s10;
	[sflag:s14] =	ssyncadd.s32 $0xFFFFF000  }
0x46: {  	[tilespmem:s15], [sflag:$0x9] =	stream.linear.gather [hbm4b:s10+s9], $0x1000, $0x38;
	[tilespmem:$0x1E000] =	vst v63  }
0x47: {  	_ =	swait.ge [sflag:s14], $0x1000  }
0x48: {  	[sflag:s14] =	ssyncset.done $0x0  }
0x49: {  	[sflag:s14] =	ssyncadd.s32 $0xFFFFF000  }
0x4a: {  	[tilespmem:s17], [sflag:$0x1] =	stream.indirect.gather [hbm4b:s4+s16], $0x80, s9, s16, $0xb8;
	[tilespmem:$0x1E000] =	vst v63  }
0x4b: {  	s23 =	simm.s32 $0x80  }
0x4c: {  	[tilespmem:s19], [sflag:$0x2] =	stream.indirect.gather [hbm4b:s4+s16], $0x80, s23, s16, $0xb8;
	[tilespmem:$0x1E000] =	vst v63  }
0x4d: {  	s18 =	simm.s32 $0x100  }
0x4e: {  	[tilespmem:s21], [sflag:$0x3] =	stream.indirect.gather [hbm4b:s4+s16], $0x80, s18, s16, $0xb8;
	[tilespmem:$0x1E000] =	vst v63  }
0x4f: {  	_ =	swait.ge [sflag:s22], $0x2000  }
0x50: {  	[sflag:s22] =	ssyncset.done $0x0  }
0x51: {  	[sflag:s22] =	ssyncadd.s32 $0xFFFFE000  }
0x52: {  	[spmem:s1] =	stream.indirect.scatter.add.f32 [tilespmem:s17], [sflag:$0x5], $0x80, s15, s16, $0xb8;
	[tilespmem:$0x1E000] =	vst v63  }
0x53: {  	s20 =	simm.s32 $0x180  }
0x54: {  	[tilespmem:s24], [sflag:$0x4] =	stream.indirect.gather [hbm4b:s4+s16], $0x80, s20, s16, $0xb8;
	[tilespmem:$0x1E000] =	vst v63  }
0x55: {  	_ =	swait.ge [sflag:s25], $0x2000  }
0x56: {  	[sflag:s25] =	ssyncset.done $0x0  }
0x57: {  	s23 =	simm.s32 $0x1080;
	[sflag:s25] =	ssyncadd.s32 $0xFFFFE000  }
0x58: {  	[spmem:s1] =	stream.indirect.scatter.add.f32 [tilespmem:s19], [sflag:$0x6], $0x80, s23, s16, $0xb8;
	[tilespmem:$0x1E000] =	vst v63  }
0x59: {  	_ =	swait.ge [sflag:s28], $0x2000  }
0x5a: {  	[sflag:s28] =	ssyncset.done $0x0  }
0x5b: {  	[sflag:s28] =	ssyncadd.s32 $0xFFFFE000  }
0x5c: {  	[tilespmem:s17], [sflag:$0x1] =	stream.indirect.gather [hbm4b:s4+s16], $0x80, s29, s16, $0xb8;
	[tilespmem:$0x1E000] =	vst v63  }
0x5d: {  	_ =	swait.ge [sflag:s30], $0x2000  }
0x5e: {  	[sflag:s30] =	ssyncset.done $0x0  }
0x5f: {  	[sflag:s30] =	ssyncadd.s32 $0xFFFFE000  }
0x60: {  	[spmem:s1] =	stream.indirect.scatter.add.f32 [tilespmem:s21], [sflag:$0x7], $0x80, s31, s16, $0xb8;
	[tilespmem:$0x1E000] =	vst v63  }
0x61: {  	_ =	swait.ge [sflag:s0], $0x2000  }
0x62: {  	[sflag:s0] =	ssyncset.done $0x0  }
0x63: {  	[sflag:s0] =	ssyncadd.s32 $0xFFFFE000  }
0x64: {  	[tilespmem:s19], [sflag:$0x2] =	stream.indirect.gather [hbm4b:s4+s16], $0x80, s2, s16, $0xb8;
	[tilespmem:$0x1E000] =	vst v63  }
0x65: {  	_ =	swait.ge [sflag:s7], $0x2000  }
0x66: {  	[sflag:s7] =	ssyncset.done $0x0  }
0x67: {  	[sflag:s7] =	ssyncadd.s32 $0xFFFFE000  }
0x68: {  	[spmem:s1] =	stream.indirect.scatter.add.f32 [tilespmem:s24], [sflag:$0x8], $0x80, s11, s16, $0xb8;
	[tilespmem:$0x1E000] =	vst v63  }
0x69: {  	_ =	swait.ge [sflag:s12], $0x2000  }
0x6a: {  	[sflag:s12] =	ssyncset.done $0x0  }
0x6b: {  	p1 =	por p2, p2;
	[sflag:s12] =	ssyncadd.s32 $0xFFFFE000  }
0x6c: {  	[tilespmem:s21], [sflag:$0x3] =	stream.indirect.gather [hbm4b:s4+s16], $0x80, s8, s16, $0xb8;
	[tilespmem:$0x1E000] =	vst v63  }
.LBB2_7:
0x6d: {  	_ =	swait.ge [sflag:s22], $0x2000  }
0x6e: {  	s10 =	sshra.s32 s9, $0x2;
	[sflag:s22] =	ssyncset.done $0x0  }
0x6f: {  	s18 =	sadd.s32 $0x1200, s10;
	[sflag:s22] =	ssyncadd.s32 $0xFFFFE000  }
0x70: {  	[spmem:s1] =	stream.indirect.scatter.add.f32 [tilespmem:s17], [sflag:$0x5], $0x80, s18, s16, $0xb8;
	[tilespmem:$0x1E000] =	vst v63  }
0x71: {  	_ =	swait.ge [sflag:s13], $0x2000  }
0x72: {  	[sflag:s13] =	ssyncset.done $0x0  }
0x73: {  	p2 =	seq.s32 s9, $0x3000;
	s20 =	sadd.s32 $0x380, s10;
	[sflag:s13] =	ssyncadd.s32 $0xFFFFE000  }
0x74: {  	[tilespmem:s24], [sflag:$0x4] =	stream.indirect.gather [hbm4b:s4+s16], $0x80, s20, s16, $0xb8;
	[tilespmem:$0x1E000] =	vst v63  }
.Ltmp5:
0x75: {  	_ = 	snop;
	(pc) =	sbr.rel @p2 .LBB2_9-.Ltmp5, $4  }
0x76: {  	_ =	swait.ge [sflag:s25], $0x2000  }
0x77: {  	[sflag:s25] =	ssyncset.done $0x0  }
0x78: {  	s23 =	sadd.s32 $0x1280, s10;
	s18 =	sadd.s32 $0x1300, s10;
	[sflag:s25] =	ssyncadd.s32 $0xFFFFE000  }
0x79: {  	[spmem:s1] =	stream.indirect.scatter.add.f32 [tilespmem:s19], [sflag:$0x6], $0x80, s23, s16, $0xb8;
	[tilespmem:$0x1E000] =	vst v63  }
0x7a: {  	_ =	swait.ge [sflag:s28], $0x2000  }
0x7b: {  	[sflag:s28] =	ssyncset.done $0x0  }
0x7c: {  	s20 =	sadd.s32 $0x400, s10;
	[sflag:s28] =	ssyncadd.s32 $0xFFFFE000  }
0x7d: {  	[tilespmem:s17], [sflag:$0x1] =	stream.indirect.gather [hbm4b:s4+s16], $0x80, s20, s16, $0xb8;
	[tilespmem:$0x1E000] =	vst v63  }
0x7e: {  	_ =	swait.ge [sflag:s30], $0x2000  }
0x7f: {  	[sflag:s30] =	ssyncset.done $0x0  }
0x80: {  	[sflag:s30] =	ssyncadd.s32 $0xFFFFE000  }
0x81: {  	[spmem:s1] =	stream.indirect.scatter.add.f32 [tilespmem:s21], [sflag:$0x7], $0x80, s18, s16, $0xb8;
	[tilespmem:$0x1E000] =	vst v63  }
0x82: {  	_ =	swait.ge [sflag:s0], $0x2000  }
0x83: {  	[sflag:s0] =	ssyncset.done $0x0  }
0x84: {  	s23 =	sadd.s32 $0x480, s10;
	[sflag:s0] =	ssyncadd.s32 $0xFFFFE000  }
0x85: {  	[tilespmem:s19], [sflag:$0x2] =	stream.indirect.gather [hbm4b:s4+s16], $0x80, s23, s16, $0xb8;
	[tilespmem:$0x1E000] =	vst v63  }
0x86: {  	_ =	swait.ge [sflag:s7], $0x2000  }
0x87: {  	[sflag:s7] =	ssyncset.done $0x0  }
0x88: {  	s20 =	sadd.s32 $0x1380, s10;
	[sflag:s7] =	ssyncadd.s32 $0xFFFFE000  }
0x89: {  	[spmem:s1] =	stream.indirect.scatter.add.f32 [tilespmem:s24], [sflag:$0x8], $0x80, s20, s16, $0xb8;
	[tilespmem:$0x1E000] =	vst v63  }
.Ltmp6:
0x8a: {  	_ = 	snop;
	(pc) =	sbr.rel .LBB2_7-.Ltmp6, $4  }
0x8b: {  	_ =	swait.ge [sflag:s12], $0x2000  }
0x8c: {  	[sflag:s12] =	ssyncset.done $0x0  }
0x8d: {  	s9 =	sadd.s32 $0x800, s9;
	s23 =	sadd.s32 $0x500, s10;
	[sflag:s12] =	ssyncadd.s32 $0xFFFFE000  }
0x8e: {  	[tilespmem:s21], [sflag:$0x3] =	stream.indirect.gather [hbm4b:s4+s16], $0x80, s23, s16, $0xb8;
	[tilespmem:$0x1E000] =	vst v63  }
.LBB2_5:
0x8f: {  	_ =	swait.ge [sflag:s30], $0x2000  }
0x90: {  	[sflag:s30] =	ssyncset.done $0x0  }
0x91: {  	[sflag:s30] =	ssyncadd.s32 $0xFFFFE000  }
0x92: {  	[spmem:s1] =	stream.indirect.scatter.add.f32 [tilespmem:s21], [sflag:$0x7], $0x80, s20, s16, $0xb8;
	[tilespmem:$0x1E000] =	vst v63  }
0x93: {  	_ =	swait.ge [sflag:s7], $0x2000  }
0x94: {  	[sflag:s7] =	ssyncset.done $0x0  }
0x95: {  	[sflag:s7] =	ssyncadd.s32 $0xFFFFE000  }
0x96: {  	[spmem:s1] =	stream.indirect.scatter.add.f32 [tilespmem:s24], [sflag:$0x8], $0x80, s3, s16, $0xb8;
	[tilespmem:$0x1E000] =	vst v63  }
0x97: {  	_ =	swait.ge [sflag:s28], $0x2000  }
0x98: {  	[sflag:s28] =	ssyncset.done $0x0  }
0x99: {  	[sflag:s28] =	ssyncadd.s32 $0xFFFFE000  }
0x9a: {  	_ =	swait.ge [sflag:s0], $0x2000  }
0x9b: {  	[sflag:s0] =	ssyncset.done $0x0  }
0x9c: {  	s9 =	sadd.s32 $0x1, s9;
	[sflag:s0] =	ssyncadd.s32 $0xFFFFE000  }
0x9d: {  	p1 =	seq.s32 s9, $0x8;
	_ =	swait.ge [sflag:s12], $0x2000  }
.Ltmp7:
0x9e: {  	[sflag:s12] =	ssyncset.done $0x0;
	(pc) =	sbr.rel @p1 .LBB2_10-.Ltmp7, $4  }
0x9f: {  	[sflag:s12] =	ssyncadd.s32 $0xFFFFE000  }
0xa0: {  	_ =	swait.ge [sflag:s13], $0x2000  }
0xa1: {  	[sflag:s13] =	ssyncset.done $0x0  }
0xa2: {  	[sflag:s13] =	ssyncadd.s32 $0xFFFFE000  }
.LBB2_2:
0xa3: {  	s10 =	sshll.u32 s9, $0x9;
	s18 =	rddreg [dreg:$0x6]  }
0xa4: {  	s18 =	sadd.s32 s18, s10  }
0xa5: {  	s10 =	simm.s32 $0x0;
	s20 =	sadd.s32 s5, s18  }
0xa6: {  	[tilespmem:s10], [sflag:$0x9] =	stream.linear.gather [hbm4b:s20+s10], $0x1000, $0x38;
	[tilespmem:$0x1E000] =	vst v63  }
0xa7: {  	_ =	swait.ge [sflag:s14], $0x1000  }
0xa8: {  	[sflag:s14] =	ssyncset.done $0x0  }
0xa9: {  	s18 =	sadd.s32 s6, s18;
	[sflag:s14] =	ssyncadd.s32 $0xFFFFF000  }
0xaa: {  	[tilespmem:s15], [sflag:$0x9] =	stream.linear.gather [hbm4b:s18+s10], $0x1000, $0x38;
	[tilespmem:$0x1E000] =	vst v63  }
0xab: {  	_ =	swait.ge [sflag:s14], $0x1000  }
0xac: {  	[sflag:s14] =	ssyncset.done $0x0  }
0xad: {  	[sflag:s14] =	ssyncadd.s32 $0xFFFFF000  }
0xae: {  	[tilespmem:s17], [sflag:$0x1] =	stream.indirect.gather [hbm4b:s4+s16], $0x80, s10, s16, $0xb8;
	[tilespmem:$0x1E000] =	vst v63  }
0xaf: {  	s20 =	simm.s32 $0x80  }
0xb0: {  	[tilespmem:s19], [sflag:$0x2] =	stream.indirect.gather [hbm4b:s4+s16], $0x80, s20, s16, $0xb8;
	[tilespmem:$0x1E000] =	vst v63  }
0xb1: {  	s23 =	simm.s32 $0x100  }
0xb2: {  	[tilespmem:s21], [sflag:$0x3] =	stream.indirect.gather [hbm4b:s4+s16], $0x80, s23, s16, $0xb8;
	[tilespmem:$0x1E000] =	vst v63  }
0xb3: {  	_ =	swait.ge [sflag:s22], $0x2000  }
0xb4: {  	[sflag:s22] =	ssyncset.done $0x0  }
0xb5: {  	[sflag:s22] =	ssyncadd.s32 $0xFFFFE000  }
0xb6: {  	[spmem:s1] =	stream.indirect.scatter.add.f32 [tilespmem:s17], [sflag:$0x5], $0x80, s15, s16, $0xb8;
	[tilespmem:$0x1E000] =	vst v63  }
0xb7: {  	s20 =	simm.s32 $0x180  }
0xb8: {  	[tilespmem:s24], [sflag:$0x4] =	stream.indirect.gather [hbm4b:s4+s16], $0x80, s20, s16, $0xb8;
	[tilespmem:$0x1E000] =	vst v63  }
0xb9: {  	_ =	swait.ge [sflag:s25], $0x2000  }
0xba: {  	[sflag:s25] =	ssyncset.done $0x0  }
0xbb: {  	s23 =	simm.s32 $0x1080;
	[sflag:s25] =	ssyncadd.s32 $0xFFFFE000  }
0xbc: {  	[spmem:s1] =	stream.indirect.scatter.add.f32 [tilespmem:s19], [sflag:$0x6], $0x80, s23, s16, $0xb8;
	[tilespmem:$0x1E000] =	vst v63  }
0xbd: {  	_ =	swait.ge [sflag:s28], $0x2000  }
0xbe: {  	[sflag:s28] =	ssyncset.done $0x0  }
0xbf: {  	[sflag:s28] =	ssyncadd.s32 $0xFFFFE000  }
0xc0: {  	[tilespmem:s17], [sflag:$0x1] =	stream.indirect.gather [hbm4b:s4+s16], $0x80, s29, s16, $0xb8;
	[tilespmem:$0x1E000] =	vst v63  }
0xc1: {  	_ =	swait.ge [sflag:s30], $0x2000  }
0xc2: {  	[sflag:s30] =	ssyncset.done $0x0  }
0xc3: {  	[sflag:s30] =	ssyncadd.s32 $0xFFFFE000  }
0xc4: {  	[spmem:s1] =	stream.indirect.scatter.add.f32 [tilespmem:s21], [sflag:$0x7], $0x80, s31, s16, $0xb8;
	[tilespmem:$0x1E000] =	vst v63  }
0xc5: {  	_ =	swait.ge [sflag:s0], $0x2000  }
0xc6: {  	[sflag:s0] =	ssyncset.done $0x0  }
0xc7: {  	[sflag:s0] =	ssyncadd.s32 $0xFFFFE000  }
0xc8: {  	[tilespmem:s19], [sflag:$0x2] =	stream.indirect.gather [hbm4b:s4+s16], $0x80, s2, s16, $0xb8;
	[tilespmem:$0x1E000] =	vst v63  }
0xc9: {  	_ =	swait.ge [sflag:s7], $0x2000  }
0xca: {  	[sflag:s7] =	ssyncset.done $0x0  }
0xcb: {  	[sflag:s7] =	ssyncadd.s32 $0xFFFFE000  }
0xcc: {  	[spmem:s1] =	stream.indirect.scatter.add.f32 [tilespmem:s24], [sflag:$0x8], $0x80, s11, s16, $0xb8;
	[tilespmem:$0x1E000] =	vst v63  }
0xcd: {  	_ =	swait.ge [sflag:s12], $0x2000  }
0xce: {  	[sflag:s12] =	ssyncset.done $0x0  }
0xcf: {  	[sflag:s12] =	ssyncadd.s32 $0xFFFFE000  }
0xd0: {  	[tilespmem:s21], [sflag:$0x3] =	stream.indirect.gather [hbm4b:s4+s16], $0x80, s8, s16, $0xb8;
	[tilespmem:$0x1E000] =	vst v63  }
.LBB2_3:
0xd1: {  	_ =	swait.ge [sflag:s22], $0x2000  }
0xd2: {  	s18 =	sshra.s32 s10, $0x2;
	[sflag:s22] =	ssyncset.done $0x0  }
0xd3: {  	s20 =	sadd.s32 $0x1200, s18;
	[sflag:s22] =	ssyncadd.s32 $0xFFFFE000  }
0xd4: {  	[spmem:s1] =	stream.indirect.scatter.add.f32 [tilespmem:s17], [sflag:$0x5], $0x80, s20, s16, $0xb8;
	[tilespmem:$0x1E000] =	vst v63  }
0xd5: {  	_ =	swait.ge [sflag:s13], $0x2000  }
0xd6: {  	[sflag:s13] =	ssyncset.done $0x0  }
0xd7: {  	p1 =	seq.s32 s10, $0x3000;
	s23 =	sadd.s32 $0x380, s18;
	[sflag:s13] =	ssyncadd.s32 $0xFFFFE000  }
0xd8: {  	[tilespmem:s24], [sflag:$0x4] =	stream.indirect.gather [hbm4b:s4+s16], $0x80, s23, s16, $0xb8;
	[tilespmem:$0x1E000] =	vst v63  }
.Ltmp8:
0xd9: {  	_ = 	snop;
	(pc) =	sbr.rel @p1 .LBB2_5-.Ltmp8, $4  }
0xda: {  	_ =	swait.ge [sflag:s25], $0x2000  }
0xdb: {  	[sflag:s25] =	ssyncset.done $0x0  }
0xdc: {  	s20 =	sadd.s32 $0x1300, s18;
	s23 =	sadd.s32 $0x1280, s18;
	[sflag:s25] =	ssyncadd.s32 $0xFFFFE000  }
0xdd: {  	[spmem:s1] =	stream.indirect.scatter.add.f32 [tilespmem:s19], [sflag:$0x6], $0x80, s23, s16, $0xb8;
	[tilespmem:$0x1E000] =	vst v63  }
0xde: {  	_ =	swait.ge [sflag:s28], $0x2000  }
0xdf: {  	[sflag:s28] =	ssyncset.done $0x0  }
0xe0: {  	s23 =	sadd.s32 $0x400, s18;
	[sflag:s28] =	ssyncadd.s32 $0xFFFFE000  }
0xe1: {  	[tilespmem:s17], [sflag:$0x1] =	stream.indirect.gather [hbm4b:s4+s16], $0x80, s23, s16, $0xb8;
	[tilespmem:$0x1E000] =	vst v63  }
0xe2: {  	_ =	swait.ge [sflag:s30], $0x2000  }
0xe3: {  	[sflag:s30] =	ssyncset.done $0x0  }
0xe4: {  	[sflag:s30] =	ssyncadd.s32 $0xFFFFE000  }
0xe5: {  	[spmem:s1] =	stream.indirect.scatter.add.f32 [tilespmem:s21], [sflag:$0x7], $0x80, s20, s16, $0xb8;
	[tilespmem:$0x1E000] =	vst v63  }
0xe6: {  	_ =	swait.ge [sflag:s0], $0x2000  }
0xe7: {  	[sflag:s0] =	ssyncset.done $0x0  }
0xe8: {  	s23 =	sadd.s32 $0x480, s18;
	[sflag:s0] =	ssyncadd.s32 $0xFFFFE000  }
0xe9: {  	[tilespmem:s19], [sflag:$0x2] =	stream.indirect.gather [hbm4b:s4+s16], $0x80, s23, s16, $0xb8;
	[tilespmem:$0x1E000] =	vst v63  }
0xea: {  	_ =	swait.ge [sflag:s7], $0x2000  }
0xeb: {  	[sflag:s7] =	ssyncset.done $0x0  }
0xec: {  	s23 =	sadd.s32 $0x1380, s18;
	[sflag:s7] =	ssyncadd.s32 $0xFFFFE000  }
0xed: {  	[spmem:s1] =	stream.indirect.scatter.add.f32 [tilespmem:s24], [sflag:$0x8], $0x80, s23, s16, $0xb8;
	[tilespmem:$0x1E000] =	vst v63  }
.Ltmp9:
0xee: {  	_ = 	snop;
	(pc) =	sbr.rel .LBB2_3-.Ltmp9, $4  }
0xef: {  	_ =	swait.ge [sflag:s12], $0x2000  }
0xf0: {  	[sflag:s12] =	ssyncset.done $0x0  }
0xf1: {  	s10 =	sadd.s32 $0x800, s10;
	s23 =	sadd.s32 $0x500, s18;
	[sflag:s12] =	ssyncadd.s32 $0xFFFFE000  }
0xf2: {  	[tilespmem:s21], [sflag:$0x3] =	stream.indirect.gather [hbm4b:s4+s16], $0x80, s23, s16, $0xb8;
	[tilespmem:$0x1E000] =	vst v63  }
.LBB2_11:
0xf3: {  	_ =	sfence.sel $0x180000  }
0xf4: {  	[bflag:$0x0] =	sbarrier.arrive $0xFFFF  }
0xf5: {  	_ =	strace $0x9000004D  }
0xf6: {  	s0 =	stileid.u32;
	[bflag:$0x2] =	sbarrier.arrive $0xFFFF  }
0xf7: {  	p0 =	sne.s32 s0, $0x0;
	s0 =	rddreg [dreg:$0x2]  }
0xf8: {  	s0 =	sadd.s32 @!p0 $0x100000, s0  }
0xf9: {  	[sflag:s0] =	ssyncadd.tile.s32 @!p0 $0x1;
	_ =	shalt  }
.Lfunc_end2:
_tile_overlayer_lowered:
.L_overlay_start_2:
0xfa: {  	(tag) =	ssettag $0x2  }
0xfb: {  	s0 =	rddreg [dreg:$0x0];
	s2 =	stileid.u32  }
0xfc: {  	s1 =	rddreg [dreg:$0x1];
	p0 =	sne.s32 s2, $0x0  }
0xfd: {  	s3 =	rddreg [dreg:$0x2];
	[bflag:$0x3] =	sbarrier.arrive $0xFFFF;
	s2 =	simm.s32 @!p0 $0x1C09  }
0xfe: {  	[timem:s3], [sflag:s2] =	dma.local @!p0 [hbm:s0], s1  }
0xff: {  	s0 =	simm.s32 @!p0 $0x9  }
0x100: {  	_ =	swait.ge @!p0 [sflag:s0], s1  }
0x101: {  	s1 =	ssub.s32 @!p0 $0x0, s1;
	[sflag:s0] =	ssyncset.done @!p0 $0x0  }
0x102: {  	[sflag:s0] =	ssyncadd.s32 @!p0 s1  }
0x103: {  	[bflag:$0x3] =	sbarrier.arrive $0xFFFF  }
0x104: {  	_ =	shalt  }

</sc_bundles>
